<compile_context>
chip_gen: v7x
topology: tpu7x:2x2x1
jax: 0.10.2.dev20260603
libtpu: 0.0.44.dev20260713+nightly
codegen_flags: <defaults>
</compile_context>

<pallas_src>
import functools

import jax
import jax.numpy as jnp
from jax import lax
from jax.experimental import pallas as pl
from jax.experimental.pallas import tpu as pltpu
from jax.experimental.pallas import tpu_sc as plsc

NC = 2
NS = 16
NW = NC * NS
L = 16


def _rsqrt16(x):
    i = lax.bitcast_convert_type(x, jnp.int32)
    i = jnp.int32(0x5F3759DF) - (i >> 1)
    y = lax.bitcast_convert_type(i, jnp.float32)
    for _ in range(2):
        y = y * (1.5 - 0.5 * x * y * y)
    return y


def _make_body(B, V, D, chunk, nbuf=3, unroll=2):
    nvec = D // L
    b_per_w = B // NW
    nchunk = b_per_w // chunk
    mesh = plsc.VectorSubcoreMesh(core_axis_name="c", subcore_axis_name="s")

    @functools.partial(
        pl.kernel,
        mesh=mesh,
        out_type=jax.ShapeDtypeStruct((B, D), jnp.float32),
        scratch_types=[pltpu.VMEM((chunk,), jnp.int32)] * nbuf
        + [pltpu.VMEM((chunk, D), jnp.float32)] * nbuf
        + [pltpu.VMEM((L,), jnp.float32)]
        + [pltpu.SemaphoreType.DMA] * (2 * nbuf),
    )
    def body(tok_hbm, w_hbm, eps_hbm, out_hbm, *scratch):
        idx_v = scratch[:nbuf]
        rows_v = scratch[nbuf:2 * nbuf]
        eps_v = scratch[2 * nbuf]
        g_sem = scratch[2 * nbuf + 1:3 * nbuf + 1]
        o_sem = scratch[3 * nbuf + 1:]
        wid = lax.axis_index("s") * NC + lax.axis_index("c")
        base = wid * b_per_w
        pltpu.sync_copy(eps_hbm, eps_v)
        eps_vec = eps_v[...]
        lanes = jnp.arange(L, dtype=jnp.int32)
        perms = [lanes ^ sh for sh in (1, 2, 4, 8)]
        even = (lanes & 1) == 0

        def start_gather(c):
            b = c % nbuf
            pltpu.sync_copy(tok_hbm.at[pl.ds(base + c * chunk, chunk)],
                            idx_v[b])
            return pltpu.async_copy(w_hbm.at[idx_v[b]], rows_v[b], g_sem[b])

        def make_row_body(b):
            def row_body(t, carry):
                r0 = 2 * t
                r1 = r0 + 1
                xs0 = [rows_v[b][r0, pl.ds(L * k, L)] for k in range(nvec)]
                xs1 = [rows_v[b][r1, pl.ds(L * k, L)] for k in range(nvec)]
                acc0 = xs0[0] * xs0[0]
                acc1 = xs1[0] * xs1[0]
                for k in range(1, nvec):
                    acc0 = acc0 + xs0[k] * xs0[k]
                    acc1 = acc1 + xs1[k] * xs1[k]
                p0 = acc0 + acc0.at[perms[0]].get(mode="promise_in_bounds")
                p1 = acc1 + acc1.at[perms[0]].get(mode="promise_in_bounds")
                z = jnp.where(even, p0, p1)
                for p in perms[1:]:
                    z = z + z.at[p].get(mode="promise_in_bounds")
                norm = z * _rsqrt16(z)
                inv = 1.0 / jnp.maximum(norm, eps_vec)
                q = inv.at[perms[0]].get(mode="promise_in_bounds")
                inv0 = jnp.where(even, inv, q)
                inv1 = jnp.where(even, q, inv)
                for k in range(nvec):
                    rows_v[b][r0, pl.ds(L * k, L)] = xs0[k] * inv0
                for k in range(nvec):
                    rows_v[b][r1, pl.ds(L * k, L)] = xs1[k] * inv1
                return carry

            return row_body

        for c in range(nbuf - 1):
            start_gather(c)

        def super_step(g, carry):
            for b in range(nbuf):
                c = g * nbuf + b
                pltpu.make_async_copy(w_hbm.at[idx_v[b]], rows_v[b],
                                      g_sem[b]).wait()
                lax.fori_loop(0, chunk // 2, make_row_body(b), 0,
                              unroll=unroll)
                pltpu.async_copy(
                    rows_v[b], out_hbm.at[pl.ds(base + c * chunk, chunk)],
                    o_sem[b])
                bn = (b + nbuf - 1) % nbuf
                cn = c + nbuf - 1

                @pl.when(cn < nchunk)
                def _():
                    @pl.when(c >= 1)
                    def _():
                        pltpu.make_async_copy(
                            rows_v[bn], out_hbm.at[pl.ds(base, chunk)],
                            o_sem[bn]).wait()
                    pltpu.sync_copy(
                        tok_hbm.at[pl.ds(base + cn * chunk, chunk)],
                        idx_v[bn])
                    pltpu.async_copy(w_hbm.at[idx_v[bn]], rows_v[bn],
                                     g_sem[bn])
            return carry

        lax.fori_loop(0, nchunk // nbuf, super_step, 0)
        for b in range(nbuf):
            pltpu.make_async_copy(rows_v[b],
                                  out_hbm.at[pl.ds(base, chunk)],
                                  o_sem[b]).wait()

    return body


def kernel(token_ids, weight, eps):
    Bt, H = token_ids.shape
    V, D = weight.shape
    B = Bt * H
    tok = token_ids.T.reshape(B).astype(jnp.int32)
    eps_arr = jnp.full((L,), eps, jnp.float32)
    body = _make_body(B, V, D, chunk=200, nbuf=4)
    out = body(tok, weight, eps_arr)
    return out.reshape(H, Bt, D).swapaxes(0, 1)

# --- scband reference (transcript-rebuilt; emitter-appended) ---
"""Pipeline reference for scband-normalized-embedding-22840636080385 (READ-ONLY COPY).

The authoritative reference and input builder live on the scoring server;
editing this copy changes nothing except your own understanding.
"""

import math
import jax, jax.numpy as jnp
import numpy as np

VOCAB = 100000
D_MODEL = 128
BATCH = 4096
HIST = 50


def normalize_unit(x, eps):
    norm = jnp.linalg.norm(x, axis=-1, keepdims=True)
    return x / jnp.maximum(norm, eps)


def setup_inputs(seed: int = 0) -> dict:
    key = jax.random.key(seed)
    k1, k2 = jax.random.split(key)
    token_ids = jax.random.randint(k1, (BATCH, HIST), 0, VOCAB, dtype=jnp.int64 if jax.config.jax_enable_x64 else jnp.int32)
    weight = jax.random.normal(k2, (VOCAB, D_MODEL), dtype=jnp.float32) * (0.1 / math.sqrt(D_MODEL))
    return {"token_ids": token_ids, "weight": weight, "eps": 0.0}


def reference(token_ids, weight, eps):
    # Faithful translation: normalize every row of the embedding table to unit
    # norm (with eps clamp), then gather rows by token id (F.embedding).
    w = normalize_unit(weight, eps)
    return jnp.take(w, token_ids, axis=0)

if __name__ == "__main__":
    import jax
    _d = setup_inputs()
    print(jax.jit(kernel)(*tuple(_d.values())))

</pallas_src>

<mosaic_0001>
#map = affine_map<(d0, d1) -> (0)>
#map1 = affine_map<(d0, d1) -> (0, 0)>
module attributes {stable_mosaic.version = 14 : i64} {
  func.func @body(%arg0: i32, %arg1: i32, %arg2: memref<204800xi32, #tpu.memory_space<hbm>>, %arg3: memref<100000x128xf32, #tpu.memory_space<hbm>>, %arg4: memref<16xf32, #tpu.memory_space<hbm>>, %arg5: memref<204800x128xf32, #tpu.memory_space<hbm>>, %arg6: memref<200xi32, #tpu.memory_space<vmem>>, %arg7: memref<200xi32, #tpu.memory_space<vmem>>, %arg8: memref<200xi32, #tpu.memory_space<vmem>>, %arg9: memref<200xi32, #tpu.memory_space<vmem>>, %arg10: memref<200x128xf32, #tpu.memory_space<vmem>>, %arg11: memref<200x128xf32, #tpu.memory_space<vmem>>, %arg12: memref<200x128xf32, #tpu.memory_space<vmem>>, %arg13: memref<200x128xf32, #tpu.memory_space<vmem>>, %arg14: memref<16xf32, #tpu.memory_space<vmem>>, %arg15: memref<!tpu.dma_semaphore, #tpu.memory_space<semaphore_mem>>, %arg16: memref<!tpu.dma_semaphore, #tpu.memory_space<semaphore_mem>>, %arg17: memref<!tpu.dma_semaphore, #tpu.memory_space<semaphore_mem>>, %arg18: memref<!tpu.dma_semaphore, #tpu.memory_space<semaphore_mem>>, %arg19: memref<!tpu.dma_semaphore, #tpu.memory_space<semaphore_mem>>, %arg20: memref<!tpu.dma_semaphore, #tpu.memory_space<semaphore_mem>>, %arg21: memref<!tpu.dma_semaphore, #tpu.memory_space<semaphore_mem>>, %arg22: memref<!tpu.dma_semaphore, #tpu.memory_space<semaphore_mem>>) attributes {dimension_semantics = [#tpu.dimension_semantics<core_parallel>, #tpu.dimension_semantics<subcore_parallel>], iteration_bounds = array<i64: 2, 16>, scalar_prefetch = 0 : i64, scratch_operands = 17 : i64, tpu.core_type = #tpu.core_type<sc_vector_subcore>, window_params = [{transform_indices = #map}, {transform_indices = #map1}, {transform_indices = #map}, {transform_indices = #map1}]} {
    %mul3A = arith.constant 2 : i32
    %mul3A_0 = arith.muli %arg1, %mul3A : i32
    %add3A = arith.addi %mul3A_0, %arg0 : i32
    %mul3A_1 = arith.constant 6400 : i32
    %mul3A_2 = arith.muli %add3A, %mul3A_1 : i32
    "tpu.region"() ({
      %run_scoped3A = tpu.sem_alloc : memref<!tpu.dma_semaphore, #tpu.memory_space<semaphore_mem>>
      tpu.enqueue_dma source(%arg4 : memref<16xf32, #tpu.memory_space<hbm>>) target(%arg14 : memref<16xf32, #tpu.memory_space<vmem>>) target_semaphore(%run_scoped3A : memref<!tpu.dma_semaphore, #tpu.memory_space<semaphore_mem>>)
      tpu.wait_dma2 semaphore(%run_scoped3A : memref<!tpu.dma_semaphore, #tpu.memory_space<semaphore_mem>>) src(%arg4 : memref<16xf32, #tpu.memory_space<hbm>>) dst(%arg14 : memref<16xf32, #tpu.memory_space<vmem>>)
      tpu.yield
    }) : () -> ()
    %get3A = arith.constant 0 : index
    %get3A_3 = tpu.vector_load %arg14[%get3A] {strides = array<i32>} : memref<16xf32, #tpu.memory_space<vmem>>, vector<16xf32>,
    %get3A_4 = vector.shape_cast %get3A_3 : vector<16xf32> to vector<16xf32>
    %iota3A = tpu.iota {dimensions = array<i32: 0>} : vector<16xi32>
    %xor3A = arith.constant 1 : i32
    %xor3A_5 = vector.broadcast %xor3A : i32 to vector<16xi32>
    %xor3A_6 = arith.xori %iota3A, %xor3A_5 : vector<16xi32>
    %xor3A_7 = arith.constant 2 : i32
    %xor3A_8 = vector.broadcast %xor3A_7 : i32 to vector<16xi32>
    %xor3A_9 = arith.xori %iota3A, %xor3A_8 : vector<16xi32>
    %xor3A_10 = arith.constant 4 : i32
    %xor3A_11 = vector.broadcast %xor3A_10 : i32 to vector<16xi32>
    %xor3A_12 = arith.xori %iota3A, %xor3A_11 : vector<16xi32>
    %xor3A_13 = arith.constant 8 : i32
    %xor3A_14 = vector.broadcast %xor3A_13 : i32 to vector<16xi32>
    %xor3A_15 = arith.xori %iota3A, %xor3A_14 : vector<16xi32>
    %and3A = arith.constant 1 : i32
    %and3A_16 = vector.broadcast %and3A : i32 to vector<16xi32>
    %and3A_17 = arith.andi %iota3A, %and3A_16 : vector<16xi32>
    %eq3A = arith.constant 0 : i32
    %eq3A_18 = vector.broadcast %eq3A : i32 to vector<16xi32>
    %eq3A_19 = arith.cmpi eq, %and3A_17, %eq3A_18 : vector<16xi32>
    %add3A_20 = arith.constant 0 : i32
    %add3A_21 = arith.addi %mul3A_2, %add3A_20 : i32
    "tpu.region"() ({
      %run_scoped3A = tpu.sem_alloc : memref<!tpu.dma_semaphore, #tpu.memory_space<semaphore_mem>>
      %dma_start3A_54 = tpu.memref_slice %arg2[%add3A_21] : memref<204800xi32, #tpu.memory_space<hbm>> -> memref<200xi32, #tpu.memory_space<hbm>>
      %dma_start3A_55 = tpu.memref_slice %arg2[%add3A_21] : memref<204800xi32, #tpu.memory_space<hbm>> -> memref<200xi32, #tpu.memory_space<hbm>>
      tpu.enqueue_dma source(%dma_start3A_55 : memref<200xi32, #tpu.memory_space<hbm>>) target(%arg6 : memref<200xi32, #tpu.memory_space<vmem>>) target_semaphore(%run_scoped3A : memref<!tpu.dma_semaphore, #tpu.memory_space<semaphore_mem>>)
      %dma_wait3A_56 = tpu.memref_slice %arg2[%add3A_21] : memref<204800xi32, #tpu.memory_space<hbm>> -> memref<200xi32, #tpu.memory_space<hbm>>
      %dma_wait3A_57 = tpu.memref_slice %arg2[%add3A_21] : memref<204800xi32, #tpu.memory_space<hbm>> -> memref<200xi32, #tpu.memory_space<hbm>>
      tpu.wait_dma2 semaphore(%run_scoped3A : memref<!tpu.dma_semaphore, #tpu.memory_space<semaphore_mem>>) src(%dma_wait3A_57 : memref<200xi32, #tpu.memory_space<hbm>>) dst(%arg6 : memref<200xi32, #tpu.memory_space<vmem>>)
      tpu.yield
    }) : () -> ()
    %dma_start3A = arith.constant 0 : i32
    %dma_start3A_22 = arith.constant 0 : i32
    %dma_start3A_23 = tpu.memref_slice %arg3[%dma_start3A, %dma_start3A_22] : memref<100000x128xf32, #tpu.memory_space<hbm>> -> memref<100000x128xf32, #tpu.memory_space<hbm>>
    tpu.enqueue_indirect_dma source(%dma_start3A_23 : memref<100000x128xf32, #tpu.memory_space<hbm>>) target(%arg10 : memref<200x128xf32, #tpu.memory_space<vmem>>) offsets(%arg6 : memref<200xi32, #tpu.memory_space<vmem>>) semaphore(%arg15 : memref<!tpu.dma_semaphore, #tpu.memory_space<semaphore_mem>>)
    %add3A_24 = arith.constant 200 : i32
    %add3A_25 = arith.addi %mul3A_2, %add3A_24 : i32
    "tpu.region"() ({
      %run_scoped3A = tpu.sem_alloc : memref<!tpu.dma_semaphore, #tpu.memory_space<semaphore_mem>>
      %dma_start3A_54 = tpu.memref_slice %arg2[%add3A_25] : memref<204800xi32, #tpu.memory_space<hbm>> -> memref<200xi32, #tpu.memory_space<hbm>>
      %dma_start3A_55 = tpu.memref_slice %arg2[%add3A_25] : memref<204800xi32, #tpu.memory_space<hbm>> -> memref<200xi32, #tpu.memory_space<hbm>>
      tpu.enqueue_dma source(%dma_start3A_55 : memref<200xi32, #tpu.memory_space<hbm>>) target(%arg7 : memref<200xi32, #tpu.memory_space<vmem>>) target_semaphore(%run_scoped3A : memref<!tpu.dma_semaphore, #tpu.memory_space<semaphore_mem>>)
      %dma_wait3A_56 = tpu.memref_slice %arg2[%add3A_25] : memref<204800xi32, #tpu.memory_space<hbm>> -> memref<200xi32, #tpu.memory_space<hbm>>
      %dma_wait3A_57 = tpu.memref_slice %arg2[%add3A_25] : memref<204800xi32, #tpu.memory_space<hbm>> -> memref<200xi32, #tpu.memory_space<hbm>>
      tpu.wait_dma2 semaphore(%run_scoped3A : memref<!tpu.dma_semaphore, #tpu.memory_space<semaphore_mem>>) src(%dma_wait3A_57 : memref<200xi32, #tpu.memory_space<hbm>>) dst(%arg7 : memref<200xi32, #tpu.memory_space<vmem>>)
      tpu.yield
    }) : () -> ()
    %dma_start3A_26 = arith.constant 0 : i32
    %dma_start3A_27 = arith.constant 0 : i32
    %dma_start3A_28 = tpu.memref_slice %arg3[%dma_start3A_26, %dma_start3A_27] : memref<100000x128xf32, #tpu.memory_space<hbm>> -> memref<100000x128xf32, #tpu.memory_space<hbm>>
    tpu.enqueue_indirect_dma source(%dma_start3A_28 : memref<100000x128xf32, #tpu.memory_space<hbm>>) target(%arg11 : memref<200x128xf32, #tpu.memory_space<vmem>>) offsets(%arg7 : memref<200xi32, #tpu.memory_space<vmem>>) semaphore(%arg16 : memref<!tpu.dma_semaphore, #tpu.memory_space<semaphore_mem>>)
    %add3A_29 = arith.constant 400 : i32
    %add3A_30 = arith.addi %mul3A_2, %add3A_29 : i32
    "tpu.region"() ({
      %run_scoped3A = tpu.sem_alloc : memref<!tpu.dma_semaphore, #tpu.memory_space<semaphore_mem>>
      %dma_start3A_54 = tpu.memref_slice %arg2[%add3A_30] : memref<204800xi32, #tpu.memory_space<hbm>> -> memref<200xi32, #tpu.memory_space<hbm>>
      %dma_start3A_55 = tpu.memref_slice %arg2[%add3A_30] : memref<204800xi32, #tpu.memory_space<hbm>> -> memref<200xi32, #tpu.memory_space<hbm>>
      tpu.enqueue_dma source(%dma_start3A_55 : memref<200xi32, #tpu.memory_space<hbm>>) target(%arg8 : memref<200xi32, #tpu.memory_space<vmem>>) target_semaphore(%run_scoped3A : memref<!tpu.dma_semaphore, #tpu.memory_space<semaphore_mem>>)
      %dma_wait3A_56 = tpu.memref_slice %arg2[%add3A_30] : memref<204800xi32, #tpu.memory_space<hbm>> -> memref<200xi32, #tpu.memory_space<hbm>>
      %dma_wait3A_57 = tpu.memref_slice %arg2[%add3A_30] : memref<204800xi32, #tpu.memory_space<hbm>> -> memref<200xi32, #tpu.memory_space<hbm>>
      tpu.wait_dma2 semaphore(%run_scoped3A : memref<!tpu.dma_semaphore, #tpu.memory_space<semaphore_mem>>) src(%dma_wait3A_57 : memref<200xi32, #tpu.memory_space<hbm>>) dst(%arg8 : memref<200xi32, #tpu.memory_space<vmem>>)
      tpu.yield
    }) : () -> ()
    %dma_start3A_31 = arith.constant 0 : i32
    %dma_start3A_32 = arith.constant 0 : i32
    %dma_start3A_33 = tpu.memref_slice %arg3[%dma_start3A_31, %dma_start3A_32] : memref<100000x128xf32, #tpu.memory_space<hbm>> -> memref<100000x128xf32, #tpu.memory_space<hbm>>
    tpu.enqueue_indirect_dma source(%dma_start3A_33 : memref<100000x128xf32, #tpu.memory_space<hbm>>) target(%arg12 : memref<200x128xf32, #tpu.memory_space<vmem>>) offsets(%arg8 : memref<200xi32, #tpu.memory_space<vmem>>) semaphore(%arg17 : memref<!tpu.dma_semaphore, #tpu.memory_space<semaphore_mem>>)
    %scan3A = arith.constant 0 : i32
    %scan3A_34 = arith.constant 0 : i32
    %scan3A_35 = arith.constant 8 : i32
    %scan3A_36 = arith.addi %scan3A_34, %scan3A_35 : i32
    %scan3A_37 = arith.constant 1 : i32
    scf.for %scan3A_54 = %scan3A_34 to %scan3A_36 step %scan3A_37  : i32 {
      %mul3A_55 = arith.constant 4 : i32
      %mul3A_56 = arith.muli %scan3A_54, %mul3A_55 : i32
      %add3A_57 = arith.constant 0 : i32
      %add3A_58 = arith.addi %mul3A_56, %add3A_57 : i32
      %dma_wait3A_59 = arith.constant 0 : i32
      %dma_wait3A_60 = arith.constant 0 : i32
      %dma_wait3A_61 = tpu.memref_slice %arg3[%dma_wait3A_59, %dma_wait3A_60] : memref<100000x128xf32, #tpu.memory_space<hbm>> -> memref<100000x128xf32, #tpu.memory_space<hbm>>
      tpu.wait_indirect_dma semaphore(%arg15 : memref<!tpu.dma_semaphore, #tpu.memory_space<semaphore_mem>>) src(%dma_wait3A_61 : memref<100000x128xf32, #tpu.memory_space<hbm>>) dst(%arg10 : memref<200x128xf32, #tpu.memory_space<vmem>>)
      %scan3A_62 = arith.constant 0 : i32
      %scan3A_63 = arith.constant 0 : i32
      %scan3A_64 = arith.constant 100 : i32
      %scan3A_65 = arith.addi %scan3A_63, %scan3A_64 : i32
      %scan3A_66 = arith.constant 2 : i32
      scf.for %scan3A_167 = %scan3A_63 to %scan3A_65 step %scan3A_66  : i32 {
        %mul3A_168 = arith.constant 2 : i32
        %mul3A_169 = arith.muli %mul3A_168, %scan3A_167 : i32
        %add3A_170 = arith.constant 1 : i32
        %add3A_171 = arith.addi %mul3A_169, %add3A_170 : i32
        %get3A_172 = arith.index_cast %mul3A_169 : i32 to index
        %get3A_173 = arith.constant 0 : index
        %get3A_174 = tpu.vector_load %arg10[%get3A_172, %get3A_173] {strides = array<i32>} : memref<200x128xf32, #tpu.memory_space<vmem>>, vector<1x16xf32>,
        %get3A_175 = vector.shape_cast %get3A_174 : vector<1x16xf32> to vector<16xf32>
        %get3A_176 = arith.index_cast %mul3A_169 : i32 to index
        %get3A_177 = arith.constant 16 : index
        %get3A_178 = tpu.vector_load %arg10[%get3A_176, %get3A_177] {strides = array<i32>} : memref<200x128xf32, #tpu.memory_space<vmem>>, vector<1x16xf32>,
        %get3A_179 = vector.shape_cast %get3A_178 : vector<1x16xf32> to vector<16xf32>
        %get3A_180 = arith.index_cast %mul3A_169 : i32 to index
        %get3A_181 = arith.constant 32 : index
        %get3A_182 = tpu.vector_load %arg10[%get3A_180, %get3A_181] {strides = array<i32>} : memref<200x128xf32, #tpu.memory_space<vmem>>, vector<1x16xf32>,
        %get3A_183 = vector.shape_cast %get3A_182 : vector<1x16xf32> to vector<16xf32>
        %get3A_184 = arith.index_cast %mul3A_169 : i32 to index
        %get3A_185 = arith.constant 48 : index
        %get3A_186 = tpu.vector_load %arg10[%get3A_184, %get3A_185] {strides = array<i32>} : memref<200x128xf32, #tpu.memory_space<vmem>>, vector<1x16xf32>,
        %get3A_187 = vector.shape_cast %get3A_186 : vector<1x16xf32> to vector<16xf32>
        %get3A_188 = arith.index_cast %mul3A_169 : i32 to index
        %get3A_189 = arith.constant 64 : index
        %get3A_190 = tpu.vector_load %arg10[%get3A_188, %get3A_189] {strides = array<i32>} : memref<200x128xf32, #tpu.memory_space<vmem>>, vector<1x16xf32>,
        %get3A_191 = vector.shape_cast %get3A_190 : vector<1x16xf32> to vector<16xf32>
        %get3A_192 = arith.index_cast %mul3A_169 : i32 to index
        %get3A_193 = arith.constant 80 : index
        %get3A_194 = tpu.vector_load %arg10[%get3A_192, %get3A_193] {strides = array<i32>} : memref<200x128xf32, #tpu.memory_space<vmem>>, vector<1x16xf32>,
        %get3A_195 = vector.shape_cast %get3A_194 : vector<1x16xf32> to vector<16xf32>
        %get3A_196 = arith.index_cast %mul3A_169 : i32 to index
        %get3A_197 = arith.constant 96 : index
        %get3A_198 = tpu.vector_load %arg10[%get3A_196, %get3A_197] {strides = array<i32>} : memref<200x128xf32, #tpu.memory_space<vmem>>, vector<1x16xf32>,
        %get3A_199 = vector.shape_cast %get3A_198 : vector<1x16xf32> to vector<16xf32>
        %get3A_200 = arith.index_cast %mul3A_169 : i32 to index
        %get3A_201 = arith.constant 112 : index
        %get3A_202 = tpu.vector_load %arg10[%get3A_200, %get3A_201] {strides = array<i32>} : memref<200x128xf32, #tpu.memory_space<vmem>>, vector<1x16xf32>,
        %get3A_203 = vector.shape_cast %get3A_202 : vector<1x16xf32> to vector<16xf32>
        %get3A_204 = arith.index_cast %add3A_171 : i32 to index
        %get3A_205 = arith.constant 0 : index
        %get3A_206 = tpu.vector_load %arg10[%get3A_204, %get3A_205] {strides = array<i32>} : memref<200x128xf32, #tpu.memory_space<vmem>>, vector<1x16xf32>,
        %get3A_207 = vector.shape_cast %get3A_206 : vector<1x16xf32> to vector<16xf32>
        %get3A_208 = arith.index_cast %add3A_171 : i32 to index
        %get3A_209 = arith.constant 16 : index
        %get3A_210 = tpu.vector_load %arg10[%get3A_208, %get3A_209] {strides = array<i32>} : memref<200x128xf32, #tpu.memory_space<vmem>>, vector<1x16xf32>,
        %get3A_211 = vector.shape_cast %get3A_210 : vector<1x16xf32> to vector<16xf32>
        %get3A_212 = arith.index_cast %add3A_171 : i32 to index
        %get3A_213 = arith.constant 32 : index
        %get3A_214 = tpu.vector_load %arg10[%get3A_212, %get3A_213] {strides = array<i32>} : memref<200x128xf32, #tpu.memory_space<vmem>>, vector<1x16xf32>,
        %get3A_215 = vector.shape_cast %get3A_214 : vector<1x16xf32> to vector<16xf32>
        %get3A_216 = arith.index_cast %add3A_171 : i32 to index
        %get3A_217 = arith.constant 48 : index
        %get3A_218 = tpu.vector_load %arg10[%get3A_216, %get3A_217] {strides = array<i32>} : memref<200x128xf32, #tpu.memory_space<vmem>>, vector<1x16xf32>,
        %get3A_219 = vector.shape_cast %get3A_218 : vector<1x16xf32> to vector<16xf32>
        %get3A_220 = arith.index_cast %add3A_171 : i32 to index
        %get3A_221 = arith.constant 64 : index
        %get3A_222 = tpu.vector_load %arg10[%get3A_220, %get3A_221] {strides = array<i32>} : memref<200x128xf32, #tpu.memory_space<vmem>>, vector<1x16xf32>,
        %get3A_223 = vector.shape_cast %get3A_222 : vector<1x16xf32> to vector<16xf32>
        %get3A_224 = arith.index_cast %add3A_171 : i32 to index
        %get3A_225 = arith.constant 80 : index
        %get3A_226 = tpu.vector_load %arg10[%get3A_224, %get3A_225] {strides = array<i32>} : memref<200x128xf32, #tpu.memory_space<vmem>>, vector<1x16xf32>,
        %get3A_227 = vector.shape_cast %get3A_226 : vector<1x16xf32> to vector<16xf32>
        %get3A_228 = arith.index_cast %add3A_171 : i32 to index
        %get3A_229 = arith.constant 96 : index
        %get3A_230 = tpu.vector_load %arg10[%get3A_228, %get3A_229] {strides = array<i32>} : memref<200x128xf32, #tpu.memory_space<vmem>>, vector<1x16xf32>,
        %get3A_231 = vector.shape_cast %get3A_230 : vector<1x16xf32> to vector<16xf32>
        %get3A_232 = arith.index_cast %add3A_171 : i32 to index
        %get3A_233 = arith.constant 112 : index
        %get3A_234 = tpu.vector_load %arg10[%get3A_232, %get3A_233] {strides = array<i32>} : memref<200x128xf32, #tpu.memory_space<vmem>>, vector<1x16xf32>,
        %get3A_235 = vector.shape_cast %get3A_234 : vector<1x16xf32> to vector<16xf32>
        %mul3A_236 = arith.mulf %get3A_175, %get3A_175 : vector<16xf32>
        %mul3A_237 = arith.mulf %get3A_207, %get3A_207 : vector<16xf32>
        %mul3A_238 = arith.mulf %get3A_179, %get3A_179 : vector<16xf32>
        %add3A_239 = arith.addf %mul3A_236, %mul3A_238 : vector<16xf32>
        %mul3A_240 = arith.mulf %get3A_211, %get3A_211 : vector<16xf32>
        %add3A_241 = arith.addf %mul3A_237, %mul3A_240 : vector<16xf32>
        %mul3A_242 = arith.mulf %get3A_183, %get3A_183 : vector<16xf32>
        %add3A_243 = arith.addf %add3A_239, %mul3A_242 : vector<16xf32>
        %mul3A_244 = arith.mulf %get3A_215, %get3A_215 : vector<16xf32>
        %add3A_245 = arith.addf %add3A_241, %mul3A_244 : vector<16xf32>
        %mul3A_246 = arith.mulf %get3A_187, %get3A_187 : vector<16xf32>
        %add3A_247 = arith.addf %add3A_243, %mul3A_246 : vector<16xf32>
        %mul3A_248 = arith.mulf %get3A_219, %get3A_219 : vector<16xf32>
        %add3A_249 = arith.addf %add3A_245, %mul3A_248 : vector<16xf32>
        %mul3A_250 = arith.mulf %get3A_191, %get3A_191 : vector<16xf32>
        %add3A_251 = arith.addf %add3A_247, %mul3A_250 : vector<16xf32>
        %mul3A_252 = arith.mulf %get3A_223, %get3A_223 : vector<16xf32>
        %add3A_253 = arith.addf %add3A_249, %mul3A_252 : vector<16xf32>
        %mul3A_254 = arith.mulf %get3A_195, %get3A_195 : vector<16xf32>
        %add3A_255 = arith.addf %add3A_251, %mul3A_254 : vector<16xf32>
        %mul3A_256 = arith.mulf %get3A_227, %get3A_227 : vector<16xf32>
        %add3A_257 = arith.addf %add3A_253, %mul3A_256 : vector<16xf32>
        %mul3A_258 = arith.mulf %get3A_199, %get3A_199 : vector<16xf32>
        %add3A_259 = arith.addf %add3A_255, %mul3A_258 : vector<16xf32>
        %mul3A_260 = arith.mulf %get3A_231, %get3A_231 : vector<16xf32>
        %add3A_261 = arith.addf %add3A_257, %mul3A_260 : vector<16xf32>
        %mul3A_262 = arith.mulf %get3A_203, %get3A_203 : vector<16xf32>
        %add3A_263 = arith.addf %add3A_259, %mul3A_262 : vector<16xf32>
        %mul3A_264 = arith.mulf %get3A_235, %get3A_235 : vector<16xf32>
        %add3A_265 = arith.addf %add3A_261, %mul3A_264 : vector<16xf32>
        %lt3A_266 = arith.constant 0 : i32
        %lt3A_267 = vector.broadcast %lt3A_266 : i32 to vector<16xi32>
        %lt3A_268 = arith.cmpi slt, %xor3A_6, %lt3A_267 : vector<16xi32>
        %add3A_269 = arith.constant 16 : i32
        %add3A_270 = vector.broadcast %add3A_269 : i32 to vector<16xi32>
        %add3A_271 = arith.addi %xor3A_6, %add3A_270 : vector<16xi32>
        %select_n3A = arith.select %lt3A_268, %add3A_271, %xor3A_6 : vector<16xi1>, vector<16xi32>
        %broadcast_in_dim3A = vector.shape_cast %select_n3A : vector<16xi32> to vector<16x1xi32>
        %gather3A = vector.shape_cast %broadcast_in_dim3A : vector<16x1xi32> to vector<16xi32>
        %gather3A_272 = tpu.dynamic_gather %add3A_263[%gather3A] in [0] : vector<16xf32>, vector<16xi32> -> vector<16xf32>
        %add3A_273 = arith.addf %add3A_263, %gather3A_272 : vector<16xf32>
        %lt3A_274 = arith.constant 0 : i32
        %lt3A_275 = vector.broadcast %lt3A_274 : i32 to vector<16xi32>
        %lt3A_276 = arith.cmpi slt, %xor3A_6, %lt3A_275 : vector<16xi32>
        %add3A_277 = arith.constant 16 : i32
        %add3A_278 = vector.broadcast %add3A_277 : i32 to vector<16xi32>
        %add3A_279 = arith.addi %xor3A_6, %add3A_278 : vector<16xi32>
        %select_n3A_280 = arith.select %lt3A_276, %add3A_279, %xor3A_6 : vector<16xi1>, vector<16xi32>
        %broadcast_in_dim3A_281 = vector.shape_cast %select_n3A_280 : vector<16xi32> to vector<16x1xi32>
        %gather3A_282 = vector.shape_cast %broadcast_in_dim3A_281 : vector<16x1xi32> to vector<16xi32>
        %gather3A_283 = tpu.dynamic_gather %add3A_265[%gather3A_282] in [0] : vector<16xf32>, vector<16xi32> -> vector<16xf32>
        %add3A_284 = arith.addf %add3A_265, %gather3A_283 : vector<16xf32>
        %select_n3A_285 = arith.select %eq3A_19, %add3A_273, %add3A_284 : vector<16xi1>, vector<16xf32>
        %lt3A_286 = arith.constant 0 : i32
        %lt3A_287 = vector.broadcast %lt3A_286 : i32 to vector<16xi32>
        %lt3A_288 = arith.cmpi slt, %xor3A_9, %lt3A_287 : vector<16xi32>
        %add3A_289 = arith.constant 16 : i32
        %add3A_290 = vector.broadcast %add3A_289 : i32 to vector<16xi32>
        %add3A_291 = arith.addi %xor3A_9, %add3A_290 : vector<16xi32>
        %select_n3A_292 = arith.select %lt3A_288, %add3A_291, %xor3A_9 : vector<16xi1>, vector<16xi32>
        %broadcast_in_dim3A_293 = vector.shape_cast %select_n3A_292 : vector<16xi32> to vector<16x1xi32>
        %gather3A_294 = vector.shape_cast %broadcast_in_dim3A_293 : vector<16x1xi32> to vector<16xi32>
        %gather3A_295 = tpu.dynamic_gather %select_n3A_285[%gather3A_294] in [0] : vector<16xf32>, vector<16xi32> -> vector<16xf32>
        %add3A_296 = arith.addf %select_n3A_285, %gather3A_295 : vector<16xf32>
        %lt3A_297 = arith.constant 0 : i32
        %lt3A_298 = vector.broadcast %lt3A_297 : i32 to vector<16xi32>
        %lt3A_299 = arith.cmpi slt, %xor3A_12, %lt3A_298 : vector<16xi32>
        %add3A_300 = arith.constant 16 : i32
        %add3A_301 = vector.broadcast %add3A_300 : i32 to vector<16xi32>
        %add3A_302 = arith.addi %xor3A_12, %add3A_301 : vector<16xi32>
        %select_n3A_303 = arith.select %lt3A_299, %add3A_302, %xor3A_12 : vector<16xi1>, vector<16xi32>
        %broadcast_in_dim3A_304 = vector.shape_cast %select_n3A_303 : vector<16xi32> to vector<16x1xi32>
        %gather3A_305 = vector.shape_cast %broadcast_in_dim3A_304 : vector<16x1xi32> to vector<16xi32>
        %gather3A_306 = tpu.dynamic_gather %add3A_296[%gather3A_305] in [0] : vector<16xf32>, vector<16xi32> -> vector<16xf32>
        %add3A_307 = arith.addf %add3A_296, %gather3A_306 : vector<16xf32>
        %lt3A_308 = arith.constant 0 : i32
        %lt3A_309 = vector.broadcast %lt3A_308 : i32 to vector<16xi32>
        %lt3A_310 = arith.cmpi slt, %xor3A_15, %lt3A_309 : vector<16xi32>
        %add3A_311 = arith.constant 16 : i32
        %add3A_312 = vector.broadcast %add3A_311 : i32 to vector<16xi32>
        %add3A_313 = arith.addi %xor3A_15, %add3A_312 : vector<16xi32>
        %select_n3A_314 = arith.select %lt3A_310, %add3A_313, %xor3A_15 : vector<16xi1>, vector<16xi32>
        %broadcast_in_dim3A_315 = vector.shape_cast %select_n3A_314 : vector<16xi32> to vector<16x1xi32>
        %gather3A_316 = vector.shape_cast %broadcast_in_dim3A_315 : vector<16x1xi32> to vector<16xi32>
        %gather3A_317 = tpu.dynamic_gather %add3A_307[%gather3A_316] in [0] : vector<16xf32>, vector<16xi32> -> vector<16xf32>
        %add3A_318 = arith.addf %add3A_307, %gather3A_317 : vector<16xf32>
        %bitcast_convert_type3A = tpu.bitcast %add3A_318 : vector<16xf32> -> vector<16xi32>
        %shift_right_arithmetic3A = arith.constant 1 : i32
        %shift_right_arithmetic3A_319 = vector.broadcast %shift_right_arithmetic3A : i32 to vector<16xi32>
        %shift_right_arithmetic3A_320 = arith.shrsi %bitcast_convert_type3A, %shift_right_arithmetic3A_319 : vector<16xi32>
        %sub3A_321 = arith.constant 1597463007 : i32
        %sub3A_322 = vector.broadcast %sub3A_321 : i32 to vector<16xi32>
        %sub3A_323 = arith.subi %sub3A_322, %shift_right_arithmetic3A_320 : vector<16xi32>
        %bitcast_convert_type3A_324 = tpu.bitcast %sub3A_323 : vector<16xi32> -> vector<16xf32>
        %mul3A_325 = arith.constant 5.000000e-01 : f32
        %mul3A_326 = vector.broadcast %mul3A_325 : f32 to vector<16xf32>
        %mul3A_327 = arith.mulf %mul3A_326, %add3A_318 : vector<16xf32>
        %mul3A_328 = arith.mulf %mul3A_327, %bitcast_convert_type3A_324 : vector<16xf32>
        %mul3A_329 = arith.mulf %mul3A_328, %bitcast_convert_type3A_324 : vector<16xf32>
        %sub3A_330 = arith.constant 1.500000e+00 : f32
        %sub3A_331 = vector.broadcast %sub3A_330 : f32 to vector<16xf32>
        %sub3A_332 = arith.subf %sub3A_331, %mul3A_329 : vector<16xf32>
        %mul3A_333 = arith.mulf %bitcast_convert_type3A_324, %sub3A_332 : vector<16xf32>
        %mul3A_334 = arith.constant 5.000000e-01 : f32
        %mul3A_335 = vector.broadcast %mul3A_334 : f32 to vector<16xf32>
        %mul3A_336 = arith.mulf %mul3A_335, %add3A_318 : vector<16xf32>
        %mul3A_337 = arith.mulf %mul3A_336, %mul3A_333 : vector<16xf32>
        %mul3A_338 = arith.mulf %mul3A_337, %mul3A_333 : vector<16xf32>
        %sub3A_339 = arith.constant 1.500000e+00 : f32
        %sub3A_340 = vector.broadcast %sub3A_339 : f32 to vector<16xf32>
        %sub3A_341 = arith.subf %sub3A_340, %mul3A_338 : vector<16xf32>
        %mul3A_342 = arith.mulf %mul3A_333, %sub3A_341 : vector<16xf32>
        %mul3A_343 = arith.mulf %add3A_318, %mul3A_342 : vector<16xf32>
        %max3A = arith.maximumf %mul3A_343, %get3A_4 : vector<16xf32>
        %div3A = arith.constant 1.000000e+00 : f32
        %div3A_344 = vector.broadcast %div3A : f32 to vector<16xf32>
        %div3A_345 = arith.divf %div3A_344, %max3A : vector<16xf32>
        %lt3A_346 = arith.constant 0 : i32
        %lt3A_347 = vector.broadcast %lt3A_346 : i32 to vector<16xi32>
        %lt3A_348 = arith.cmpi slt, %xor3A_6, %lt3A_347 : vector<16xi32>
        %add3A_349 = arith.constant 16 : i32
        %add3A_350 = vector.broadcast %add3A_349 : i32 to vector<16xi32>
        %add3A_351 = arith.addi %xor3A_6, %add3A_350 : vector<16xi32>
        %select_n3A_352 = arith.select %lt3A_348, %add3A_351, %xor3A_6 : vector<16xi1>, vector<16xi32>
        %broadcast_in_dim3A_353 = vector.shape_cast %select_n3A_352 : vector<16xi32> to vector<16x1xi32>
        %gather3A_354 = vector.shape_cast %broadcast_in_dim3A_353 : vector<16x1xi32> to vector<16xi32>
        %gather3A_355 = tpu.dynamic_gather %div3A_345[%gather3A_354] in [0] : vector<16xf32>, vector<16xi32> -> vector<16xf32>
        %select_n3A_356 = arith.select %eq3A_19, %div3A_345, %gather3A_355 : vector<16xi1>, vector<16xf32>
        %select_n3A_357 = arith.select %eq3A_19, %gather3A_355, %div3A_345 : vector<16xi1>, vector<16xf32>
        %mul3A_358 = arith.mulf %get3A_175, %select_n3A_356 : vector<16xf32>
        %swap3A = arith.index_cast %mul3A_169 : i32 to index
        %swap3A_359 = arith.constant 0 : index
        %swap3A_360 = tpu.vector_load %arg10[%swap3A, %swap3A_359] {strides = array<i32>} : memref<200x128xf32, #tpu.memory_space<vmem>>, vector<1x16xf32>,
        %swap3A_361 = vector.shape_cast %swap3A_360 : vector<1x16xf32> to vector<16xf32>
        %swap3A_362 = vector.shape_cast %mul3A_358 : vector<16xf32> to vector<1x16xf32>
        tpu.vector_store %arg10[%swap3A, %swap3A_359], %swap3A_362 {strides = array<i32>} : memref<200x128xf32, #tpu.memory_space<vmem>>, vector<1x16xf32>,
        %mul3A_363 = arith.mulf %get3A_179, %select_n3A_356 : vector<16xf32>
        %swap3A_364 = arith.index_cast %mul3A_169 : i32 to index
        %swap3A_365 = arith.constant 16 : index
        %swap3A_366 = tpu.vector_load %arg10[%swap3A_364, %swap3A_365] {strides = array<i32>} : memref<200x128xf32, #tpu.memory_space<vmem>>, vector<1x16xf32>,
        %swap3A_367 = vector.shape_cast %swap3A_366 : vector<1x16xf32> to vector<16xf32>
        %swap3A_368 = vector.shape_cast %mul3A_363 : vector<16xf32> to vector<1x16xf32>
        tpu.vector_store %arg10[%swap3A_364, %swap3A_365], %swap3A_368 {strides = array<i32>} : memref<200x128xf32, #tpu.memory_space<vmem>>, vector<1x16xf32>,
        %mul3A_369 = arith.mulf %get3A_183, %select_n3A_356 : vector<16xf32>
        %swap3A_370 = arith.index_cast %mul3A_169 : i32 to index
        %swap3A_371 = arith.constant 32 : index
        %swap3A_372 = tpu.vector_load %arg10[%swap3A_370, %swap3A_371] {strides = array<i32>} : memref<200x128xf32, #tpu.memory_space<vmem>>, vector<1x16xf32>,
        %swap3A_373 = vector.shape_cast %swap3A_372 : vector<1x16xf32> to vector<16xf32>
        %swap3A_374 = vector.shape_cast %mul3A_369 : vector<16xf32> to vector<1x16xf32>
        tpu.vector_store %arg10[%swap3A_370, %swap3A_371], %swap3A_374 {strides = array<i32>} : memref<200x128xf32, #tpu.memory_space<vmem>>, vector<1x16xf32>,
        %mul3A_375 = arith.mulf %get3A_187, %select_n3A_356 : vector<16xf32>
        %swap3A_376 = arith.index_cast %mul3A_169 : i32 to index
        %swap3A_377 = arith.constant 48 : index
        %swap3A_378 = tpu.vector_load %arg10[%swap3A_376, %swap3A_377] {strides = array<i32>} : memref<200x128xf32, #tpu.memory_space<vmem>>, vector<1x16xf32>,
        %swap3A_379 = vector.shape_cast %swap3A_378 : vector<1x16xf32> to vector<16xf32>
        %swap3A_380 = vector.shape_cast %mul3A_375 : vector<16xf32> to vector<1x16xf32>
        tpu.vector_store %arg10[%swap3A_376, %swap3A_377], %swap3A_380 {strides = array<i32>} : memref<200x128xf32, #tpu.memory_space<vmem>>, vector<1x16xf32>,
        %mul3A_381 = arith.mulf %get3A_191, %select_n3A_356 : vector<16xf32>
        %swap3A_382 = arith.index_cast %mul3A_169 : i32 to index
        %swap3A_383 = arith.constant 64 : index
        %swap3A_384 = tpu.vector_load %arg10[%swap3A_382, %swap3A_383] {strides = array<i32>} : memref<200x128xf32, #tpu.memory_space<vmem>>, vector<1x16xf32>,
        %swap3A_385 = vector.shape_cast %swap3A_384 : vector<1x16xf32> to vector<16xf32>
        %swap3A_386 = vector.shape_cast %mul3A_381 : vector<16xf32> to vector<1x16xf32>
        tpu.vector_store %arg10[%swap3A_382, %swap3A_383], %swap3A_386 {strides = array<i32>} : memref<200x128xf32, #tpu.memory_space<vmem>>, vector<1x16xf32>,
        %mul3A_387 = arith.mulf %get3A_195, %select_n3A_356 : vector<16xf32>
        %swap3A_388 = arith.index_cast %mul3A_169 : i32 to index
        %swap3A_389 = arith.constant 80 : index
        %swap3A_390 = tpu.vector_load %arg10[%swap3A_388, %swap3A_389] {strides = array<i32>} : memref<200x128xf32, #tpu.memory_space<vmem>>, vector<1x16xf32>,
        %swap3A_391 = vector.shape_cast %swap3A_390 : vector<1x16xf32> to vector<16xf32>
        %swap3A_392 = vector.shape_cast %mul3A_387 : vector<16xf32> to vector<1x16xf32>
        tpu.vector_store %arg10[%swap3A_388, %swap3A_389], %swap3A_392 {strides = array<i32>} : memref<200x128xf32, #tpu.memory_space<vmem>>, vector<1x16xf32>,
        %mul3A_393 = arith.mulf %get3A_199, %select_n3A_356 : vector<16xf32>
        %swap3A_394 = arith.index_cast %mul3A_169 : i32 to index
        %swap3A_395 = arith.constant 96 : index
        %swap3A_396 = tpu.vector_load %arg10[%swap3A_394, %swap3A_395] {strides = array<i32>} : memref<200x128xf32, #tpu.memory_space<vmem>>, vector<1x16xf32>,
        %swap3A_397 = vector.shape_cast %swap3A_396 : vector<1x16xf32> to vector<16xf32>
        %swap3A_398 = vector.shape_cast %mul3A_393 : vector<16xf32> to vector<1x16xf32>
        tpu.vector_store %arg10[%swap3A_394, %swap3A_395], %swap3A_398 {strides = array<i32>} : memref<200x128xf32, #tpu.memory_space<vmem>>, vector<1x16xf32>,
        %mul3A_399 = arith.mulf %get3A_203, %select_n3A_356 : vector<16xf32>
        %swap3A_400 = arith.index_cast %mul3A_169 : i32 to index
        %swap3A_401 = arith.constant 112 : index
        %swap3A_402 = tpu.vector_load %arg10[%swap3A_400, %swap3A_401] {strides = array<i32>} : memref<200x128xf32, #tpu.memory_space<vmem>>, vector<1x16xf32>,
        %swap3A_403 = vector.shape_cast %swap3A_402 : vector<1x16xf32> to vector<16xf32>
        %swap3A_404 = vector.shape_cast %mul3A_399 : vector<16xf32> to vector<1x16xf32>
        tpu.vector_store %arg10[%swap3A_400, %swap3A_401], %swap3A_404 {strides = array<i32>} : memref<200x128xf32, #tpu.memory_space<vmem>>, vector<1x16xf32>,
        %mul3A_405 = arith.mulf %get3A_207, %select_n3A_357 : vector<16xf32>
        %swap3A_406 = arith.index_cast %add3A_171 : i32 to index
        %swap3A_407 = arith.constant 0 : index
        %swap3A_408 = tpu.vector_load %arg10[%swap3A_406, %swap3A_407] {strides = array<i32>} : memref<200x128xf32, #tpu.memory_space<vmem>>, vector<1x16xf32>,
        %swap3A_409 = vector.shape_cast %swap3A_408 : vector<1x16xf32> to vector<16xf32>
        %swap3A_410 = vector.shape_cast %mul3A_405 : vector<16xf32> to vector<1x16xf32>
        tpu.vector_store %arg10[%swap3A_406, %swap3A_407], %swap3A_410 {strides = array<i32>} : memref<200x128xf32, #tpu.memory_space<vmem>>, vector<1x16xf32>,
        %mul3A_411 = arith.mulf %get3A_211, %select_n3A_357 : vector<16xf32>
        %swap3A_412 = arith.index_cast %add3A_171 : i32 to index
        %swap3A_413 = arith.constant 16 : index
        %swap3A_414 = tpu.vector_load %arg10[%swap3A_412, %swap3A_413] {strides = array<i32>} : memref<200x128xf32, #tpu.memory_space<vmem>>, vector<1x16xf32>,
        %swap3A_415 = vector.shape_cast %swap3A_414 : vector<1x16xf32> to vector<16xf32>
        %swap3A_416 = vector.shape_cast %mul3A_411 : vector<16xf32> to vector<1x16xf32>
        tpu.vector_store %arg10[%swap3A_412, %swap3A_413], %swap3A_416 {strides = array<i32>} : memref<200x128xf32, #tpu.memory_space<vmem>>, vector<1x16xf32>,
        %mul3A_417 = arith.mulf %get3A_215, %select_n3A_357 : vector<16xf32>
        %swap3A_418 = arith.index_cast %add3A_171 : i32 to index
        %swap3A_419 = arith.constant 32 : index
        %swap3A_420 = tpu.vector_load %arg10[%swap3A_418, %swap3A_419] {strides = array<i32>} : memref<200x128xf32, #tpu.memory_space<vmem>>, vector<1x16xf32>,
        %swap3A_421 = vector.shape_cast %swap3A_420 : vector<1x16xf32> to vector<16xf32>
        %swap3A_422 = vector.shape_cast %mul3A_417 : vector<16xf32> to vector<1x16xf32>
        tpu.vector_store %arg10[%swap3A_418, %swap3A_419], %swap3A_422 {strides = array<i32>} : memref<200x128xf32, #tpu.memory_space<vmem>>, vector<1x16xf32>,
        %mul3A_423 = arith.mulf %get3A_219, %select_n3A_357 : vector<16xf32>
        %swap3A_424 = arith.index_cast %add3A_171 : i32 to index
        %swap3A_425 = arith.constant 48 : index
        %swap3A_426 = tpu.vector_load %arg10[%swap3A_424, %swap3A_425] {strides = array<i32>} : memref<200x128xf32, #tpu.memory_space<vmem>>, vector<1x16xf32>,
        %swap3A_427 = vector.shape_cast %swap3A_426 : vector<1x16xf32> to vector<16xf32>
        %swap3A_428 = vector.shape_cast %mul3A_423 : vector<16xf32> to vector<1x16xf32>
        tpu.vector_store %arg10[%swap3A_424, %swap3A_425], %swap3A_428 {strides = array<i32>} : memref<200x128xf32, #tpu.memory_space<vmem>>, vector<1x16xf32>,
        %mul3A_429 = arith.mulf %get3A_223, %select_n3A_357 : vector<16xf32>
        %swap3A_430 = arith.index_cast %add3A_171 : i32 to index
        %swap3A_431 = arith.constant 64 : index
        %swap3A_432 = tpu.vector_load %arg10[%swap3A_430, %swap3A_431] {strides = array<i32>} : memref<200x128xf32, #tpu.memory_space<vmem>>, vector<1x16xf32>,
        %swap3A_433 = vector.shape_cast %swap3A_432 : vector<1x16xf32> to vector<16xf32>
        %swap3A_434 = vector.shape_cast %mul3A_429 : vector<16xf32> to vector<1x16xf32>
        tpu.vector_store %arg10[%swap3A_430, %swap3A_431], %swap3A_434 {strides = array<i32>} : memref<200x128xf32, #tpu.memory_space<vmem>>, vector<1x16xf32>,
        %mul3A_435 = arith.mulf %get3A_227, %select_n3A_357 : vector<16xf32>
        %swap3A_436 = arith.index_cast %add3A_171 : i32 to index
        %swap3A_437 = arith.constant 80 : index
        %swap3A_438 = tpu.vector_load %arg10[%swap3A_436, %swap3A_437] {strides = array<i32>} : memref<200x128xf32, #tpu.memory_space<vmem>>, vector<1x16xf32>,
        %swap3A_439 = vector.shape_cast %swap3A_438 : vector<1x16xf32> to vector<16xf32>
        %swap3A_440 = vector.shape_cast %mul3A_435 : vector<16xf32> to vector<1x16xf32>
        tpu.vector_store %arg10[%swap3A_436, %swap3A_437], %swap3A_440 {strides = array<i32>} : memref<200x128xf32, #tpu.memory_space<vmem>>, vector<1x16xf32>,
        %mul3A_441 = arith.mulf %get3A_231, %select_n3A_357 : vector<16xf32>
        %swap3A_442 = arith.index_cast %add3A_171 : i32 to index
        %swap3A_443 = arith.constant 96 : index
        %swap3A_444 = tpu.vector_load %arg10[%swap3A_442, %swap3A_443] {strides = array<i32>} : memref<200x128xf32, #tpu.memory_space<vmem>>, vector<1x16xf32>,
        %swap3A_445 = vector.shape_cast %swap3A_444 : vector<1x16xf32> to vector<16xf32>
        %swap3A_446 = vector.shape_cast %mul3A_441 : vector<16xf32> to vector<1x16xf32>
        tpu.vector_store %arg10[%swap3A_442, %swap3A_443], %swap3A_446 {strides = array<i32>} : memref<200x128xf32, #tpu.memory_space<vmem>>, vector<1x16xf32>,
        %mul3A_447 = arith.mulf %get3A_235, %select_n3A_357 : vector<16xf32>
        %swap3A_448 = arith.index_cast %add3A_171 : i32 to index
        %swap3A_449 = arith.constant 112 : index
        %swap3A_450 = tpu.vector_load %arg10[%swap3A_448, %swap3A_449] {strides = array<i32>} : memref<200x128xf32, #tpu.memory_space<vmem>>, vector<1x16xf32>,
        %swap3A_451 = vector.shape_cast %swap3A_450 : vector<1x16xf32> to vector<16xf32>
        %swap3A_452 = vector.shape_cast %mul3A_447 : vector<16xf32> to vector<1x16xf32>
        tpu.vector_store %arg10[%swap3A_448, %swap3A_449], %swap3A_452 {strides = array<i32>} : memref<200x128xf32, #tpu.memory_space<vmem>>, vector<1x16xf32>,
        %scan3A_453 = arith.constant 1 : i32
        %scan3A_454 = arith.addi %scan3A_167, %scan3A_453 : i32
        %mul3A_455 = arith.constant 2 : i32
        %mul3A_456 = arith.muli %mul3A_455, %scan3A_454 : i32
        %add3A_457 = arith.constant 1 : i32
        %add3A_458 = arith.addi %mul3A_456, %add3A_457 : i32
        %get3A_459 = arith.index_cast %mul3A_456 : i32 to index
        %get3A_460 = arith.constant 0 : index
        %get3A_461 = tpu.vector_load %arg10[%get3A_459, %get3A_460] {strides = array<i32>} : memref<200x128xf32, #tpu.memory_space<vmem>>, vector<1x16xf32>,
        %get3A_462 = vector.shape_cast %get3A_461 : vector<1x16xf32> to vector<16xf32>
        %get3A_463 = arith.index_cast %mul3A_456 : i32 to index
        %get3A_464 = arith.constant 16 : index
        %get3A_465 = tpu.vector_load %arg10[%get3A_463, %get3A_464] {strides = array<i32>} : memref<200x128xf32, #tpu.memory_space<vmem>>, vector<1x16xf32>,
        %get3A_466 = vector.shape_cast %get3A_465 : vector<1x16xf32> to vector<16xf32>
        %get3A_467 = arith.index_cast %mul3A_456 : i32 to index
        %get3A_468 = arith.constant 32 : index
        %get3A_469 = tpu.vector_load %arg10[%get3A_467, %get3A_468] {strides = array<i32>} : memref<200x128xf32, #tpu.memory_space<vmem>>, vector<1x16xf32>,
        %get3A_470 = vector.shape_cast %get3A_469 : vector<1x16xf32> to vector<16xf32>
        %get3A_471 = arith.index_cast %mul3A_456 : i32 to index
        %get3A_472 = arith.constant 48 : index
        %get3A_473 = tpu.vector_load %arg10[%get3A_471, %get3A_472] {strides = array<i32>} : memref<200x128xf32, #tpu.memory_space<vmem>>, vector<1x16xf32>,
        %get3A_474 = vector.shape_cast %get3A_473 : vector<1x16xf32> to vector<16xf32>
        %get3A_475 = arith.index_cast %mul3A_456 : i32 to index
        %get3A_476 = arith.constant 64 : index
        %get3A_477 = tpu.vector_load %arg10[%get3A_475, %get3A_476] {strides = array<i32>} : memref<200x128xf32, #tpu.memory_space<vmem>>, vector<1x16xf32>,
        %get3A_478 = vector.shape_cast %get3A_477 : vector<1x16xf32> to vector<16xf32>
        %get3A_479 = arith.index_cast %mul3A_456 : i32 to index
        %get3A_480 = arith.constant 80 : index
        %get3A_481 = tpu.vector_load %arg10[%get3A_479, %get3A_480] {strides = array<i32>} : memref<200x128xf32, #tpu.memory_space<vmem>>, vector<1x16xf32>,
        %get3A_482 = vector.shape_cast %get3A_481 : vector<1x16xf32> to vector<16xf32>
        %get3A_483 = arith.index_cast %mul3A_456 : i32 to index
        %get3A_484 = arith.constant 96 : index
        %get3A_485 = tpu.vector_load %arg10[%get3A_483, %get3A_484] {strides = array<i32>} : memref<200x128xf32, #tpu.memory_space<vmem>>, vector<1x16xf32>,
        %get3A_486 = vector.shape_cast %get3A_485 : vector<1x16xf32> to vector<16xf32>
        %get3A_487 = arith.index_cast %mul3A_456 : i32 to index
        %get3A_488 = arith.constant 112 : index
        %get3A_489 = tpu.vector_load %arg10[%get3A_487, %get3A_488] {strides = array<i32>} : memref<200x128xf32, #tpu.memory_space<vmem>>, vector<1x16xf32>,
        %get3A_490 = vector.shape_cast %get3A_489 : vector<1x16xf32> to vector<16xf32>
        %get3A_491 = arith.index_cast %add3A_458 : i32 to index
        %get3A_492 = arith.constant 0 : index
        %get3A_493 = tpu.vector_load %arg10[%get3A_491, %get3A_492] {strides = array<i32>} : memref<200x128xf32, #tpu.memory_space<vmem>>, vector<1x16xf32>,
        %get3A_494 = vector.shape_cast %get3A_493 : vector<1x16xf32> to vector<16xf32>
        %get3A_495 = arith.index_cast %add3A_458 : i32 to index
        %get3A_496 = arith.constant 16 : index
        %get3A_497 = tpu.vector_load %arg10[%get3A_495, %get3A_496] {strides = array<i32>} : memref<200x128xf32, #tpu.memory_space<vmem>>, vector<1x16xf32>,
        %get3A_498 = vector.shape_cast %get3A_497 : vector<1x16xf32> to vector<16xf32>
        %get3A_499 = arith.index_cast %add3A_458 : i32 to index
        %get3A_500 = arith.constant 32 : index
        %get3A_501 = tpu.vector_load %arg10[%get3A_499, %get3A_500] {strides = array<i32>} : memref<200x128xf32, #tpu.memory_space<vmem>>, vector<1x16xf32>,
        %get3A_502 = vector.shape_cast %get3A_501 : vector<1x16xf32> to vector<16xf32>
        %get3A_503 = arith.index_cast %add3A_458 : i32 to index
        %get3A_504 = arith.constant 48 : index
        %get3A_505 = tpu.vector_load %arg10[%get3A_503, %get3A_504] {strides = array<i32>} : memref<200x128xf32, #tpu.memory_space<vmem>>, vector<1x16xf32>,
        %get3A_506 = vector.shape_cast %get3A_505 : vector<1x16xf32> to vector<16xf32>
        %get3A_507 = arith.index_cast %add3A_458 : i32 to index
        %get3A_508 = arith.constant 64 : index
        %get3A_509 = tpu.vector_load %arg10[%get3A_507, %get3A_508] {strides = array<i32>} : memref<200x128xf32, #tpu.memory_space<vmem>>, vector<1x16xf32>,
        %get3A_510 = vector.shape_cast %get3A_509 : vector<1x16xf32> to vector<16xf32>
        %get3A_511 = arith.index_cast %add3A_458 : i32 to index
        %get3A_512 = arith.constant 80 : index
        %get3A_513 = tpu.vector_load %arg10[%get3A_511, %get3A_512] {strides = array<i32>} : memref<200x128xf32, #tpu.memory_space<vmem>>, vector<1x16xf32>,
        %get3A_514 = vector.shape_cast %get3A_513 : vector<1x16xf32> to vector<16xf32>
        %get3A_515 = arith.index_cast %add3A_458 : i32 to index
        %get3A_516 = arith.constant 96 : index
        %get3A_517 = tpu.vector_load %arg10[%get3A_515, %get3A_516] {strides = array<i32>} : memref<200x128xf32, #tpu.memory_space<vmem>>, vector<1x16xf32>,
        %get3A_518 = vector.shape_cast %get3A_517 : vector<1x16xf32> to vector<16xf32>
        %get3A_519 = arith.index_cast %add3A_458 : i32 to index
        %get3A_520 = arith.constant 112 : index
        %get3A_521 = tpu.vector_load %arg10[%get3A_519, %get3A_520] {strides = array<i32>} : memref<200x128xf32, #tpu.memory_space<vmem>>, vector<1x16xf32>,
        %get3A_522 = vector.shape_cast %get3A_521 : vector<1x16xf32> to vector<16xf32>
        %mul3A_523 = arith.mulf %get3A_462, %get3A_462 : vector<16xf32>
        %mul3A_524 = arith.mulf %get3A_494, %get3A_494 : vector<16xf32>
        %mul3A_525 = arith.mulf %get3A_466, %get3A_466 : vector<16xf32>
        %add3A_526 = arith.addf %mul3A_523, %mul3A_525 : vector<16xf32>
        %mul3A_527 = arith.mulf %get3A_498, %get3A_498 : vector<16xf32>
        %add3A_528 = arith.addf %mul3A_524, %mul3A_527 : vector<16xf32>
        %mul3A_529 = arith.mulf %get3A_470, %get3A_470 : vector<16xf32>
        %add3A_530 = arith.addf %add3A_526, %mul3A_529 : vector<16xf32>
        %mul3A_531 = arith.mulf %get3A_502, %get3A_502 : vector<16xf32>
        %add3A_532 = arith.addf %add3A_528, %mul3A_531 : vector<16xf32>
        %mul3A_533 = arith.mulf %get3A_474, %get3A_474 : vector<16xf32>
        %add3A_534 = arith.addf %add3A_530, %mul3A_533 : vector<16xf32>
        %mul3A_535 = arith.mulf %get3A_506, %get3A_506 : vector<16xf32>
        %add3A_536 = arith.addf %add3A_532, %mul3A_535 : vector<16xf32>
        %mul3A_537 = arith.mulf %get3A_478, %get3A_478 : vector<16xf32>
        %add3A_538 = arith.addf %add3A_534, %mul3A_537 : vector<16xf32>
        %mul3A_539 = arith.mulf %get3A_510, %get3A_510 : vector<16xf32>
        %add3A_540 = arith.addf %add3A_536, %mul3A_539 : vector<16xf32>
        %mul3A_541 = arith.mulf %get3A_482, %get3A_482 : vector<16xf32>
        %add3A_542 = arith.addf %add3A_538, %mul3A_541 : vector<16xf32>
        %mul3A_543 = arith.mulf %get3A_514, %get3A_514 : vector<16xf32>
        %add3A_544 = arith.addf %add3A_540, %mul3A_543 : vector<16xf32>
        %mul3A_545 = arith.mulf %get3A_486, %get3A_486 : vector<16xf32>
        %add3A_546 = arith.addf %add3A_542, %mul3A_545 : vector<16xf32>
        %mul3A_547 = arith.mulf %get3A_518, %get3A_518 : vector<16xf32>
        %add3A_548 = arith.addf %add3A_544, %mul3A_547 : vector<16xf32>
        %mul3A_549 = arith.mulf %get3A_490, %get3A_490 : vector<16xf32>
        %add3A_550 = arith.addf %add3A_546, %mul3A_549 : vector<16xf32>
        %mul3A_551 = arith.mulf %get3A_522, %get3A_522 : vector<16xf32>
        %add3A_552 = arith.addf %add3A_548, %mul3A_551 : vector<16xf32>
        %lt3A_553 = arith.constant 0 : i32
        %lt3A_554 = vector.broadcast %lt3A_553 : i32 to vector<16xi32>
        %lt3A_555 = arith.cmpi slt, %xor3A_6, %lt3A_554 : vector<16xi32>
        %add3A_556 = arith.constant 16 : i32
        %add3A_557 = vector.broadcast %add3A_556 : i32 to vector<16xi32>
        %add3A_558 = arith.addi %xor3A_6, %add3A_557 : vector<16xi32>
        %select_n3A_559 = arith.select %lt3A_555, %add3A_558, %xor3A_6 : vector<16xi1>, vector<16xi32>
        %broadcast_in_dim3A_560 = vector.shape_cast %select_n3A_559 : vector<16xi32> to vector<16x1xi32>
        %gather3A_561 = vector.shape_cast %broadcast_in_dim3A_560 : vector<16x1xi32> to vector<16xi32>
        %gather3A_562 = tpu.dynamic_gather %add3A_550[%gather3A_561] in [0] : vector<16xf32>, vector<16xi32> -> vector<16xf32>
        %add3A_563 = arith.addf %add3A_550, %gather3A_562 : vector<16xf32>
        %lt3A_564 = arith.constant 0 : i32
        %lt3A_565 = vector.broadcast %lt3A_564 : i32 to vector<16xi32>
        %lt3A_566 = arith.cmpi slt, %xor3A_6, %lt3A_565 : vector<16xi32>
        %add3A_567 = arith.constant 16 : i32
        %add3A_568 = vector.broadcast %add3A_567 : i32 to vector<16xi32>
        %add3A_569 = arith.addi %xor3A_6, %add3A_568 : vector<16xi32>
        %select_n3A_570 = arith.select %lt3A_566, %add3A_569, %xor3A_6 : vector<16xi1>, vector<16xi32>
        %broadcast_in_dim3A_571 = vector.shape_cast %select_n3A_570 : vector<16xi32> to vector<16x1xi32>
        %gather3A_572 = vector.shape_cast %broadcast_in_dim3A_571 : vector<16x1xi32> to vector<16xi32>
        %gather3A_573 = tpu.dynamic_gather %add3A_552[%gather3A_572] in [0] : vector<16xf32>, vector<16xi32> -> vector<16xf32>
        %add3A_574 = arith.addf %add3A_552, %gather3A_573 : vector<16xf32>
        %select_n3A_575 = arith.select %eq3A_19, %add3A_563, %add3A_574 : vector<16xi1>, vector<16xf32>
        %lt3A_576 = arith.constant 0 : i32
        %lt3A_577 = vector.broadcast %lt3A_576 : i32 to vector<16xi32>
        %lt3A_578 = arith.cmpi slt, %xor3A_9, %lt3A_577 : vector<16xi32>
        %add3A_579 = arith.constant 16 : i32
        %add3A_580 = vector.broadcast %add3A_579 : i32 to vector<16xi32>
        %add3A_581 = arith.addi %xor3A_9, %add3A_580 : vector<16xi32>
        %select_n3A_582 = arith.select %lt3A_578, %add3A_581, %xor3A_9 : vector<16xi1>, vector<16xi32>
        %broadcast_in_dim3A_583 = vector.shape_cast %select_n3A_582 : vector<16xi32> to vector<16x1xi32>
        %gather3A_584 = vector.shape_cast %broadcast_in_dim3A_583 : vector<16x1xi32> to vector<16xi32>
        %gather3A_585 = tpu.dynamic_gather %select_n3A_575[%gather3A_584] in [0] : vector<16xf32>, vector<16xi32> -> vector<16xf32>
        %add3A_586 = arith.addf %select_n3A_575, %gather3A_585 : vector<16xf32>
        %lt3A_587 = arith.constant 0 : i32
        %lt3A_588 = vector.broadcast %lt3A_587 : i32 to vector<16xi32>
        %lt3A_589 = arith.cmpi slt, %xor3A_12, %lt3A_588 : vector<16xi32>
        %add3A_590 = arith.constant 16 : i32
        %add3A_591 = vector.broadcast %add3A_590 : i32 to vector<16xi32>
        %add3A_592 = arith.addi %xor3A_12, %add3A_591 : vector<16xi32>
        %select_n3A_593 = arith.select %lt3A_589, %add3A_592, %xor3A_12 : vector<16xi1>, vector<16xi32>
        %broadcast_in_dim3A_594 = vector.shape_cast %select_n3A_593 : vector<16xi32> to vector<16x1xi32>
        %gather3A_595 = vector.shape_cast %broadcast_in_dim3A_594 : vector<16x1xi32> to vector<16xi32>
        %gather3A_596 = tpu.dynamic_gather %add3A_586[%gather3A_595] in [0] : vector<16xf32>, vector<16xi32> -> vector<16xf32>
        %add3A_597 = arith.addf %add3A_586, %gather3A_596 : vector<16xf32>
        %lt3A_598 = arith.constant 0 : i32
        %lt3A_599 = vector.broadcast %lt3A_598 : i32 to vector<16xi32>
        %lt3A_600 = arith.cmpi slt, %xor3A_15, %lt3A_599 : vector<16xi32>
        %add3A_601 = arith.constant 16 : i32
        %add3A_602 = vector.broadcast %add3A_601 : i32 to vector<16xi32>
        %add3A_603 = arith.addi %xor3A_15, %add3A_602 : vector<16xi32>
        %select_n3A_604 = arith.select %lt3A_600, %add3A_603, %xor3A_15 : vector<16xi1>, vector<16xi32>
        %broadcast_in_dim3A_605 = vector.shape_cast %select_n3A_604 : vector<16xi32> to vector<16x1xi32>
        %gather3A_606 = vector.shape_cast %broadcast_in_dim3A_605 : vector<16x1xi32> to vector<16xi32>
        %gather3A_607 = tpu.dynamic_gather %add3A_597[%gather3A_606] in [0] : vector<16xf32>, vector<16xi32> -> vector<16xf32>
        %add3A_608 = arith.addf %add3A_597, %gather3A_607 : vector<16xf32>
        %bitcast_convert_type3A_609 = tpu.bitcast %add3A_608 : vector<16xf32> -> vector<16xi32>
        %shift_right_arithmetic3A_610 = arith.constant 1 : i32
        %shift_right_arithmetic3A_611 = vector.broadcast %shift_right_arithmetic3A_610 : i32 to vector<16xi32>
        %shift_right_arithmetic3A_612 = arith.shrsi %bitcast_convert_type3A_609, %shift_right_arithmetic3A_611 : vector<16xi32>
        %sub3A_613 = arith.constant 1597463007 : i32
        %sub3A_614 = vector.broadcast %sub3A_613 : i32 to vector<16xi32>
        %sub3A_615 = arith.subi %sub3A_614, %shift_right_arithmetic3A_612 : vector<16xi32>
        %bitcast_convert_type3A_616 = tpu.bitcast %sub3A_615 : vector<16xi32> -> vector<16xf32>
        %mul3A_617 = arith.constant 5.000000e-01 : f32
        %mul3A_618 = vector.broadcast %mul3A_617 : f32 to vector<16xf32>
        %mul3A_619 = arith.mulf %mul3A_618, %add3A_608 : vector<16xf32>
        %mul3A_620 = arith.mulf %mul3A_619, %bitcast_convert_type3A_616 : vector<16xf32>
        %mul3A_621 = arith.mulf %mul3A_620, %bitcast_convert_type3A_616 : vector<16xf32>
        %sub3A_622 = arith.constant 1.500000e+00 : f32
        %sub3A_623 = vector.broadcast %sub3A_622 : f32 to vector<16xf32>
        %sub3A_624 = arith.subf %sub3A_623, %mul3A_621 : vector<16xf32>
        %mul3A_625 = arith.mulf %bitcast_convert_type3A_616, %sub3A_624 : vector<16xf32>
        %mul3A_626 = arith.constant 5.000000e-01 : f32
        %mul3A_627 = vector.broadcast %mul3A_626 : f32 to vector<16xf32>
        %mul3A_628 = arith.mulf %mul3A_627, %add3A_608 : vector<16xf32>
        %mul3A_629 = arith.mulf %mul3A_628, %mul3A_625 : vector<16xf32>
        %mul3A_630 = arith.mulf %mul3A_629, %mul3A_625 : vector<16xf32>
        %sub3A_631 = arith.constant 1.500000e+00 : f32
        %sub3A_632 = vector.broadcast %sub3A_631 : f32 to vector<16xf32>
        %sub3A_633 = arith.subf %sub3A_632, %mul3A_630 : vector<16xf32>
        %mul3A_634 = arith.mulf %mul3A_625, %sub3A_633 : vector<16xf32>
        %mul3A_635 = arith.mulf %add3A_608, %mul3A_634 : vector<16xf32>
        %max3A_636 = arith.maximumf %mul3A_635, %get3A_4 : vector<16xf32>
        %div3A_637 = arith.constant 1.000000e+00 : f32
        %div3A_638 = vector.broadcast %div3A_637 : f32 to vector<16xf32>
        %div3A_639 = arith.divf %div3A_638, %max3A_636 : vector<16xf32>
        %lt3A_640 = arith.constant 0 : i32
        %lt3A_641 = vector.broadcast %lt3A_640 : i32 to vector<16xi32>
        %lt3A_642 = arith.cmpi slt, %xor3A_6, %lt3A_641 : vector<16xi32>
        %add3A_643 = arith.constant 16 : i32
        %add3A_644 = vector.broadcast %add3A_643 : i32 to vector<16xi32>
        %add3A_645 = arith.addi %xor3A_6, %add3A_644 : vector<16xi32>
        %select_n3A_646 = arith.select %lt3A_642, %add3A_645, %xor3A_6 : vector<16xi1>, vector<16xi32>
        %broadcast_in_dim3A_647 = vector.shape_cast %select_n3A_646 : vector<16xi32> to vector<16x1xi32>
        %gather3A_648 = vector.shape_cast %broadcast_in_dim3A_647 : vector<16x1xi32> to vector<16xi32>
        %gather3A_649 = tpu.dynamic_gather %div3A_639[%gather3A_648] in [0] : vector<16xf32>, vector<16xi32> -> vector<16xf32>
        %select_n3A_650 = arith.select %eq3A_19, %div3A_639, %gather3A_649 : vector<16xi1>, vector<16xf32>
        %select_n3A_651 = arith.select %eq3A_19, %gather3A_649, %div3A_639 : vector<16xi1>, vector<16xf32>
        %mul3A_652 = arith.mulf %get3A_462, %select_n3A_650 : vector<16xf32>
        %swap3A_653 = arith.index_cast %mul3A_456 : i32 to index
        %swap3A_654 = arith.constant 0 : index
        %swap3A_655 = tpu.vector_load %arg10[%swap3A_653, %swap3A_654] {strides = array<i32>} : memref<200x128xf32, #tpu.memory_space<vmem>>, vector<1x16xf32>,
        %swap3A_656 = vector.shape_cast %swap3A_655 : vector<1x16xf32> to vector<16xf32>
        %swap3A_657 = vector.shape_cast %mul3A_652 : vector<16xf32> to vector<1x16xf32>
        tpu.vector_store %arg10[%swap3A_653, %swap3A_654], %swap3A_657 {strides = array<i32>} : memref<200x128xf32, #tpu.memory_space<vmem>>, vector<1x16xf32>,
        %mul3A_658 = arith.mulf %get3A_466, %select_n3A_650 : vector<16xf32>
        %swap3A_659 = arith.index_cast %mul3A_456 : i32 to index
        %swap3A_660 = arith.constant 16 : index
        %swap3A_661 = tpu.vector_load %arg10[%swap3A_659, %swap3A_660] {strides = array<i32>} : memref<200x128xf32, #tpu.memory_space<vmem>>, vector<1x16xf32>,
        %swap3A_662 = vector.shape_cast %swap3A_661 : vector<1x16xf32> to vector<16xf32>
        %swap3A_663 = vector.shape_cast %mul3A_658 : vector<16xf32> to vector<1x16xf32>
        tpu.vector_store %arg10[%swap3A_659, %swap3A_660], %swap3A_663 {strides = array<i32>} : memref<200x128xf32, #tpu.memory_space<vmem>>, vector<1x16xf32>,
        %mul3A_664 = arith.mulf %get3A_470, %select_n3A_650 : vector<16xf32>
        %swap3A_665 = arith.index_cast %mul3A_456 : i32 to index
        %swap3A_666 = arith.constant 32 : index
        %swap3A_667 = tpu.vector_load %arg10[%swap3A_665, %swap3A_666] {strides = array<i32>} : memref<200x128xf32, #tpu.memory_space<vmem>>, vector<1x16xf32>,
        %swap3A_668 = vector.shape_cast %swap3A_667 : vector<1x16xf32> to vector<16xf32>
        %swap3A_669 = vector.shape_cast %mul3A_664 : vector<16xf32> to vector<1x16xf32>
        tpu.vector_store %arg10[%swap3A_665, %swap3A_666], %swap3A_669 {strides = array<i32>} : memref<200x128xf32, #tpu.memory_space<vmem>>, vector<1x16xf32>,
        %mul3A_670 = arith.mulf %get3A_474, %select_n3A_650 : vector<16xf32>
        %swap3A_671 = arith.index_cast %mul3A_456 : i32 to index
        %swap3A_672 = arith.constant 48 : index
        %swap3A_673 = tpu.vector_load %arg10[%swap3A_671, %swap3A_672] {strides = array<i32>} : memref<200x128xf32, #tpu.memory_space<vmem>>, vector<1x16xf32>,
        %swap3A_674 = vector.shape_cast %swap3A_673 : vector<1x16xf32> to vector<16xf32>
        %swap3A_675 = vector.shape_cast %mul3A_670 : vector<16xf32> to vector<1x16xf32>
        tpu.vector_store %arg10[%swap3A_671, %swap3A_672], %swap3A_675 {strides = array<i32>} : memref<200x128xf32, #tpu.memory_space<vmem>>, vector<1x16xf32>,
        %mul3A_676 = arith.mulf %get3A_478, %select_n3A_650 : vector<16xf32>
        %swap3A_677 = arith.index_cast %mul3A_456 : i32 to index
        %swap3A_678 = arith.constant 64 : index
        %swap3A_679 = tpu.vector_load %arg10[%swap3A_677, %swap3A_678] {strides = array<i32>} : memref<200x128xf32, #tpu.memory_space<vmem>>, vector<1x16xf32>,
        %swap3A_680 = vector.shape_cast %swap3A_679 : vector<1x16xf32> to vector<16xf32>
        %swap3A_681 = vector.shape_cast %mul3A_676 : vector<16xf32> to vector<1x16xf32>
        tpu.vector_store %arg10[%swap3A_677, %swap3A_678], %swap3A_681 {strides = array<i32>} : memref<200x128xf32, #tpu.memory_space<vmem>>, vector<1x16xf32>,
        %mul3A_682 = arith.mulf %get3A_482, %select_n3A_650 : vector<16xf32>
        %swap3A_683 = arith.index_cast %mul3A_456 : i32 to index
        %swap3A_684 = arith.constant 80 : index
        %swap3A_685 = tpu.vector_load %arg10[%swap3A_683, %swap3A_684] {strides = array<i32>} : memref<200x128xf32, #tpu.memory_space<vmem>>, vector<1x16xf32>,
        %swap3A_686 = vector.shape_cast %swap3A_685 : vector<1x16xf32> to vector<16xf32>
        %swap3A_687 = vector.shape_cast %mul3A_682 : vector<16xf32> to vector<1x16xf32>
        tpu.vector_store %arg10[%swap3A_683, %swap3A_684], %swap3A_687 {strides = array<i32>} : memref<200x128xf32, #tpu.memory_space<vmem>>, vector<1x16xf32>,
        %mul3A_688 = arith.mulf %get3A_486, %select_n3A_650 : vector<16xf32>
        %swap3A_689 = arith.index_cast %mul3A_456 : i32 to index
        %swap3A_690 = arith.constant 96 : index
        %swap3A_691 = tpu.vector_load %arg10[%swap3A_689, %swap3A_690] {strides = array<i32>} : memref<200x128xf32, #tpu.memory_space<vmem>>, vector<1x16xf32>,
        %swap3A_692 = vector.shape_cast %swap3A_691 : vector<1x16xf32> to vector<16xf32>
        %swap3A_693 = vector.shape_cast %mul3A_688 : vector<16xf32> to vector<1x16xf32>
        tpu.vector_store %arg10[%swap3A_689, %swap3A_690], %swap3A_693 {strides = array<i32>} : memref<200x128xf32, #tpu.memory_space<vmem>>, vector<1x16xf32>,
        %mul3A_694 = arith.mulf %get3A_490, %select_n3A_650 : vector<16xf32>
        %swap3A_695 = arith.index_cast %mul3A_456 : i32 to index
        %swap3A_696 = arith.constant 112 : index
        %swap3A_697 = tpu.vector_load %arg10[%swap3A_695, %swap3A_696] {strides = array<i32>} : memref<200x128xf32, #tpu.memory_space<vmem>>, vector<1x16xf32>,
        %swap3A_698 = vector.shape_cast %swap3A_697 : vector<1x16xf32> to vector<16xf32>
        %swap3A_699 = vector.shape_cast %mul3A_694 : vector<16xf32> to vector<1x16xf32>
        tpu.vector_store %arg10[%swap3A_695, %swap3A_696], %swap3A_699 {strides = array<i32>} : memref<200x128xf32, #tpu.memory_space<vmem>>, vector<1x16xf32>,
        %mul3A_700 = arith.mulf %get3A_494, %select_n3A_651 : vector<16xf32>
        %swap3A_701 = arith.index_cast %add3A_458 : i32 to index
        %swap3A_702 = arith.constant 0 : index
        %swap3A_703 = tpu.vector_load %arg10[%swap3A_701, %swap3A_702] {strides = array<i32>} : memref<200x128xf32, #tpu.memory_space<vmem>>, vector<1x16xf32>,
        %swap3A_704 = vector.shape_cast %swap3A_703 : vector<1x16xf32> to vector<16xf32>
        %swap3A_705 = vector.shape_cast %mul3A_700 : vector<16xf32> to vector<1x16xf32>
        tpu.vector_store %arg10[%swap3A_701, %swap3A_702], %swap3A_705 {strides = array<i32>} : memref<200x128xf32, #tpu.memory_space<vmem>>, vector<1x16xf32>,
        %mul3A_706 = arith.mulf %get3A_498, %select_n3A_651 : vector<16xf32>
        %swap3A_707 = arith.index_cast %add3A_458 : i32 to index
        %swap3A_708 = arith.constant 16 : index
        %swap3A_709 = tpu.vector_load %arg10[%swap3A_707, %swap3A_708] {strides = array<i32>} : memref<200x128xf32, #tpu.memory_space<vmem>>, vector<1x16xf32>,
        %swap3A_710 = vector.shape_cast %swap3A_709 : vector<1x16xf32> to vector<16xf32>
        %swap3A_711 = vector.shape_cast %mul3A_706 : vector<16xf32> to vector<1x16xf32>
        tpu.vector_store %arg10[%swap3A_707, %swap3A_708], %swap3A_711 {strides = array<i32>} : memref<200x128xf32, #tpu.memory_space<vmem>>, vector<1x16xf32>,
        %mul3A_712 = arith.mulf %get3A_502, %select_n3A_651 : vector<16xf32>
        %swap3A_713 = arith.index_cast %add3A_458 : i32 to index
        %swap3A_714 = arith.constant 32 : index
        %swap3A_715 = tpu.vector_load %arg10[%swap3A_713, %swap3A_714] {strides = array<i32>} : memref<200x128xf32, #tpu.memory_space<vmem>>, vector<1x16xf32>,
        %swap3A_716 = vector.shape_cast %swap3A_715 : vector<1x16xf32> to vector<16xf32>
        %swap3A_717 = vector.shape_cast %mul3A_712 : vector<16xf32> to vector<1x16xf32>
        tpu.vector_store %arg10[%swap3A_713, %swap3A_714], %swap3A_717 {strides = array<i32>} : memref<200x128xf32, #tpu.memory_space<vmem>>, vector<1x16xf32>,
        %mul3A_718 = arith.mulf %get3A_506, %select_n3A_651 : vector<16xf32>
        %swap3A_719 = arith.index_cast %add3A_458 : i32 to index
        %swap3A_720 = arith.constant 48 : index
        %swap3A_721 = tpu.vector_load %arg10[%swap3A_719, %swap3A_720] {strides = array<i32>} : memref<200x128xf32, #tpu.memory_space<vmem>>, vector<1x16xf32>,
        %swap3A_722 = vector.shape_cast %swap3A_721 : vector<1x16xf32> to vector<16xf32>
        %swap3A_723 = vector.shape_cast %mul3A_718 : vector<16xf32> to vector<1x16xf32>
        tpu.vector_store %arg10[%swap3A_719, %swap3A_720], %swap3A_723 {strides = array<i32>} : memref<200x128xf32, #tpu.memory_space<vmem>>, vector<1x16xf32>,
        %mul3A_724 = arith.mulf %get3A_510, %select_n3A_651 : vector<16xf32>
        %swap3A_725 = arith.index_cast %add3A_458 : i32 to index
        %swap3A_726 = arith.constant 64 : index
        %swap3A_727 = tpu.vector_load %arg10[%swap3A_725, %swap3A_726] {strides = array<i32>} : memref<200x128xf32, #tpu.memory_space<vmem>>, vector<1x16xf32>,
        %swap3A_728 = vector.shape_cast %swap3A_727 : vector<1x16xf32> to vector<16xf32>
        %swap3A_729 = vector.shape_cast %mul3A_724 : vector<16xf32> to vector<1x16xf32>
        tpu.vector_store %arg10[%swap3A_725, %swap3A_726], %swap3A_729 {strides = array<i32>} : memref<200x128xf32, #tpu.memory_space<vmem>>, vector<1x16xf32>,
        %mul3A_730 = arith.mulf %get3A_514, %select_n3A_651 : vector<16xf32>
        %swap3A_731 = arith.index_cast %add3A_458 : i32 to index
        %swap3A_732 = arith.constant 80 : index
        %swap3A_733 = tpu.vector_load %arg10[%swap3A_731, %swap3A_732] {strides = array<i32>} : memref<200x128xf32, #tpu.memory_space<vmem>>, vector<1x16xf32>,
        %swap3A_734 = vector.shape_cast %swap3A_733 : vector<1x16xf32> to vector<16xf32>
        %swap3A_735 = vector.shape_cast %mul3A_730 : vector<16xf32> to vector<1x16xf32>
        tpu.vector_store %arg10[%swap3A_731, %swap3A_732], %swap3A_735 {strides = array<i32>} : memref<200x128xf32, #tpu.memory_space<vmem>>, vector<1x16xf32>,
        %mul3A_736 = arith.mulf %get3A_518, %select_n3A_651 : vector<16xf32>
        %swap3A_737 = arith.index_cast %add3A_458 : i32 to index
        %swap3A_738 = arith.constant 96 : index
        %swap3A_739 = tpu.vector_load %arg10[%swap3A_737, %swap3A_738] {strides = array<i32>} : memref<200x128xf32, #tpu.memory_space<vmem>>, vector<1x16xf32>,
        %swap3A_740 = vector.shape_cast %swap3A_739 : vector<1x16xf32> to vector<16xf32>
        %swap3A_741 = vector.shape_cast %mul3A_736 : vector<16xf32> to vector<1x16xf32>
        tpu.vector_store %arg10[%swap3A_737, %swap3A_738], %swap3A_741 {strides = array<i32>} : memref<200x128xf32, #tpu.memory_space<vmem>>, vector<1x16xf32>,
        %mul3A_742 = arith.mulf %get3A_522, %select_n3A_651 : vector<16xf32>
        %swap3A_743 = arith.index_cast %add3A_458 : i32 to index
        %swap3A_744 = arith.constant 112 : index
        %swap3A_745 = tpu.vector_load %arg10[%swap3A_743, %swap3A_744] {strides = array<i32>} : memref<200x128xf32, #tpu.memory_space<vmem>>, vector<1x16xf32>,
        %swap3A_746 = vector.shape_cast %swap3A_745 : vector<1x16xf32> to vector<16xf32>
        %swap3A_747 = vector.shape_cast %mul3A_742 : vector<16xf32> to vector<1x16xf32>
        tpu.vector_store %arg10[%swap3A_743, %swap3A_744], %swap3A_747 {strides = array<i32>} : memref<200x128xf32, #tpu.memory_space<vmem>>, vector<1x16xf32>,
      }
      %scan3A_67 = arith.constant 100 : i32
      %mul3A_68 = arith.constant 200 : i32
      %mul3A_69 = arith.muli %add3A_58, %mul3A_68 : i32
      %add3A_70 = arith.addi %mul3A_2, %mul3A_69 : i32
      %dma_start3A_71 = arith.constant 0 : i32
      %dma_start3A_72 = tpu.memref_slice %arg5[%add3A_70, %dma_start3A_71] : memref<204800x128xf32, #tpu.memory_space<hbm>> -> memref<200x128xf32, #tpu.memory_space<hbm>>
      %dma_start3A_73 = arith.constant 0 : i32
      %dma_start3A_74 = tpu.memref_slice %arg5[%add3A_70, %dma_start3A_73] : memref<204800x128xf32, #tpu.memory_space<hbm>> -> memref<200x128xf32, #tpu.memory_space<hbm>>
      tpu.enqueue_dma source(%arg10 : memref<200x128xf32, #tpu.memory_space<vmem>>) target(%dma_start3A_74 : memref<200x128xf32, #tpu.memory_space<hbm>>) target_semaphore(%arg19 : memref<!tpu.dma_semaphore, #tpu.memory_space<semaphore_mem>>)
      %add3A_75 = arith.constant 4 : i32
      %add3A_76 = arith.addi %add3A_58, %add3A_75 : i32
      %sub3A = arith.constant 1 : i32
      %sub3A_77 = arith.subi %add3A_76, %sub3A : i32
      %lt3A = arith.constant 32 : i32
      %lt3A_78 = arith.cmpi slt, %sub3A_77, %lt3A : i32
      %convert_element_type3A = arith.extui %lt3A_78 : i1 to i32
      %cond3A = arith.constant 0 : i32
      %cond3A_79 = arith.cmpi ne, %convert_element_type3A, %cond3A : i32
      scf.if %cond3A_79 {
        %ge3A = arith.constant 1 : i32
        %ge3A_167 = arith.cmpi sge, %add3A_58, %ge3A : i32
        %convert_element_type3A_168 = arith.extui %ge3A_167 : i1 to i32
        %cond3A_169 = arith.constant 0 : i32
        %cond3A_170 = arith.cmpi ne, %convert_element_type3A_168, %cond3A_169 : i32
        scf.if %cond3A_170 {
          %dma_wait3A_177 = arith.constant 0 : i32
          %dma_wait3A_178 = tpu.memref_slice %arg5[%mul3A_2, %dma_wait3A_177] : memref<204800x128xf32, #tpu.memory_space<hbm>> -> memref<200x128xf32, #tpu.memory_space<hbm>>
          %dma_wait3A_179 = arith.constant 0 : i32
          %dma_wait3A_180 = tpu.memref_slice %arg5[%mul3A_2, %dma_wait3A_179] : memref<204800x128xf32, #tpu.memory_space<hbm>> -> memref<200x128xf32, #tpu.memory_space<hbm>>
          tpu.wait_dma2 semaphore(%arg22 : memref<!tpu.dma_semaphore, #tpu.memory_space<semaphore_mem>>) src(%arg13 : memref<200x128xf32, #tpu.memory_space<vmem>>) dst(%dma_wait3A_180 : memref<200x128xf32, #tpu.memory_space<hbm>>)
        } else {
        }
        %mul3A_171 = arith.constant 200 : i32
        %mul3A_172 = arith.muli %sub3A_77, %mul3A_171 : i32
        %add3A_173 = arith.addi %mul3A_2, %mul3A_172 : i32
        "tpu.region"() ({
          %run_scoped3A = tpu.sem_alloc : memref<!tpu.dma_semaphore, #tpu.memory_space<semaphore_mem>>
          %dma_start3A_177 = tpu.memref_slice %arg2[%add3A_173] : memref<204800xi32, #tpu.memory_space<hbm>> -> memref<200xi32, #tpu.memory_space<hbm>>
          %dma_start3A_178 = tpu.memref_slice %arg2[%add3A_173] : memref<204800xi32, #tpu.memory_space<hbm>> -> memref<200xi32, #tpu.memory_space<hbm>>
          tpu.enqueue_dma source(%dma_start3A_178 : memref<200xi32, #tpu.memory_space<hbm>>) target(%arg9 : memref<200xi32, #tpu.memory_space<vmem>>) target_semaphore(%run_scoped3A : memref<!tpu.dma_semaphore, #tpu.memory_space<semaphore_mem>>)
          %dma_wait3A_179 = tpu.memref_slice %arg2[%add3A_173] : memref<204800xi32, #tpu.memory_space<hbm>> -> memref<200xi32, #tpu.memory_space<hbm>>
          %dma_wait3A_180 = tpu.memref_slice %arg2[%add3A_173] : memref<204800xi32, #tpu.memory_space<hbm>> -> memref<200xi32, #tpu.memory_space<hbm>>
          tpu.wait_dma2 semaphore(%run_scoped3A : memref<!tpu.dma_semaphore, #tpu.memory_space<semaphore_mem>>) src(%dma_wait3A_180 : memref<200xi32, #tpu.memory_space<hbm>>) dst(%arg9 : memref<200xi32, #tpu.memory_space<vmem>>)
          tpu.yield
        }) : () -> ()
        %dma_start3A_174 = arith.constant 0 : i32
        %dma_start3A_175 = arith.constant 0 : i32
        %dma_start3A_176 = tpu.memref_slice %arg3[%dma_start3A_174, %dma_start3A_175] : memref<100000x128xf32, #tpu.memory_space<hbm>> -> memref<100000x128xf32, #tpu.memory_space<hbm>>
        tpu.enqueue_indirect_dma source(%dma_start3A_176 : memref<100000x128xf32, #tpu.memory_space<hbm>>) target(%arg13 : memref<200x128xf32, #tpu.memory_space<vmem>>) offsets(%arg9 : memref<200xi32, #tpu.memory_space<vmem>>) semaphore(%arg18 : memref<!tpu.dma_semaphore, #tpu.memory_space<semaphore_mem>>)
      } else {
      }
      %mul3A_80 = arith.constant 4 : i32
      %mul3A_81 = arith.muli %scan3A_54, %mul3A_80 : i32
      %add3A_82 = arith.constant 1 : i32
      %add3A_83 = arith.addi %mul3A_81, %add3A_82 : i32
      %dma_wait3A_84 = arith.constant 0 : i32
      %dma_wait3A_85 = arith.constant 0 : i32
      %dma_wait3A_86 = tpu.memref_slice %arg3[%dma_wait3A_84, %dma_wait3A_85] : memref<100000x128xf32, #tpu.memory_space<hbm>> -> memref<100000x128xf32, #tpu.memory_space<hbm>>
      tpu.wait_indirect_dma semaphore(%arg16 : memref<!tpu.dma_semaphore, #tpu.memory_space<semaphore_mem>>) src(%dma_wait3A_86 : memref<100000x128xf32, #tpu.memory_space<hbm>>) dst(%arg11 : memref<200x128xf32, #tpu.memory_space<vmem>>)
      %scan3A_87 = arith.constant 0 : i32
      %scan3A_88 = arith.constant 0 : i32
      %scan3A_89 = arith.constant 100 : i32
      %scan3A_90 = arith.addi %scan3A_88, %scan3A_89 : i32
      %scan3A_91 = arith.constant 2 : i32
      scf.for %scan3A_167 = %scan3A_88 to %scan3A_90 step %scan3A_91  : i32 {
        %mul3A_168 = arith.constant 2 : i32
        %mul3A_169 = arith.muli %mul3A_168, %scan3A_167 : i32
        %add3A_170 = arith.constant 1 : i32
        %add3A_171 = arith.addi %mul3A_169, %add3A_170 : i32
        %get3A_172 = arith.index_cast %mul3A_169 : i32 to index
        %get3A_173 = arith.constant 0 : index
        %get3A_174 = tpu.vector_load %arg11[%get3A_172, %get3A_173] {strides = array<i32>} : memref<200x128xf32, #tpu.memory_space<vmem>>, vector<1x16xf32>,
        %get3A_175 = vector.shape_cast %get3A_174 : vector<1x16xf32> to vector<16xf32>
        %get3A_176 = arith.index_cast %mul3A_169 : i32 to index
        %get3A_177 = arith.constant 16 : index
        %get3A_178 = tpu.vector_load %arg11[%get3A_176, %get3A_177] {strides = array<i32>} : memref<200x128xf32, #tpu.memory_space<vmem>>, vector<1x16xf32>,
        %get3A_179 = vector.shape_cast %get3A_178 : vector<1x16xf32> to vector<16xf32>
        %get3A_180 = arith.index_cast %mul3A_169 : i32 to index
        %get3A_181 = arith.constant 32 : index
        %get3A_182 = tpu.vector_load %arg11[%get3A_180, %get3A_181] {strides = array<i32>} : memref<200x128xf32, #tpu.memory_space<vmem>>, vector<1x16xf32>,
        %get3A_183 = vector.shape_cast %get3A_182 : vector<1x16xf32> to vector<16xf32>
        %get3A_184 = arith.index_cast %mul3A_169 : i32 to index
        %get3A_185 = arith.constant 48 : index
        %get3A_186 = tpu.vector_load %arg11[%get3A_184, %get3A_185] {strides = array<i32>} : memref<200x128xf32, #tpu.memory_space<vmem>>, vector<1x16xf32>,
        %get3A_187 = vector.shape_cast %get3A_186 : vector<1x16xf32> to vector<16xf32>
        %get3A_188 = arith.index_cast %mul3A_169 : i32 to index
        %get3A_189 = arith.constant 64 : index
        %get3A_190 = tpu.vector_load %arg11[%get3A_188, %get3A_189] {strides = array<i32>} : memref<200x128xf32, #tpu.memory_space<vmem>>, vector<1x16xf32>,
        %get3A_191 = vector.shape_cast %get3A_190 : vector<1x16xf32> to vector<16xf32>
        %get3A_192 = arith.index_cast %mul3A_169 : i32 to index
        %get3A_193 = arith.constant 80 : index
        %get3A_194 = tpu.vector_load %arg11[%get3A_192, %get3A_193] {strides = array<i32>} : memref<200x128xf32, #tpu.memory_space<vmem>>, vector<1x16xf32>,
        %get3A_195 = vector.shape_cast %get3A_194 : vector<1x16xf32> to vector<16xf32>
        %get3A_196 = arith.index_cast %mul3A_169 : i32 to index
        %get3A_197 = arith.constant 96 : index
        %get3A_198 = tpu.vector_load %arg11[%get3A_196, %get3A_197] {strides = array<i32>} : memref<200x128xf32, #tpu.memory_space<vmem>>, vector<1x16xf32>,
        %get3A_199 = vector.shape_cast %get3A_198 : vector<1x16xf32> to vector<16xf32>
        %get3A_200 = arith.index_cast %mul3A_169 : i32 to index
        %get3A_201 = arith.constant 112 : index
        %get3A_202 = tpu.vector_load %arg11[%get3A_200, %get3A_201] {strides = array<i32>} : memref<200x128xf32, #tpu.memory_space<vmem>>, vector<1x16xf32>,
        %get3A_203 = vector.shape_cast %get3A_202 : vector<1x16xf32> to vector<16xf32>
        %get3A_204 = arith.index_cast %add3A_171 : i32 to index
        %get3A_205 = arith.constant 0 : index
        %get3A_206 = tpu.vector_load %arg11[%get3A_204, %get3A_205] {strides = array<i32>} : memref<200x128xf32, #tpu.memory_space<vmem>>, vector<1x16xf32>,
        %get3A_207 = vector.shape_cast %get3A_206 : vector<1x16xf32> to vector<16xf32>
        %get3A_208 = arith.index_cast %add3A_171 : i32 to index
        %get3A_209 = arith.constant 16 : index
        %get3A_210 = tpu.vector_load %arg11[%get3A_208, %get3A_209] {strides = array<i32>} : memref<200x128xf32, #tpu.memory_space<vmem>>, vector<1x16xf32>,
        %get3A_211 = vector.shape_cast %get3A_210 : vector<1x16xf32> to vector<16xf32>
        %get3A_212 = arith.index_cast %add3A_171 : i32 to index
        %get3A_213 = arith.constant 32 : index
        %get3A_214 = tpu.vector_load %arg11[%get3A_212, %get3A_213] {strides = array<i32>} : memref<200x128xf32, #tpu.memory_space<vmem>>, vector<1x16xf32>,
        %get3A_215 = vector.shape_cast %get3A_214 : vector<1x16xf32> to vector<16xf32>
        %get3A_216 = arith.index_cast %add3A_171 : i32 to index
        %get3A_217 = arith.constant 48 : index
        %get3A_218 = tpu.vector_load %arg11[%get3A_216, %get3A_217] {strides = array<i32>} : memref<200x128xf32, #tpu.memory_space<vmem>>, vector<1x16xf32>,
        %get3A_219 = vector.shape_cast %get3A_218 : vector<1x16xf32> to vector<16xf32>
        %get3A_220 = arith.index_cast %add3A_171 : i32 to index
        %get3A_221 = arith.constant 64 : index
        %get3A_222 = tpu.vector_load %arg11[%get3A_220, %get3A_221] {strides = array<i32>} : memref<200x128xf32, #tpu.memory_space<vmem>>, vector<1x16xf32>,
        %get3A_223 = vector.shape_cast %get3A_222 : vector<1x16xf32> to vector<16xf32>
        %get3A_224 = arith.index_cast %add3A_171 : i32 to index
        %get3A_225 = arith.constant 80 : index
        %get3A_226 = tpu.vector_load %arg11[%get3A_224, %get3A_225] {strides = array<i32>} : memref<200x128xf32, #tpu.memory_space<vmem>>, vector<1x16xf32>,
        %get3A_227 = vector.shape_cast %get3A_226 : vector<1x16xf32> to vector<16xf32>
        %get3A_228 = arith.index_cast %add3A_171 : i32 to index
        %get3A_229 = arith.constant 96 : index
        %get3A_230 = tpu.vector_load %arg11[%get3A_228, %get3A_229] {strides = array<i32>} : memref<200x128xf32, #tpu.memory_space<vmem>>, vector<1x16xf32>,
        %get3A_231 = vector.shape_cast %get3A_230 : vector<1x16xf32> to vector<16xf32>
        %get3A_232 = arith.index_cast %add3A_171 : i32 to index
        %get3A_233 = arith.constant 112 : index
        %get3A_234 = tpu.vector_load %arg11[%get3A_232, %get3A_233] {strides = array<i32>} : memref<200x128xf32, #tpu.memory_space<vmem>>, vector<1x16xf32>,
        %get3A_235 = vector.shape_cast %get3A_234 : vector<1x16xf32> to vector<16xf32>
        %mul3A_236 = arith.mulf %get3A_175, %get3A_175 : vector<16xf32>
        %mul3A_237 = arith.mulf %get3A_207, %get3A_207 : vector<16xf32>
        %mul3A_238 = arith.mulf %get3A_179, %get3A_179 : vector<16xf32>
        %add3A_239 = arith.addf %mul3A_236, %mul3A_238 : vector<16xf32>
        %mul3A_240 = arith.mulf %get3A_211, %get3A_211 : vector<16xf32>
        %add3A_241 = arith.addf %mul3A_237, %mul3A_240 : vector<16xf32>
        %mul3A_242 = arith.mulf %get3A_183, %get3A_183 : vector<16xf32>
        %add3A_243 = arith.addf %add3A_239, %mul3A_242 : vector<16xf32>
        %mul3A_244 = arith.mulf %get3A_215, %get3A_215 : vector<16xf32>
        %add3A_245 = arith.addf %add3A_241, %mul3A_244 : vector<16xf32>
        %mul3A_246 = arith.mulf %get3A_187, %get3A_187 : vector<16xf32>
        %add3A_247 = arith.addf %add3A_243, %mul3A_246 : vector<16xf32>
        %mul3A_248 = arith.mulf %get3A_219, %get3A_219 : vector<16xf32>
        %add3A_249 = arith.addf %add3A_245, %mul3A_248 : vector<16xf32>
        %mul3A_250 = arith.mulf %get3A_191, %get3A_191 : vector<16xf32>
        %add3A_251 = arith.addf %add3A_247, %mul3A_250 : vector<16xf32>
        %mul3A_252 = arith.mulf %get3A_223, %get3A_223 : vector<16xf32>
        %add3A_253 = arith.addf %add3A_249, %mul3A_252 : vector<16xf32>
        %mul3A_254 = arith.mulf %get3A_195, %get3A_195 : vector<16xf32>
        %add3A_255 = arith.addf %add3A_251, %mul3A_254 : vector<16xf32>
        %mul3A_256 = arith.mulf %get3A_227, %get3A_227 : vector<16xf32>
        %add3A_257 = arith.addf %add3A_253, %mul3A_256 : vector<16xf32>
        %mul3A_258 = arith.mulf %get3A_199, %get3A_199 : vector<16xf32>
        %add3A_259 = arith.addf %add3A_255, %mul3A_258 : vector<16xf32>
        %mul3A_260 = arith.mulf %get3A_231, %get3A_231 : vector<16xf32>
        %add3A_261 = arith.addf %add3A_257, %mul3A_260 : vector<16xf32>
        %mul3A_262 = arith.mulf %get3A_203, %get3A_203 : vector<16xf32>
        %add3A_263 = arith.addf %add3A_259, %mul3A_262 : vector<16xf32>
        %mul3A_264 = arith.mulf %get3A_235, %get3A_235 : vector<16xf32>
        %add3A_265 = arith.addf %add3A_261, %mul3A_264 : vector<16xf32>
        %lt3A_266 = arith.constant 0 : i32
        %lt3A_267 = vector.broadcast %lt3A_266 : i32 to vector<16xi32>
        %lt3A_268 = arith.cmpi slt, %xor3A_6, %lt3A_267 : vector<16xi32>
        %add3A_269 = arith.constant 16 : i32
        %add3A_270 = vector.broadcast %add3A_269 : i32 to vector<16xi32>
        %add3A_271 = arith.addi %xor3A_6, %add3A_270 : vector<16xi32>
        %select_n3A = arith.select %lt3A_268, %add3A_271, %xor3A_6 : vector<16xi1>, vector<16xi32>
        %broadcast_in_dim3A = vector.shape_cast %select_n3A : vector<16xi32> to vector<16x1xi32>
        %gather3A = vector.shape_cast %broadcast_in_dim3A : vector<16x1xi32> to vector<16xi32>
        %gather3A_272 = tpu.dynamic_gather %add3A_263[%gather3A] in [0] : vector<16xf32>, vector<16xi32> -> vector<16xf32>
        %add3A_273 = arith.addf %add3A_263, %gather3A_272 : vector<16xf32>
        %lt3A_274 = arith.constant 0 : i32
        %lt3A_275 = vector.broadcast %lt3A_274 : i32 to vector<16xi32>
        %lt3A_276 = arith.cmpi slt, %xor3A_6, %lt3A_275 : vector<16xi32>
        %add3A_277 = arith.constant 16 : i32
        %add3A_278 = vector.broadcast %add3A_277 : i32 to vector<16xi32>
        %add3A_279 = arith.addi %xor3A_6, %add3A_278 : vector<16xi32>
        %select_n3A_280 = arith.select %lt3A_276, %add3A_279, %xor3A_6 : vector<16xi1>, vector<16xi32>
        %broadcast_in_dim3A_281 = vector.shape_cast %select_n3A_280 : vector<16xi32> to vector<16x1xi32>
        %gather3A_282 = vector.shape_cast %broadcast_in_dim3A_281 : vector<16x1xi32> to vector<16xi32>
        %gather3A_283 = tpu.dynamic_gather %add3A_265[%gather3A_282] in [0] : vector<16xf32>, vector<16xi32> -> vector<16xf32>
        %add3A_284 = arith.addf %add3A_265, %gather3A_283 : vector<16xf32>
        %select_n3A_285 = arith.select %eq3A_19, %add3A_273, %add3A_284 : vector<16xi1>, vector<16xf32>
        %lt3A_286 = arith.constant 0 : i32
        %lt3A_287 = vector.broadcast %lt3A_286 : i32 to vector<16xi32>
        %lt3A_288 = arith.cmpi slt, %xor3A_9, %lt3A_287 : vector<16xi32>
        %add3A_289 = arith.constant 16 : i32
        %add3A_290 = vector.broadcast %add3A_289 : i32 to vector<16xi32>
        %add3A_291 = arith.addi %xor3A_9, %add3A_290 : vector<16xi32>
        %select_n3A_292 = arith.select %lt3A_288, %add3A_291, %xor3A_9 : vector<16xi1>, vector<16xi32>
        %broadcast_in_dim3A_293 = vector.shape_cast %select_n3A_292 : vector<16xi32> to vector<16x1xi32>
        %gather3A_294 = vector.shape_cast %broadcast_in_dim3A_293 : vector<16x1xi32> to vector<16xi32>
        %gather3A_295 = tpu.dynamic_gather %select_n3A_285[%gather3A_294] in [0] : vector<16xf32>, vector<16xi32> -> vector<16xf32>
        %add3A_296 = arith.addf %select_n3A_285, %gather3A_295 : vector<16xf32>
        %lt3A_297 = arith.constant 0 : i32
        %lt3A_298 = vector.broadcast %lt3A_297 : i32 to vector<16xi32>
        %lt3A_299 = arith.cmpi slt, %xor3A_12, %lt3A_298 : vector<16xi32>
        %add3A_300 = arith.constant 16 : i32
        %add3A_301 = vector.broadcast %add3A_300 : i32 to vector<16xi32>
        %add3A_302 = arith.addi %xor3A_12, %add3A_301 : vector<16xi32>
        %select_n3A_303 = arith.select %lt3A_299, %add3A_302, %xor3A_12 : vector<16xi1>, vector<16xi32>
        %broadcast_in_dim3A_304 = vector.shape_cast %select_n3A_303 : vector<16xi32> to vector<16x1xi32>
        %gather3A_305 = vector.shape_cast %broadcast_in_dim3A_304 : vector<16x1xi32> to vector<16xi32>
        %gather3A_306 = tpu.dynamic_gather %add3A_296[%gather3A_305] in [0] : vector<16xf32>, vector<16xi32> -> vector<16xf32>
        %add3A_307 = arith.addf %add3A_296, %gather3A_306 : vector<16xf32>
        %lt3A_308 = arith.constant 0 : i32
        %lt3A_309 = vector.broadcast %lt3A_308 : i32 to vector<16xi32>
        %lt3A_310 = arith.cmpi slt, %xor3A_15, %lt3A_309 : vector<16xi32>
        %add3A_311 = arith.constant 16 : i32
        %add3A_312 = vector.broadcast %add3A_311 : i32 to vector<16xi32>
        %add3A_313 = arith.addi %xor3A_15, %add3A_312 : vector<16xi32>
        %select_n3A_314 = arith.select %lt3A_310, %add3A_313, %xor3A_15 : vector<16xi1>, vector<16xi32>
        %broadcast_in_dim3A_315 = vector.shape_cast %select_n3A_314 : vector<16xi32> to vector<16x1xi32>
        %gather3A_316 = vector.shape_cast %broadcast_in_dim3A_315 : vector<16x1xi32> to vector<16xi32>
        %gather3A_317 = tpu.dynamic_gather %add3A_307[%gather3A_316] in [0] : vector<16xf32>, vector<16xi32> -> vector<16xf32>
        %add3A_318 = arith.addf %add3A_307, %gather3A_317 : vector<16xf32>
        %bitcast_convert_type3A = tpu.bitcast %add3A_318 : vector<16xf32> -> vector<16xi32>
        %shift_right_arithmetic3A = arith.constant 1 : i32
        %shift_right_arithmetic3A_319 = vector.broadcast %shift_right_arithmetic3A : i32 to vector<16xi32>
        %shift_right_arithmetic3A_320 = arith.shrsi %bitcast_convert_type3A, %shift_right_arithmetic3A_319 : vector<16xi32>
        %sub3A_321 = arith.constant 1597463007 : i32
        %sub3A_322 = vector.broadcast %sub3A_321 : i32 to vector<16xi32>
        %sub3A_323 = arith.subi %sub3A_322, %shift_right_arithmetic3A_320 : vector<16xi32>
        %bitcast_convert_type3A_324 = tpu.bitcast %sub3A_323 : vector<16xi32> -> vector<16xf32>
        %mul3A_325 = arith.constant 5.000000e-01 : f32
        %mul3A_326 = vector.broadcast %mul3A_325 : f32 to vector<16xf32>
        %mul3A_327 = arith.mulf %mul3A_326, %add3A_318 : vector<16xf32>
        %mul3A_328 = arith.mulf %mul3A_327, %bitcast_convert_type3A_324 : vector<16xf32>
        %mul3A_329 = arith.mulf %mul3A_328, %bitcast_convert_type3A_324 : vector<16xf32>
        %sub3A_330 = arith.constant 1.500000e+00 : f32
        %sub3A_331 = vector.broadcast %sub3A_330 : f32 to vector<16xf32>
        %sub3A_332 = arith.subf %sub3A_331, %mul3A_329 : vector<16xf32>
        %mul3A_333 = arith.mulf %bitcast_convert_type3A_324, %sub3A_332 : vector<16xf32>
        %mul3A_334 = arith.constant 5.000000e-01 : f32
        %mul3A_335 = vector.broadcast %mul3A_334 : f32 to vector<16xf32>
        %mul3A_336 = arith.mulf %mul3A_335, %add3A_318 : vector<16xf32>
        %mul3A_337 = arith.mulf %mul3A_336, %mul3A_333 : vector<16xf32>
        %mul3A_338 = arith.mulf %mul3A_337, %mul3A_333 : vector<16xf32>
        %sub3A_339 = arith.constant 1.500000e+00 : f32
        %sub3A_340 = vector.broadcast %sub3A_339 : f32 to vector<16xf32>
        %sub3A_341 = arith.subf %sub3A_340, %mul3A_338 : vector<16xf32>
        %mul3A_342 = arith.mulf %mul3A_333, %sub3A_341 : vector<16xf32>
        %mul3A_343 = arith.mulf %add3A_318, %mul3A_342 : vector<16xf32>
        %max3A = arith.maximumf %mul3A_343, %get3A_4 : vector<16xf32>
        %div3A = arith.constant 1.000000e+00 : f32
        %div3A_344 = vector.broadcast %div3A : f32 to vector<16xf32>
        %div3A_345 = arith.divf %div3A_344, %max3A : vector<16xf32>
        %lt3A_346 = arith.constant 0 : i32
        %lt3A_347 = vector.broadcast %lt3A_346 : i32 to vector<16xi32>
        %lt3A_348 = arith.cmpi slt, %xor3A_6, %lt3A_347 : vector<16xi32>
        %add3A_349 = arith.constant 16 : i32
        %add3A_350 = vector.broadcast %add3A_349 : i32 to vector<16xi32>
        %add3A_351 = arith.addi %xor3A_6, %add3A_350 : vector<16xi32>
        %select_n3A_352 = arith.select %lt3A_348, %add3A_351, %xor3A_6 : vector<16xi1>, vector<16xi32>
        %broadcast_in_dim3A_353 = vector.shape_cast %select_n3A_352 : vector<16xi32> to vector<16x1xi32>
        %gather3A_354 = vector.shape_cast %broadcast_in_dim3A_353 : vector<16x1xi32> to vector<16xi32>
        %gather3A_355 = tpu.dynamic_gather %div3A_345[%gather3A_354] in [0] : vector<16xf32>, vector<16xi32> -> vector<16xf32>
        %select_n3A_356 = arith.select %eq3A_19, %div3A_345, %gather3A_355 : vector<16xi1>, vector<16xf32>
        %select_n3A_357 = arith.select %eq3A_19, %gather3A_355, %div3A_345 : vector<16xi1>, vector<16xf32>
        %mul3A_358 = arith.mulf %get3A_175, %select_n3A_356 : vector<16xf32>
        %swap3A = arith.index_cast %mul3A_169 : i32 to index
        %swap3A_359 = arith.constant 0 : index
        %swap3A_360 = tpu.vector_load %arg11[%swap3A, %swap3A_359] {strides = array<i32>} : memref<200x128xf32, #tpu.memory_space<vmem>>, vector<1x16xf32>,
        %swap3A_361 = vector.shape_cast %swap3A_360 : vector<1x16xf32> to vector<16xf32>
        %swap3A_362 = vector.shape_cast %mul3A_358 : vector<16xf32> to vector<1x16xf32>
        tpu.vector_store %arg11[%swap3A, %swap3A_359], %swap3A_362 {strides = array<i32>} : memref<200x128xf32, #tpu.memory_space<vmem>>, vector<1x16xf32>,
        %mul3A_363 = arith.mulf %get3A_179, %select_n3A_356 : vector<16xf32>
        %swap3A_364 = arith.index_cast %mul3A_169 : i32 to index
        %swap3A_365 = arith.constant 16 : index
        %swap3A_366 = tpu.vector_load %arg11[%swap3A_364, %swap3A_365] {strides = array<i32>} : memref<200x128xf32, #tpu.memory_space<vmem>>, vector<1x16xf32>,
        %swap3A_367 = vector.shape_cast %swap3A_366 : vector<1x16xf32> to vector<16xf32>
        %swap3A_368 = vector.shape_cast %mul3A_363 : vector<16xf32> to vector<1x16xf32>
        tpu.vector_store %arg11[%swap3A_364, %swap3A_365], %swap3A_368 {strides = array<i32>} : memref<200x128xf32, #tpu.memory_space<vmem>>, vector<1x16xf32>,
        %mul3A_369 = arith.mulf %get3A_183, %select_n3A_356 : vector<16xf32>
        %swap3A_370 = arith.index_cast %mul3A_169 : i32 to index
        %swap3A_371 = arith.constant 32 : index
        %swap3A_372 = tpu.vector_load %arg11[%swap3A_370, %swap3A_371] {strides = array<i32>} : memref<200x128xf32, #tpu.memory_space<vmem>>, vector<1x16xf32>,
        %swap3A_373 = vector.shape_cast %swap3A_372 : vector<1x16xf32> to vector<16xf32>
        %swap3A_374 = vector.shape_cast %mul3A_369 : vector<16xf32> to vector<1x16xf32>
        tpu.vector_store %arg11[%swap3A_370, %swap3A_371], %swap3A_374 {strides = array<i32>} : memref<200x128xf32, #tpu.memory_space<vmem>>, vector<1x16xf32>,
        %mul3A_375 = arith.mulf %get3A_187, %select_n3A_356 : vector<16xf32>
        %swap3A_376 = arith.index_cast %mul3A_169 : i32 to index
        %swap3A_377 = arith.constant 48 : index
        %swap3A_378 = tpu.vector_load %arg11[%swap3A_376, %swap3A_377] {strides = array<i32>} : memref<200x128xf32, #tpu.memory_space<vmem>>, vector<1x16xf32>,
        %swap3A_379 = vector.shape_cast %swap3A_378 : vector<1x16xf32> to vector<16xf32>
        %swap3A_380 = vector.shape_cast %mul3A_375 : vector<16xf32> to vector<1x16xf32>
        tpu.vector_store %arg11[%swap3A_376, %swap3A_377], %swap3A_380 {strides = array<i32>} : memref<200x128xf32, #tpu.memory_space<vmem>>, vector<1x16xf32>,
        %mul3A_381 = arith.mulf %get3A_191, %select_n3A_356 : vector<16xf32>
        %swap3A_382 = arith.index_cast %mul3A_169 : i32 to index
        %swap3A_383 = arith.constant 64 : index
        %swap3A_384 = tpu.vector_load %arg11[%swap3A_382, %swap3A_383] {strides = array<i32>} : memref<200x128xf32, #tpu.memory_space<vmem>>, vector<1x16xf32>,
        %swap3A_385 = vector.shape_cast %swap3A_384 : vector<1x16xf32> to vector<16xf32>
        %swap3A_386 = vector.shape_cast %mul3A_381 : vector<16xf32> to vector<1x16xf32>
        tpu.vector_store %arg11[%swap3A_382, %swap3A_383], %swap3A_386 {strides = array<i32>} : memref<200x128xf32, #tpu.memory_space<vmem>>, vector<1x16xf32>,
        %mul3A_387 = arith.mulf %get3A_195, %select_n3A_356 : vector<16xf32>
        %swap3A_388 = arith.index_cast %mul3A_169 : i32 to index
        %swap3A_389 = arith.constant 80 : index
        %swap3A_390 = tpu.vector_load %arg11[%swap3A_388, %swap3A_389] {strides = array<i32>} : memref<200x128xf32, #tpu.memory_space<vmem>>, vector<1x16xf32>,
        %swap3A_391 = vector.shape_cast %swap3A_390 : vector<1x16xf32> to vector<16xf32>
        %swap3A_392 = vector.shape_cast %mul3A_387 : vector<16xf32> to vector<1x16xf32>
        tpu.vector_store %arg11[%swap3A_388, %swap3A_389], %swap3A_392 {strides = array<i32>} : memref<200x128xf32, #tpu.memory_space<vmem>>, vector<1x16xf32>,
        %mul3A_393 = arith.mulf %get3A_199, %select_n3A_356 : vector<16xf32>
        %swap3A_394 = arith.index_cast %mul3A_169 : i32 to index
        %swap3A_395 = arith.constant 96 : index
        %swap3A_396 = tpu.vector_load %arg11[%swap3A_394, %swap3A_395] {strides = array<i32>} : memref<200x128xf32, #tpu.memory_space<vmem>>, vector<1x16xf32>,
        %swap3A_397 = vector.shape_cast %swap3A_396 : vector<1x16xf32> to vector<16xf32>
        %swap3A_398 = vector.shape_cast %mul3A_393 : vector<16xf32> to vector<1x16xf32>
        tpu.vector_store %arg11[%swap3A_394, %swap3A_395], %swap3A_398 {strides = array<i32>} : memref<200x128xf32, #tpu.memory_space<vmem>>, vector<1x16xf32>,
        %mul3A_399 = arith.mulf %get3A_203, %select_n3A_356 : vector<16xf32>
        %swap3A_400 = arith.index_cast %mul3A_169 : i32 to index
        %swap3A_401 = arith.constant 112 : index
        %swap3A_402 = tpu.vector_load %arg11[%swap3A_400, %swap3A_401] {strides = array<i32>} : memref<200x128xf32, #tpu.memory_space<vmem>>, vector<1x16xf32>,
        %swap3A_403 = vector.shape_cast %swap3A_402 : vector<1x16xf32> to vector<16xf32>
        %swap3A_404 = vector.shape_cast %mul3A_399 : vector<16xf32> to vector<1x16xf32>
        tpu.vector_store %arg11[%swap3A_400, %swap3A_401], %swap3A_404 {strides = array<i32>} : memref<200x128xf32, #tpu.memory_space<vmem>>, vector<1x16xf32>,
        %mul3A_405 = arith.mulf %get3A_207, %select_n3A_357 : vector<16xf32>
        %swap3A_406 = arith.index_cast %add3A_171 : i32 to index
        %swap3A_407 = arith.constant 0 : index
        %swap3A_408 = tpu.vector_load %arg11[%swap3A_406, %swap3A_407] {strides = array<i32>} : memref<200x128xf32, #tpu.memory_space<vmem>>, vector<1x16xf32>,
        %swap3A_409 = vector.shape_cast %swap3A_408 : vector<1x16xf32> to vector<16xf32>
        %swap3A_410 = vector.shape_cast %mul3A_405 : vector<16xf32> to vector<1x16xf32>
        tpu.vector_store %arg11[%swap3A_406, %swap3A_407], %swap3A_410 {strides = array<i32>} : memref<200x128xf32, #tpu.memory_space<vmem>>, vector<1x16xf32>,
        %mul3A_411 = arith.mulf %get3A_211, %select_n3A_357 : vector<16xf32>
        %swap3A_412 = arith.index_cast %add3A_171 : i32 to index
        %swap3A_413 = arith.constant 16 : index
        %swap3A_414 = tpu.vector_load %arg11[%swap3A_412, %swap3A_413] {strides = array<i32>} : memref<200x128xf32, #tpu.memory_space<vmem>>, vector<1x16xf32>,
        %swap3A_415 = vector.shape_cast %swap3A_414 : vector<1x16xf32> to vector<16xf32>
        %swap3A_416 = vector.shape_cast %mul3A_411 : vector<16xf32> to vector<1x16xf32>
        tpu.vector_store %arg11[%swap3A_412, %swap3A_413], %swap3A_416 {strides = array<i32>} : memref<200x128xf32, #tpu.memory_space<vmem>>, vector<1x16xf32>,
        %mul3A_417 = arith.mulf %get3A_215, %select_n3A_357 : vector<16xf32>
        %swap3A_418 = arith.index_cast %add3A_171 : i32 to index
        %swap3A_419 = arith.constant 32 : index
        %swap3A_420 = tpu.vector_load %arg11[%swap3A_418, %swap3A_419] {strides = array<i32>} : memref<200x128xf32, #tpu.memory_space<vmem>>, vector<1x16xf32>,
        %swap3A_421 = vector.shape_cast %swap3A_420 : vector<1x16xf32> to vector<16xf32>
        %swap3A_422 = vector.shape_cast %mul3A_417 : vector<16xf32> to vector<1x16xf32>
        tpu.vector_store %arg11[%swap3A_418, %swap3A_419], %swap3A_422 {strides = array<i32>} : memref<200x128xf32, #tpu.memory_space<vmem>>, vector<1x16xf32>,
        %mul3A_423 = arith.mulf %get3A_219, %select_n3A_357 : vector<16xf32>
        %swap3A_424 = arith.index_cast %add3A_171 : i32 to index
        %swap3A_425 = arith.constant 48 : index
        %swap3A_426 = tpu.vector_load %arg11[%swap3A_424, %swap3A_425] {strides = array<i32>} : memref<200x128xf32, #tpu.memory_space<vmem>>, vector<1x16xf32>,
        %swap3A_427 = vector.shape_cast %swap3A_426 : vector<1x16xf32> to vector<16xf32>
        %swap3A_428 = vector.shape_cast %mul3A_423 : vector<16xf32> to vector<1x16xf32>
        tpu.vector_store %arg11[%swap3A_424, %swap3A_425], %swap3A_428 {strides = array<i32>} : memref<200x128xf32, #tpu.memory_space<vmem>>, vector<1x16xf32>,
        %mul3A_429 = arith.mulf %get3A_223, %select_n3A_357 : vector<16xf32>
        %swap3A_430 = arith.index_cast %add3A_171 : i32 to index
        %swap3A_431 = arith.constant 64 : index
        %swap3A_432 = tpu.vector_load %arg11[%swap3A_430, %swap3A_431] {strides = array<i32>} : memref<200x128xf32, #tpu.memory_space<vmem>>, vector<1x16xf32>,
        %swap3A_433 = vector.shape_cast %swap3A_432 : vector<1x16xf32> to vector<16xf32>
        %swap3A_434 = vector.shape_cast %mul3A_429 : vector<16xf32> to vector<1x16xf32>
        tpu.vector_store %arg11[%swap3A_430, %swap3A_431], %swap3A_434 {strides = array<i32>} : memref<200x128xf32, #tpu.memory_space<vmem>>, vector<1x16xf32>,
        %mul3A_435 = arith.mulf %get3A_227, %select_n3A_357 : vector<16xf32>
        %swap3A_436 = arith.index_cast %add3A_171 : i32 to index
        %swap3A_437 = arith.constant 80 : index
        %swap3A_438 = tpu.vector_load %arg11[%swap3A_436, %swap3A_437] {strides = array<i32>} : memref<200x128xf32, #tpu.memory_space<vmem>>, vector<1x16xf32>,
        %swap3A_439 = vector.shape_cast %swap3A_438 : vector<1x16xf32> to vector<16xf32>
        %swap3A_440 = vector.shape_cast %mul3A_435 : vector<16xf32> to vector<1x16xf32>
        tpu.vector_store %arg11[%swap3A_436, %swap3A_437], %swap3A_440 {strides = array<i32>} : memref<200x128xf32, #tpu.memory_space<vmem>>, vector<1x16xf32>,
        %mul3A_441 = arith.mulf %get3A_231, %select_n3A_357 : vector<16xf32>
        %swap3A_442 = arith.index_cast %add3A_171 : i32 to index
        %swap3A_443 = arith.constant 96 : index
        %swap3A_444 = tpu.vector_load %arg11[%swap3A_442, %swap3A_443] {strides = array<i32>} : memref<200x128xf32, #tpu.memory_space<vmem>>, vector<1x16xf32>,
        %swap3A_445 = vector.shape_cast %swap3A_444 : vector<1x16xf32> to vector<16xf32>
        %swap3A_446 = vector.shape_cast %mul3A_441 : vector<16xf32> to vector<1x16xf32>
        tpu.vector_store %arg11[%swap3A_442, %swap3A_443], %swap3A_446 {strides = array<i32>} : memref<200x128xf32, #tpu.memory_space<vmem>>, vector<1x16xf32>,
        %mul3A_447 = arith.mulf %get3A_235, %select_n3A_357 : vector<16xf32>
        %swap3A_448 = arith.index_cast %add3A_171 : i32 to index
        %swap3A_449 = arith.constant 112 : index
        %swap3A_450 = tpu.vector_load %arg11[%swap3A_448, %swap3A_449] {strides = array<i32>} : memref<200x128xf32, #tpu.memory_space<vmem>>, vector<1x16xf32>,
        %swap3A_451 = vector.shape_cast %swap3A_450 : vector<1x16xf32> to vector<16xf32>
        %swap3A_452 = vector.shape_cast %mul3A_447 : vector<16xf32> to vector<1x16xf32>
        tpu.vector_store %arg11[%swap3A_448, %swap3A_449], %swap3A_452 {strides = array<i32>} : memref<200x128xf32, #tpu.memory_space<vmem>>, vector<1x16xf32>,
        %scan3A_453 = arith.constant 1 : i32
        %scan3A_454 = arith.addi %scan3A_167, %scan3A_453 : i32
        %mul3A_455 = arith.constant 2 : i32
        %mul3A_456 = arith.muli %mul3A_455, %scan3A_454 : i32
        %add3A_457 = arith.constant 1 : i32
        %add3A_458 = arith.addi %mul3A_456, %add3A_457 : i32
        %get3A_459 = arith.index_cast %mul3A_456 : i32 to index
        %get3A_460 = arith.constant 0 : index
        %get3A_461 = tpu.vector_load %arg11[%get3A_459, %get3A_460] {strides = array<i32>} : memref<200x128xf32, #tpu.memory_space<vmem>>, vector<1x16xf32>,
        %get3A_462 = vector.shape_cast %get3A_461 : vector<1x16xf32> to vector<16xf32>
        %get3A_463 = arith.index_cast %mul3A_456 : i32 to index
        %get3A_464 = arith.constant 16 : index
        %get3A_465 = tpu.vector_load %arg11[%get3A_463, %get3A_464] {strides = array<i32>} : memref<200x128xf32, #tpu.memory_space<vmem>>, vector<1x16xf32>,
        %get3A_466 = vector.shape_cast %get3A_465 : vector<1x16xf32> to vector<16xf32>
        %get3A_467 = arith.index_cast %mul3A_456 : i32 to index
        %get3A_468 = arith.constant 32 : index
        %get3A_469 = tpu.vector_load %arg11[%get3A_467, %get3A_468] {strides = array<i32>} : memref<200x128xf32, #tpu.memory_space<vmem>>, vector<1x16xf32>,
        %get3A_470 = vector.shape_cast %get3A_469 : vector<1x16xf32> to vector<16xf32>
        %get3A_471 = arith.index_cast %mul3A_456 : i32 to index
        %get3A_472 = arith.constant 48 : index
        %get3A_473 = tpu.vector_load %arg11[%get3A_471, %get3A_472] {strides = array<i32>} : memref<200x128xf32, #tpu.memory_space<vmem>>, vector<1x16xf32>,
        %get3A_474 = vector.shape_cast %get3A_473 : vector<1x16xf32> to vector<16xf32>
        %get3A_475 = arith.index_cast %mul3A_456 : i32 to index
        %get3A_476 = arith.constant 64 : index
        %get3A_477 = tpu.vector_load %arg11[%get3A_475, %get3A_476] {strides = array<i32>} : memref<200x128xf32, #tpu.memory_space<vmem>>, vector<1x16xf32>,
        %get3A_478 = vector.shape_cast %get3A_477 : vector<1x16xf32> to vector<16xf32>
        %get3A_479 = arith.index_cast %mul3A_456 : i32 to index
        %get3A_480 = arith.constant 80 : index
        %get3A_481 = tpu.vector_load %arg11[%get3A_479, %get3A_480] {strides = array<i32>} : memref<200x128xf32, #tpu.memory_space<vmem>>, vector<1x16xf32>,
        %get3A_482 = vector.shape_cast %get3A_481 : vector<1x16xf32> to vector<16xf32>
        %get3A_483 = arith.index_cast %mul3A_456 : i32 to index
        %get3A_484 = arith.constant 96 : index
        %get3A_485 = tpu.vector_load %arg11[%get3A_483, %get3A_484] {strides = array<i32>} : memref<200x128xf32, #tpu.memory_space<vmem>>, vector<1x16xf32>,
        %get3A_486 = vector.shape_cast %get3A_485 : vector<1x16xf32> to vector<16xf32>
        %get3A_487 = arith.index_cast %mul3A_456 : i32 to index
        %get3A_488 = arith.constant 112 : index
        %get3A_489 = tpu.vector_load %arg11[%get3A_487, %get3A_488] {strides = array<i32>} : memref<200x128xf32, #tpu.memory_space<vmem>>, vector<1x16xf32>,
        %get3A_490 = vector.shape_cast %get3A_489 : vector<1x16xf32> to vector<16xf32>
        %get3A_491 = arith.index_cast %add3A_458 : i32 to index
        %get3A_492 = arith.constant 0 : index
        %get3A_493 = tpu.vector_load %arg11[%get3A_491, %get3A_492] {strides = array<i32>} : memref<200x128xf32, #tpu.memory_space<vmem>>, vector<1x16xf32>,
        %get3A_494 = vector.shape_cast %get3A_493 : vector<1x16xf32> to vector<16xf32>
        %get3A_495 = arith.index_cast %add3A_458 : i32 to index
        %get3A_496 = arith.constant 16 : index
        %get3A_497 = tpu.vector_load %arg11[%get3A_495, %get3A_496] {strides = array<i32>} : memref<200x128xf32, #tpu.memory_space<vmem>>, vector<1x16xf32>,
        %get3A_498 = vector.shape_cast %get3A_497 : vector<1x16xf32> to vector<16xf32>
        %get3A_499 = arith.index_cast %add3A_458 : i32 to index
        %get3A_500 = arith.constant 32 : index
        %get3A_501 = tpu.vector_load %arg11[%get3A_499, %get3A_500] {strides = array<i32>} : memref<200x128xf32, #tpu.memory_space<vmem>>, vector<1x16xf32>,
        %get3A_502 = vector.shape_cast %get3A_501 : vector<1x16xf32> to vector<16xf32>
        %get3A_503 = arith.index_cast %add3A_458 : i32 to index
        %get3A_504 = arith.constant 48 : index
        %get3A_505 = tpu.vector_load %arg11[%get3A_503, %get3A_504] {strides = array<i32>} : memref<200x128xf32, #tpu.memory_space<vmem>>, vector<1x16xf32>,
        %get3A_506 = vector.shape_cast %get3A_505 : vector<1x16xf32> to vector<16xf32>
        %get3A_507 = arith.index_cast %add3A_458 : i32 to index
        %get3A_508 = arith.constant 64 : index
        %get3A_509 = tpu.vector_load %arg11[%get3A_507, %get3A_508] {strides = array<i32>} : memref<200x128xf32, #tpu.memory_space<vmem>>, vector<1x16xf32>,
        %get3A_510 = vector.shape_cast %get3A_509 : vector<1x16xf32> to vector<16xf32>
        %get3A_511 = arith.index_cast %add3A_458 : i32 to index
        %get3A_512 = arith.constant 80 : index
        %get3A_513 = tpu.vector_load %arg11[%get3A_511, %get3A_512] {strides = array<i32>} : memref<200x128xf32, #tpu.memory_space<vmem>>, vector<1x16xf32>,
        %get3A_514 = vector.shape_cast %get3A_513 : vector<1x16xf32> to vector<16xf32>
        %get3A_515 = arith.index_cast %add3A_458 : i32 to index
        %get3A_516 = arith.constant 96 : index
        %get3A_517 = tpu.vector_load %arg11[%get3A_515, %get3A_516] {strides = array<i32>} : memref<200x128xf32, #tpu.memory_space<vmem>>, vector<1x16xf32>,
        %get3A_518 = vector.shape_cast %get3A_517 : vector<1x16xf32> to vector<16xf32>
        %get3A_519 = arith.index_cast %add3A_458 : i32 to index
        %get3A_520 = arith.constant 112 : index
        %get3A_521 = tpu.vector_load %arg11[%get3A_519, %get3A_520] {strides = array<i32>} : memref<200x128xf32, #tpu.memory_space<vmem>>, vector<1x16xf32>,
        %get3A_522 = vector.shape_cast %get3A_521 : vector<1x16xf32> to vector<16xf32>
        %mul3A_523 = arith.mulf %get3A_462, %get3A_462 : vector<16xf32>
        %mul3A_524 = arith.mulf %get3A_494, %get3A_494 : vector<16xf32>
        %mul3A_525 = arith.mulf %get3A_466, %get3A_466 : vector<16xf32>
        %add3A_526 = arith.addf %mul3A_523, %mul3A_525 : vector<16xf32>
        %mul3A_527 = arith.mulf %get3A_498, %get3A_498 : vector<16xf32>
        %add3A_528 = arith.addf %mul3A_524, %mul3A_527 : vector<16xf32>
        %mul3A_529 = arith.mulf %get3A_470, %get3A_470 : vector<16xf32>
        %add3A_530 = arith.addf %add3A_526, %mul3A_529 : vector<16xf32>
        %mul3A_531 = arith.mulf %get3A_502, %get3A_502 : vector<16xf32>
        %add3A_532 = arith.addf %add3A_528, %mul3A_531 : vector<16xf32>
        %mul3A_533 = arith.mulf %get3A_474, %get3A_474 : vector<16xf32>
        %add3A_534 = arith.addf %add3A_530, %mul3A_533 : vector<16xf32>
        %mul3A_535 = arith.mulf %get3A_506, %get3A_506 : vector<16xf32>
        %add3A_536 = arith.addf %add3A_532, %mul3A_535 : vector<16xf32>
        %mul3A_537 = arith.mulf %get3A_478, %get3A_478 : vector<16xf32>
        %add3A_538 = arith.addf %add3A_534, %mul3A_537 : vector<16xf32>
        %mul3A_539 = arith.mulf %get3A_510, %get3A_510 : vector<16xf32>
        %add3A_540 = arith.addf %add3A_536, %mul3A_539 : vector<16xf32>
        %mul3A_541 = arith.mulf %get3A_482, %get3A_482 : vector<16xf32>
        %add3A_542 = arith.addf %add3A_538, %mul3A_541 : vector<16xf32>
        %mul3A_543 = arith.mulf %get3A_514, %get3A_514 : vector<16xf32>
        %add3A_544 = arith.addf %add3A_540, %mul3A_543 : vector<16xf32>
        %mul3A_545 = arith.mulf %get3A_486, %get3A_486 : vector<16xf32>
        %add3A_546 = arith.addf %add3A_542, %mul3A_545 : vector<16xf32>
        %mul3A_547 = arith.mulf %get3A_518, %get3A_518 : vector<16xf32>
        %add3A_548 = arith.addf %add3A_544, %mul3A_547 : vector<16xf32>
        %mul3A_549 = arith.mulf %get3A_490, %get3A_490 : vector<16xf32>
        %add3A_550 = arith.addf %add3A_546, %mul3A_549 : vector<16xf32>
        %mul3A_551 = arith.mulf %get3A_522, %get3A_522 : vector<16xf32>
        %add3A_552 = arith.addf %add3A_548, %mul3A_551 : vector<16xf32>
        %lt3A_553 = arith.constant 0 : i32
        %lt3A_554 = vector.broadcast %lt3A_553 : i32 to vector<16xi32>
        %lt3A_555 = arith.cmpi slt, %xor3A_6, %lt3A_554 : vector<16xi32>
        %add3A_556 = arith.constant 16 : i32
        %add3A_557 = vector.broadcast %add3A_556 : i32 to vector<16xi32>
        %add3A_558 = arith.addi %xor3A_6, %add3A_557 : vector<16xi32>
        %select_n3A_559 = arith.select %lt3A_555, %add3A_558, %xor3A_6 : vector<16xi1>, vector<16xi32>
        %broadcast_in_dim3A_560 = vector.shape_cast %select_n3A_559 : vector<16xi32> to vector<16x1xi32>
        %gather3A_561 = vector.shape_cast %broadcast_in_dim3A_560 : vector<16x1xi32> to vector<16xi32>
        %gather3A_562 = tpu.dynamic_gather %add3A_550[%gather3A_561] in [0] : vector<16xf32>, vector<16xi32> -> vector<16xf32>
        %add3A_563 = arith.addf %add3A_550, %gather3A_562 : vector<16xf32>
        %lt3A_564 = arith.constant 0 : i32
        %lt3A_565 = vector.broadcast %lt3A_564 : i32 to vector<16xi32>
        %lt3A_566 = arith.cmpi slt, %xor3A_6, %lt3A_565 : vector<16xi32>
        %add3A_567 = arith.constant 16 : i32
        %add3A_568 = vector.broadcast %add3A_567 : i32 to vector<16xi32>
        %add3A_569 = arith.addi %xor3A_6, %add3A_568 : vector<16xi32>
        %select_n3A_570 = arith.select %lt3A_566, %add3A_569, %xor3A_6 : vector<16xi1>, vector<16xi32>
        %broadcast_in_dim3A_571 = vector.shape_cast %select_n3A_570 : vector<16xi32> to vector<16x1xi32>
        %gather3A_572 = vector.shape_cast %broadcast_in_dim3A_571 : vector<16x1xi32> to vector<16xi32>
        %gather3A_573 = tpu.dynamic_gather %add3A_552[%gather3A_572] in [0] : vector<16xf32>, vector<16xi32> -> vector<16xf32>
        %add3A_574 = arith.addf %add3A_552, %gather3A_573 : vector<16xf32>
        %select_n3A_575 = arith.select %eq3A_19, %add3A_563, %add3A_574 : vector<16xi1>, vector<16xf32>
        %lt3A_576 = arith.constant 0 : i32
        %lt3A_577 = vector.broadcast %lt3A_576 : i32 to vector<16xi32>
        %lt3A_578 = arith.cmpi slt, %xor3A_9, %lt3A_577 : vector<16xi32>
        %add3A_579 = arith.constant 16 : i32
        %add3A_580 = vector.broadcast %add3A_579 : i32 to vector<16xi32>
        %add3A_581 = arith.addi %xor3A_9, %add3A_580 : vector<16xi32>
        %select_n3A_582 = arith.select %lt3A_578, %add3A_581, %xor3A_9 : vector<16xi1>, vector<16xi32>
        %broadcast_in_dim3A_583 = vector.shape_cast %select_n3A_582 : vector<16xi32> to vector<16x1xi32>
        %gather3A_584 = vector.shape_cast %broadcast_in_dim3A_583 : vector<16x1xi32> to vector<16xi32>
        %gather3A_585 = tpu.dynamic_gather %select_n3A_575[%gather3A_584] in [0] : vector<16xf32>, vector<16xi32> -> vector<16xf32>
        %add3A_586 = arith.addf %select_n3A_575, %gather3A_585 : vector<16xf32>
        %lt3A_587 = arith.constant 0 : i32
        %lt3A_588 = vector.broadcast %lt3A_587 : i32 to vector<16xi32>
        %lt3A_589 = arith.cmpi slt, %xor3A_12, %lt3A_588 : vector<16xi32>
        %add3A_590 = arith.constant 16 : i32
        %add3A_591 = vector.broadcast %add3A_590 : i32 to vector<16xi32>
        %add3A_592 = arith.addi %xor3A_12, %add3A_591 : vector<16xi32>
        %select_n3A_593 = arith.select %lt3A_589, %add3A_592, %xor3A_12 : vector<16xi1>, vector<16xi32>
        %broadcast_in_dim3A_594 = vector.shape_cast %select_n3A_593 : vector<16xi32> to vector<16x1xi32>
        %gather3A_595 = vector.shape_cast %broadcast_in_dim3A_594 : vector<16x1xi32> to vector<16xi32>
        %gather3A_596 = tpu.dynamic_gather %add3A_586[%gather3A_595] in [0] : vector<16xf32>, vector<16xi32> -> vector<16xf32>
        %add3A_597 = arith.addf %add3A_586, %gather3A_596 : vector<16xf32>
        %lt3A_598 = arith.constant 0 : i32
        %lt3A_599 = vector.broadcast %lt3A_598 : i32 to vector<16xi32>
        %lt3A_600 = arith.cmpi slt, %xor3A_15, %lt3A_599 : vector<16xi32>
        %add3A_601 = arith.constant 16 : i32
        %add3A_602 = vector.broadcast %add3A_601 : i32 to vector<16xi32>
        %add3A_603 = arith.addi %xor3A_15, %add3A_602 : vector<16xi32>
        %select_n3A_604 = arith.select %lt3A_600, %add3A_603, %xor3A_15 : vector<16xi1>, vector<16xi32>
        %broadcast_in_dim3A_605 = vector.shape_cast %select_n3A_604 : vector<16xi32> to vector<16x1xi32>
        %gather3A_606 = vector.shape_cast %broadcast_in_dim3A_605 : vector<16x1xi32> to vector<16xi32>
        %gather3A_607 = tpu.dynamic_gather %add3A_597[%gather3A_606] in [0] : vector<16xf32>, vector<16xi32> -> vector<16xf32>
        %add3A_608 = arith.addf %add3A_597, %gather3A_607 : vector<16xf32>
        %bitcast_convert_type3A_609 = tpu.bitcast %add3A_608 : vector<16xf32> -> vector<16xi32>
        %shift_right_arithmetic3A_610 = arith.constant 1 : i32
        %shift_right_arithmetic3A_611 = vector.broadcast %shift_right_arithmetic3A_610 : i32 to vector<16xi32>
        %shift_right_arithmetic3A_612 = arith.shrsi %bitcast_convert_type3A_609, %shift_right_arithmetic3A_611 : vector<16xi32>
        %sub3A_613 = arith.constant 1597463007 : i32
        %sub3A_614 = vector.broadcast %sub3A_613 : i32 to vector<16xi32>
        %sub3A_615 = arith.subi %sub3A_614, %shift_right_arithmetic3A_612 : vector<16xi32>
        %bitcast_convert_type3A_616 = tpu.bitcast %sub3A_615 : vector<16xi32> -> vector<16xf32>
        %mul3A_617 = arith.constant 5.000000e-01 : f32
        %mul3A_618 = vector.broadcast %mul3A_617 : f32 to vector<16xf32>
        %mul3A_619 = arith.mulf %mul3A_618, %add3A_608 : vector<16xf32>
        %mul3A_620 = arith.mulf %mul3A_619, %bitcast_convert_type3A_616 : vector<16xf32>
        %mul3A_621 = arith.mulf %mul3A_620, %bitcast_convert_type3A_616 : vector<16xf32>
        %sub3A_622 = arith.constant 1.500000e+00 : f32
        %sub3A_623 = vector.broadcast %sub3A_622 : f32 to vector<16xf32>
        %sub3A_624 = arith.subf %sub3A_623, %mul3A_621 : vector<16xf32>
        %mul3A_625 = arith.mulf %bitcast_convert_type3A_616, %sub3A_624 : vector<16xf32>
        %mul3A_626 = arith.constant 5.000000e-01 : f32
        %mul3A_627 = vector.broadcast %mul3A_626 : f32 to vector<16xf32>
        %mul3A_628 = arith.mulf %mul3A_627, %add3A_608 : vector<16xf32>
        %mul3A_629 = arith.mulf %mul3A_628, %mul3A_625 : vector<16xf32>
        %mul3A_630 = arith.mulf %mul3A_629, %mul3A_625 : vector<16xf32>
        %sub3A_631 = arith.constant 1.500000e+00 : f32
        %sub3A_632 = vector.broadcast %sub3A_631 : f32 to vector<16xf32>
        %sub3A_633 = arith.subf %sub3A_632, %mul3A_630 : vector<16xf32>
        %mul3A_634 = arith.mulf %mul3A_625, %sub3A_633 : vector<16xf32>
        %mul3A_635 = arith.mulf %add3A_608, %mul3A_634 : vector<16xf32>
        %max3A_636 = arith.maximumf %mul3A_635, %get3A_4 : vector<16xf32>
        %div3A_637 = arith.constant 1.000000e+00 : f32
        %div3A_638 = vector.broadcast %div3A_637 : f32 to vector<16xf32>
        %div3A_639 = arith.divf %div3A_638, %max3A_636 : vector<16xf32>
        %lt3A_640 = arith.constant 0 : i32
        %lt3A_641 = vector.broadcast %lt3A_640 : i32 to vector<16xi32>
        %lt3A_642 = arith.cmpi slt, %xor3A_6, %lt3A_641 : vector<16xi32>
        %add3A_643 = arith.constant 16 : i32
        %add3A_644 = vector.broadcast %add3A_643 : i32 to vector<16xi32>
        %add3A_645 = arith.addi %xor3A_6, %add3A_644 : vector<16xi32>
        %select_n3A_646 = arith.select %lt3A_642, %add3A_645, %xor3A_6 : vector<16xi1>, vector<16xi32>
        %broadcast_in_dim3A_647 = vector.shape_cast %select_n3A_646 : vector<16xi32> to vector<16x1xi32>
        %gather3A_648 = vector.shape_cast %broadcast_in_dim3A_647 : vector<16x1xi32> to vector<16xi32>
        %gather3A_649 = tpu.dynamic_gather %div3A_639[%gather3A_648] in [0] : vector<16xf32>, vector<16xi32> -> vector<16xf32>
        %select_n3A_650 = arith.select %eq3A_19, %div3A_639, %gather3A_649 : vector<16xi1>, vector<16xf32>
        %select_n3A_651 = arith.select %eq3A_19, %gather3A_649, %div3A_639 : vector<16xi1>, vector<16xf32>
        %mul3A_652 = arith.mulf %get3A_462, %select_n3A_650 : vector<16xf32>
        %swap3A_653 = arith.index_cast %mul3A_456 : i32 to index
        %swap3A_654 = arith.constant 0 : index
        %swap3A_655 = tpu.vector_load %arg11[%swap3A_653, %swap3A_654] {strides = array<i32>} : memref<200x128xf32, #tpu.memory_space<vmem>>, vector<1x16xf32>,
        %swap3A_656 = vector.shape_cast %swap3A_655 : vector<1x16xf32> to vector<16xf32>
        %swap3A_657 = vector.shape_cast %mul3A_652 : vector<16xf32> to vector<1x16xf32>
        tpu.vector_store %arg11[%swap3A_653, %swap3A_654], %swap3A_657 {strides = array<i32>} : memref<200x128xf32, #tpu.memory_space<vmem>>, vector<1x16xf32>,
        %mul3A_658 = arith.mulf %get3A_466, %select_n3A_650 : vector<16xf32>
        %swap3A_659 = arith.index_cast %mul3A_456 : i32 to index
        %swap3A_660 = arith.constant 16 : index
        %swap3A_661 = tpu.vector_load %arg11[%swap3A_659, %swap3A_660] {strides = array<i32>} : memref<200x128xf32, #tpu.memory_space<vmem>>, vector<1x16xf32>,
        %swap3A_662 = vector.shape_cast %swap3A_661 : vector<1x16xf32> to vector<16xf32>
        %swap3A_663 = vector.shape_cast %mul3A_658 : vector<16xf32> to vector<1x16xf32>
        tpu.vector_store %arg11[%swap3A_659, %swap3A_660], %swap3A_663 {strides = array<i32>} : memref<200x128xf32, #tpu.memory_space<vmem>>, vector<1x16xf32>,
        %mul3A_664 = arith.mulf %get3A_470, %select_n3A_650 : vector<16xf32>
        %swap3A_665 = arith.index_cast %mul3A_456 : i32 to index
        %swap3A_666 = arith.constant 32 : index
        %swap3A_667 = tpu.vector_load %arg11[%swap3A_665, %swap3A_666] {strides = array<i32>} : memref<200x128xf32, #tpu.memory_space<vmem>>, vector<1x16xf32>,
        %swap3A_668 = vector.shape_cast %swap3A_667 : vector<1x16xf32> to vector<16xf32>
        %swap3A_669 = vector.shape_cast %mul3A_664 : vector<16xf32> to vector<1x16xf32>
        tpu.vector_store %arg11[%swap3A_665, %swap3A_666], %swap3A_669 {strides = array<i32>} : memref<200x128xf32, #tpu.memory_space<vmem>>, vector<1x16xf32>,
        %mul3A_670 = arith.mulf %get3A_474, %select_n3A_650 : vector<16xf32>
        %swap3A_671 = arith.index_cast %mul3A_456 : i32 to index
        %swap3A_672 = arith.constant 48 : index
        %swap3A_673 = tpu.vector_load %arg11[%swap3A_671, %swap3A_672] {strides = array<i32>} : memref<200x128xf32, #tpu.memory_space<vmem>>, vector<1x16xf32>,
        %swap3A_674 = vector.shape_cast %swap3A_673 : vector<1x16xf32> to vector<16xf32>
        %swap3A_675 = vector.shape_cast %mul3A_670 : vector<16xf32> to vector<1x16xf32>
        tpu.vector_store %arg11[%swap3A_671, %swap3A_672], %swap3A_675 {strides = array<i32>} : memref<200x128xf32, #tpu.memory_space<vmem>>, vector<1x16xf32>,
        %mul3A_676 = arith.mulf %get3A_478, %select_n3A_650 : vector<16xf32>
        %swap3A_677 = arith.index_cast %mul3A_456 : i32 to index
        %swap3A_678 = arith.constant 64 : index
        %swap3A_679 = tpu.vector_load %arg11[%swap3A_677, %swap3A_678] {strides = array<i32>} : memref<200x128xf32, #tpu.memory_space<vmem>>, vector<1x16xf32>,
        %swap3A_680 = vector.shape_cast %swap3A_679 : vector<1x16xf32> to vector<16xf32>
        %swap3A_681 = vector.shape_cast %mul3A_676 : vector<16xf32> to vector<1x16xf32>
        tpu.vector_store %arg11[%swap3A_677, %swap3A_678], %swap3A_681 {strides = array<i32>} : memref<200x128xf32, #tpu.memory_space<vmem>>, vector<1x16xf32>,
        %mul3A_682 = arith.mulf %get3A_482, %select_n3A_650 : vector<16xf32>
        %swap3A_683 = arith.index_cast %mul3A_456 : i32 to index
        %swap3A_684 = arith.constant 80 : index
        %swap3A_685 = tpu.vector_load %arg11[%swap3A_683, %swap3A_684] {strides = array<i32>} : memref<200x128xf32, #tpu.memory_space<vmem>>, vector<1x16xf32>,
        %swap3A_686 = vector.shape_cast %swap3A_685 : vector<1x16xf32> to vector<16xf32>
        %swap3A_687 = vector.shape_cast %mul3A_682 : vector<16xf32> to vector<1x16xf32>
        tpu.vector_store %arg11[%swap3A_683, %swap3A_684], %swap3A_687 {strides = array<i32>} : memref<200x128xf32, #tpu.memory_space<vmem>>, vector<1x16xf32>,
        %mul3A_688 = arith.mulf %get3A_486, %select_n3A_650 : vector<16xf32>
        %swap3A_689 = arith.index_cast %mul3A_456 : i32 to index
        %swap3A_690 = arith.constant 96 : index
        %swap3A_691 = tpu.vector_load %arg11[%swap3A_689, %swap3A_690] {strides = array<i32>} : memref<200x128xf32, #tpu.memory_space<vmem>>, vector<1x16xf32>,
        %swap3A_692 = vector.shape_cast %swap3A_691 : vector<1x16xf32> to vector<16xf32>
        %swap3A_693 = vector.shape_cast %mul3A_688 : vector<16xf32> to vector<1x16xf32>
        tpu.vector_store %arg11[%swap3A_689, %swap3A_690], %swap3A_693 {strides = array<i32>} : memref<200x128xf32, #tpu.memory_space<vmem>>, vector<1x16xf32>,
        %mul3A_694 = arith.mulf %get3A_490, %select_n3A_650 : vector<16xf32>
        %swap3A_695 = arith.index_cast %mul3A_456 : i32 to index
        %swap3A_696 = arith.constant 112 : index
        %swap3A_697 = tpu.vector_load %arg11[%swap3A_695, %swap3A_696] {strides = array<i32>} : memref<200x128xf32, #tpu.memory_space<vmem>>, vector<1x16xf32>,
        %swap3A_698 = vector.shape_cast %swap3A_697 : vector<1x16xf32> to vector<16xf32>
        %swap3A_699 = vector.shape_cast %mul3A_694 : vector<16xf32> to vector<1x16xf32>
        tpu.vector_store %arg11[%swap3A_695, %swap3A_696], %swap3A_699 {strides = array<i32>} : memref<200x128xf32, #tpu.memory_space<vmem>>, vector<1x16xf32>,
        %mul3A_700 = arith.mulf %get3A_494, %select_n3A_651 : vector<16xf32>
        %swap3A_701 = arith.index_cast %add3A_458 : i32 to index
        %swap3A_702 = arith.constant 0 : index
        %swap3A_703 = tpu.vector_load %arg11[%swap3A_701, %swap3A_702] {strides = array<i32>} : memref<200x128xf32, #tpu.memory_space<vmem>>, vector<1x16xf32>,
        %swap3A_704 = vector.shape_cast %swap3A_703 : vector<1x16xf32> to vector<16xf32>
        %swap3A_705 = vector.shape_cast %mul3A_700 : vector<16xf32> to vector<1x16xf32>
        tpu.vector_store %arg11[%swap3A_701, %swap3A_702], %swap3A_705 {strides = array<i32>} : memref<200x128xf32, #tpu.memory_space<vmem>>, vector<1x16xf32>,
        %mul3A_706 = arith.mulf %get3A_498, %select_n3A_651 : vector<16xf32>
        %swap3A_707 = arith.index_cast %add3A_458 : i32 to index
        %swap3A_708 = arith.constant 16 : index
        %swap3A_709 = tpu.vector_load %arg11[%swap3A_707, %swap3A_708] {strides = array<i32>} : memref<200x128xf32, #tpu.memory_space<vmem>>, vector<1x16xf32>,
        %swap3A_710 = vector.shape_cast %swap3A_709 : vector<1x16xf32> to vector<16xf32>
        %swap3A_711 = vector.shape_cast %mul3A_706 : vector<16xf32> to vector<1x16xf32>
        tpu.vector_store %arg11[%swap3A_707, %swap3A_708], %swap3A_711 {strides = array<i32>} : memref<200x128xf32, #tpu.memory_space<vmem>>, vector<1x16xf32>,
        %mul3A_712 = arith.mulf %get3A_502, %select_n3A_651 : vector<16xf32>
        %swap3A_713 = arith.index_cast %add3A_458 : i32 to index
        %swap3A_714 = arith.constant 32 : index
        %swap3A_715 = tpu.vector_load %arg11[%swap3A_713, %swap3A_714] {strides = array<i32>} : memref<200x128xf32, #tpu.memory_space<vmem>>, vector<1x16xf32>,
        %swap3A_716 = vector.shape_cast %swap3A_715 : vector<1x16xf32> to vector<16xf32>
        %swap3A_717 = vector.shape_cast %mul3A_712 : vector<16xf32> to vector<1x16xf32>
        tpu.vector_store %arg11[%swap3A_713, %swap3A_714], %swap3A_717 {strides = array<i32>} : memref<200x128xf32, #tpu.memory_space<vmem>>, vector<1x16xf32>,
        %mul3A_718 = arith.mulf %get3A_506, %select_n3A_651 : vector<16xf32>
        %swap3A_719 = arith.index_cast %add3A_458 : i32 to index
        %swap3A_720 = arith.constant 48 : index
        %swap3A_721 = tpu.vector_load %arg11[%swap3A_719, %swap3A_720] {strides = array<i32>} : memref<200x128xf32, #tpu.memory_space<vmem>>, vector<1x16xf32>,
        %swap3A_722 = vector.shape_cast %swap3A_721 : vector<1x16xf32> to vector<16xf32>
        %swap3A_723 = vector.shape_cast %mul3A_718 : vector<16xf32> to vector<1x16xf32>
        tpu.vector_store %arg11[%swap3A_719, %swap3A_720], %swap3A_723 {strides = array<i32>} : memref<200x128xf32, #tpu.memory_space<vmem>>, vector<1x16xf32>,
        %mul3A_724 = arith.mulf %get3A_510, %select_n3A_651 : vector<16xf32>
        %swap3A_725 = arith.index_cast %add3A_458 : i32 to index
        %swap3A_726 = arith.constant 64 : index
        %swap3A_727 = tpu.vector_load %arg11[%swap3A_725, %swap3A_726] {strides = array<i32>} : memref<200x128xf32, #tpu.memory_space<vmem>>, vector<1x16xf32>,
        %swap3A_728 = vector.shape_cast %swap3A_727 : vector<1x16xf32> to vector<16xf32>
        %swap3A_729 = vector.shape_cast %mul3A_724 : vector<16xf32> to vector<1x16xf32>
        tpu.vector_store %arg11[%swap3A_725, %swap3A_726], %swap3A_729 {strides = array<i32>} : memref<200x128xf32, #tpu.memory_space<vmem>>, vector<1x16xf32>,
        %mul3A_730 = arith.mulf %get3A_514, %select_n3A_651 : vector<16xf32>
        %swap3A_731 = arith.index_cast %add3A_458 : i32 to index
        %swap3A_732 = arith.constant 80 : index
        %swap3A_733 = tpu.vector_load %arg11[%swap3A_731, %swap3A_732] {strides = array<i32>} : memref<200x128xf32, #tpu.memory_space<vmem>>, vector<1x16xf32>,
        %swap3A_734 = vector.shape_cast %swap3A_733 : vector<1x16xf32> to vector<16xf32>
        %swap3A_735 = vector.shape_cast %mul3A_730 : vector<16xf32> to vector<1x16xf32>
        tpu.vector_store %arg11[%swap3A_731, %swap3A_732], %swap3A_735 {strides = array<i32>} : memref<200x128xf32, #tpu.memory_space<vmem>>, vector<1x16xf32>,
        %mul3A_736 = arith.mulf %get3A_518, %select_n3A_651 : vector<16xf32>
        %swap3A_737 = arith.index_cast %add3A_458 : i32 to index
        %swap3A_738 = arith.constant 96 : index
        %swap3A_739 = tpu.vector_load %arg11[%swap3A_737, %swap3A_738] {strides = array<i32>} : memref<200x128xf32, #tpu.memory_space<vmem>>, vector<1x16xf32>,
        %swap3A_740 = vector.shape_cast %swap3A_739 : vector<1x16xf32> to vector<16xf32>
        %swap3A_741 = vector.shape_cast %mul3A_736 : vector<16xf32> to vector<1x16xf32>
        tpu.vector_store %arg11[%swap3A_737, %swap3A_738], %swap3A_741 {strides = array<i32>} : memref<200x128xf32, #tpu.memory_space<vmem>>, vector<1x16xf32>,
        %mul3A_742 = arith.mulf %get3A_522, %select_n3A_651 : vector<16xf32>
        %swap3A_743 = arith.index_cast %add3A_458 : i32 to index
        %swap3A_744 = arith.constant 112 : index
        %swap3A_745 = tpu.vector_load %arg11[%swap3A_743, %swap3A_744] {strides = array<i32>} : memref<200x128xf32, #tpu.memory_space<vmem>>, vector<1x16xf32>,
        %swap3A_746 = vector.shape_cast %swap3A_745 : vector<1x16xf32> to vector<16xf32>
        %swap3A_747 = vector.shape_cast %mul3A_742 : vector<16xf32> to vector<1x16xf32>
        tpu.vector_store %arg11[%swap3A_743, %swap3A_744], %swap3A_747 {strides = array<i32>} : memref<200x128xf32, #tpu.memory_space<vmem>>, vector<1x16xf32>,
      }
      %scan3A_92 = arith.constant 100 : i32
      %mul3A_93 = arith.constant 200 : i32
      %mul3A_94 = arith.muli %add3A_83, %mul3A_93 : i32
      %add3A_95 = arith.addi %mul3A_2, %mul3A_94 : i32
      %dma_start3A_96 = arith.constant 0 : i32
      %dma_start3A_97 = tpu.memref_slice %arg5[%add3A_95, %dma_start3A_96] : memref<204800x128xf32, #tpu.memory_space<hbm>> -> memref<200x128xf32, #tpu.memory_space<hbm>>
      %dma_start3A_98 = arith.constant 0 : i32
      %dma_start3A_99 = tpu.memref_slice %arg5[%add3A_95, %dma_start3A_98] : memref<204800x128xf32, #tpu.memory_space<hbm>> -> memref<200x128xf32, #tpu.memory_space<hbm>>
      tpu.enqueue_dma source(%arg11 : memref<200x128xf32, #tpu.memory_space<vmem>>) target(%dma_start3A_99 : memref<200x128xf32, #tpu.memory_space<hbm>>) target_semaphore(%arg20 : memref<!tpu.dma_semaphore, #tpu.memory_space<semaphore_mem>>)
      %add3A_100 = arith.constant 4 : i32
      %add3A_101 = arith.addi %add3A_83, %add3A_100 : i32
      %sub3A_102 = arith.constant 1 : i32
      %sub3A_103 = arith.subi %add3A_101, %sub3A_102 : i32
      %lt3A_104 = arith.constant 32 : i32
      %lt3A_105 = arith.cmpi slt, %sub3A_103, %lt3A_104 : i32
      %convert_element_type3A_106 = arith.extui %lt3A_105 : i1 to i32
      %cond3A_107 = arith.constant 0 : i32
      %cond3A_108 = arith.cmpi ne, %convert_element_type3A_106, %cond3A_107 : i32
      scf.if %cond3A_108 {
        %ge3A = arith.constant 1 : i32
        %ge3A_167 = arith.cmpi sge, %add3A_83, %ge3A : i32
        %convert_element_type3A_168 = arith.extui %ge3A_167 : i1 to i32
        %cond3A_169 = arith.constant 0 : i32
        %cond3A_170 = arith.cmpi ne, %convert_element_type3A_168, %cond3A_169 : i32
        scf.if %cond3A_170 {
          %dma_wait3A_177 = arith.constant 0 : i32
          %dma_wait3A_178 = tpu.memref_slice %arg5[%mul3A_2, %dma_wait3A_177] : memref<204800x128xf32, #tpu.memory_space<hbm>> -> memref<200x128xf32, #tpu.memory_space<hbm>>
          %dma_wait3A_179 = arith.constant 0 : i32
          %dma_wait3A_180 = tpu.memref_slice %arg5[%mul3A_2, %dma_wait3A_179] : memref<204800x128xf32, #tpu.memory_space<hbm>> -> memref<200x128xf32, #tpu.memory_space<hbm>>
          tpu.wait_dma2 semaphore(%arg19 : memref<!tpu.dma_semaphore, #tpu.memory_space<semaphore_mem>>) src(%arg10 : memref<200x128xf32, #tpu.memory_space<vmem>>) dst(%dma_wait3A_180 : memref<200x128xf32, #tpu.memory_space<hbm>>)
        } else {
        }
        %mul3A_171 = arith.constant 200 : i32
        %mul3A_172 = arith.muli %sub3A_103, %mul3A_171 : i32
        %add3A_173 = arith.addi %mul3A_2, %mul3A_172 : i32
        "tpu.region"() ({
          %run_scoped3A = tpu.sem_alloc : memref<!tpu.dma_semaphore, #tpu.memory_space<semaphore_mem>>
          %dma_start3A_177 = tpu.memref_slice %arg2[%add3A_173] : memref<204800xi32, #tpu.memory_space<hbm>> -> memref<200xi32, #tpu.memory_space<hbm>>
          %dma_start3A_178 = tpu.memref_slice %arg2[%add3A_173] : memref<204800xi32, #tpu.memory_space<hbm>> -> memref<200xi32, #tpu.memory_space<hbm>>
          tpu.enqueue_dma source(%dma_start3A_178 : memref<200xi32, #tpu.memory_space<hbm>>) target(%arg6 : memref<200xi32, #tpu.memory_space<vmem>>) target_semaphore(%run_scoped3A : memref<!tpu.dma_semaphore, #tpu.memory_space<semaphore_mem>>)
          %dma_wait3A_179 = tpu.memref_slice %arg2[%add3A_173] : memref<204800xi32, #tpu.memory_space<hbm>> -> memref<200xi32, #tpu.memory_space<hbm>>
          %dma_wait3A_180 = tpu.memref_slice %arg2[%add3A_173] : memref<204800xi32, #tpu.memory_space<hbm>> -> memref<200xi32, #tpu.memory_space<hbm>>
          tpu.wait_dma2 semaphore(%run_scoped3A : memref<!tpu.dma_semaphore, #tpu.memory_space<semaphore_mem>>) src(%dma_wait3A_180 : memref<200xi32, #tpu.memory_space<hbm>>) dst(%arg6 : memref<200xi32, #tpu.memory_space<vmem>>)
          tpu.yield
        }) : () -> ()
        %dma_start3A_174 = arith.constant 0 : i32
        %dma_start3A_175 = arith.constant 0 : i32
        %dma_start3A_176 = tpu.memref_slice %arg3[%dma_start3A_174, %dma_start3A_175] : memref<100000x128xf32, #tpu.memory_space<hbm>> -> memref<100000x128xf32, #tpu.memory_space<hbm>>
        tpu.enqueue_indirect_dma source(%dma_start3A_176 : memref<100000x128xf32, #tpu.memory_space<hbm>>) target(%arg10 : memref<200x128xf32, #tpu.memory_space<vmem>>) offsets(%arg6 : memref<200xi32, #tpu.memory_space<vmem>>) semaphore(%arg15 : memref<!tpu.dma_semaphore, #tpu.memory_space<semaphore_mem>>)
      } else {
      }
      %mul3A_109 = arith.constant 4 : i32
      %mul3A_110 = arith.muli %scan3A_54, %mul3A_109 : i32
      %add3A_111 = arith.constant 2 : i32
      %add3A_112 = arith.addi %mul3A_110, %add3A_111 : i32
      %dma_wait3A_113 = arith.constant 0 : i32
      %dma_wait3A_114 = arith.constant 0 : i32
      %dma_wait3A_115 = tpu.memref_slice %arg3[%dma_wait3A_113, %dma_wait3A_114] : memref<100000x128xf32, #tpu.memory_space<hbm>> -> memref<100000x128xf32, #tpu.memory_space<hbm>>
      tpu.wait_indirect_dma semaphore(%arg17 : memref<!tpu.dma_semaphore, #tpu.memory_space<semaphore_mem>>) src(%dma_wait3A_115 : memref<100000x128xf32, #tpu.memory_space<hbm>>) dst(%arg12 : memref<200x128xf32, #tpu.memory_space<vmem>>)
      %scan3A_116 = arith.constant 0 : i32
      %scan3A_117 = arith.constant 0 : i32
      %scan3A_118 = arith.constant 100 : i32
      %scan3A_119 = arith.addi %scan3A_117, %scan3A_118 : i32
      %scan3A_120 = arith.constant 2 : i32
      scf.for %scan3A_167 = %scan3A_117 to %scan3A_119 step %scan3A_120  : i32 {
        %mul3A_168 = arith.constant 2 : i32
        %mul3A_169 = arith.muli %mul3A_168, %scan3A_167 : i32
        %add3A_170 = arith.constant 1 : i32
        %add3A_171 = arith.addi %mul3A_169, %add3A_170 : i32
        %get3A_172 = arith.index_cast %mul3A_169 : i32 to index
        %get3A_173 = arith.constant 0 : index
        %get3A_174 = tpu.vector_load %arg12[%get3A_172, %get3A_173] {strides = array<i32>} : memref<200x128xf32, #tpu.memory_space<vmem>>, vector<1x16xf32>,
        %get3A_175 = vector.shape_cast %get3A_174 : vector<1x16xf32> to vector<16xf32>
        %get3A_176 = arith.index_cast %mul3A_169 : i32 to index
        %get3A_177 = arith.constant 16 : index
        %get3A_178 = tpu.vector_load %arg12[%get3A_176, %get3A_177] {strides = array<i32>} : memref<200x128xf32, #tpu.memory_space<vmem>>, vector<1x16xf32>,
        %get3A_179 = vector.shape_cast %get3A_178 : vector<1x16xf32> to vector<16xf32>
        %get3A_180 = arith.index_cast %mul3A_169 : i32 to index
        %get3A_181 = arith.constant 32 : index
        %get3A_182 = tpu.vector_load %arg12[%get3A_180, %get3A_181] {strides = array<i32>} : memref<200x128xf32, #tpu.memory_space<vmem>>, vector<1x16xf32>,
        %get3A_183 = vector.shape_cast %get3A_182 : vector<1x16xf32> to vector<16xf32>
        %get3A_184 = arith.index_cast %mul3A_169 : i32 to index
        %get3A_185 = arith.constant 48 : index
        %get3A_186 = tpu.vector_load %arg12[%get3A_184, %get3A_185] {strides = array<i32>} : memref<200x128xf32, #tpu.memory_space<vmem>>, vector<1x16xf32>,
        %get3A_187 = vector.shape_cast %get3A_186 : vector<1x16xf32> to vector<16xf32>
        %get3A_188 = arith.index_cast %mul3A_169 : i32 to index
        %get3A_189 = arith.constant 64 : index
        %get3A_190 = tpu.vector_load %arg12[%get3A_188, %get3A_189] {strides = array<i32>} : memref<200x128xf32, #tpu.memory_space<vmem>>, vector<1x16xf32>,
        %get3A_191 = vector.shape_cast %get3A_190 : vector<1x16xf32> to vector<16xf32>
        %get3A_192 = arith.index_cast %mul3A_169 : i32 to index
        %get3A_193 = arith.constant 80 : index
        %get3A_194 = tpu.vector_load %arg12[%get3A_192, %get3A_193] {strides = array<i32>} : memref<200x128xf32, #tpu.memory_space<vmem>>, vector<1x16xf32>,
        %get3A_195 = vector.shape_cast %get3A_194 : vector<1x16xf32> to vector<16xf32>
        %get3A_196 = arith.index_cast %mul3A_169 : i32 to index
        %get3A_197 = arith.constant 96 : index
        %get3A_198 = tpu.vector_load %arg12[%get3A_196, %get3A_197] {strides = array<i32>} : memref<200x128xf32, #tpu.memory_space<vmem>>, vector<1x16xf32>,
        %get3A_199 = vector.shape_cast %get3A_198 : vector<1x16xf32> to vector<16xf32>
        %get3A_200 = arith.index_cast %mul3A_169 : i32 to index
        %get3A_201 = arith.constant 112 : index
        %get3A_202 = tpu.vector_load %arg12[%get3A_200, %get3A_201] {strides = array<i32>} : memref<200x128xf32, #tpu.memory_space<vmem>>, vector<1x16xf32>,
        %get3A_203 = vector.shape_cast %get3A_202 : vector<1x16xf32> to vector<16xf32>
        %get3A_204 = arith.index_cast %add3A_171 : i32 to index
        %get3A_205 = arith.constant 0 : index
        %get3A_206 = tpu.vector_load %arg12[%get3A_204, %get3A_205] {strides = array<i32>} : memref<200x128xf32, #tpu.memory_space<vmem>>, vector<1x16xf32>,
        %get3A_207 = vector.shape_cast %get3A_206 : vector<1x16xf32> to vector<16xf32>
        %get3A_208 = arith.index_cast %add3A_171 : i32 to index
        %get3A_209 = arith.constant 16 : index
        %get3A_210 = tpu.vector_load %arg12[%get3A_208, %get3A_209] {strides = array<i32>} : memref<200x128xf32, #tpu.memory_space<vmem>>, vector<1x16xf32>,
        %get3A_211 = vector.shape_cast %get3A_210 : vector<1x16xf32> to vector<16xf32>
        %get3A_212 = arith.index_cast %add3A_171 : i32 to index
        %get3A_213 = arith.constant 32 : index
        %get3A_214 = tpu.vector_load %arg12[%get3A_212, %get3A_213] {strides = array<i32>} : memref<200x128xf32, #tpu.memory_space<vmem>>, vector<1x16xf32>,
        %get3A_215 = vector.shape_cast %get3A_214 : vector<1x16xf32> to vector<16xf32>
        %get3A_216 = arith.index_cast %add3A_171 : i32 to index
        %get3A_217 = arith.constant 48 : index
        %get3A_218 = tpu.vector_load %arg12[%get3A_216, %get3A_217] {strides = array<i32>} : memref<200x128xf32, #tpu.memory_space<vmem>>, vector<1x16xf32>,
        %get3A_219 = vector.shape_cast %get3A_218 : vector<1x16xf32> to vector<16xf32>
        %get3A_220 = arith.index_cast %add3A_171 : i32 to index
        %get3A_221 = arith.constant 64 : index
        %get3A_222 = tpu.vector_load %arg12[%get3A_220, %get3A_221] {strides = array<i32>} : memref<200x128xf32, #tpu.memory_space<vmem>>, vector<1x16xf32>,
        %get3A_223 = vector.shape_cast %get3A_222 : vector<1x16xf32> to vector<16xf32>
        %get3A_224 = arith.index_cast %add3A_171 : i32 to index
        %get3A_225 = arith.constant 80 : index
        %get3A_226 = tpu.vector_load %arg12[%get3A_224, %get3A_225] {strides = array<i32>} : memref<200x128xf32, #tpu.memory_space<vmem>>, vector<1x16xf32>,
        %get3A_227 = vector.shape_cast %get3A_226 : vector<1x16xf32> to vector<16xf32>
        %get3A_228 = arith.index_cast %add3A_171 : i32 to index
        %get3A_229 = arith.constant 96 : index
        %get3A_230 = tpu.vector_load %arg12[%get3A_228, %get3A_229] {strides = array<i32>} : memref<200x128xf32, #tpu.memory_space<vmem>>, vector<1x16xf32>,
        %get3A_231 = vector.shape_cast %get3A_230 : vector<1x16xf32> to vector<16xf32>
        %get3A_232 = arith.index_cast %add3A_171 : i32 to index
        %get3A_233 = arith.constant 112 : index
        %get3A_234 = tpu.vector_load %arg12[%get3A_232, %get3A_233] {strides = array<i32>} : memref<200x128xf32, #tpu.memory_space<vmem>>, vector<1x16xf32>,
        %get3A_235 = vector.shape_cast %get3A_234 : vector<1x16xf32> to vector<16xf32>
        %mul3A_236 = arith.mulf %get3A_175, %get3A_175 : vector<16xf32>
        %mul3A_237 = arith.mulf %get3A_207, %get3A_207 : vector<16xf32>
        %mul3A_238 = arith.mulf %get3A_179, %get3A_179 : vector<16xf32>
        %add3A_239 = arith.addf %mul3A_236, %mul3A_238 : vector<16xf32>
        %mul3A_240 = arith.mulf %get3A_211, %get3A_211 : vector<16xf32>
        %add3A_241 = arith.addf %mul3A_237, %mul3A_240 : vector<16xf32>
        %mul3A_242 = arith.mulf %get3A_183, %get3A_183 : vector<16xf32>
        %add3A_243 = arith.addf %add3A_239, %mul3A_242 : vector<16xf32>
        %mul3A_244 = arith.mulf %get3A_215, %get3A_215 : vector<16xf32>
        %add3A_245 = arith.addf %add3A_241, %mul3A_244 : vector<16xf32>
        %mul3A_246 = arith.mulf %get3A_187, %get3A_187 : vector<16xf32>
        %add3A_247 = arith.addf %add3A_243, %mul3A_246 : vector<16xf32>
        %mul3A_248 = arith.mulf %get3A_219, %get3A_219 : vector<16xf32>
        %add3A_249 = arith.addf %add3A_245, %mul3A_248 : vector<16xf32>
        %mul3A_250 = arith.mulf %get3A_191, %get3A_191 : vector<16xf32>
        %add3A_251 = arith.addf %add3A_247, %mul3A_250 : vector<16xf32>
        %mul3A_252 = arith.mulf %get3A_223, %get3A_223 : vector<16xf32>
        %add3A_253 = arith.addf %add3A_249, %mul3A_252 : vector<16xf32>
        %mul3A_254 = arith.mulf %get3A_195, %get3A_195 : vector<16xf32>
        %add3A_255 = arith.addf %add3A_251, %mul3A_254 : vector<16xf32>
        %mul3A_256 = arith.mulf %get3A_227, %get3A_227 : vector<16xf32>
        %add3A_257 = arith.addf %add3A_253, %mul3A_256 : vector<16xf32>
        %mul3A_258 = arith.mulf %get3A_199, %get3A_199 : vector<16xf32>
        %add3A_259 = arith.addf %add3A_255, %mul3A_258 : vector<16xf32>
        %mul3A_260 = arith.mulf %get3A_231, %get3A_231 : vector<16xf32>
        %add3A_261 = arith.addf %add3A_257, %mul3A_260 : vector<16xf32>
        %mul3A_262 = arith.mulf %get3A_203, %get3A_203 : vector<16xf32>
        %add3A_263 = arith.addf %add3A_259, %mul3A_262 : vector<16xf32>
        %mul3A_264 = arith.mulf %get3A_235, %get3A_235 : vector<16xf32>
        %add3A_265 = arith.addf %add3A_261, %mul3A_264 : vector<16xf32>
        %lt3A_266 = arith.constant 0 : i32
        %lt3A_267 = vector.broadcast %lt3A_266 : i32 to vector<16xi32>
        %lt3A_268 = arith.cmpi slt, %xor3A_6, %lt3A_267 : vector<16xi32>
        %add3A_269 = arith.constant 16 : i32
        %add3A_270 = vector.broadcast %add3A_269 : i32 to vector<16xi32>
        %add3A_271 = arith.addi %xor3A_6, %add3A_270 : vector<16xi32>
        %select_n3A = arith.select %lt3A_268, %add3A_271, %xor3A_6 : vector<16xi1>, vector<16xi32>
        %broadcast_in_dim3A = vector.shape_cast %select_n3A : vector<16xi32> to vector<16x1xi32>
        %gather3A = vector.shape_cast %broadcast_in_dim3A : vector<16x1xi32> to vector<16xi32>
        %gather3A_272 = tpu.dynamic_gather %add3A_263[%gather3A] in [0] : vector<16xf32>, vector<16xi32> -> vector<16xf32>
        %add3A_273 = arith.addf %add3A_263, %gather3A_272 : vector<16xf32>
        %lt3A_274 = arith.constant 0 : i32
        %lt3A_275 = vector.broadcast %lt3A_274 : i32 to vector<16xi32>
        %lt3A_276 = arith.cmpi slt, %xor3A_6, %lt3A_275 : vector<16xi32>
        %add3A_277 = arith.constant 16 : i32
        %add3A_278 = vector.broadcast %add3A_277 : i32 to vector<16xi32>
        %add3A_279 = arith.addi %xor3A_6, %add3A_278 : vector<16xi32>
        %select_n3A_280 = arith.select %lt3A_276, %add3A_279, %xor3A_6 : vector<16xi1>, vector<16xi32>
        %broadcast_in_dim3A_281 = vector.shape_cast %select_n3A_280 : vector<16xi32> to vector<16x1xi32>
        %gather3A_282 = vector.shape_cast %broadcast_in_dim3A_281 : vector<16x1xi32> to vector<16xi32>
        %gather3A_283 = tpu.dynamic_gather %add3A_265[%gather3A_282] in [0] : vector<16xf32>, vector<16xi32> -> vector<16xf32>
        %add3A_284 = arith.addf %add3A_265, %gather3A_283 : vector<16xf32>
        %select_n3A_285 = arith.select %eq3A_19, %add3A_273, %add3A_284 : vector<16xi1>, vector<16xf32>
        %lt3A_286 = arith.constant 0 : i32
        %lt3A_287 = vector.broadcast %lt3A_286 : i32 to vector<16xi32>
        %lt3A_288 = arith.cmpi slt, %xor3A_9, %lt3A_287 : vector<16xi32>
        %add3A_289 = arith.constant 16 : i32
        %add3A_290 = vector.broadcast %add3A_289 : i32 to vector<16xi32>
        %add3A_291 = arith.addi %xor3A_9, %add3A_290 : vector<16xi32>
        %select_n3A_292 = arith.select %lt3A_288, %add3A_291, %xor3A_9 : vector<16xi1>, vector<16xi32>
        %broadcast_in_dim3A_293 = vector.shape_cast %select_n3A_292 : vector<16xi32> to vector<16x1xi32>
        %gather3A_294 = vector.shape_cast %broadcast_in_dim3A_293 : vector<16x1xi32> to vector<16xi32>
        %gather3A_295 = tpu.dynamic_gather %select_n3A_285[%gather3A_294] in [0] : vector<16xf32>, vector<16xi32> -> vector<16xf32>
        %add3A_296 = arith.addf %select_n3A_285, %gather3A_295 : vector<16xf32>
        %lt3A_297 = arith.constant 0 : i32
        %lt3A_298 = vector.broadcast %lt3A_297 : i32 to vector<16xi32>
        %lt3A_299 = arith.cmpi slt, %xor3A_12, %lt3A_298 : vector<16xi32>
        %add3A_300 = arith.constant 16 : i32
        %add3A_301 = vector.broadcast %add3A_300 : i32 to vector<16xi32>
        %add3A_302 = arith.addi %xor3A_12, %add3A_301 : vector<16xi32>
        %select_n3A_303 = arith.select %lt3A_299, %add3A_302, %xor3A_12 : vector<16xi1>, vector<16xi32>
        %broadcast_in_dim3A_304 = vector.shape_cast %select_n3A_303 : vector<16xi32> to vector<16x1xi32>
        %gather3A_305 = vector.shape_cast %broadcast_in_dim3A_304 : vector<16x1xi32> to vector<16xi32>
        %gather3A_306 = tpu.dynamic_gather %add3A_296[%gather3A_305] in [0] : vector<16xf32>, vector<16xi32> -> vector<16xf32>
        %add3A_307 = arith.addf %add3A_296, %gather3A_306 : vector<16xf32>
        %lt3A_308 = arith.constant 0 : i32
        %lt3A_309 = vector.broadcast %lt3A_308 : i32 to vector<16xi32>
        %lt3A_310 = arith.cmpi slt, %xor3A_15, %lt3A_309 : vector<16xi32>
        %add3A_311 = arith.constant 16 : i32
        %add3A_312 = vector.broadcast %add3A_311 : i32 to vector<16xi32>
        %add3A_313 = arith.addi %xor3A_15, %add3A_312 : vector<16xi32>
        %select_n3A_314 = arith.select %lt3A_310, %add3A_313, %xor3A_15 : vector<16xi1>, vector<16xi32>
        %broadcast_in_dim3A_315 = vector.shape_cast %select_n3A_314 : vector<16xi32> to vector<16x1xi32>
        %gather3A_316 = vector.shape_cast %broadcast_in_dim3A_315 : vector<16x1xi32> to vector<16xi32>
        %gather3A_317 = tpu.dynamic_gather %add3A_307[%gather3A_316] in [0] : vector<16xf32>, vector<16xi32> -> vector<16xf32>
        %add3A_318 = arith.addf %add3A_307, %gather3A_317 : vector<16xf32>
        %bitcast_convert_type3A = tpu.bitcast %add3A_318 : vector<16xf32> -> vector<16xi32>
        %shift_right_arithmetic3A = arith.constant 1 : i32
        %shift_right_arithmetic3A_319 = vector.broadcast %shift_right_arithmetic3A : i32 to vector<16xi32>
        %shift_right_arithmetic3A_320 = arith.shrsi %bitcast_convert_type3A, %shift_right_arithmetic3A_319 : vector<16xi32>
        %sub3A_321 = arith.constant 1597463007 : i32
        %sub3A_322 = vector.broadcast %sub3A_321 : i32 to vector<16xi32>
        %sub3A_323 = arith.subi %sub3A_322, %shift_right_arithmetic3A_320 : vector<16xi32>
        %bitcast_convert_type3A_324 = tpu.bitcast %sub3A_323 : vector<16xi32> -> vector<16xf32>
        %mul3A_325 = arith.constant 5.000000e-01 : f32
        %mul3A_326 = vector.broadcast %mul3A_325 : f32 to vector<16xf32>
        %mul3A_327 = arith.mulf %mul3A_326, %add3A_318 : vector<16xf32>
        %mul3A_328 = arith.mulf %mul3A_327, %bitcast_convert_type3A_324 : vector<16xf32>
        %mul3A_329 = arith.mulf %mul3A_328, %bitcast_convert_type3A_324 : vector<16xf32>
        %sub3A_330 = arith.constant 1.500000e+00 : f32
        %sub3A_331 = vector.broadcast %sub3A_330 : f32 to vector<16xf32>
        %sub3A_332 = arith.subf %sub3A_331, %mul3A_329 : vector<16xf32>
        %mul3A_333 = arith.mulf %bitcast_convert_type3A_324, %sub3A_332 : vector<16xf32>
        %mul3A_334 = arith.constant 5.000000e-01 : f32
        %mul3A_335 = vector.broadcast %mul3A_334 : f32 to vector<16xf32>
        %mul3A_336 = arith.mulf %mul3A_335, %add3A_318 : vector<16xf32>
        %mul3A_337 = arith.mulf %mul3A_336, %mul3A_333 : vector<16xf32>
        %mul3A_338 = arith.mulf %mul3A_337, %mul3A_333 : vector<16xf32>
        %sub3A_339 = arith.constant 1.500000e+00 : f32
        %sub3A_340 = vector.broadcast %sub3A_339 : f32 to vector<16xf32>
        %sub3A_341 = arith.subf %sub3A_340, %mul3A_338 : vector<16xf32>
        %mul3A_342 = arith.mulf %mul3A_333, %sub3A_341 : vector<16xf32>
        %mul3A_343 = arith.mulf %add3A_318, %mul3A_342 : vector<16xf32>
        %max3A = arith.maximumf %mul3A_343, %get3A_4 : vector<16xf32>
        %div3A = arith.constant 1.000000e+00 : f32
        %div3A_344 = vector.broadcast %div3A : f32 to vector<16xf32>
        %div3A_345 = arith.divf %div3A_344, %max3A : vector<16xf32>
        %lt3A_346 = arith.constant 0 : i32
        %lt3A_347 = vector.broadcast %lt3A_346 : i32 to vector<16xi32>
        %lt3A_348 = arith.cmpi slt, %xor3A_6, %lt3A_347 : vector<16xi32>
        %add3A_349 = arith.constant 16 : i32
        %add3A_350 = vector.broadcast %add3A_349 : i32 to vector<16xi32>
        %add3A_351 = arith.addi %xor3A_6, %add3A_350 : vector<16xi32>
        %select_n3A_352 = arith.select %lt3A_348, %add3A_351, %xor3A_6 : vector<16xi1>, vector<16xi32>
        %broadcast_in_dim3A_353 = vector.shape_cast %select_n3A_352 : vector<16xi32> to vector<16x1xi32>
        %gather3A_354 = vector.shape_cast %broadcast_in_dim3A_353 : vector<16x1xi32> to vector<16xi32>
        %gather3A_355 = tpu.dynamic_gather %div3A_345[%gather3A_354] in [0] : vector<16xf32>, vector<16xi32> -> vector<16xf32>
        %select_n3A_356 = arith.select %eq3A_19, %div3A_345, %gather3A_355 : vector<16xi1>, vector<16xf32>
        %select_n3A_357 = arith.select %eq3A_19, %gather3A_355, %div3A_345 : vector<16xi1>, vector<16xf32>
        %mul3A_358 = arith.mulf %get3A_175, %select_n3A_356 : vector<16xf32>
        %swap3A = arith.index_cast %mul3A_169 : i32 to index
        %swap3A_359 = arith.constant 0 : index
        %swap3A_360 = tpu.vector_load %arg12[%swap3A, %swap3A_359] {strides = array<i32>} : memref<200x128xf32, #tpu.memory_space<vmem>>, vector<1x16xf32>,
        %swap3A_361 = vector.shape_cast %swap3A_360 : vector<1x16xf32> to vector<16xf32>
        %swap3A_362 = vector.shape_cast %mul3A_358 : vector<16xf32> to vector<1x16xf32>
        tpu.vector_store %arg12[%swap3A, %swap3A_359], %swap3A_362 {strides = array<i32>} : memref<200x128xf32, #tpu.memory_space<vmem>>, vector<1x16xf32>,
        %mul3A_363 = arith.mulf %get3A_179, %select_n3A_356 : vector<16xf32>
        %swap3A_364 = arith.index_cast %mul3A_169 : i32 to index
        %swap3A_365 = arith.constant 16 : index
        %swap3A_366 = tpu.vector_load %arg12[%swap3A_364, %swap3A_365] {strides = array<i32>} : memref<200x128xf32, #tpu.memory_space<vmem>>, vector<1x16xf32>,
        %swap3A_367 = vector.shape_cast %swap3A_366 : vector<1x16xf32> to vector<16xf32>
        %swap3A_368 = vector.shape_cast %mul3A_363 : vector<16xf32> to vector<1x16xf32>
        tpu.vector_store %arg12[%swap3A_364, %swap3A_365], %swap3A_368 {strides = array<i32>} : memref<200x128xf32, #tpu.memory_space<vmem>>, vector<1x16xf32>,
        %mul3A_369 = arith.mulf %get3A_183, %select_n3A_356 : vector<16xf32>
        %swap3A_370 = arith.index_cast %mul3A_169 : i32 to index
        %swap3A_371 = arith.constant 32 : index
        %swap3A_372 = tpu.vector_load %arg12[%swap3A_370, %swap3A_371] {strides = array<i32>} : memref<200x128xf32, #tpu.memory_space<vmem>>, vector<1x16xf32>,
        %swap3A_373 = vector.shape_cast %swap3A_372 : vector<1x16xf32> to vector<16xf32>
        %swap3A_374 = vector.shape_cast %mul3A_369 : vector<16xf32> to vector<1x16xf32>
        tpu.vector_store %arg12[%swap3A_370, %swap3A_371], %swap3A_374 {strides = array<i32>} : memref<200x128xf32, #tpu.memory_space<vmem>>, vector<1x16xf32>,
        %mul3A_375 = arith.mulf %get3A_187, %select_n3A_356 : vector<16xf32>
        %swap3A_376 = arith.index_cast %mul3A_169 : i32 to index
        %swap3A_377 = arith.constant 48 : index
        %swap3A_378 = tpu.vector_load %arg12[%swap3A_376, %swap3A_377] {strides = array<i32>} : memref<200x128xf32, #tpu.memory_space<vmem>>, vector<1x16xf32>,
        %swap3A_379 = vector.shape_cast %swap3A_378 : vector<1x16xf32> to vector<16xf32>
        %swap3A_380 = vector.shape_cast %mul3A_375 : vector<16xf32> to vector<1x16xf32>
        tpu.vector_store %arg12[%swap3A_376, %swap3A_377], %swap3A_380 {strides = array<i32>} : memref<200x128xf32, #tpu.memory_space<vmem>>, vector<1x16xf32>,
        %mul3A_381 = arith.mulf %get3A_191, %select_n3A_356 : vector<16xf32>
        %swap3A_382 = arith.index_cast %mul3A_169 : i32 to index
        %swap3A_383 = arith.constant 64 : index
        %swap3A_384 = tpu.vector_load %arg12[%swap3A_382, %swap3A_383] {strides = array<i32>} : memref<200x128xf32, #tpu.memory_space<vmem>>, vector<1x16xf32>,
        %swap3A_385 = vector.shape_cast %swap3A_384 : vector<1x16xf32> to vector<16xf32>
        %swap3A_386 = vector.shape_cast %mul3A_381 : vector<16xf32> to vector<1x16xf32>
        tpu.vector_store %arg12[%swap3A_382, %swap3A_383], %swap3A_386 {strides = array<i32>} : memref<200x128xf32, #tpu.memory_space<vmem>>, vector<1x16xf32>,
        %mul3A_387 = arith.mulf %get3A_195, %select_n3A_356 : vector<16xf32>
        %swap3A_388 = arith.index_cast %mul3A_169 : i32 to index
        %swap3A_389 = arith.constant 80 : index
        %swap3A_390 = tpu.vector_load %arg12[%swap3A_388, %swap3A_389] {strides = array<i32>} : memref<200x128xf32, #tpu.memory_space<vmem>>, vector<1x16xf32>,
        %swap3A_391 = vector.shape_cast %swap3A_390 : vector<1x16xf32> to vector<16xf32>
        %swap3A_392 = vector.shape_cast %mul3A_387 : vector<16xf32> to vector<1x16xf32>
        tpu.vector_store %arg12[%swap3A_388, %swap3A_389], %swap3A_392 {strides = array<i32>} : memref<200x128xf32, #tpu.memory_space<vmem>>, vector<1x16xf32>,
        %mul3A_393 = arith.mulf %get3A_199, %select_n3A_356 : vector<16xf32>
        %swap3A_394 = arith.index_cast %mul3A_169 : i32 to index
        %swap3A_395 = arith.constant 96 : index
        %swap3A_396 = tpu.vector_load %arg12[%swap3A_394, %swap3A_395] {strides = array<i32>} : memref<200x128xf32, #tpu.memory_space<vmem>>, vector<1x16xf32>,
        %swap3A_397 = vector.shape_cast %swap3A_396 : vector<1x16xf32> to vector<16xf32>
        %swap3A_398 = vector.shape_cast %mul3A_393 : vector<16xf32> to vector<1x16xf32>
        tpu.vector_store %arg12[%swap3A_394, %swap3A_395], %swap3A_398 {strides = array<i32>} : memref<200x128xf32, #tpu.memory_space<vmem>>, vector<1x16xf32>,
        %mul3A_399 = arith.mulf %get3A_203, %select_n3A_356 : vector<16xf32>
        %swap3A_400 = arith.index_cast %mul3A_169 : i32 to index
        %swap3A_401 = arith.constant 112 : index
        %swap3A_402 = tpu.vector_load %arg12[%swap3A_400, %swap3A_401] {strides = array<i32>} : memref<200x128xf32, #tpu.memory_space<vmem>>, vector<1x16xf32>,
        %swap3A_403 = vector.shape_cast %swap3A_402 : vector<1x16xf32> to vector<16xf32>
        %swap3A_404 = vector.shape_cast %mul3A_399 : vector<16xf32> to vector<1x16xf32>
        tpu.vector_store %arg12[%swap3A_400, %swap3A_401], %swap3A_404 {strides = array<i32>} : memref<200x128xf32, #tpu.memory_space<vmem>>, vector<1x16xf32>,
        %mul3A_405 = arith.mulf %get3A_207, %select_n3A_357 : vector<16xf32>
        %swap3A_406 = arith.index_cast %add3A_171 : i32 to index
        %swap3A_407 = arith.constant 0 : index
        %swap3A_408 = tpu.vector_load %arg12[%swap3A_406, %swap3A_407] {strides = array<i32>} : memref<200x128xf32, #tpu.memory_space<vmem>>, vector<1x16xf32>,
        %swap3A_409 = vector.shape_cast %swap3A_408 : vector<1x16xf32> to vector<16xf32>
        %swap3A_410 = vector.shape_cast %mul3A_405 : vector<16xf32> to vector<1x16xf32>
        tpu.vector_store %arg12[%swap3A_406, %swap3A_407], %swap3A_410 {strides = array<i32>} : memref<200x128xf32, #tpu.memory_space<vmem>>, vector<1x16xf32>,
        %mul3A_411 = arith.mulf %get3A_211, %select_n3A_357 : vector<16xf32>
        %swap3A_412 = arith.index_cast %add3A_171 : i32 to index
        %swap3A_413 = arith.constant 16 : index
        %swap3A_414 = tpu.vector_load %arg12[%swap3A_412, %swap3A_413] {strides = array<i32>} : memref<200x128xf32, #tpu.memory_space<vmem>>, vector<1x16xf32>,
        %swap3A_415 = vector.shape_cast %swap3A_414 : vector<1x16xf32> to vector<16xf32>
        %swap3A_416 = vector.shape_cast %mul3A_411 : vector<16xf32> to vector<1x16xf32>
        tpu.vector_store %arg12[%swap3A_412, %swap3A_413], %swap3A_416 {strides = array<i32>} : memref<200x128xf32, #tpu.memory_space<vmem>>, vector<1x16xf32>,
        %mul3A_417 = arith.mulf %get3A_215, %select_n3A_357 : vector<16xf32>
        %swap3A_418 = arith.index_cast %add3A_171 : i32 to index
        %swap3A_419 = arith.constant 32 : index
        %swap3A_420 = tpu.vector_load %arg12[%swap3A_418, %swap3A_419] {strides = array<i32>} : memref<200x128xf32, #tpu.memory_space<vmem>>, vector<1x16xf32>,
        %swap3A_421 = vector.shape_cast %swap3A_420 : vector<1x16xf32> to vector<16xf32>
        %swap3A_422 = vector.shape_cast %mul3A_417 : vector<16xf32> to vector<1x16xf32>
        tpu.vector_store %arg12[%swap3A_418, %swap3A_419], %swap3A_422 {strides = array<i32>} : memref<200x128xf32, #tpu.memory_space<vmem>>, vector<1x16xf32>,
        %mul3A_423 = arith.mulf %get3A_219, %select_n3A_357 : vector<16xf32>
        %swap3A_424 = arith.index_cast %add3A_171 : i32 to index
        %swap3A_425 = arith.constant 48 : index
        %swap3A_426 = tpu.vector_load %arg12[%swap3A_424, %swap3A_425] {strides = array<i32>} : memref<200x128xf32, #tpu.memory_space<vmem>>, vector<1x16xf32>,
        %swap3A_427 = vector.shape_cast %swap3A_426 : vector<1x16xf32> to vector<16xf32>
        %swap3A_428 = vector.shape_cast %mul3A_423 : vector<16xf32> to vector<1x16xf32>
        tpu.vector_store %arg12[%swap3A_424, %swap3A_425], %swap3A_428 {strides = array<i32>} : memref<200x128xf32, #tpu.memory_space<vmem>>, vector<1x16xf32>,
        %mul3A_429 = arith.mulf %get3A_223, %select_n3A_357 : vector<16xf32>
        %swap3A_430 = arith.index_cast %add3A_171 : i32 to index
        %swap3A_431 = arith.constant 64 : index
        %swap3A_432 = tpu.vector_load %arg12[%swap3A_430, %swap3A_431] {strides = array<i32>} : memref<200x128xf32, #tpu.memory_space<vmem>>, vector<1x16xf32>,
        %swap3A_433 = vector.shape_cast %swap3A_432 : vector<1x16xf32> to vector<16xf32>
        %swap3A_434 = vector.shape_cast %mul3A_429 : vector<16xf32> to vector<1x16xf32>
        tpu.vector_store %arg12[%swap3A_430, %swap3A_431], %swap3A_434 {strides = array<i32>} : memref<200x128xf32, #tpu.memory_space<vmem>>, vector<1x16xf32>,
        %mul3A_435 = arith.mulf %get3A_227, %select_n3A_357 : vector<16xf32>
        %swap3A_436 = arith.index_cast %add3A_171 : i32 to index
        %swap3A_437 = arith.constant 80 : index
        %swap3A_438 = tpu.vector_load %arg12[%swap3A_436, %swap3A_437] {strides = array<i32>} : memref<200x128xf32, #tpu.memory_space<vmem>>, vector<1x16xf32>,
        %swap3A_439 = vector.shape_cast %swap3A_438 : vector<1x16xf32> to vector<16xf32>
        %swap3A_440 = vector.shape_cast %mul3A_435 : vector<16xf32> to vector<1x16xf32>
        tpu.vector_store %arg12[%swap3A_436, %swap3A_437], %swap3A_440 {strides = array<i32>} : memref<200x128xf32, #tpu.memory_space<vmem>>, vector<1x16xf32>,
        %mul3A_441 = arith.mulf %get3A_231, %select_n3A_357 : vector<16xf32>
        %swap3A_442 = arith.index_cast %add3A_171 : i32 to index
        %swap3A_443 = arith.constant 96 : index
        %swap3A_444 = tpu.vector_load %arg12[%swap3A_442, %swap3A_443] {strides = array<i32>} : memref<200x128xf32, #tpu.memory_space<vmem>>, vector<1x16xf32>,
        %swap3A_445 = vector.shape_cast %swap3A_444 : vector<1x16xf32> to vector<16xf32>
        %swap3A_446 = vector.shape_cast %mul3A_441 : vector<16xf32> to vector<1x16xf32>
        tpu.vector_store %arg12[%swap3A_442, %swap3A_443], %swap3A_446 {strides = array<i32>} : memref<200x128xf32, #tpu.memory_space<vmem>>, vector<1x16xf32>,
        %mul3A_447 = arith.mulf %get3A_235, %select_n3A_357 : vector<16xf32>
        %swap3A_448 = arith.index_cast %add3A_171 : i32 to index
        %swap3A_449 = arith.constant 112 : index
        %swap3A_450 = tpu.vector_load %arg12[%swap3A_448, %swap3A_449] {strides = array<i32>} : memref<200x128xf32, #tpu.memory_space<vmem>>, vector<1x16xf32>,
        %swap3A_451 = vector.shape_cast %swap3A_450 : vector<1x16xf32> to vector<16xf32>
        %swap3A_452 = vector.shape_cast %mul3A_447 : vector<16xf32> to vector<1x16xf32>
        tpu.vector_store %arg12[%swap3A_448, %swap3A_449], %swap3A_452 {strides = array<i32>} : memref<200x128xf32, #tpu.memory_space<vmem>>, vector<1x16xf32>,
        %scan3A_453 = arith.constant 1 : i32
        %scan3A_454 = arith.addi %scan3A_167, %scan3A_453 : i32
        %mul3A_455 = arith.constant 2 : i32
        %mul3A_456 = arith.muli %mul3A_455, %scan3A_454 : i32
        %add3A_457 = arith.constant 1 : i32
        %add3A_458 = arith.addi %mul3A_456, %add3A_457 : i32
        %get3A_459 = arith.index_cast %mul3A_456 : i32 to index
        %get3A_460 = arith.constant 0 : index
        %get3A_461 = tpu.vector_load %arg12[%get3A_459, %get3A_460] {strides = array<i32>} : memref<200x128xf32, #tpu.memory_space<vmem>>, vector<1x16xf32>,
        %get3A_462 = vector.shape_cast %get3A_461 : vector<1x16xf32> to vector<16xf32>
        %get3A_463 = arith.index_cast %mul3A_456 : i32 to index
        %get3A_464 = arith.constant 16 : index
        %get3A_465 = tpu.vector_load %arg12[%get3A_463, %get3A_464] {strides = array<i32>} : memref<200x128xf32, #tpu.memory_space<vmem>>, vector<1x16xf32>,
        %get3A_466 = vector.shape_cast %get3A_465 : vector<1x16xf32> to vector<16xf32>
        %get3A_467 = arith.index_cast %mul3A_456 : i32 to index
        %get3A_468 = arith.constant 32 : index
        %get3A_469 = tpu.vector_load %arg12[%get3A_467, %get3A_468] {strides = array<i32>} : memref<200x128xf32, #tpu.memory_space<vmem>>, vector<1x16xf32>,
        %get3A_470 = vector.shape_cast %get3A_469 : vector<1x16xf32> to vector<16xf32>
        %get3A_471 = arith.index_cast %mul3A_456 : i32 to index
        %get3A_472 = arith.constant 48 : index
        %get3A_473 = tpu.vector_load %arg12[%get3A_471, %get3A_472] {strides = array<i32>} : memref<200x128xf32, #tpu.memory_space<vmem>>, vector<1x16xf32>,
        %get3A_474 = vector.shape_cast %get3A_473 : vector<1x16xf32> to vector<16xf32>
        %get3A_475 = arith.index_cast %mul3A_456 : i32 to index
        %get3A_476 = arith.constant 64 : index
        %get3A_477 = tpu.vector_load %arg12[%get3A_475, %get3A_476] {strides = array<i32>} : memref<200x128xf32, #tpu.memory_space<vmem>>, vector<1x16xf32>,
        %get3A_478 = vector.shape_cast %get3A_477 : vector<1x16xf32> to vector<16xf32>
        %get3A_479 = arith.index_cast %mul3A_456 : i32 to index
        %get3A_480 = arith.constant 80 : index
        %get3A_481 = tpu.vector_load %arg12[%get3A_479, %get3A_480] {strides = array<i32>} : memref<200x128xf32, #tpu.memory_space<vmem>>, vector<1x16xf32>,
        %get3A_482 = vector.shape_cast %get3A_481 : vector<1x16xf32> to vector<16xf32>
        %get3A_483 = arith.index_cast %mul3A_456 : i32 to index
        %get3A_484 = arith.constant 96 : index
        %get3A_485 = tpu.vector_load %arg12[%get3A_483, %get3A_484] {strides = array<i32>} : memref<200x128xf32, #tpu.memory_space<vmem>>, vector<1x16xf32>,
        %get3A_486 = vector.shape_cast %get3A_485 : vector<1x16xf32> to vector<16xf32>
        %get3A_487 = arith.index_cast %mul3A_456 : i32 to index
        %get3A_488 = arith.constant 112 : index
        %get3A_489 = tpu.vector_load %arg12[%get3A_487, %get3A_488] {strides = array<i32>} : memref<200x128xf32, #tpu.memory_space<vmem>>, vector<1x16xf32>,
        %get3A_490 = vector.shape_cast %get3A_489 : vector<1x16xf32> to vector<16xf32>
        %get3A_491 = arith.index_cast %add3A_458 : i32 to index
        %get3A_492 = arith.constant 0 : index
        %get3A_493 = tpu.vector_load %arg12[%get3A_491, %get3A_492] {strides = array<i32>} : memref<200x128xf32, #tpu.memory_space<vmem>>, vector<1x16xf32>,
        %get3A_494 = vector.shape_cast %get3A_493 : vector<1x16xf32> to vector<16xf32>
        %get3A_495 = arith.index_cast %add3A_458 : i32 to index
        %get3A_496 = arith.constant 16 : index
        %get3A_497 = tpu.vector_load %arg12[%get3A_495, %get3A_496] {strides = array<i32>} : memref<200x128xf32, #tpu.memory_space<vmem>>, vector<1x16xf32>,
        %get3A_498 = vector.shape_cast %get3A_497 : vector<1x16xf32> to vector<16xf32>
        %get3A_499 = arith.index_cast %add3A_458 : i32 to index
        %get3A_500 = arith.constant 32 : index
        %get3A_501 = tpu.vector_load %arg12[%get3A_499, %get3A_500] {strides = array<i32>} : memref<200x128xf32, #tpu.memory_space<vmem>>, vector<1x16xf32>,
        %get3A_502 = vector.shape_cast %get3A_501 : vector<1x16xf32> to vector<16xf32>
        %get3A_503 = arith.index_cast %add3A_458 : i32 to index
        %get3A_504 = arith.constant 48 : index
        %get3A_505 = tpu.vector_load %arg12[%get3A_503, %get3A_504] {strides = array<i32>} : memref<200x128xf32, #tpu.memory_space<vmem>>, vector<1x16xf32>,
        %get3A_506 = vector.shape_cast %get3A_505 : vector<1x16xf32> to vector<16xf32>
        %get3A_507 = arith.index_cast %add3A_458 : i32 to index
        %get3A_508 = arith.constant 64 : index
        %get3A_509 = tpu.vector_load %arg12[%get3A_507, %get3A_508] {strides = array<i32>} : memref<200x128xf32, #tpu.memory_space<vmem>>, vector<1x16xf32>,
        %get3A_510 = vector.shape_cast %get3A_509 : vector<1x16xf32> to vector<16xf32>
        %get3A_511 = arith.index_cast %add3A_458 : i32 to index
        %get3A_512 = arith.constant 80 : index
        %get3A_513 = tpu.vector_load %arg12[%get3A_511, %get3A_512] {strides = array<i32>} : memref<200x128xf32, #tpu.memory_space<vmem>>, vector<1x16xf32>,
        %get3A_514 = vector.shape_cast %get3A_513 : vector<1x16xf32> to vector<16xf32>
        %get3A_515 = arith.index_cast %add3A_458 : i32 to index
        %get3A_516 = arith.constant 96 : index
        %get3A_517 = tpu.vector_load %arg12[%get3A_515, %get3A_516] {strides = array<i32>} : memref<200x128xf32, #tpu.memory_space<vmem>>, vector<1x16xf32>,
        %get3A_518 = vector.shape_cast %get3A_517 : vector<1x16xf32> to vector<16xf32>
        %get3A_519 = arith.index_cast %add3A_458 : i32 to index
        %get3A_520 = arith.constant 112 : index
        %get3A_521 = tpu.vector_load %arg12[%get3A_519, %get3A_520] {strides = array<i32>} : memref<200x128xf32, #tpu.memory_space<vmem>>, vector<1x16xf32>,
        %get3A_522 = vector.shape_cast %get3A_521 : vector<1x16xf32> to vector<16xf32>
        %mul3A_523 = arith.mulf %get3A_462, %get3A_462 : vector<16xf32>
        %mul3A_524 = arith.mulf %get3A_494, %get3A_494 : vector<16xf32>
        %mul3A_525 = arith.mulf %get3A_466, %get3A_466 : vector<16xf32>
        %add3A_526 = arith.addf %mul3A_523, %mul3A_525 : vector<16xf32>
        %mul3A_527 = arith.mulf %get3A_498, %get3A_498 : vector<16xf32>
        %add3A_528 = arith.addf %mul3A_524, %mul3A_527 : vector<16xf32>
        %mul3A_529 = arith.mulf %get3A_470, %get3A_470 : vector<16xf32>
        %add3A_530 = arith.addf %add3A_526, %mul3A_529 : vector<16xf32>
        %mul3A_531 = arith.mulf %get3A_502, %get3A_502 : vector<16xf32>
        %add3A_532 = arith.addf %add3A_528, %mul3A_531 : vector<16xf32>
        %mul3A_533 = arith.mulf %get3A_474, %get3A_474 : vector<16xf32>
        %add3A_534 = arith.addf %add3A_530, %mul3A_533 : vector<16xf32>
        %mul3A_535 = arith.mulf %get3A_506, %get3A_506 : vector<16xf32>
        %add3A_536 = arith.addf %add3A_532, %mul3A_535 : vector<16xf32>
        %mul3A_537 = arith.mulf %get3A_478, %get3A_478 : vector<16xf32>
        %add3A_538 = arith.addf %add3A_534, %mul3A_537 : vector<16xf32>
        %mul3A_539 = arith.mulf %get3A_510, %get3A_510 : vector<16xf32>
        %add3A_540 = arith.addf %add3A_536, %mul3A_539 : vector<16xf32>
        %mul3A_541 = arith.mulf %get3A_482, %get3A_482 : vector<16xf32>
        %add3A_542 = arith.addf %add3A_538, %mul3A_541 : vector<16xf32>
        %mul3A_543 = arith.mulf %get3A_514, %get3A_514 : vector<16xf32>
        %add3A_544 = arith.addf %add3A_540, %mul3A_543 : vector<16xf32>
        %mul3A_545 = arith.mulf %get3A_486, %get3A_486 : vector<16xf32>
        %add3A_546 = arith.addf %add3A_542, %mul3A_545 : vector<16xf32>
        %mul3A_547 = arith.mulf %get3A_518, %get3A_518 : vector<16xf32>
        %add3A_548 = arith.addf %add3A_544, %mul3A_547 : vector<16xf32>
        %mul3A_549 = arith.mulf %get3A_490, %get3A_490 : vector<16xf32>
        %add3A_550 = arith.addf %add3A_546, %mul3A_549 : vector<16xf32>
        %mul3A_551 = arith.mulf %get3A_522, %get3A_522 : vector<16xf32>
        %add3A_552 = arith.addf %add3A_548, %mul3A_551 : vector<16xf32>
        %lt3A_553 = arith.constant 0 : i32
        %lt3A_554 = vector.broadcast %lt3A_553 : i32 to vector<16xi32>
        %lt3A_555 = arith.cmpi slt, %xor3A_6, %lt3A_554 : vector<16xi32>
        %add3A_556 = arith.constant 16 : i32
        %add3A_557 = vector.broadcast %add3A_556 : i32 to vector<16xi32>
        %add3A_558 = arith.addi %xor3A_6, %add3A_557 : vector<16xi32>
        %select_n3A_559 = arith.select %lt3A_555, %add3A_558, %xor3A_6 : vector<16xi1>, vector<16xi32>
        %broadcast_in_dim3A_560 = vector.shape_cast %select_n3A_559 : vector<16xi32> to vector<16x1xi32>
        %gather3A_561 = vector.shape_cast %broadcast_in_dim3A_560 : vector<16x1xi32> to vector<16xi32>
        %gather3A_562 = tpu.dynamic_gather %add3A_550[%gather3A_561] in [0] : vector<16xf32>, vector<16xi32> -> vector<16xf32>
        %add3A_563 = arith.addf %add3A_550, %gather3A_562 : vector<16xf32>
        %lt3A_564 = arith.constant 0 : i32
        %lt3A_565 = vector.broadcast %lt3A_564 : i32 to vector<16xi32>
        %lt3A_566 = arith.cmpi slt, %xor3A_6, %lt3A_565 : vector<16xi32>
        %add3A_567 = arith.constant 16 : i32
        %add3A_568 = vector.broadcast %add3A_567 : i32 to vector<16xi32>
        %add3A_569 = arith.addi %xor3A_6, %add3A_568 : vector<16xi32>
        %select_n3A_570 = arith.select %lt3A_566, %add3A_569, %xor3A_6 : vector<16xi1>, vector<16xi32>
        %broadcast_in_dim3A_571 = vector.shape_cast %select_n3A_570 : vector<16xi32> to vector<16x1xi32>
        %gather3A_572 = vector.shape_cast %broadcast_in_dim3A_571 : vector<16x1xi32> to vector<16xi32>
        %gather3A_573 = tpu.dynamic_gather %add3A_552[%gather3A_572] in [0] : vector<16xf32>, vector<16xi32> -> vector<16xf32>
        %add3A_574 = arith.addf %add3A_552, %gather3A_573 : vector<16xf32>
        %select_n3A_575 = arith.select %eq3A_19, %add3A_563, %add3A_574 : vector<16xi1>, vector<16xf32>
        %lt3A_576 = arith.constant 0 : i32
        %lt3A_577 = vector.broadcast %lt3A_576 : i32 to vector<16xi32>
        %lt3A_578 = arith.cmpi slt, %xor3A_9, %lt3A_577 : vector<16xi32>
        %add3A_579 = arith.constant 16 : i32
        %add3A_580 = vector.broadcast %add3A_579 : i32 to vector<16xi32>
        %add3A_581 = arith.addi %xor3A_9, %add3A_580 : vector<16xi32>
        %select_n3A_582 = arith.select %lt3A_578, %add3A_581, %xor3A_9 : vector<16xi1>, vector<16xi32>
        %broadcast_in_dim3A_583 = vector.shape_cast %select_n3A_582 : vector<16xi32> to vector<16x1xi32>
        %gather3A_584 = vector.shape_cast %broadcast_in_dim3A_583 : vector<16x1xi32> to vector<16xi32>
        %gather3A_585 = tpu.dynamic_gather %select_n3A_575[%gather3A_584] in [0] : vector<16xf32>, vector<16xi32> -> vector<16xf32>
        %add3A_586 = arith.addf %select_n3A_575, %gather3A_585 : vector<16xf32>
        %lt3A_587 = arith.constant 0 : i32
        %lt3A_588 = vector.broadcast %lt3A_587 : i32 to vector<16xi32>
        %lt3A_589 = arith.cmpi slt, %xor3A_12, %lt3A_588 : vector<16xi32>
        %add3A_590 = arith.constant 16 : i32
        %add3A_591 = vector.broadcast %add3A_590 : i32 to vector<16xi32>
        %add3A_592 = arith.addi %xor3A_12, %add3A_591 : vector<16xi32>
        %select_n3A_593 = arith.select %lt3A_589, %add3A_592, %xor3A_12 : vector<16xi1>, vector<16xi32>
        %broadcast_in_dim3A_594 = vector.shape_cast %select_n3A_593 : vector<16xi32> to vector<16x1xi32>
        %gather3A_595 = vector.shape_cast %broadcast_in_dim3A_594 : vector<16x1xi32> to vector<16xi32>
        %gather3A_596 = tpu.dynamic_gather %add3A_586[%gather3A_595] in [0] : vector<16xf32>, vector<16xi32> -> vector<16xf32>
        %add3A_597 = arith.addf %add3A_586, %gather3A_596 : vector<16xf32>
        %lt3A_598 = arith.constant 0 : i32
        %lt3A_599 = vector.broadcast %lt3A_598 : i32 to vector<16xi32>
        %lt3A_600 = arith.cmpi slt, %xor3A_15, %lt3A_599 : vector<16xi32>
        %add3A_601 = arith.constant 16 : i32
        %add3A_602 = vector.broadcast %add3A_601 : i32 to vector<16xi32>
        %add3A_603 = arith.addi %xor3A_15, %add3A_602 : vector<16xi32>
        %select_n3A_604 = arith.select %lt3A_600, %add3A_603, %xor3A_15 : vector<16xi1>, vector<16xi32>
        %broadcast_in_dim3A_605 = vector.shape_cast %select_n3A_604 : vector<16xi32> to vector<16x1xi32>
        %gather3A_606 = vector.shape_cast %broadcast_in_dim3A_605 : vector<16x1xi32> to vector<16xi32>
        %gather3A_607 = tpu.dynamic_gather %add3A_597[%gather3A_606] in [0] : vector<16xf32>, vector<16xi32> -> vector<16xf32>
        %add3A_608 = arith.addf %add3A_597, %gather3A_607 : vector<16xf32>
        %bitcast_convert_type3A_609 = tpu.bitcast %add3A_608 : vector<16xf32> -> vector<16xi32>
        %shift_right_arithmetic3A_610 = arith.constant 1 : i32
        %shift_right_arithmetic3A_611 = vector.broadcast %shift_right_arithmetic3A_610 : i32 to vector<16xi32>
        %shift_right_arithmetic3A_612 = arith.shrsi %bitcast_convert_type3A_609, %shift_right_arithmetic3A_611 : vector<16xi32>
        %sub3A_613 = arith.constant 1597463007 : i32
        %sub3A_614 = vector.broadcast %sub3A_613 : i32 to vector<16xi32>
        %sub3A_615 = arith.subi %sub3A_614, %shift_right_arithmetic3A_612 : vector<16xi32>
        %bitcast_convert_type3A_616 = tpu.bitcast %sub3A_615 : vector<16xi32> -> vector<16xf32>
        %mul3A_617 = arith.constant 5.000000e-01 : f32
        %mul3A_618 = vector.broadcast %mul3A_617 : f32 to vector<16xf32>
        %mul3A_619 = arith.mulf %mul3A_618, %add3A_608 : vector<16xf32>
        %mul3A_620 = arith.mulf %mul3A_619, %bitcast_convert_type3A_616 : vector<16xf32>
        %mul3A_621 = arith.mulf %mul3A_620, %bitcast_convert_type3A_616 : vector<16xf32>
        %sub3A_622 = arith.constant 1.500000e+00 : f32
        %sub3A_623 = vector.broadcast %sub3A_622 : f32 to vector<16xf32>
        %sub3A_624 = arith.subf %sub3A_623, %mul3A_621 : vector<16xf32>
        %mul3A_625 = arith.mulf %bitcast_convert_type3A_616, %sub3A_624 : vector<16xf32>
        %mul3A_626 = arith.constant 5.000000e-01 : f32
        %mul3A_627 = vector.broadcast %mul3A_626 : f32 to vector<16xf32>
        %mul3A_628 = arith.mulf %mul3A_627, %add3A_608 : vector<16xf32>
        %mul3A_629 = arith.mulf %mul3A_628, %mul3A_625 : vector<16xf32>
        %mul3A_630 = arith.mulf %mul3A_629, %mul3A_625 : vector<16xf32>
        %sub3A_631 = arith.constant 1.500000e+00 : f32
        %sub3A_632 = vector.broadcast %sub3A_631 : f32 to vector<16xf32>
        %sub3A_633 = arith.subf %sub3A_632, %mul3A_630 : vector<16xf32>
        %mul3A_634 = arith.mulf %mul3A_625, %sub3A_633 : vector<16xf32>
        %mul3A_635 = arith.mulf %add3A_608, %mul3A_634 : vector<16xf32>
        %max3A_636 = arith.maximumf %mul3A_635, %get3A_4 : vector<16xf32>
        %div3A_637 = arith.constant 1.000000e+00 : f32
        %div3A_638 = vector.broadcast %div3A_637 : f32 to vector<16xf32>
        %div3A_639 = arith.divf %div3A_638, %max3A_636 : vector<16xf32>
        %lt3A_640 = arith.constant 0 : i32
        %lt3A_641 = vector.broadcast %lt3A_640 : i32 to vector<16xi32>
        %lt3A_642 = arith.cmpi slt, %xor3A_6, %lt3A_641 : vector<16xi32>
        %add3A_643 = arith.constant 16 : i32
        %add3A_644 = vector.broadcast %add3A_643 : i32 to vector<16xi32>
        %add3A_645 = arith.addi %xor3A_6, %add3A_644 : vector<16xi32>
        %select_n3A_646 = arith.select %lt3A_642, %add3A_645, %xor3A_6 : vector<16xi1>, vector<16xi32>
        %broadcast_in_dim3A_647 = vector.shape_cast %select_n3A_646 : vector<16xi32> to vector<16x1xi32>
        %gather3A_648 = vector.shape_cast %broadcast_in_dim3A_647 : vector<16x1xi32> to vector<16xi32>
        %gather3A_649 = tpu.dynamic_gather %div3A_639[%gather3A_648] in [0] : vector<16xf32>, vector<16xi32> -> vector<16xf32>
        %select_n3A_650 = arith.select %eq3A_19, %div3A_639, %gather3A_649 : vector<16xi1>, vector<16xf32>
        %select_n3A_651 = arith.select %eq3A_19, %gather3A_649, %div3A_639 : vector<16xi1>, vector<16xf32>
        %mul3A_652 = arith.mulf %get3A_462, %select_n3A_650 : vector<16xf32>
        %swap3A_653 = arith.index_cast %mul3A_456 : i32 to index
        %swap3A_654 = arith.constant 0 : index
        %swap3A_655 = tpu.vector_load %arg12[%swap3A_653, %swap3A_654] {strides = array<i32>} : memref<200x128xf32, #tpu.memory_space<vmem>>, vector<1x16xf32>,
        %swap3A_656 = vector.shape_cast %swap3A_655 : vector<1x16xf32> to vector<16xf32>
        %swap3A_657 = vector.shape_cast %mul3A_652 : vector<16xf32> to vector<1x16xf32>
        tpu.vector_store %arg12[%swap3A_653, %swap3A_654], %swap3A_657 {strides = array<i32>} : memref<200x128xf32, #tpu.memory_space<vmem>>, vector<1x16xf32>,
        %mul3A_658 = arith.mulf %get3A_466, %select_n3A_650 : vector<16xf32>
        %swap3A_659 = arith.index_cast %mul3A_456 : i32 to index
        %swap3A_660 = arith.constant 16 : index
        %swap3A_661 = tpu.vector_load %arg12[%swap3A_659, %swap3A_660] {strides = array<i32>} : memref<200x128xf32, #tpu.memory_space<vmem>>, vector<1x16xf32>,
        %swap3A_662 = vector.shape_cast %swap3A_661 : vector<1x16xf32> to vector<16xf32>
        %swap3A_663 = vector.shape_cast %mul3A_658 : vector<16xf32> to vector<1x16xf32>
        tpu.vector_store %arg12[%swap3A_659, %swap3A_660], %swap3A_663 {strides = array<i32>} : memref<200x128xf32, #tpu.memory_space<vmem>>, vector<1x16xf32>,
        %mul3A_664 = arith.mulf %get3A_470, %select_n3A_650 : vector<16xf32>
        %swap3A_665 = arith.index_cast %mul3A_456 : i32 to index
        %swap3A_666 = arith.constant 32 : index
        %swap3A_667 = tpu.vector_load %arg12[%swap3A_665, %swap3A_666] {strides = array<i32>} : memref<200x128xf32, #tpu.memory_space<vmem>>, vector<1x16xf32>,
        %swap3A_668 = vector.shape_cast %swap3A_667 : vector<1x16xf32> to vector<16xf32>
        %swap3A_669 = vector.shape_cast %mul3A_664 : vector<16xf32> to vector<1x16xf32>
        tpu.vector_store %arg12[%swap3A_665, %swap3A_666], %swap3A_669 {strides = array<i32>} : memref<200x128xf32, #tpu.memory_space<vmem>>, vector<1x16xf32>,
        %mul3A_670 = arith.mulf %get3A_474, %select_n3A_650 : vector<16xf32>
        %swap3A_671 = arith.index_cast %mul3A_456 : i32 to index
        %swap3A_672 = arith.constant 48 : index
        %swap3A_673 = tpu.vector_load %arg12[%swap3A_671, %swap3A_672] {strides = array<i32>} : memref<200x128xf32, #tpu.memory_space<vmem>>, vector<1x16xf32>,
        %swap3A_674 = vector.shape_cast %swap3A_673 : vector<1x16xf32> to vector<16xf32>
        %swap3A_675 = vector.shape_cast %mul3A_670 : vector<16xf32> to vector<1x16xf32>
        tpu.vector_store %arg12[%swap3A_671, %swap3A_672], %swap3A_675 {strides = array<i32>} : memref<200x128xf32, #tpu.memory_space<vmem>>, vector<1x16xf32>,
        %mul3A_676 = arith.mulf %get3A_478, %select_n3A_650 : vector<16xf32>
        %swap3A_677 = arith.index_cast %mul3A_456 : i32 to index
        %swap3A_678 = arith.constant 64 : index
        %swap3A_679 = tpu.vector_load %arg12[%swap3A_677, %swap3A_678] {strides = array<i32>} : memref<200x128xf32, #tpu.memory_space<vmem>>, vector<1x16xf32>,
        %swap3A_680 = vector.shape_cast %swap3A_679 : vector<1x16xf32> to vector<16xf32>
        %swap3A_681 = vector.shape_cast %mul3A_676 : vector<16xf32> to vector<1x16xf32>
        tpu.vector_store %arg12[%swap3A_677, %swap3A_678], %swap3A_681 {strides = array<i32>} : memref<200x128xf32, #tpu.memory_space<vmem>>, vector<1x16xf32>,
        %mul3A_682 = arith.mulf %get3A_482, %select_n3A_650 : vector<16xf32>
        %swap3A_683 = arith.index_cast %mul3A_456 : i32 to index
        %swap3A_684 = arith.constant 80 : index
        %swap3A_685 = tpu.vector_load %arg12[%swap3A_683, %swap3A_684] {strides = array<i32>} : memref<200x128xf32, #tpu.memory_space<vmem>>, vector<1x16xf32>,
        %swap3A_686 = vector.shape_cast %swap3A_685 : vector<1x16xf32> to vector<16xf32>
        %swap3A_687 = vector.shape_cast %mul3A_682 : vector<16xf32> to vector<1x16xf32>
        tpu.vector_store %arg12[%swap3A_683, %swap3A_684], %swap3A_687 {strides = array<i32>} : memref<200x128xf32, #tpu.memory_space<vmem>>, vector<1x16xf32>,
        %mul3A_688 = arith.mulf %get3A_486, %select_n3A_650 : vector<16xf32>
        %swap3A_689 = arith.index_cast %mul3A_456 : i32 to index
        %swap3A_690 = arith.constant 96 : index
        %swap3A_691 = tpu.vector_load %arg12[%swap3A_689, %swap3A_690] {strides = array<i32>} : memref<200x128xf32, #tpu.memory_space<vmem>>, vector<1x16xf32>,
        %swap3A_692 = vector.shape_cast %swap3A_691 : vector<1x16xf32> to vector<16xf32>
        %swap3A_693 = vector.shape_cast %mul3A_688 : vector<16xf32> to vector<1x16xf32>
        tpu.vector_store %arg12[%swap3A_689, %swap3A_690], %swap3A_693 {strides = array<i32>} : memref<200x128xf32, #tpu.memory_space<vmem>>, vector<1x16xf32>,
        %mul3A_694 = arith.mulf %get3A_490, %select_n3A_650 : vector<16xf32>
        %swap3A_695 = arith.index_cast %mul3A_456 : i32 to index
        %swap3A_696 = arith.constant 112 : index
        %swap3A_697 = tpu.vector_load %arg12[%swap3A_695, %swap3A_696] {strides = array<i32>} : memref<200x128xf32, #tpu.memory_space<vmem>>, vector<1x16xf32>,
        %swap3A_698 = vector.shape_cast %swap3A_697 : vector<1x16xf32> to vector<16xf32>
        %swap3A_699 = vector.shape_cast %mul3A_694 : vector<16xf32> to vector<1x16xf32>
        tpu.vector_store %arg12[%swap3A_695, %swap3A_696], %swap3A_699 {strides = array<i32>} : memref<200x128xf32, #tpu.memory_space<vmem>>, vector<1x16xf32>,
        %mul3A_700 = arith.mulf %get3A_494, %select_n3A_651 : vector<16xf32>
        %swap3A_701 = arith.index_cast %add3A_458 : i32 to index
        %swap3A_702 = arith.constant 0 : index
        %swap3A_703 = tpu.vector_load %arg12[%swap3A_701, %swap3A_702] {strides = array<i32>} : memref<200x128xf32, #tpu.memory_space<vmem>>, vector<1x16xf32>,
        %swap3A_704 = vector.shape_cast %swap3A_703 : vector<1x16xf32> to vector<16xf32>
        %swap3A_705 = vector.shape_cast %mul3A_700 : vector<16xf32> to vector<1x16xf32>
        tpu.vector_store %arg12[%swap3A_701, %swap3A_702], %swap3A_705 {strides = array<i32>} : memref<200x128xf32, #tpu.memory_space<vmem>>, vector<1x16xf32>,
        %mul3A_706 = arith.mulf %get3A_498, %select_n3A_651 : vector<16xf32>
        %swap3A_707 = arith.index_cast %add3A_458 : i32 to index
        %swap3A_708 = arith.constant 16 : index
        %swap3A_709 = tpu.vector_load %arg12[%swap3A_707, %swap3A_708] {strides = array<i32>} : memref<200x128xf32, #tpu.memory_space<vmem>>, vector<1x16xf32>,
        %swap3A_710 = vector.shape_cast %swap3A_709 : vector<1x16xf32> to vector<16xf32>
        %swap3A_711 = vector.shape_cast %mul3A_706 : vector<16xf32> to vector<1x16xf32>
        tpu.vector_store %arg12[%swap3A_707, %swap3A_708], %swap3A_711 {strides = array<i32>} : memref<200x128xf32, #tpu.memory_space<vmem>>, vector<1x16xf32>,
        %mul3A_712 = arith.mulf %get3A_502, %select_n3A_651 : vector<16xf32>
        %swap3A_713 = arith.index_cast %add3A_458 : i32 to index
        %swap3A_714 = arith.constant 32 : index
        %swap3A_715 = tpu.vector_load %arg12[%swap3A_713, %swap3A_714] {strides = array<i32>} : memref<200x128xf32, #tpu.memory_space<vmem>>, vector<1x16xf32>,
        %swap3A_716 = vector.shape_cast %swap3A_715 : vector<1x16xf32> to vector<16xf32>
        %swap3A_717 = vector.shape_cast %mul3A_712 : vector<16xf32> to vector<1x16xf32>
        tpu.vector_store %arg12[%swap3A_713, %swap3A_714], %swap3A_717 {strides = array<i32>} : memref<200x128xf32, #tpu.memory_space<vmem>>, vector<1x16xf32>,
        %mul3A_718 = arith.mulf %get3A_506, %select_n3A_651 : vector<16xf32>
        %swap3A_719 = arith.index_cast %add3A_458 : i32 to index
        %swap3A_720 = arith.constant 48 : index
        %swap3A_721 = tpu.vector_load %arg12[%swap3A_719, %swap3A_720] {strides = array<i32>} : memref<200x128xf32, #tpu.memory_space<vmem>>, vector<1x16xf32>,
        %swap3A_722 = vector.shape_cast %swap3A_721 : vector<1x16xf32> to vector<16xf32>
        %swap3A_723 = vector.shape_cast %mul3A_718 : vector<16xf32> to vector<1x16xf32>
        tpu.vector_store %arg12[%swap3A_719, %swap3A_720], %swap3A_723 {strides = array<i32>} : memref<200x128xf32, #tpu.memory_space<vmem>>, vector<1x16xf32>,
        %mul3A_724 = arith.mulf %get3A_510, %select_n3A_651 : vector<16xf32>
        %swap3A_725 = arith.index_cast %add3A_458 : i32 to index
        %swap3A_726 = arith.constant 64 : index
        %swap3A_727 = tpu.vector_load %arg12[%swap3A_725, %swap3A_726] {strides = array<i32>} : memref<200x128xf32, #tpu.memory_space<vmem>>, vector<1x16xf32>,
        %swap3A_728 = vector.shape_cast %swap3A_727 : vector<1x16xf32> to vector<16xf32>
        %swap3A_729 = vector.shape_cast %mul3A_724 : vector<16xf32> to vector<1x16xf32>
        tpu.vector_store %arg12[%swap3A_725, %swap3A_726], %swap3A_729 {strides = array<i32>} : memref<200x128xf32, #tpu.memory_space<vmem>>, vector<1x16xf32>,
        %mul3A_730 = arith.mulf %get3A_514, %select_n3A_651 : vector<16xf32>
        %swap3A_731 = arith.index_cast %add3A_458 : i32 to index
        %swap3A_732 = arith.constant 80 : index
        %swap3A_733 = tpu.vector_load %arg12[%swap3A_731, %swap3A_732] {strides = array<i32>} : memref<200x128xf32, #tpu.memory_space<vmem>>, vector<1x16xf32>,
        %swap3A_734 = vector.shape_cast %swap3A_733 : vector<1x16xf32> to vector<16xf32>
        %swap3A_735 = vector.shape_cast %mul3A_730 : vector<16xf32> to vector<1x16xf32>
        tpu.vector_store %arg12[%swap3A_731, %swap3A_732], %swap3A_735 {strides = array<i32>} : memref<200x128xf32, #tpu.memory_space<vmem>>, vector<1x16xf32>,
        %mul3A_736 = arith.mulf %get3A_518, %select_n3A_651 : vector<16xf32>
        %swap3A_737 = arith.index_cast %add3A_458 : i32 to index
        %swap3A_738 = arith.constant 96 : index
        %swap3A_739 = tpu.vector_load %arg12[%swap3A_737, %swap3A_738] {strides = array<i32>} : memref<200x128xf32, #tpu.memory_space<vmem>>, vector<1x16xf32>,
        %swap3A_740 = vector.shape_cast %swap3A_739 : vector<1x16xf32> to vector<16xf32>
        %swap3A_741 = vector.shape_cast %mul3A_736 : vector<16xf32> to vector<1x16xf32>
        tpu.vector_store %arg12[%swap3A_737, %swap3A_738], %swap3A_741 {strides = array<i32>} : memref<200x128xf32, #tpu.memory_space<vmem>>, vector<1x16xf32>,
        %mul3A_742 = arith.mulf %get3A_522, %select_n3A_651 : vector<16xf32>
        %swap3A_743 = arith.index_cast %add3A_458 : i32 to index
        %swap3A_744 = arith.constant 112 : index
        %swap3A_745 = tpu.vector_load %arg12[%swap3A_743, %swap3A_744] {strides = array<i32>} : memref<200x128xf32, #tpu.memory_space<vmem>>, vector<1x16xf32>,
        %swap3A_746 = vector.shape_cast %swap3A_745 : vector<1x16xf32> to vector<16xf32>
        %swap3A_747 = vector.shape_cast %mul3A_742 : vector<16xf32> to vector<1x16xf32>
        tpu.vector_store %arg12[%swap3A_743, %swap3A_744], %swap3A_747 {strides = array<i32>} : memref<200x128xf32, #tpu.memory_space<vmem>>, vector<1x16xf32>,
      }
      %scan3A_121 = arith.constant 100 : i32
      %mul3A_122 = arith.constant 200 : i32
      %mul3A_123 = arith.muli %add3A_112, %mul3A_122 : i32
      %add3A_124 = arith.addi %mul3A_2, %mul3A_123 : i32
      %dma_start3A_125 = arith.constant 0 : i32
      %dma_start3A_126 = tpu.memref_slice %arg5[%add3A_124, %dma_start3A_125] : memref<204800x128xf32, #tpu.memory_space<hbm>> -> memref<200x128xf32, #tpu.memory_space<hbm>>
      %dma_start3A_127 = arith.constant 0 : i32
      %dma_start3A_128 = tpu.memref_slice %arg5[%add3A_124, %dma_start3A_127] : memref<204800x128xf32, #tpu.memory_space<hbm>> -> memref<200x128xf32, #tpu.memory_space<hbm>>
      tpu.enqueue_dma source(%arg12 : memref<200x128xf32, #tpu.memory_space<vmem>>) target(%dma_start3A_128 : memref<200x128xf32, #tpu.memory_space<hbm>>) target_semaphore(%arg21 : memref<!tpu.dma_semaphore, #tpu.memory_space<semaphore_mem>>)
      %add3A_129 = arith.constant 4 : i32
      %add3A_130 = arith.addi %add3A_112, %add3A_129 : i32
      %sub3A_131 = arith.constant 1 : i32
      %sub3A_132 = arith.subi %add3A_130, %sub3A_131 : i32
      %lt3A_133 = arith.constant 32 : i32
      %lt3A_134 = arith.cmpi slt, %sub3A_132, %lt3A_133 : i32
      %convert_element_type3A_135 = arith.extui %lt3A_134 : i1 to i32
      %cond3A_136 = arith.constant 0 : i32
      %cond3A_137 = arith.cmpi ne, %convert_element_type3A_135, %cond3A_136 : i32
      scf.if %cond3A_137 {
        %ge3A = arith.constant 1 : i32
        %ge3A_167 = arith.cmpi sge, %add3A_112, %ge3A : i32
        %convert_element_type3A_168 = arith.extui %ge3A_167 : i1 to i32
        %cond3A_169 = arith.constant 0 : i32
        %cond3A_170 = arith.cmpi ne, %convert_element_type3A_168, %cond3A_169 : i32
        scf.if %cond3A_170 {
          %dma_wait3A_177 = arith.constant 0 : i32
          %dma_wait3A_178 = tpu.memref_slice %arg5[%mul3A_2, %dma_wait3A_177] : memref<204800x128xf32, #tpu.memory_space<hbm>> -> memref<200x128xf32, #tpu.memory_space<hbm>>
          %dma_wait3A_179 = arith.constant 0 : i32
          %dma_wait3A_180 = tpu.memref_slice %arg5[%mul3A_2, %dma_wait3A_179] : memref<204800x128xf32, #tpu.memory_space<hbm>> -> memref<200x128xf32, #tpu.memory_space<hbm>>
          tpu.wait_dma2 semaphore(%arg20 : memref<!tpu.dma_semaphore, #tpu.memory_space<semaphore_mem>>) src(%arg11 : memref<200x128xf32, #tpu.memory_space<vmem>>) dst(%dma_wait3A_180 : memref<200x128xf32, #tpu.memory_space<hbm>>)
        } else {
        }
        %mul3A_171 = arith.constant 200 : i32
        %mul3A_172 = arith.muli %sub3A_132, %mul3A_171 : i32
        %add3A_173 = arith.addi %mul3A_2, %mul3A_172 : i32
        "tpu.region"() ({
          %run_scoped3A = tpu.sem_alloc : memref<!tpu.dma_semaphore, #tpu.memory_space<semaphore_mem>>
          %dma_start3A_177 = tpu.memref_slice %arg2[%add3A_173] : memref<204800xi32, #tpu.memory_space<hbm>> -> memref<200xi32, #tpu.memory_space<hbm>>
          %dma_start3A_178 = tpu.memref_slice %arg2[%add3A_173] : memref<204800xi32, #tpu.memory_space<hbm>> -> memref<200xi32, #tpu.memory_space<hbm>>
          tpu.enqueue_dma source(%dma_start3A_178 : memref<200xi32, #tpu.memory_space<hbm>>) target(%arg7 : memref<200xi32, #tpu.memory_space<vmem>>) target_semaphore(%run_scoped3A : memref<!tpu.dma_semaphore, #tpu.memory_space<semaphore_mem>>)
          %dma_wait3A_179 = tpu.memref_slice %arg2[%add3A_173] : memref<204800xi32, #tpu.memory_space<hbm>> -> memref<200xi32, #tpu.memory_space<hbm>>
          %dma_wait3A_180 = tpu.memref_slice %arg2[%add3A_173] : memref<204800xi32, #tpu.memory_space<hbm>> -> memref<200xi32, #tpu.memory_space<hbm>>
          tpu.wait_dma2 semaphore(%run_scoped3A : memref<!tpu.dma_semaphore, #tpu.memory_space<semaphore_mem>>) src(%dma_wait3A_180 : memref<200xi32, #tpu.memory_space<hbm>>) dst(%arg7 : memref<200xi32, #tpu.memory_space<vmem>>)
          tpu.yield
        }) : () -> ()
        %dma_start3A_174 = arith.constant 0 : i32
        %dma_start3A_175 = arith.constant 0 : i32
        %dma_start3A_176 = tpu.memref_slice %arg3[%dma_start3A_174, %dma_start3A_175] : memref<100000x128xf32, #tpu.memory_space<hbm>> -> memref<100000x128xf32, #tpu.memory_space<hbm>>
        tpu.enqueue_indirect_dma source(%dma_start3A_176 : memref<100000x128xf32, #tpu.memory_space<hbm>>) target(%arg11 : memref<200x128xf32, #tpu.memory_space<vmem>>) offsets(%arg7 : memref<200xi32, #tpu.memory_space<vmem>>) semaphore(%arg16 : memref<!tpu.dma_semaphore, #tpu.memory_space<semaphore_mem>>)
      } else {
      }
      %mul3A_138 = arith.constant 4 : i32
      %mul3A_139 = arith.muli %scan3A_54, %mul3A_138 : i32
      %add3A_140 = arith.constant 3 : i32
      %add3A_141 = arith.addi %mul3A_139, %add3A_140 : i32
      %dma_wait3A_142 = arith.constant 0 : i32
      %dma_wait3A_143 = arith.constant 0 : i32
      %dma_wait3A_144 = tpu.memref_slice %arg3[%dma_wait3A_142, %dma_wait3A_143] : memref<100000x128xf32, #tpu.memory_space<hbm>> -> memref<100000x128xf32, #tpu.memory_space<hbm>>
      tpu.wait_indirect_dma semaphore(%arg18 : memref<!tpu.dma_semaphore, #tpu.memory_space<semaphore_mem>>) src(%dma_wait3A_144 : memref<100000x128xf32, #tpu.memory_space<hbm>>) dst(%arg13 : memref<200x128xf32, #tpu.memory_space<vmem>>)
      %scan3A_145 = arith.constant 0 : i32
      %scan3A_146 = arith.constant 0 : i32
      %scan3A_147 = arith.constant 100 : i32
      %scan3A_148 = arith.addi %scan3A_146, %scan3A_147 : i32
      %scan3A_149 = arith.constant 2 : i32
      scf.for %scan3A_167 = %scan3A_146 to %scan3A_148 step %scan3A_149  : i32 {
        %mul3A_168 = arith.constant 2 : i32
        %mul3A_169 = arith.muli %mul3A_168, %scan3A_167 : i32
        %add3A_170 = arith.constant 1 : i32
        %add3A_171 = arith.addi %mul3A_169, %add3A_170 : i32
        %get3A_172 = arith.index_cast %mul3A_169 : i32 to index
        %get3A_173 = arith.constant 0 : index
        %get3A_174 = tpu.vector_load %arg13[%get3A_172, %get3A_173] {strides = array<i32>} : memref<200x128xf32, #tpu.memory_space<vmem>>, vector<1x16xf32>,
        %get3A_175 = vector.shape_cast %get3A_174 : vector<1x16xf32> to vector<16xf32>
        %get3A_176 = arith.index_cast %mul3A_169 : i32 to index
        %get3A_177 = arith.constant 16 : index
        %get3A_178 = tpu.vector_load %arg13[%get3A_176, %get3A_177] {strides = array<i32>} : memref<200x128xf32, #tpu.memory_space<vmem>>, vector<1x16xf32>,
        %get3A_179 = vector.shape_cast %get3A_178 : vector<1x16xf32> to vector<16xf32>
        %get3A_180 = arith.index_cast %mul3A_169 : i32 to index
        %get3A_181 = arith.constant 32 : index
        %get3A_182 = tpu.vector_load %arg13[%get3A_180, %get3A_181] {strides = array<i32>} : memref<200x128xf32, #tpu.memory_space<vmem>>, vector<1x16xf32>,
        %get3A_183 = vector.shape_cast %get3A_182 : vector<1x16xf32> to vector<16xf32>
        %get3A_184 = arith.index_cast %mul3A_169 : i32 to index
        %get3A_185 = arith.constant 48 : index
        %get3A_186 = tpu.vector_load %arg13[%get3A_184, %get3A_185] {strides = array<i32>} : memref<200x128xf32, #tpu.memory_space<vmem>>, vector<1x16xf32>,
        %get3A_187 = vector.shape_cast %get3A_186 : vector<1x16xf32> to vector<16xf32>
        %get3A_188 = arith.index_cast %mul3A_169 : i32 to index
        %get3A_189 = arith.constant 64 : index
        %get3A_190 = tpu.vector_load %arg13[%get3A_188, %get3A_189] {strides = array<i32>} : memref<200x128xf32, #tpu.memory_space<vmem>>, vector<1x16xf32>,
        %get3A_191 = vector.shape_cast %get3A_190 : vector<1x16xf32> to vector<16xf32>
        %get3A_192 = arith.index_cast %mul3A_169 : i32 to index
        %get3A_193 = arith.constant 80 : index
        %get3A_194 = tpu.vector_load %arg13[%get3A_192, %get3A_193] {strides = array<i32>} : memref<200x128xf32, #tpu.memory_space<vmem>>, vector<1x16xf32>,
        %get3A_195 = vector.shape_cast %get3A_194 : vector<1x16xf32> to vector<16xf32>
        %get3A_196 = arith.index_cast %mul3A_169 : i32 to index
        %get3A_197 = arith.constant 96 : index
        %get3A_198 = tpu.vector_load %arg13[%get3A_196, %get3A_197] {strides = array<i32>} : memref<200x128xf32, #tpu.memory_space<vmem>>, vector<1x16xf32>,
        %get3A_199 = vector.shape_cast %get3A_198 : vector<1x16xf32> to vector<16xf32>
        %get3A_200 = arith.index_cast %mul3A_169 : i32 to index
        %get3A_201 = arith.constant 112 : index
        %get3A_202 = tpu.vector_load %arg13[%get3A_200, %get3A_201] {strides = array<i32>} : memref<200x128xf32, #tpu.memory_space<vmem>>, vector<1x16xf32>,
        %get3A_203 = vector.shape_cast %get3A_202 : vector<1x16xf32> to vector<16xf32>
        %get3A_204 = arith.index_cast %add3A_171 : i32 to index
        %get3A_205 = arith.constant 0 : index
        %get3A_206 = tpu.vector_load %arg13[%get3A_204, %get3A_205] {strides = array<i32>} : memref<200x128xf32, #tpu.memory_space<vmem>>, vector<1x16xf32>,
        %get3A_207 = vector.shape_cast %get3A_206 : vector<1x16xf32> to vector<16xf32>
        %get3A_208 = arith.index_cast %add3A_171 : i32 to index
        %get3A_209 = arith.constant 16 : index
        %get3A_210 = tpu.vector_load %arg13[%get3A_208, %get3A_209] {strides = array<i32>} : memref<200x128xf32, #tpu.memory_space<vmem>>, vector<1x16xf32>,
        %get3A_211 = vector.shape_cast %get3A_210 : vector<1x16xf32> to vector<16xf32>
        %get3A_212 = arith.index_cast %add3A_171 : i32 to index
        %get3A_213 = arith.constant 32 : index
        %get3A_214 = tpu.vector_load %arg13[%get3A_212, %get3A_213] {strides = array<i32>} : memref<200x128xf32, #tpu.memory_space<vmem>>, vector<1x16xf32>,
        %get3A_215 = vector.shape_cast %get3A_214 : vector<1x16xf32> to vector<16xf32>
        %get3A_216 = arith.index_cast %add3A_171 : i32 to index
        %get3A_217 = arith.constant 48 : index
        %get3A_218 = tpu.vector_load %arg13[%get3A_216, %get3A_217] {strides = array<i32>} : memref<200x128xf32, #tpu.memory_space<vmem>>, vector<1x16xf32>,
        %get3A_219 = vector.shape_cast %get3A_218 : vector<1x16xf32> to vector<16xf32>
        %get3A_220 = arith.index_cast %add3A_171 : i32 to index
        %get3A_221 = arith.constant 64 : index
        %get3A_222 = tpu.vector_load %arg13[%get3A_220, %get3A_221] {strides = array<i32>} : memref<200x128xf32, #tpu.memory_space<vmem>>, vector<1x16xf32>,
        %get3A_223 = vector.shape_cast %get3A_222 : vector<1x16xf32> to vector<16xf32>
        %get3A_224 = arith.index_cast %add3A_171 : i32 to index
        %get3A_225 = arith.constant 80 : index
        %get3A_226 = tpu.vector_load %arg13[%get3A_224, %get3A_225] {strides = array<i32>} : memref<200x128xf32, #tpu.memory_space<vmem>>, vector<1x16xf32>,
        %get3A_227 = vector.shape_cast %get3A_226 : vector<1x16xf32> to vector<16xf32>
        %get3A_228 = arith.index_cast %add3A_171 : i32 to index
        %get3A_229 = arith.constant 96 : index
        %get3A_230 = tpu.vector_load %arg13[%get3A_228, %get3A_229] {strides = array<i32>} : memref<200x128xf32, #tpu.memory_space<vmem>>, vector<1x16xf32>,
        %get3A_231 = vector.shape_cast %get3A_230 : vector<1x16xf32> to vector<16xf32>
        %get3A_232 = arith.index_cast %add3A_171 : i32 to index
        %get3A_233 = arith.constant 112 : index
        %get3A_234 = tpu.vector_load %arg13[%get3A_232, %get3A_233] {strides = array<i32>} : memref<200x128xf32, #tpu.memory_space<vmem>>, vector<1x16xf32>,
        %get3A_235 = vector.shape_cast %get3A_234 : vector<1x16xf32> to vector<16xf32>
        %mul3A_236 = arith.mulf %get3A_175, %get3A_175 : vector<16xf32>
        %mul3A_237 = arith.mulf %get3A_207, %get3A_207 : vector<16xf32>
        %mul3A_238 = arith.mulf %get3A_179, %get3A_179 : vector<16xf32>
        %add3A_239 = arith.addf %mul3A_236, %mul3A_238 : vector<16xf32>
        %mul3A_240 = arith.mulf %get3A_211, %get3A_211 : vector<16xf32>
        %add3A_241 = arith.addf %mul3A_237, %mul3A_240 : vector<16xf32>
        %mul3A_242 = arith.mulf %get3A_183, %get3A_183 : vector<16xf32>
        %add3A_243 = arith.addf %add3A_239, %mul3A_242 : vector<16xf32>
        %mul3A_244 = arith.mulf %get3A_215, %get3A_215 : vector<16xf32>
        %add3A_245 = arith.addf %add3A_241, %mul3A_244 : vector<16xf32>
        %mul3A_246 = arith.mulf %get3A_187, %get3A_187 : vector<16xf32>
        %add3A_247 = arith.addf %add3A_243, %mul3A_246 : vector<16xf32>
        %mul3A_248 = arith.mulf %get3A_219, %get3A_219 : vector<16xf32>
        %add3A_249 = arith.addf %add3A_245, %mul3A_248 : vector<16xf32>
        %mul3A_250 = arith.mulf %get3A_191, %get3A_191 : vector<16xf32>
        %add3A_251 = arith.addf %add3A_247, %mul3A_250 : vector<16xf32>
        %mul3A_252 = arith.mulf %get3A_223, %get3A_223 : vector<16xf32>
        %add3A_253 = arith.addf %add3A_249, %mul3A_252 : vector<16xf32>
        %mul3A_254 = arith.mulf %get3A_195, %get3A_195 : vector<16xf32>
        %add3A_255 = arith.addf %add3A_251, %mul3A_254 : vector<16xf32>
        %mul3A_256 = arith.mulf %get3A_227, %get3A_227 : vector<16xf32>
        %add3A_257 = arith.addf %add3A_253, %mul3A_256 : vector<16xf32>
        %mul3A_258 = arith.mulf %get3A_199, %get3A_199 : vector<16xf32>
        %add3A_259 = arith.addf %add3A_255, %mul3A_258 : vector<16xf32>
        %mul3A_260 = arith.mulf %get3A_231, %get3A_231 : vector<16xf32>
        %add3A_261 = arith.addf %add3A_257, %mul3A_260 : vector<16xf32>
        %mul3A_262 = arith.mulf %get3A_203, %get3A_203 : vector<16xf32>
        %add3A_263 = arith.addf %add3A_259, %mul3A_262 : vector<16xf32>
        %mul3A_264 = arith.mulf %get3A_235, %get3A_235 : vector<16xf32>
        %add3A_265 = arith.addf %add3A_261, %mul3A_264 : vector<16xf32>
        %lt3A_266 = arith.constant 0 : i32
        %lt3A_267 = vector.broadcast %lt3A_266 : i32 to vector<16xi32>
        %lt3A_268 = arith.cmpi slt, %xor3A_6, %lt3A_267 : vector<16xi32>
        %add3A_269 = arith.constant 16 : i32
        %add3A_270 = vector.broadcast %add3A_269 : i32 to vector<16xi32>
        %add3A_271 = arith.addi %xor3A_6, %add3A_270 : vector<16xi32>
        %select_n3A = arith.select %lt3A_268, %add3A_271, %xor3A_6 : vector<16xi1>, vector<16xi32>
        %broadcast_in_dim3A = vector.shape_cast %select_n3A : vector<16xi32> to vector<16x1xi32>
        %gather3A = vector.shape_cast %broadcast_in_dim3A : vector<16x1xi32> to vector<16xi32>
        %gather3A_272 = tpu.dynamic_gather %add3A_263[%gather3A] in [0] : vector<16xf32>, vector<16xi32> -> vector<16xf32>
        %add3A_273 = arith.addf %add3A_263, %gather3A_272 : vector<16xf32>
        %lt3A_274 = arith.constant 0 : i32
        %lt3A_275 = vector.broadcast %lt3A_274 : i32 to vector<16xi32>
        %lt3A_276 = arith.cmpi slt, %xor3A_6, %lt3A_275 : vector<16xi32>
        %add3A_277 = arith.constant 16 : i32
        %add3A_278 = vector.broadcast %add3A_277 : i32 to vector<16xi32>
        %add3A_279 = arith.addi %xor3A_6, %add3A_278 : vector<16xi32>
        %select_n3A_280 = arith.select %lt3A_276, %add3A_279, %xor3A_6 : vector<16xi1>, vector<16xi32>
        %broadcast_in_dim3A_281 = vector.shape_cast %select_n3A_280 : vector<16xi32> to vector<16x1xi32>
        %gather3A_282 = vector.shape_cast %broadcast_in_dim3A_281 : vector<16x1xi32> to vector<16xi32>
        %gather3A_283 = tpu.dynamic_gather %add3A_265[%gather3A_282] in [0] : vector<16xf32>, vector<16xi32> -> vector<16xf32>
        %add3A_284 = arith.addf %add3A_265, %gather3A_283 : vector<16xf32>
        %select_n3A_285 = arith.select %eq3A_19, %add3A_273, %add3A_284 : vector<16xi1>, vector<16xf32>
        %lt3A_286 = arith.constant 0 : i32
        %lt3A_287 = vector.broadcast %lt3A_286 : i32 to vector<16xi32>
        %lt3A_288 = arith.cmpi slt, %xor3A_9, %lt3A_287 : vector<16xi32>
        %add3A_289 = arith.constant 16 : i32
        %add3A_290 = vector.broadcast %add3A_289 : i32 to vector<16xi32>
        %add3A_291 = arith.addi %xor3A_9, %add3A_290 : vector<16xi32>
        %select_n3A_292 = arith.select %lt3A_288, %add3A_291, %xor3A_9 : vector<16xi1>, vector<16xi32>
        %broadcast_in_dim3A_293 = vector.shape_cast %select_n3A_292 : vector<16xi32> to vector<16x1xi32>
        %gather3A_294 = vector.shape_cast %broadcast_in_dim3A_293 : vector<16x1xi32> to vector<16xi32>
        %gather3A_295 = tpu.dynamic_gather %select_n3A_285[%gather3A_294] in [0] : vector<16xf32>, vector<16xi32> -> vector<16xf32>
        %add3A_296 = arith.addf %select_n3A_285, %gather3A_295 : vector<16xf32>
        %lt3A_297 = arith.constant 0 : i32
        %lt3A_298 = vector.broadcast %lt3A_297 : i32 to vector<16xi32>
        %lt3A_299 = arith.cmpi slt, %xor3A_12, %lt3A_298 : vector<16xi32>
        %add3A_300 = arith.constant 16 : i32
        %add3A_301 = vector.broadcast %add3A_300 : i32 to vector<16xi32>
        %add3A_302 = arith.addi %xor3A_12, %add3A_301 : vector<16xi32>
        %select_n3A_303 = arith.select %lt3A_299, %add3A_302, %xor3A_12 : vector<16xi1>, vector<16xi32>
        %broadcast_in_dim3A_304 = vector.shape_cast %select_n3A_303 : vector<16xi32> to vector<16x1xi32>
        %gather3A_305 = vector.shape_cast %broadcast_in_dim3A_304 : vector<16x1xi32> to vector<16xi32>
        %gather3A_306 = tpu.dynamic_gather %add3A_296[%gather3A_305] in [0] : vector<16xf32>, vector<16xi32> -> vector<16xf32>
        %add3A_307 = arith.addf %add3A_296, %gather3A_306 : vector<16xf32>
        %lt3A_308 = arith.constant 0 : i32
        %lt3A_309 = vector.broadcast %lt3A_308 : i32 to vector<16xi32>
        %lt3A_310 = arith.cmpi slt, %xor3A_15, %lt3A_309 : vector<16xi32>
        %add3A_311 = arith.constant 16 : i32
        %add3A_312 = vector.broadcast %add3A_311 : i32 to vector<16xi32>
        %add3A_313 = arith.addi %xor3A_15, %add3A_312 : vector<16xi32>
        %select_n3A_314 = arith.select %lt3A_310, %add3A_313, %xor3A_15 : vector<16xi1>, vector<16xi32>
        %broadcast_in_dim3A_315 = vector.shape_cast %select_n3A_314 : vector<16xi32> to vector<16x1xi32>
        %gather3A_316 = vector.shape_cast %broadcast_in_dim3A_315 : vector<16x1xi32> to vector<16xi32>
        %gather3A_317 = tpu.dynamic_gather %add3A_307[%gather3A_316] in [0] : vector<16xf32>, vector<16xi32> -> vector<16xf32>
        %add3A_318 = arith.addf %add3A_307, %gather3A_317 : vector<16xf32>
        %bitcast_convert_type3A = tpu.bitcast %add3A_318 : vector<16xf32> -> vector<16xi32>
        %shift_right_arithmetic3A = arith.constant 1 : i32
        %shift_right_arithmetic3A_319 = vector.broadcast %shift_right_arithmetic3A : i32 to vector<16xi32>
        %shift_right_arithmetic3A_320 = arith.shrsi %bitcast_convert_type3A, %shift_right_arithmetic3A_319 : vector<16xi32>
        %sub3A_321 = arith.constant 1597463007 : i32
        %sub3A_322 = vector.broadcast %sub3A_321 : i32 to vector<16xi32>
        %sub3A_323 = arith.subi %sub3A_322, %shift_right_arithmetic3A_320 : vector<16xi32>
        %bitcast_convert_type3A_324 = tpu.bitcast %sub3A_323 : vector<16xi32> -> vector<16xf32>
        %mul3A_325 = arith.constant 5.000000e-01 : f32
        %mul3A_326 = vector.broadcast %mul3A_325 : f32 to vector<16xf32>
        %mul3A_327 = arith.mulf %mul3A_326, %add3A_318 : vector<16xf32>
        %mul3A_328 = arith.mulf %mul3A_327, %bitcast_convert_type3A_324 : vector<16xf32>
        %mul3A_329 = arith.mulf %mul3A_328, %bitcast_convert_type3A_324 : vector<16xf32>
        %sub3A_330 = arith.constant 1.500000e+00 : f32
        %sub3A_331 = vector.broadcast %sub3A_330 : f32 to vector<16xf32>
        %sub3A_332 = arith.subf %sub3A_331, %mul3A_329 : vector<16xf32>
        %mul3A_333 = arith.mulf %bitcast_convert_type3A_324, %sub3A_332 : vector<16xf32>
        %mul3A_334 = arith.constant 5.000000e-01 : f32
        %mul3A_335 = vector.broadcast %mul3A_334 : f32 to vector<16xf32>
        %mul3A_336 = arith.mulf %mul3A_335, %add3A_318 : vector<16xf32>
        %mul3A_337 = arith.mulf %mul3A_336, %mul3A_333 : vector<16xf32>
        %mul3A_338 = arith.mulf %mul3A_337, %mul3A_333 : vector<16xf32>
        %sub3A_339 = arith.constant 1.500000e+00 : f32
        %sub3A_340 = vector.broadcast %sub3A_339 : f32 to vector<16xf32>
        %sub3A_341 = arith.subf %sub3A_340, %mul3A_338 : vector<16xf32>
        %mul3A_342 = arith.mulf %mul3A_333, %sub3A_341 : vector<16xf32>
        %mul3A_343 = arith.mulf %add3A_318, %mul3A_342 : vector<16xf32>
        %max3A = arith.maximumf %mul3A_343, %get3A_4 : vector<16xf32>
        %div3A = arith.constant 1.000000e+00 : f32
        %div3A_344 = vector.broadcast %div3A : f32 to vector<16xf32>
        %div3A_345 = arith.divf %div3A_344, %max3A : vector<16xf32>
        %lt3A_346 = arith.constant 0 : i32
        %lt3A_347 = vector.broadcast %lt3A_346 : i32 to vector<16xi32>
        %lt3A_348 = arith.cmpi slt, %xor3A_6, %lt3A_347 : vector<16xi32>
        %add3A_349 = arith.constant 16 : i32
        %add3A_350 = vector.broadcast %add3A_349 : i32 to vector<16xi32>
        %add3A_351 = arith.addi %xor3A_6, %add3A_350 : vector<16xi32>
        %select_n3A_352 = arith.select %lt3A_348, %add3A_351, %xor3A_6 : vector<16xi1>, vector<16xi32>
        %broadcast_in_dim3A_353 = vector.shape_cast %select_n3A_352 : vector<16xi32> to vector<16x1xi32>
        %gather3A_354 = vector.shape_cast %broadcast_in_dim3A_353 : vector<16x1xi32> to vector<16xi32>
        %gather3A_355 = tpu.dynamic_gather %div3A_345[%gather3A_354] in [0] : vector<16xf32>, vector<16xi32> -> vector<16xf32>
        %select_n3A_356 = arith.select %eq3A_19, %div3A_345, %gather3A_355 : vector<16xi1>, vector<16xf32>
        %select_n3A_357 = arith.select %eq3A_19, %gather3A_355, %div3A_345 : vector<16xi1>, vector<16xf32>
        %mul3A_358 = arith.mulf %get3A_175, %select_n3A_356 : vector<16xf32>
        %swap3A = arith.index_cast %mul3A_169 : i32 to index
        %swap3A_359 = arith.constant 0 : index
        %swap3A_360 = tpu.vector_load %arg13[%swap3A, %swap3A_359] {strides = array<i32>} : memref<200x128xf32, #tpu.memory_space<vmem>>, vector<1x16xf32>,
        %swap3A_361 = vector.shape_cast %swap3A_360 : vector<1x16xf32> to vector<16xf32>
        %swap3A_362 = vector.shape_cast %mul3A_358 : vector<16xf32> to vector<1x16xf32>
        tpu.vector_store %arg13[%swap3A, %swap3A_359], %swap3A_362 {strides = array<i32>} : memref<200x128xf32, #tpu.memory_space<vmem>>, vector<1x16xf32>,
        %mul3A_363 = arith.mulf %get3A_179, %select_n3A_356 : vector<16xf32>
        %swap3A_364 = arith.index_cast %mul3A_169 : i32 to index
        %swap3A_365 = arith.constant 16 : index
        %swap3A_366 = tpu.vector_load %arg13[%swap3A_364, %swap3A_365] {strides = array<i32>} : memref<200x128xf32, #tpu.memory_space<vmem>>, vector<1x16xf32>,
        %swap3A_367 = vector.shape_cast %swap3A_366 : vector<1x16xf32> to vector<16xf32>
        %swap3A_368 = vector.shape_cast %mul3A_363 : vector<16xf32> to vector<1x16xf32>
        tpu.vector_store %arg13[%swap3A_364, %swap3A_365], %swap3A_368 {strides = array<i32>} : memref<200x128xf32, #tpu.memory_space<vmem>>, vector<1x16xf32>,
        %mul3A_369 = arith.mulf %get3A_183, %select_n3A_356 : vector<16xf32>
        %swap3A_370 = arith.index_cast %mul3A_169 : i32 to index
        %swap3A_371 = arith.constant 32 : index
        %swap3A_372 = tpu.vector_load %arg13[%swap3A_370, %swap3A_371] {strides = array<i32>} : memref<200x128xf32, #tpu.memory_space<vmem>>, vector<1x16xf32>,
        %swap3A_373 = vector.shape_cast %swap3A_372 : vector<1x16xf32> to vector<16xf32>
        %swap3A_374 = vector.shape_cast %mul3A_369 : vector<16xf32> to vector<1x16xf32>
        tpu.vector_store %arg13[%swap3A_370, %swap3A_371], %swap3A_374 {strides = array<i32>} : memref<200x128xf32, #tpu.memory_space<vmem>>, vector<1x16xf32>,
        %mul3A_375 = arith.mulf %get3A_187, %select_n3A_356 : vector<16xf32>
        %swap3A_376 = arith.index_cast %mul3A_169 : i32 to index
        %swap3A_377 = arith.constant 48 : index
        %swap3A_378 = tpu.vector_load %arg13[%swap3A_376, %swap3A_377] {strides = array<i32>} : memref<200x128xf32, #tpu.memory_space<vmem>>, vector<1x16xf32>,
        %swap3A_379 = vector.shape_cast %swap3A_378 : vector<1x16xf32> to vector<16xf32>
        %swap3A_380 = vector.shape_cast %mul3A_375 : vector<16xf32> to vector<1x16xf32>
        tpu.vector_store %arg13[%swap3A_376, %swap3A_377], %swap3A_380 {strides = array<i32>} : memref<200x128xf32, #tpu.memory_space<vmem>>, vector<1x16xf32>,
        %mul3A_381 = arith.mulf %get3A_191, %select_n3A_356 : vector<16xf32>
        %swap3A_382 = arith.index_cast %mul3A_169 : i32 to index
        %swap3A_383 = arith.constant 64 : index
        %swap3A_384 = tpu.vector_load %arg13[%swap3A_382, %swap3A_383] {strides = array<i32>} : memref<200x128xf32, #tpu.memory_space<vmem>>, vector<1x16xf32>,
        %swap3A_385 = vector.shape_cast %swap3A_384 : vector<1x16xf32> to vector<16xf32>
        %swap3A_386 = vector.shape_cast %mul3A_381 : vector<16xf32> to vector<1x16xf32>
        tpu.vector_store %arg13[%swap3A_382, %swap3A_383], %swap3A_386 {strides = array<i32>} : memref<200x128xf32, #tpu.memory_space<vmem>>, vector<1x16xf32>,
        %mul3A_387 = arith.mulf %get3A_195, %select_n3A_356 : vector<16xf32>
        %swap3A_388 = arith.index_cast %mul3A_169 : i32 to index
        %swap3A_389 = arith.constant 80 : index
        %swap3A_390 = tpu.vector_load %arg13[%swap3A_388, %swap3A_389] {strides = array<i32>} : memref<200x128xf32, #tpu.memory_space<vmem>>, vector<1x16xf32>,
        %swap3A_391 = vector.shape_cast %swap3A_390 : vector<1x16xf32> to vector<16xf32>
        %swap3A_392 = vector.shape_cast %mul3A_387 : vector<16xf32> to vector<1x16xf32>
        tpu.vector_store %arg13[%swap3A_388, %swap3A_389], %swap3A_392 {strides = array<i32>} : memref<200x128xf32, #tpu.memory_space<vmem>>, vector<1x16xf32>,
        %mul3A_393 = arith.mulf %get3A_199, %select_n3A_356 : vector<16xf32>
        %swap3A_394 = arith.index_cast %mul3A_169 : i32 to index
        %swap3A_395 = arith.constant 96 : index
        %swap3A_396 = tpu.vector_load %arg13[%swap3A_394, %swap3A_395] {strides = array<i32>} : memref<200x128xf32, #tpu.memory_space<vmem>>, vector<1x16xf32>,
        %swap3A_397 = vector.shape_cast %swap3A_396 : vector<1x16xf32> to vector<16xf32>
        %swap3A_398 = vector.shape_cast %mul3A_393 : vector<16xf32> to vector<1x16xf32>
        tpu.vector_store %arg13[%swap3A_394, %swap3A_395], %swap3A_398 {strides = array<i32>} : memref<200x128xf32, #tpu.memory_space<vmem>>, vector<1x16xf32>,
        %mul3A_399 = arith.mulf %get3A_203, %select_n3A_356 : vector<16xf32>
        %swap3A_400 = arith.index_cast %mul3A_169 : i32 to index
        %swap3A_401 = arith.constant 112 : index
        %swap3A_402 = tpu.vector_load %arg13[%swap3A_400, %swap3A_401] {strides = array<i32>} : memref<200x128xf32, #tpu.memory_space<vmem>>, vector<1x16xf32>,
        %swap3A_403 = vector.shape_cast %swap3A_402 : vector<1x16xf32> to vector<16xf32>
        %swap3A_404 = vector.shape_cast %mul3A_399 : vector<16xf32> to vector<1x16xf32>
        tpu.vector_store %arg13[%swap3A_400, %swap3A_401], %swap3A_404 {strides = array<i32>} : memref<200x128xf32, #tpu.memory_space<vmem>>, vector<1x16xf32>,
        %mul3A_405 = arith.mulf %get3A_207, %select_n3A_357 : vector<16xf32>
        %swap3A_406 = arith.index_cast %add3A_171 : i32 to index
        %swap3A_407 = arith.constant 0 : index
        %swap3A_408 = tpu.vector_load %arg13[%swap3A_406, %swap3A_407] {strides = array<i32>} : memref<200x128xf32, #tpu.memory_space<vmem>>, vector<1x16xf32>,
        %swap3A_409 = vector.shape_cast %swap3A_408 : vector<1x16xf32> to vector<16xf32>
        %swap3A_410 = vector.shape_cast %mul3A_405 : vector<16xf32> to vector<1x16xf32>
        tpu.vector_store %arg13[%swap3A_406, %swap3A_407], %swap3A_410 {strides = array<i32>} : memref<200x128xf32, #tpu.memory_space<vmem>>, vector<1x16xf32>,
        %mul3A_411 = arith.mulf %get3A_211, %select_n3A_357 : vector<16xf32>
        %swap3A_412 = arith.index_cast %add3A_171 : i32 to index
        %swap3A_413 = arith.constant 16 : index
        %swap3A_414 = tpu.vector_load %arg13[%swap3A_412, %swap3A_413] {strides = array<i32>} : memref<200x128xf32, #tpu.memory_space<vmem>>, vector<1x16xf32>,
        %swap3A_415 = vector.shape_cast %swap3A_414 : vector<1x16xf32> to vector<16xf32>
        %swap3A_416 = vector.shape_cast %mul3A_411 : vector<16xf32> to vector<1x16xf32>
        tpu.vector_store %arg13[%swap3A_412, %swap3A_413], %swap3A_416 {strides = array<i32>} : memref<200x128xf32, #tpu.memory_space<vmem>>, vector<1x16xf32>,
        %mul3A_417 = arith.mulf %get3A_215, %select_n3A_357 : vector<16xf32>
        %swap3A_418 = arith.index_cast %add3A_171 : i32 to index
        %swap3A_419 = arith.constant 32 : index
        %swap3A_420 = tpu.vector_load %arg13[%swap3A_418, %swap3A_419] {strides = array<i32>} : memref<200x128xf32, #tpu.memory_space<vmem>>, vector<1x16xf32>,
        %swap3A_421 = vector.shape_cast %swap3A_420 : vector<1x16xf32> to vector<16xf32>
        %swap3A_422 = vector.shape_cast %mul3A_417 : vector<16xf32> to vector<1x16xf32>
        tpu.vector_store %arg13[%swap3A_418, %swap3A_419], %swap3A_422 {strides = array<i32>} : memref<200x128xf32, #tpu.memory_space<vmem>>, vector<1x16xf32>,
        %mul3A_423 = arith.mulf %get3A_219, %select_n3A_357 : vector<16xf32>
        %swap3A_424 = arith.index_cast %add3A_171 : i32 to index
        %swap3A_425 = arith.constant 48 : index
        %swap3A_426 = tpu.vector_load %arg13[%swap3A_424, %swap3A_425] {strides = array<i32>} : memref<200x128xf32, #tpu.memory_space<vmem>>, vector<1x16xf32>,
        %swap3A_427 = vector.shape_cast %swap3A_426 : vector<1x16xf32> to vector<16xf32>
        %swap3A_428 = vector.shape_cast %mul3A_423 : vector<16xf32> to vector<1x16xf32>
        tpu.vector_store %arg13[%swap3A_424, %swap3A_425], %swap3A_428 {strides = array<i32>} : memref<200x128xf32, #tpu.memory_space<vmem>>, vector<1x16xf32>,
        %mul3A_429 = arith.mulf %get3A_223, %select_n3A_357 : vector<16xf32>
        %swap3A_430 = arith.index_cast %add3A_171 : i32 to index
        %swap3A_431 = arith.constant 64 : index
        %swap3A_432 = tpu.vector_load %arg13[%swap3A_430, %swap3A_431] {strides = array<i32>} : memref<200x128xf32, #tpu.memory_space<vmem>>, vector<1x16xf32>,
        %swap3A_433 = vector.shape_cast %swap3A_432 : vector<1x16xf32> to vector<16xf32>
        %swap3A_434 = vector.shape_cast %mul3A_429 : vector<16xf32> to vector<1x16xf32>
        tpu.vector_store %arg13[%swap3A_430, %swap3A_431], %swap3A_434 {strides = array<i32>} : memref<200x128xf32, #tpu.memory_space<vmem>>, vector<1x16xf32>,
        %mul3A_435 = arith.mulf %get3A_227, %select_n3A_357 : vector<16xf32>
        %swap3A_436 = arith.index_cast %add3A_171 : i32 to index
        %swap3A_437 = arith.constant 80 : index
        %swap3A_438 = tpu.vector_load %arg13[%swap3A_436, %swap3A_437] {strides = array<i32>} : memref<200x128xf32, #tpu.memory_space<vmem>>, vector<1x16xf32>,
        %swap3A_439 = vector.shape_cast %swap3A_438 : vector<1x16xf32> to vector<16xf32>
        %swap3A_440 = vector.shape_cast %mul3A_435 : vector<16xf32> to vector<1x16xf32>
        tpu.vector_store %arg13[%swap3A_436, %swap3A_437], %swap3A_440 {strides = array<i32>} : memref<200x128xf32, #tpu.memory_space<vmem>>, vector<1x16xf32>,
        %mul3A_441 = arith.mulf %get3A_231, %select_n3A_357 : vector<16xf32>
        %swap3A_442 = arith.index_cast %add3A_171 : i32 to index
        %swap3A_443 = arith.constant 96 : index
        %swap3A_444 = tpu.vector_load %arg13[%swap3A_442, %swap3A_443] {strides = array<i32>} : memref<200x128xf32, #tpu.memory_space<vmem>>, vector<1x16xf32>,
        %swap3A_445 = vector.shape_cast %swap3A_444 : vector<1x16xf32> to vector<16xf32>
        %swap3A_446 = vector.shape_cast %mul3A_441 : vector<16xf32> to vector<1x16xf32>
        tpu.vector_store %arg13[%swap3A_442, %swap3A_443], %swap3A_446 {strides = array<i32>} : memref<200x128xf32, #tpu.memory_space<vmem>>, vector<1x16xf32>,
        %mul3A_447 = arith.mulf %get3A_235, %select_n3A_357 : vector<16xf32>
        %swap3A_448 = arith.index_cast %add3A_171 : i32 to index
        %swap3A_449 = arith.constant 112 : index
        %swap3A_450 = tpu.vector_load %arg13[%swap3A_448, %swap3A_449] {strides = array<i32>} : memref<200x128xf32, #tpu.memory_space<vmem>>, vector<1x16xf32>,
        %swap3A_451 = vector.shape_cast %swap3A_450 : vector<1x16xf32> to vector<16xf32>
        %swap3A_452 = vector.shape_cast %mul3A_447 : vector<16xf32> to vector<1x16xf32>
        tpu.vector_store %arg13[%swap3A_448, %swap3A_449], %swap3A_452 {strides = array<i32>} : memref<200x128xf32, #tpu.memory_space<vmem>>, vector<1x16xf32>,
        %scan3A_453 = arith.constant 1 : i32
        %scan3A_454 = arith.addi %scan3A_167, %scan3A_453 : i32
        %mul3A_455 = arith.constant 2 : i32
        %mul3A_456 = arith.muli %mul3A_455, %scan3A_454 : i32
        %add3A_457 = arith.constant 1 : i32
        %add3A_458 = arith.addi %mul3A_456, %add3A_457 : i32
        %get3A_459 = arith.index_cast %mul3A_456 : i32 to index
        %get3A_460 = arith.constant 0 : index
        %get3A_461 = tpu.vector_load %arg13[%get3A_459, %get3A_460] {strides = array<i32>} : memref<200x128xf32, #tpu.memory_space<vmem>>, vector<1x16xf32>,
        %get3A_462 = vector.shape_cast %get3A_461 : vector<1x16xf32> to vector<16xf32>
        %get3A_463 = arith.index_cast %mul3A_456 : i32 to index
        %get3A_464 = arith.constant 16 : index
        %get3A_465 = tpu.vector_load %arg13[%get3A_463, %get3A_464] {strides = array<i32>} : memref<200x128xf32, #tpu.memory_space<vmem>>, vector<1x16xf32>,
        %get3A_466 = vector.shape_cast %get3A_465 : vector<1x16xf32> to vector<16xf32>
        %get3A_467 = arith.index_cast %mul3A_456 : i32 to index
        %get3A_468 = arith.constant 32 : index
        %get3A_469 = tpu.vector_load %arg13[%get3A_467, %get3A_468] {strides = array<i32>} : memref<200x128xf32, #tpu.memory_space<vmem>>, vector<1x16xf32>,
        %get3A_470 = vector.shape_cast %get3A_469 : vector<1x16xf32> to vector<16xf32>
        %get3A_471 = arith.index_cast %mul3A_456 : i32 to index
        %get3A_472 = arith.constant 48 : index
        %get3A_473 = tpu.vector_load %arg13[%get3A_471, %get3A_472] {strides = array<i32>} : memref<200x128xf32, #tpu.memory_space<vmem>>, vector<1x16xf32>,
        %get3A_474 = vector.shape_cast %get3A_473 : vector<1x16xf32> to vector<16xf32>
        %get3A_475 = arith.index_cast %mul3A_456 : i32 to index
        %get3A_476 = arith.constant 64 : index
        %get3A_477 = tpu.vector_load %arg13[%get3A_475, %get3A_476] {strides = array<i32>} : memref<200x128xf32, #tpu.memory_space<vmem>>, vector<1x16xf32>,
        %get3A_478 = vector.shape_cast %get3A_477 : vector<1x16xf32> to vector<16xf32>
        %get3A_479 = arith.index_cast %mul3A_456 : i32 to index
        %get3A_480 = arith.constant 80 : index
        %get3A_481 = tpu.vector_load %arg13[%get3A_479, %get3A_480] {strides = array<i32>} : memref<200x128xf32, #tpu.memory_space<vmem>>, vector<1x16xf32>,
        %get3A_482 = vector.shape_cast %get3A_481 : vector<1x16xf32> to vector<16xf32>
        %get3A_483 = arith.index_cast %mul3A_456 : i32 to index
        %get3A_484 = arith.constant 96 : index
        %get3A_485 = tpu.vector_load %arg13[%get3A_483, %get3A_484] {strides = array<i32>} : memref<200x128xf32, #tpu.memory_space<vmem>>, vector<1x16xf32>,
        %get3A_486 = vector.shape_cast %get3A_485 : vector<1x16xf32> to vector<16xf32>
        %get3A_487 = arith.index_cast %mul3A_456 : i32 to index
        %get3A_488 = arith.constant 112 : index
        %get3A_489 = tpu.vector_load %arg13[%get3A_487, %get3A_488] {strides = array<i32>} : memref<200x128xf32, #tpu.memory_space<vmem>>, vector<1x16xf32>,
        %get3A_490 = vector.shape_cast %get3A_489 : vector<1x16xf32> to vector<16xf32>
        %get3A_491 = arith.index_cast %add3A_458 : i32 to index
        %get3A_492 = arith.constant 0 : index
        %get3A_493 = tpu.vector_load %arg13[%get3A_491, %get3A_492] {strides = array<i32>} : memref<200x128xf32, #tpu.memory_space<vmem>>, vector<1x16xf32>,
        %get3A_494 = vector.shape_cast %get3A_493 : vector<1x16xf32> to vector<16xf32>
        %get3A_495 = arith.index_cast %add3A_458 : i32 to index
        %get3A_496 = arith.constant 16 : index
        %get3A_497 = tpu.vector_load %arg13[%get3A_495, %get3A_496] {strides = array<i32>} : memref<200x128xf32, #tpu.memory_space<vmem>>, vector<1x16xf32>,
        %get3A_498 = vector.shape_cast %get3A_497 : vector<1x16xf32> to vector<16xf32>
        %get3A_499 = arith.index_cast %add3A_458 : i32 to index
        %get3A_500 = arith.constant 32 : index
        %get3A_501 = tpu.vector_load %arg13[%get3A_499, %get3A_500] {strides = array<i32>} : memref<200x128xf32, #tpu.memory_space<vmem>>, vector<1x16xf32>,
        %get3A_502 = vector.shape_cast %get3A_501 : vector<1x16xf32> to vector<16xf32>
        %get3A_503 = arith.index_cast %add3A_458 : i32 to index
        %get3A_504 = arith.constant 48 : index
        %get3A_505 = tpu.vector_load %arg13[%get3A_503, %get3A_504] {strides = array<i32>} : memref<200x128xf32, #tpu.memory_space<vmem>>, vector<1x16xf32>,
        %get3A_506 = vector.shape_cast %get3A_505 : vector<1x16xf32> to vector<16xf32>
        %get3A_507 = arith.index_cast %add3A_458 : i32 to index
        %get3A_508 = arith.constant 64 : index
        %get3A_509 = tpu.vector_load %arg13[%get3A_507, %get3A_508] {strides = array<i32>} : memref<200x128xf32, #tpu.memory_space<vmem>>, vector<1x16xf32>,
        %get3A_510 = vector.shape_cast %get3A_509 : vector<1x16xf32> to vector<16xf32>
        %get3A_511 = arith.index_cast %add3A_458 : i32 to index
        %get3A_512 = arith.constant 80 : index
        %get3A_513 = tpu.vector_load %arg13[%get3A_511, %get3A_512] {strides = array<i32>} : memref<200x128xf32, #tpu.memory_space<vmem>>, vector<1x16xf32>,
        %get3A_514 = vector.shape_cast %get3A_513 : vector<1x16xf32> to vector<16xf32>
        %get3A_515 = arith.index_cast %add3A_458 : i32 to index
        %get3A_516 = arith.constant 96 : index
        %get3A_517 = tpu.vector_load %arg13[%get3A_515, %get3A_516] {strides = array<i32>} : memref<200x128xf32, #tpu.memory_space<vmem>>, vector<1x16xf32>,
        %get3A_518 = vector.shape_cast %get3A_517 : vector<1x16xf32> to vector<16xf32>
        %get3A_519 = arith.index_cast %add3A_458 : i32 to index
        %get3A_520 = arith.constant 112 : index
        %get3A_521 = tpu.vector_load %arg13[%get3A_519, %get3A_520] {strides = array<i32>} : memref<200x128xf32, #tpu.memory_space<vmem>>, vector<1x16xf32>,
        %get3A_522 = vector.shape_cast %get3A_521 : vector<1x16xf32> to vector<16xf32>
        %mul3A_523 = arith.mulf %get3A_462, %get3A_462 : vector<16xf32>
        %mul3A_524 = arith.mulf %get3A_494, %get3A_494 : vector<16xf32>
        %mul3A_525 = arith.mulf %get3A_466, %get3A_466 : vector<16xf32>
        %add3A_526 = arith.addf %mul3A_523, %mul3A_525 : vector<16xf32>
        %mul3A_527 = arith.mulf %get3A_498, %get3A_498 : vector<16xf32>
        %add3A_528 = arith.addf %mul3A_524, %mul3A_527 : vector<16xf32>
        %mul3A_529 = arith.mulf %get3A_470, %get3A_470 : vector<16xf32>
        %add3A_530 = arith.addf %add3A_526, %mul3A_529 : vector<16xf32>
        %mul3A_531 = arith.mulf %get3A_502, %get3A_502 : vector<16xf32>
        %add3A_532 = arith.addf %add3A_528, %mul3A_531 : vector<16xf32>
        %mul3A_533 = arith.mulf %get3A_474, %get3A_474 : vector<16xf32>
        %add3A_534 = arith.addf %add3A_530, %mul3A_533 : vector<16xf32>
        %mul3A_535 = arith.mulf %get3A_506, %get3A_506 : vector<16xf32>
        %add3A_536 = arith.addf %add3A_532, %mul3A_535 : vector<16xf32>
        %mul3A_537 = arith.mulf %get3A_478, %get3A_478 : vector<16xf32>
        %add3A_538 = arith.addf %add3A_534, %mul3A_537 : vector<16xf32>
        %mul3A_539 = arith.mulf %get3A_510, %get3A_510 : vector<16xf32>
        %add3A_540 = arith.addf %add3A_536, %mul3A_539 : vector<16xf32>
        %mul3A_541 = arith.mulf %get3A_482, %get3A_482 : vector<16xf32>
        %add3A_542 = arith.addf %add3A_538, %mul3A_541 : vector<16xf32>
        %mul3A_543 = arith.mulf %get3A_514, %get3A_514 : vector<16xf32>
        %add3A_544 = arith.addf %add3A_540, %mul3A_543 : vector<16xf32>
        %mul3A_545 = arith.mulf %get3A_486, %get3A_486 : vector<16xf32>
        %add3A_546 = arith.addf %add3A_542, %mul3A_545 : vector<16xf32>
        %mul3A_547 = arith.mulf %get3A_518, %get3A_518 : vector<16xf32>
        %add3A_548 = arith.addf %add3A_544, %mul3A_547 : vector<16xf32>
        %mul3A_549 = arith.mulf %get3A_490, %get3A_490 : vector<16xf32>
        %add3A_550 = arith.addf %add3A_546, %mul3A_549 : vector<16xf32>
        %mul3A_551 = arith.mulf %get3A_522, %get3A_522 : vector<16xf32>
        %add3A_552 = arith.addf %add3A_548, %mul3A_551 : vector<16xf32>
        %lt3A_553 = arith.constant 0 : i32
        %lt3A_554 = vector.broadcast %lt3A_553 : i32 to vector<16xi32>
        %lt3A_555 = arith.cmpi slt, %xor3A_6, %lt3A_554 : vector<16xi32>
        %add3A_556 = arith.constant 16 : i32
        %add3A_557 = vector.broadcast %add3A_556 : i32 to vector<16xi32>
        %add3A_558 = arith.addi %xor3A_6, %add3A_557 : vector<16xi32>
        %select_n3A_559 = arith.select %lt3A_555, %add3A_558, %xor3A_6 : vector<16xi1>, vector<16xi32>
        %broadcast_in_dim3A_560 = vector.shape_cast %select_n3A_559 : vector<16xi32> to vector<16x1xi32>
        %gather3A_561 = vector.shape_cast %broadcast_in_dim3A_560 : vector<16x1xi32> to vector<16xi32>
        %gather3A_562 = tpu.dynamic_gather %add3A_550[%gather3A_561] in [0] : vector<16xf32>, vector<16xi32> -> vector<16xf32>
        %add3A_563 = arith.addf %add3A_550, %gather3A_562 : vector<16xf32>
        %lt3A_564 = arith.constant 0 : i32
        %lt3A_565 = vector.broadcast %lt3A_564 : i32 to vector<16xi32>
        %lt3A_566 = arith.cmpi slt, %xor3A_6, %lt3A_565 : vector<16xi32>
        %add3A_567 = arith.constant 16 : i32
        %add3A_568 = vector.broadcast %add3A_567 : i32 to vector<16xi32>
        %add3A_569 = arith.addi %xor3A_6, %add3A_568 : vector<16xi32>
        %select_n3A_570 = arith.select %lt3A_566, %add3A_569, %xor3A_6 : vector<16xi1>, vector<16xi32>
        %broadcast_in_dim3A_571 = vector.shape_cast %select_n3A_570 : vector<16xi32> to vector<16x1xi32>
        %gather3A_572 = vector.shape_cast %broadcast_in_dim3A_571 : vector<16x1xi32> to vector<16xi32>
        %gather3A_573 = tpu.dynamic_gather %add3A_552[%gather3A_572] in [0] : vector<16xf32>, vector<16xi32> -> vector<16xf32>
        %add3A_574 = arith.addf %add3A_552, %gather3A_573 : vector<16xf32>
        %select_n3A_575 = arith.select %eq3A_19, %add3A_563, %add3A_574 : vector<16xi1>, vector<16xf32>
        %lt3A_576 = arith.constant 0 : i32
        %lt3A_577 = vector.broadcast %lt3A_576 : i32 to vector<16xi32>
        %lt3A_578 = arith.cmpi slt, %xor3A_9, %lt3A_577 : vector<16xi32>
        %add3A_579 = arith.constant 16 : i32
        %add3A_580 = vector.broadcast %add3A_579 : i32 to vector<16xi32>
        %add3A_581 = arith.addi %xor3A_9, %add3A_580 : vector<16xi32>
        %select_n3A_582 = arith.select %lt3A_578, %add3A_581, %xor3A_9 : vector<16xi1>, vector<16xi32>
        %broadcast_in_dim3A_583 = vector.shape_cast %select_n3A_582 : vector<16xi32> to vector<16x1xi32>
        %gather3A_584 = vector.shape_cast %broadcast_in_dim3A_583 : vector<16x1xi32> to vector<16xi32>
        %gather3A_585 = tpu.dynamic_gather %select_n3A_575[%gather3A_584] in [0] : vector<16xf32>, vector<16xi32> -> vector<16xf32>
        %add3A_586 = arith.addf %select_n3A_575, %gather3A_585 : vector<16xf32>
        %lt3A_587 = arith.constant 0 : i32
        %lt3A_588 = vector.broadcast %lt3A_587 : i32 to vector<16xi32>
        %lt3A_589 = arith.cmpi slt, %xor3A_12, %lt3A_588 : vector<16xi32>
        %add3A_590 = arith.constant 16 : i32
        %add3A_591 = vector.broadcast %add3A_590 : i32 to vector<16xi32>
        %add3A_592 = arith.addi %xor3A_12, %add3A_591 : vector<16xi32>
        %select_n3A_593 = arith.select %lt3A_589, %add3A_592, %xor3A_12 : vector<16xi1>, vector<16xi32>
        %broadcast_in_dim3A_594 = vector.shape_cast %select_n3A_593 : vector<16xi32> to vector<16x1xi32>
        %gather3A_595 = vector.shape_cast %broadcast_in_dim3A_594 : vector<16x1xi32> to vector<16xi32>
        %gather3A_596 = tpu.dynamic_gather %add3A_586[%gather3A_595] in [0] : vector<16xf32>, vector<16xi32> -> vector<16xf32>
        %add3A_597 = arith.addf %add3A_586, %gather3A_596 : vector<16xf32>
        %lt3A_598 = arith.constant 0 : i32
        %lt3A_599 = vector.broadcast %lt3A_598 : i32 to vector<16xi32>
        %lt3A_600 = arith.cmpi slt, %xor3A_15, %lt3A_599 : vector<16xi32>
        %add3A_601 = arith.constant 16 : i32
        %add3A_602 = vector.broadcast %add3A_601 : i32 to vector<16xi32>
        %add3A_603 = arith.addi %xor3A_15, %add3A_602 : vector<16xi32>
        %select_n3A_604 = arith.select %lt3A_600, %add3A_603, %xor3A_15 : vector<16xi1>, vector<16xi32>
        %broadcast_in_dim3A_605 = vector.shape_cast %select_n3A_604 : vector<16xi32> to vector<16x1xi32>
        %gather3A_606 = vector.shape_cast %broadcast_in_dim3A_605 : vector<16x1xi32> to vector<16xi32>
        %gather3A_607 = tpu.dynamic_gather %add3A_597[%gather3A_606] in [0] : vector<16xf32>, vector<16xi32> -> vector<16xf32>
        %add3A_608 = arith.addf %add3A_597, %gather3A_607 : vector<16xf32>
        %bitcast_convert_type3A_609 = tpu.bitcast %add3A_608 : vector<16xf32> -> vector<16xi32>
        %shift_right_arithmetic3A_610 = arith.constant 1 : i32
        %shift_right_arithmetic3A_611 = vector.broadcast %shift_right_arithmetic3A_610 : i32 to vector<16xi32>
        %shift_right_arithmetic3A_612 = arith.shrsi %bitcast_convert_type3A_609, %shift_right_arithmetic3A_611 : vector<16xi32>
        %sub3A_613 = arith.constant 1597463007 : i32
        %sub3A_614 = vector.broadcast %sub3A_613 : i32 to vector<16xi32>
        %sub3A_615 = arith.subi %sub3A_614, %shift_right_arithmetic3A_612 : vector<16xi32>
        %bitcast_convert_type3A_616 = tpu.bitcast %sub3A_615 : vector<16xi32> -> vector<16xf32>
        %mul3A_617 = arith.constant 5.000000e-01 : f32
        %mul3A_618 = vector.broadcast %mul3A_617 : f32 to vector<16xf32>
        %mul3A_619 = arith.mulf %mul3A_618, %add3A_608 : vector<16xf32>
        %mul3A_620 = arith.mulf %mul3A_619, %bitcast_convert_type3A_616 : vector<16xf32>
        %mul3A_621 = arith.mulf %mul3A_620, %bitcast_convert_type3A_616 : vector<16xf32>
        %sub3A_622 = arith.constant 1.500000e+00 : f32
        %sub3A_623 = vector.broadcast %sub3A_622 : f32 to vector<16xf32>
        %sub3A_624 = arith.subf %sub3A_623, %mul3A_621 : vector<16xf32>
        %mul3A_625 = arith.mulf %bitcast_convert_type3A_616, %sub3A_624 : vector<16xf32>
        %mul3A_626 = arith.constant 5.000000e-01 : f32
        %mul3A_627 = vector.broadcast %mul3A_626 : f32 to vector<16xf32>
        %mul3A_628 = arith.mulf %mul3A_627, %add3A_608 : vector<16xf32>
        %mul3A_629 = arith.mulf %mul3A_628, %mul3A_625 : vector<16xf32>
        %mul3A_630 = arith.mulf %mul3A_629, %mul3A_625 : vector<16xf32>
        %sub3A_631 = arith.constant 1.500000e+00 : f32
        %sub3A_632 = vector.broadcast %sub3A_631 : f32 to vector<16xf32>
        %sub3A_633 = arith.subf %sub3A_632, %mul3A_630 : vector<16xf32>
        %mul3A_634 = arith.mulf %mul3A_625, %sub3A_633 : vector<16xf32>
        %mul3A_635 = arith.mulf %add3A_608, %mul3A_634 : vector<16xf32>
        %max3A_636 = arith.maximumf %mul3A_635, %get3A_4 : vector<16xf32>
        %div3A_637 = arith.constant 1.000000e+00 : f32
        %div3A_638 = vector.broadcast %div3A_637 : f32 to vector<16xf32>
        %div3A_639 = arith.divf %div3A_638, %max3A_636 : vector<16xf32>
        %lt3A_640 = arith.constant 0 : i32
        %lt3A_641 = vector.broadcast %lt3A_640 : i32 to vector<16xi32>
        %lt3A_642 = arith.cmpi slt, %xor3A_6, %lt3A_641 : vector<16xi32>
        %add3A_643 = arith.constant 16 : i32
        %add3A_644 = vector.broadcast %add3A_643 : i32 to vector<16xi32>
        %add3A_645 = arith.addi %xor3A_6, %add3A_644 : vector<16xi32>
        %select_n3A_646 = arith.select %lt3A_642, %add3A_645, %xor3A_6 : vector<16xi1>, vector<16xi32>
        %broadcast_in_dim3A_647 = vector.shape_cast %select_n3A_646 : vector<16xi32> to vector<16x1xi32>
        %gather3A_648 = vector.shape_cast %broadcast_in_dim3A_647 : vector<16x1xi32> to vector<16xi32>
        %gather3A_649 = tpu.dynamic_gather %div3A_639[%gather3A_648] in [0] : vector<16xf32>, vector<16xi32> -> vector<16xf32>
        %select_n3A_650 = arith.select %eq3A_19, %div3A_639, %gather3A_649 : vector<16xi1>, vector<16xf32>
        %select_n3A_651 = arith.select %eq3A_19, %gather3A_649, %div3A_639 : vector<16xi1>, vector<16xf32>
        %mul3A_652 = arith.mulf %get3A_462, %select_n3A_650 : vector<16xf32>
        %swap3A_653 = arith.index_cast %mul3A_456 : i32 to index
        %swap3A_654 = arith.constant 0 : index
        %swap3A_655 = tpu.vector_load %arg13[%swap3A_653, %swap3A_654] {strides = array<i32>} : memref<200x128xf32, #tpu.memory_space<vmem>>, vector<1x16xf32>,
        %swap3A_656 = vector.shape_cast %swap3A_655 : vector<1x16xf32> to vector<16xf32>
        %swap3A_657 = vector.shape_cast %mul3A_652 : vector<16xf32> to vector<1x16xf32>
        tpu.vector_store %arg13[%swap3A_653, %swap3A_654], %swap3A_657 {strides = array<i32>} : memref<200x128xf32, #tpu.memory_space<vmem>>, vector<1x16xf32>,
        %mul3A_658 = arith.mulf %get3A_466, %select_n3A_650 : vector<16xf32>
        %swap3A_659 = arith.index_cast %mul3A_456 : i32 to index
        %swap3A_660 = arith.constant 16 : index
        %swap3A_661 = tpu.vector_load %arg13[%swap3A_659, %swap3A_660] {strides = array<i32>} : memref<200x128xf32, #tpu.memory_space<vmem>>, vector<1x16xf32>,
        %swap3A_662 = vector.shape_cast %swap3A_661 : vector<1x16xf32> to vector<16xf32>
        %swap3A_663 = vector.shape_cast %mul3A_658 : vector<16xf32> to vector<1x16xf32>
        tpu.vector_store %arg13[%swap3A_659, %swap3A_660], %swap3A_663 {strides = array<i32>} : memref<200x128xf32, #tpu.memory_space<vmem>>, vector<1x16xf32>,
        %mul3A_664 = arith.mulf %get3A_470, %select_n3A_650 : vector<16xf32>
        %swap3A_665 = arith.index_cast %mul3A_456 : i32 to index
        %swap3A_666 = arith.constant 32 : index
        %swap3A_667 = tpu.vector_load %arg13[%swap3A_665, %swap3A_666] {strides = array<i32>} : memref<200x128xf32, #tpu.memory_space<vmem>>, vector<1x16xf32>,
        %swap3A_668 = vector.shape_cast %swap3A_667 : vector<1x16xf32> to vector<16xf32>
        %swap3A_669 = vector.shape_cast %mul3A_664 : vector<16xf32> to vector<1x16xf32>
        tpu.vector_store %arg13[%swap3A_665, %swap3A_666], %swap3A_669 {strides = array<i32>} : memref<200x128xf32, #tpu.memory_space<vmem>>, vector<1x16xf32>,
        %mul3A_670 = arith.mulf %get3A_474, %select_n3A_650 : vector<16xf32>
        %swap3A_671 = arith.index_cast %mul3A_456 : i32 to index
        %swap3A_672 = arith.constant 48 : index
        %swap3A_673 = tpu.vector_load %arg13[%swap3A_671, %swap3A_672] {strides = array<i32>} : memref<200x128xf32, #tpu.memory_space<vmem>>, vector<1x16xf32>,
        %swap3A_674 = vector.shape_cast %swap3A_673 : vector<1x16xf32> to vector<16xf32>
        %swap3A_675 = vector.shape_cast %mul3A_670 : vector<16xf32> to vector<1x16xf32>
        tpu.vector_store %arg13[%swap3A_671, %swap3A_672], %swap3A_675 {strides = array<i32>} : memref<200x128xf32, #tpu.memory_space<vmem>>, vector<1x16xf32>,
        %mul3A_676 = arith.mulf %get3A_478, %select_n3A_650 : vector<16xf32>
        %swap3A_677 = arith.index_cast %mul3A_456 : i32 to index
        %swap3A_678 = arith.constant 64 : index
        %swap3A_679 = tpu.vector_load %arg13[%swap3A_677, %swap3A_678] {strides = array<i32>} : memref<200x128xf32, #tpu.memory_space<vmem>>, vector<1x16xf32>,
        %swap3A_680 = vector.shape_cast %swap3A_679 : vector<1x16xf32> to vector<16xf32>
        %swap3A_681 = vector.shape_cast %mul3A_676 : vector<16xf32> to vector<1x16xf32>
        tpu.vector_store %arg13[%swap3A_677, %swap3A_678], %swap3A_681 {strides = array<i32>} : memref<200x128xf32, #tpu.memory_space<vmem>>, vector<1x16xf32>,
        %mul3A_682 = arith.mulf %get3A_482, %select_n3A_650 : vector<16xf32>
        %swap3A_683 = arith.index_cast %mul3A_456 : i32 to index
        %swap3A_684 = arith.constant 80 : index
        %swap3A_685 = tpu.vector_load %arg13[%swap3A_683, %swap3A_684] {strides = array<i32>} : memref<200x128xf32, #tpu.memory_space<vmem>>, vector<1x16xf32>,
        %swap3A_686 = vector.shape_cast %swap3A_685 : vector<1x16xf32> to vector<16xf32>
        %swap3A_687 = vector.shape_cast %mul3A_682 : vector<16xf32> to vector<1x16xf32>
        tpu.vector_store %arg13[%swap3A_683, %swap3A_684], %swap3A_687 {strides = array<i32>} : memref<200x128xf32, #tpu.memory_space<vmem>>, vector<1x16xf32>,
        %mul3A_688 = arith.mulf %get3A_486, %select_n3A_650 : vector<16xf32>
        %swap3A_689 = arith.index_cast %mul3A_456 : i32 to index
        %swap3A_690 = arith.constant 96 : index
        %swap3A_691 = tpu.vector_load %arg13[%swap3A_689, %swap3A_690] {strides = array<i32>} : memref<200x128xf32, #tpu.memory_space<vmem>>, vector<1x16xf32>,
        %swap3A_692 = vector.shape_cast %swap3A_691 : vector<1x16xf32> to vector<16xf32>
        %swap3A_693 = vector.shape_cast %mul3A_688 : vector<16xf32> to vector<1x16xf32>
        tpu.vector_store %arg13[%swap3A_689, %swap3A_690], %swap3A_693 {strides = array<i32>} : memref<200x128xf32, #tpu.memory_space<vmem>>, vector<1x16xf32>,
        %mul3A_694 = arith.mulf %get3A_490, %select_n3A_650 : vector<16xf32>
        %swap3A_695 = arith.index_cast %mul3A_456 : i32 to index
        %swap3A_696 = arith.constant 112 : index
        %swap3A_697 = tpu.vector_load %arg13[%swap3A_695, %swap3A_696] {strides = array<i32>} : memref<200x128xf32, #tpu.memory_space<vmem>>, vector<1x16xf32>,
        %swap3A_698 = vector.shape_cast %swap3A_697 : vector<1x16xf32> to vector<16xf32>
        %swap3A_699 = vector.shape_cast %mul3A_694 : vector<16xf32> to vector<1x16xf32>
        tpu.vector_store %arg13[%swap3A_695, %swap3A_696], %swap3A_699 {strides = array<i32>} : memref<200x128xf32, #tpu.memory_space<vmem>>, vector<1x16xf32>,
        %mul3A_700 = arith.mulf %get3A_494, %select_n3A_651 : vector<16xf32>
        %swap3A_701 = arith.index_cast %add3A_458 : i32 to index
        %swap3A_702 = arith.constant 0 : index
        %swap3A_703 = tpu.vector_load %arg13[%swap3A_701, %swap3A_702] {strides = array<i32>} : memref<200x128xf32, #tpu.memory_space<vmem>>, vector<1x16xf32>,
        %swap3A_704 = vector.shape_cast %swap3A_703 : vector<1x16xf32> to vector<16xf32>
        %swap3A_705 = vector.shape_cast %mul3A_700 : vector<16xf32> to vector<1x16xf32>
        tpu.vector_store %arg13[%swap3A_701, %swap3A_702], %swap3A_705 {strides = array<i32>} : memref<200x128xf32, #tpu.memory_space<vmem>>, vector<1x16xf32>,
        %mul3A_706 = arith.mulf %get3A_498, %select_n3A_651 : vector<16xf32>
        %swap3A_707 = arith.index_cast %add3A_458 : i32 to index
        %swap3A_708 = arith.constant 16 : index
        %swap3A_709 = tpu.vector_load %arg13[%swap3A_707, %swap3A_708] {strides = array<i32>} : memref<200x128xf32, #tpu.memory_space<vmem>>, vector<1x16xf32>,
        %swap3A_710 = vector.shape_cast %swap3A_709 : vector<1x16xf32> to vector<16xf32>
        %swap3A_711 = vector.shape_cast %mul3A_706 : vector<16xf32> to vector<1x16xf32>
        tpu.vector_store %arg13[%swap3A_707, %swap3A_708], %swap3A_711 {strides = array<i32>} : memref<200x128xf32, #tpu.memory_space<vmem>>, vector<1x16xf32>,
        %mul3A_712 = arith.mulf %get3A_502, %select_n3A_651 : vector<16xf32>
        %swap3A_713 = arith.index_cast %add3A_458 : i32 to index
        %swap3A_714 = arith.constant 32 : index
        %swap3A_715 = tpu.vector_load %arg13[%swap3A_713, %swap3A_714] {strides = array<i32>} : memref<200x128xf32, #tpu.memory_space<vmem>>, vector<1x16xf32>,
        %swap3A_716 = vector.shape_cast %swap3A_715 : vector<1x16xf32> to vector<16xf32>
        %swap3A_717 = vector.shape_cast %mul3A_712 : vector<16xf32> to vector<1x16xf32>
        tpu.vector_store %arg13[%swap3A_713, %swap3A_714], %swap3A_717 {strides = array<i32>} : memref<200x128xf32, #tpu.memory_space<vmem>>, vector<1x16xf32>,
        %mul3A_718 = arith.mulf %get3A_506, %select_n3A_651 : vector<16xf32>
        %swap3A_719 = arith.index_cast %add3A_458 : i32 to index
        %swap3A_720 = arith.constant 48 : index
        %swap3A_721 = tpu.vector_load %arg13[%swap3A_719, %swap3A_720] {strides = array<i32>} : memref<200x128xf32, #tpu.memory_space<vmem>>, vector<1x16xf32>,
        %swap3A_722 = vector.shape_cast %swap3A_721 : vector<1x16xf32> to vector<16xf32>
        %swap3A_723 = vector.shape_cast %mul3A_718 : vector<16xf32> to vector<1x16xf32>
        tpu.vector_store %arg13[%swap3A_719, %swap3A_720], %swap3A_723 {strides = array<i32>} : memref<200x128xf32, #tpu.memory_space<vmem>>, vector<1x16xf32>,
        %mul3A_724 = arith.mulf %get3A_510, %select_n3A_651 : vector<16xf32>
        %swap3A_725 = arith.index_cast %add3A_458 : i32 to index
        %swap3A_726 = arith.constant 64 : index
        %swap3A_727 = tpu.vector_load %arg13[%swap3A_725, %swap3A_726] {strides = array<i32>} : memref<200x128xf32, #tpu.memory_space<vmem>>, vector<1x16xf32>,
        %swap3A_728 = vector.shape_cast %swap3A_727 : vector<1x16xf32> to vector<16xf32>
        %swap3A_729 = vector.shape_cast %mul3A_724 : vector<16xf32> to vector<1x16xf32>
        tpu.vector_store %arg13[%swap3A_725, %swap3A_726], %swap3A_729 {strides = array<i32>} : memref<200x128xf32, #tpu.memory_space<vmem>>, vector<1x16xf32>,
        %mul3A_730 = arith.mulf %get3A_514, %select_n3A_651 : vector<16xf32>
        %swap3A_731 = arith.index_cast %add3A_458 : i32 to index
        %swap3A_732 = arith.constant 80 : index
        %swap3A_733 = tpu.vector_load %arg13[%swap3A_731, %swap3A_732] {strides = array<i32>} : memref<200x128xf32, #tpu.memory_space<vmem>>, vector<1x16xf32>,
        %swap3A_734 = vector.shape_cast %swap3A_733 : vector<1x16xf32> to vector<16xf32>
        %swap3A_735 = vector.shape_cast %mul3A_730 : vector<16xf32> to vector<1x16xf32>
        tpu.vector_store %arg13[%swap3A_731, %swap3A_732], %swap3A_735 {strides = array<i32>} : memref<200x128xf32, #tpu.memory_space<vmem>>, vector<1x16xf32>,
        %mul3A_736 = arith.mulf %get3A_518, %select_n3A_651 : vector<16xf32>
        %swap3A_737 = arith.index_cast %add3A_458 : i32 to index
        %swap3A_738 = arith.constant 96 : index
        %swap3A_739 = tpu.vector_load %arg13[%swap3A_737, %swap3A_738] {strides = array<i32>} : memref<200x128xf32, #tpu.memory_space<vmem>>, vector<1x16xf32>,
        %swap3A_740 = vector.shape_cast %swap3A_739 : vector<1x16xf32> to vector<16xf32>
        %swap3A_741 = vector.shape_cast %mul3A_736 : vector<16xf32> to vector<1x16xf32>
        tpu.vector_store %arg13[%swap3A_737, %swap3A_738], %swap3A_741 {strides = array<i32>} : memref<200x128xf32, #tpu.memory_space<vmem>>, vector<1x16xf32>,
        %mul3A_742 = arith.mulf %get3A_522, %select_n3A_651 : vector<16xf32>
        %swap3A_743 = arith.index_cast %add3A_458 : i32 to index
        %swap3A_744 = arith.constant 112 : index
        %swap3A_745 = tpu.vector_load %arg13[%swap3A_743, %swap3A_744] {strides = array<i32>} : memref<200x128xf32, #tpu.memory_space<vmem>>, vector<1x16xf32>,
        %swap3A_746 = vector.shape_cast %swap3A_745 : vector<1x16xf32> to vector<16xf32>
        %swap3A_747 = vector.shape_cast %mul3A_742 : vector<16xf32> to vector<1x16xf32>
        tpu.vector_store %arg13[%swap3A_743, %swap3A_744], %swap3A_747 {strides = array<i32>} : memref<200x128xf32, #tpu.memory_space<vmem>>, vector<1x16xf32>,
      }
      %scan3A_150 = arith.constant 100 : i32
      %mul3A_151 = arith.constant 200 : i32
      %mul3A_152 = arith.muli %add3A_141, %mul3A_151 : i32
      %add3A_153 = arith.addi %mul3A_2, %mul3A_152 : i32
      %dma_start3A_154 = arith.constant 0 : i32
      %dma_start3A_155 = tpu.memref_slice %arg5[%add3A_153, %dma_start3A_154] : memref<204800x128xf32, #tpu.memory_space<hbm>> -> memref<200x128xf32, #tpu.memory_space<hbm>>
      %dma_start3A_156 = arith.constant 0 : i32
      %dma_start3A_157 = tpu.memref_slice %arg5[%add3A_153, %dma_start3A_156] : memref<204800x128xf32, #tpu.memory_space<hbm>> -> memref<200x128xf32, #tpu.memory_space<hbm>>
      tpu.enqueue_dma source(%arg13 : memref<200x128xf32, #tpu.memory_space<vmem>>) target(%dma_start3A_157 : memref<200x128xf32, #tpu.memory_space<hbm>>) target_semaphore(%arg22 : memref<!tpu.dma_semaphore, #tpu.memory_space<semaphore_mem>>)
      %add3A_158 = arith.constant 4 : i32
      %add3A_159 = arith.addi %add3A_141, %add3A_158 : i32
      %sub3A_160 = arith.constant 1 : i32
      %sub3A_161 = arith.subi %add3A_159, %sub3A_160 : i32
      %lt3A_162 = arith.constant 32 : i32
      %lt3A_163 = arith.cmpi slt, %sub3A_161, %lt3A_162 : i32
      %convert_element_type3A_164 = arith.extui %lt3A_163 : i1 to i32
      %cond3A_165 = arith.constant 0 : i32
      %cond3A_166 = arith.cmpi ne, %convert_element_type3A_164, %cond3A_165 : i32
      scf.if %cond3A_166 {
        %ge3A = arith.constant 1 : i32
        %ge3A_167 = arith.cmpi sge, %add3A_141, %ge3A : i32
        %convert_element_type3A_168 = arith.extui %ge3A_167 : i1 to i32
        %cond3A_169 = arith.constant 0 : i32
        %cond3A_170 = arith.cmpi ne, %convert_element_type3A_168, %cond3A_169 : i32
        scf.if %cond3A_170 {
          %dma_wait3A_177 = arith.constant 0 : i32
          %dma_wait3A_178 = tpu.memref_slice %arg5[%mul3A_2, %dma_wait3A_177] : memref<204800x128xf32, #tpu.memory_space<hbm>> -> memref<200x128xf32, #tpu.memory_space<hbm>>
          %dma_wait3A_179 = arith.constant 0 : i32
          %dma_wait3A_180 = tpu.memref_slice %arg5[%mul3A_2, %dma_wait3A_179] : memref<204800x128xf32, #tpu.memory_space<hbm>> -> memref<200x128xf32, #tpu.memory_space<hbm>>
          tpu.wait_dma2 semaphore(%arg21 : memref<!tpu.dma_semaphore, #tpu.memory_space<semaphore_mem>>) src(%arg12 : memref<200x128xf32, #tpu.memory_space<vmem>>) dst(%dma_wait3A_180 : memref<200x128xf32, #tpu.memory_space<hbm>>)
        } else {
        }
        %mul3A_171 = arith.constant 200 : i32
        %mul3A_172 = arith.muli %sub3A_161, %mul3A_171 : i32
        %add3A_173 = arith.addi %mul3A_2, %mul3A_172 : i32
        "tpu.region"() ({
          %run_scoped3A = tpu.sem_alloc : memref<!tpu.dma_semaphore, #tpu.memory_space<semaphore_mem>>
          %dma_start3A_177 = tpu.memref_slice %arg2[%add3A_173] : memref<204800xi32, #tpu.memory_space<hbm>> -> memref<200xi32, #tpu.memory_space<hbm>>
          %dma_start3A_178 = tpu.memref_slice %arg2[%add3A_173] : memref<204800xi32, #tpu.memory_space<hbm>> -> memref<200xi32, #tpu.memory_space<hbm>>
          tpu.enqueue_dma source(%dma_start3A_178 : memref<200xi32, #tpu.memory_space<hbm>>) target(%arg8 : memref<200xi32, #tpu.memory_space<vmem>>) target_semaphore(%run_scoped3A : memref<!tpu.dma_semaphore, #tpu.memory_space<semaphore_mem>>)
          %dma_wait3A_179 = tpu.memref_slice %arg2[%add3A_173] : memref<204800xi32, #tpu.memory_space<hbm>> -> memref<200xi32, #tpu.memory_space<hbm>>
          %dma_wait3A_180 = tpu.memref_slice %arg2[%add3A_173] : memref<204800xi32, #tpu.memory_space<hbm>> -> memref<200xi32, #tpu.memory_space<hbm>>
          tpu.wait_dma2 semaphore(%run_scoped3A : memref<!tpu.dma_semaphore, #tpu.memory_space<semaphore_mem>>) src(%dma_wait3A_180 : memref<200xi32, #tpu.memory_space<hbm>>) dst(%arg8 : memref<200xi32, #tpu.memory_space<vmem>>)
          tpu.yield
        }) : () -> ()
        %dma_start3A_174 = arith.constant 0 : i32
        %dma_start3A_175 = arith.constant 0 : i32
        %dma_start3A_176 = tpu.memref_slice %arg3[%dma_start3A_174, %dma_start3A_175] : memref<100000x128xf32, #tpu.memory_space<hbm>> -> memref<100000x128xf32, #tpu.memory_space<hbm>>
        tpu.enqueue_indirect_dma source(%dma_start3A_176 : memref<100000x128xf32, #tpu.memory_space<hbm>>) target(%arg12 : memref<200x128xf32, #tpu.memory_space<vmem>>) offsets(%arg8 : memref<200xi32, #tpu.memory_space<vmem>>) semaphore(%arg17 : memref<!tpu.dma_semaphore, #tpu.memory_space<semaphore_mem>>)
      } else {
      }
    }
    %scan3A_38 = arith.constant 8 : i32
    %dma_wait3A = arith.constant 0 : i32
    %dma_wait3A_39 = tpu.memref_slice %arg5[%mul3A_2, %dma_wait3A] : memref<204800x128xf32, #tpu.memory_space<hbm>> -> memref<200x128xf32, #tpu.memory_space<hbm>>
    %dma_wait3A_40 = arith.constant 0 : i32
    %dma_wait3A_41 = tpu.memref_slice %arg5[%mul3A_2, %dma_wait3A_40] : memref<204800x128xf32, #tpu.memory_space<hbm>> -> memref<200x128xf32, #tpu.memory_space<hbm>>
    tpu.wait_dma2 semaphore(%arg19 : memref<!tpu.dma_semaphore, #tpu.memory_space<semaphore_mem>>) src(%arg10 : memref<200x128xf32, #tpu.memory_space<vmem>>) dst(%dma_wait3A_41 : memref<200x128xf32, #tpu.memory_space<hbm>>)
    %dma_wait3A_42 = arith.constant 0 : i32
    %dma_wait3A_43 = tpu.memref_slice %arg5[%mul3A_2, %dma_wait3A_42] : memref<204800x128xf32, #tpu.memory_space<hbm>> -> memref<200x128xf32, #tpu.memory_space<hbm>>
    %dma_wait3A_44 = arith.constant 0 : i32
    %dma_wait3A_45 = tpu.memref_slice %arg5[%mul3A_2, %dma_wait3A_44] : memref<204800x128xf32, #tpu.memory_space<hbm>> -> memref<200x128xf32, #tpu.memory_space<hbm>>
    tpu.wait_dma2 semaphore(%arg20 : memref<!tpu.dma_semaphore, #tpu.memory_space<semaphore_mem>>) src(%arg11 : memref<200x128xf32, #tpu.memory_space<vmem>>) dst(%dma_wait3A_45 : memref<200x128xf32, #tpu.memory_space<hbm>>)
    %dma_wait3A_46 = arith.constant 0 : i32
    %dma_wait3A_47 = tpu.memref_slice %arg5[%mul3A_2, %dma_wait3A_46] : memref<204800x128xf32, #tpu.memory_space<hbm>> -> memref<200x128xf32, #tpu.memory_space<hbm>>
    %dma_wait3A_48 = arith.constant 0 : i32
    %dma_wait3A_49 = tpu.memref_slice %arg5[%mul3A_2, %dma_wait3A_48] : memref<204800x128xf32, #tpu.memory_space<hbm>> -> memref<200x128xf32, #tpu.memory_space<hbm>>
    tpu.wait_dma2 semaphore(%arg21 : memref<!tpu.dma_semaphore, #tpu.memory_space<semaphore_mem>>) src(%arg12 : memref<200x128xf32, #tpu.memory_space<vmem>>) dst(%dma_wait3A_49 : memref<200x128xf32, #tpu.memory_space<hbm>>)
    %dma_wait3A_50 = arith.constant 0 : i32
    %dma_wait3A_51 = tpu.memref_slice %arg5[%mul3A_2, %dma_wait3A_50] : memref<204800x128xf32, #tpu.memory_space<hbm>> -> memref<200x128xf32, #tpu.memory_space<hbm>>
    %dma_wait3A_52 = arith.constant 0 : i32
    %dma_wait3A_53 = tpu.memref_slice %arg5[%mul3A_2, %dma_wait3A_52] : memref<204800x128xf32, #tpu.memory_space<hbm>> -> memref<200x128xf32, #tpu.memory_space<hbm>>
    tpu.wait_dma2 semaphore(%arg22 : memref<!tpu.dma_semaphore, #tpu.memory_space<semaphore_mem>>) src(%arg13 : memref<200x128xf32, #tpu.memory_space<vmem>>) dst(%dma_wait3A_53 : memref<200x128xf32, #tpu.memory_space<hbm>>)
    return
  }
}

</mosaic_0001>

<sc_bundles>
// kernel: kernel.3.cloned.1.call-start
scs
__scs_entry_jumppad:
0x0: {  	(pc) =	sbr.rel $0x88, $3  }
0x1: {  	(tag) =	ssettag $0x0;
	lr =	simm.s32 $0x1  }
0x2: {  	[smem:$0x3F9E] =	sst lr;
	_ =	strace $0xD0000000  }
0x3: {  	_ = 	snop  }
0x4: {  	_ = 	snop  }
0x5: {  	_ = 	snop  }
0x6: {  	_ = 	snop  }
0x7: {  	_ = 	snop  }
__scs_overlays_trampoline_lowered:
0x8: {  	[smem:$0x3FAD] =	sst s0  }
0x9: {  	[smem:$0x3FAE] =	sst s1  }
0xa: {  	[smem:$0x3FAF] =	sst s2  }
0xb: {  	[smem:$0x3FB0] =	sst s3  }
0xc: {  	[smem:$0x3FB1] =	sst s4  }
0xd: {  	[smem:$0x3FB2] =	sst s5  }
0xe: {  	[smem:$0x3FB3] =	sst s6  }
0xf: {  	[smem:$0x3FB4] =	sst s7  }
0x10: {  	[smem:$0x3FB5] =	sst s8  }
0x11: {  	[smem:$0x3FB6] =	sst s9;
	s0 =	simm.s32 @!p0 $0x0  }
0x12: {  	s1 =	sld [smem:$0x3F9C];
	s0 =	simm.s32 @p0 $0x1  }
0x13: {  	[smem:$0x3FB7] =	sst s0;
	s0 =	simm.s32 @!p1 $0x0  }
0x14: {  	s2 =	sld [smem:$0x3F9B];
	s0 =	simm.s32 @p1 $0x1  }
0x15: {  	[smem:$0x3FB8] =	sst s0;
	s0 =	simm.s32 @!p2 $0x0  }
0x16: {  	s3 =	sld [smem:$0x3FDB];
	s0 =	simm.s32 @p2 $0x1  }
0x17: {  	s4 =	simm.s32 $0x1BF5;
	[smem:$0x3FBA] =	sst s0  }
0x18: {  	s0 =	sld [smem:$0x3F9D];
	_ =	swait.ge [sflag:s4], $0x0  }
0x19: {  	s7 =	sld [smem:$0x3F9E]  }
0x1a: {  	s8 =	sadd.s32 $0xFFFFE003, lr  }
0x1b: {  	s9 =	sadd.s32 $0xFFFFFEF7, lr;
	s5 =	simm.s32 $0xFFFFFFFF;
	p2 =	slt.u32 s8, $0xFFFFF086  }
0x1c: {  	p1 =	slt.u32 s9, $0xF7A;
	s5 =	simm.s32 @!p2 $0x0  }
0x1d: {  	s5 =	simm.s32 @p1 $0x1;
	p0 =	seq.s32 s7, s2  }
0x1e: {  	s7 =	smul.u32 @!p0 $0xF7A, s2;
	p2 =	seq.s32 @!p0 s5, $0x0  }
0x1f: {  	s9 =	smul.u32 $0xF7A, s1;
	s8 =	simm.s32 @!p0 $0x1BF5;
	p2 =	por !p2, p0  }
0x20: {  	[sflag:s8] =	ssyncset.s32 @!p0 $0xFFFFF086;
	s6 =	sadd.s32 @!p0 s3, s7;
	s7 =	simm.s32 @!p0 $0x108  }
0x21: {  	s3 =	sadd.s32 s3, s9;
	s6 =	sadd.s32 @!p0 $0x88, s6;
	s7 =	simm.s32 @p2 $0x1082  }
0x22: {  	[simem:s7], [sflag:s8] =	dma.local @!p0 [hbm:s6], $0xF7A  }
0x23: {  	s9 =	sor.u32 $0xD0000000, s2;
	s6 =	simm.s32 $0x108;
	_ =	swait.ge @!p0 [sflag:s8], $0x0  }
0x24: {  	s3 =	sadd.s32 $0x88, s3;
	s6 =	simm.s32 @!p1 $0x1082;
	[sflag:s4] =	ssyncset.s32 $0xFFFFF086  }
0x25: {  	[simem:s6], [sflag:s4] =	dma.local [hbm:s3], $0xF7A  }
0x26: {  	[smem:$0x3F9E] =	sst s1;
	(tag) =	ssettag s2;
	_ =	strace s9  }
0x27: {  	s1 =	sld [smem:$0x3FAE]  }
0x28: {  	s2 =	sld [smem:$0x3FAF]  }
0x29: {  	s4 =	sld [smem:$0x3FB1]  }
0x2a: {  	p0 =	seq.s32 s5, $0x0;
	s5 =	sld [smem:$0x3FB2]  }
0x2b: {  	s6 =	sld [smem:$0x3FB3]  }
0x2c: {  	s7 =	sld [smem:$0x3FB4]  }
0x2d: {  	s3 =	simm.s32 $0x108;
	s8 =	sld [smem:$0x3FB5]  }
0x2e: {  	s3 =	simm.s32 @!p0 $0x1082;
	s9 =	sld [smem:$0x3FB6]  }
0x2f: {  	lr =	sadd.s32 s0, s3;
	s0 =	sld [smem:$0x3FAD]  }
0x30: {  	s3 =	sld [smem:$0x3FB0]  }
0x31: {  	[smem:$0x3FB9] =	sst s10  }
0x32: {  	s10 =	sld [smem:$0x3FB7];
	_ =	sdelay $0x3  }
0x33: {  	p0 =	seq.s32 s10, $0x1;
	s10 =	sld [smem:$0x3FB9];
	_ =	sdelay $0x3  }
0x34: {  	[smem:$0x3FB9] =	sst s10  }
0x35: {  	s10 =	sld [smem:$0x3FB8];
	_ =	sdelay $0x3  }
0x36: {  	p1 =	seq.s32 s10, $0x1;
	s10 =	sld [smem:$0x3FB9];
	_ =	sdelay $0x3  }
0x37: {  	[smem:$0x3FB9] =	sst s10  }
0x38: {  	s10 =	sld [smem:$0x3FBA]  }
0x39: {  	_ = 	snop;
	(pc) =	sbr.ind lr, $3  }
0x3a: {  	_ = 	snop  }
0x3b: {  	_ = 	snop  }
0x3c: {  	p2 =	seq.s32 s10, $0x1;
	s10 =	sld [smem:$0x3FB9]  }
0x3d: {  	_ =	shalt  }
0x3e: {  	_ =	shalt  }
0x3f: {  	_ =	shalt  }
0x40: {  	_ =	shalt  }
0x41: {  	_ =	shalt  }
0x42: {  	_ =	shalt  }
0x43: {  	_ =	shalt  }
0x44: {  	_ =	shalt  }
0x45: {  	_ =	shalt  }
0x46: {  	_ =	shalt  }
0x47: {  	_ =	shalt  }
0x48: {  	_ =	shalt  }
0x49: {  	_ =	shalt  }
0x4a: {  	_ =	shalt  }
0x4b: {  	_ =	shalt  }
0x4c: {  	_ =	shalt  }
0x4d: {  	_ =	shalt  }
0x4e: {  	_ =	shalt  }
0x4f: {  	_ =	shalt  }
0x50: {  	_ =	shalt  }
0x51: {  	_ =	shalt  }
0x52: {  	_ =	shalt  }
0x53: {  	_ =	shalt  }
0x54: {  	_ =	shalt  }
0x55: {  	_ =	shalt  }
0x56: {  	_ =	shalt  }
0x57: {  	_ =	shalt  }
0x58: {  	_ =	shalt  }
0x59: {  	_ =	shalt  }
0x5a: {  	_ =	shalt  }
0x5b: {  	_ =	shalt  }
0x5c: {  	_ =	shalt  }
0x5d: {  	_ =	shalt  }
0x5e: {  	_ =	shalt  }
0x5f: {  	_ =	shalt  }
0x60: {  	_ =	shalt  }
0x61: {  	_ =	shalt  }
0x62: {  	_ =	shalt  }
0x63: {  	_ =	shalt  }
0x64: {  	_ =	shalt  }
0x65: {  	_ =	shalt  }
0x66: {  	_ =	shalt  }
0x67: {  	_ =	shalt  }
0x68: {  	_ =	shalt  }
0x69: {  	_ =	shalt  }
0x6a: {  	_ =	shalt  }
0x6b: {  	_ =	shalt  }
0x6c: {  	_ =	shalt  }
0x6d: {  	_ =	shalt  }
0x6e: {  	_ =	shalt  }
0x6f: {  	_ =	shalt  }
0x70: {  	_ =	shalt  }
0x71: {  	_ =	shalt  }
0x72: {  	_ =	shalt  }
0x73: {  	_ =	shalt  }
0x74: {  	_ =	shalt  }
0x75: {  	_ =	shalt  }
0x76: {  	_ =	shalt  }
0x77: {  	_ =	shalt  }
0x78: {  	_ =	shalt  }
0x79: {  	_ =	shalt  }
0x7a: {  	_ =	shalt  }
0x7b: {  	_ =	shalt  }
0x7c: {  	_ =	shalt  }
0x7d: {  	_ =	shalt  }
0x7e: {  	_ =	shalt  }
0x7f: {  	_ =	shalt  }
0x80: {  	_ =	shalt  }
0x81: {  	_ =	shalt  }
0x82: {  	_ =	shalt  }
0x83: {  	_ =	shalt  }
0x84: {  	_ =	shalt  }
0x85: {  	_ =	shalt  }
0x86: {  	_ =	shalt  }
0x87: {  	_ =	shalt  }
.Lfunc_end0:
.L_simem_size_0:
called_computation_lowered:
.L_overlay_start_0:
0x88: {  	s2 =	sld [smem:$0x3FD9]  }
0x89: {  	s3 =	sld [smem:$0x3FFE];
	_ =	sdelay $0x1  }
0x8a: {  	s1 =	srdreg.scid  }
0x8b: {  	s0 =	sand.u32 $0x1, s1  }
0x8c: {  	s17 =	sshll.u32 s0, $0xA;
	s2 =	sadd.s32 s3, s2  }
0x8d: {  	s2 =	sadd.s32 s2, s17  }
0x8e: {  	[smem:$0x3FC5] =	sst s2  }
0x8f: {  	_ = 	snop  }
0x90: {  	s2 =	sld [smem:$0x3FC8]  }
0x91: {  	s18 =	sld [smem:$0x3FD0];
	(tm) =	ssettm $0x1  }
0x92: {  	s4 =	sld [smem:$0x3FFB];
	_ =	sdelay $0x3  }
0x93: {  	_ =	strace s4  }
0x94: {  	s4 =	sld [smem:$0x3FFC];
	_ =	sdelay $0x3  }
0x95: {  	_ =	strace s4  }
0x96: {  	s4 =	sld [smem:$0x3FFD];
	_ =	sdelay $0x3  }
0x97: {  	_ =	strace s4  }
0x98: {  	_ =	strace $0x8FFFFFFF  }
0x99: {  	s19 =	sld [smem:$0x3FDB];
	_ =	sdelay $0x1  }
0x9a: {  	s5 =	simm.s32 $_scs_section_size  }
0x9b: {  	s6 =	simm.s32 $_size__tile_overlayer_lowered;
	s7 =	simm.s32 $_tile_overlayer_lowered  }
0x9c: {  	s22 =	simm.s32 $0x1BFF;
	s21 =	sshll.u32 s7, $0x1;
	s4 =	sadd.s32 s5, s19  }
0x9d: {  	s8 =	simm.s32 $0x0;
	s20 =	sshll.u32 s6, $0x1;
	s6 =	sadd.s32 s21, s4  }
0x9e: {  	[timem:s8], [sflag:s22] =	dma.local [hbm:s6], s20  }
0x9f: {  	_ =	swait.ge [sflag:s22], s20  }
0xa0: {  	s5 =	ssub.s32 $0x0, s20;
	[sflag:s22] =	ssyncset.done $0x0  }
0xa1: {  	[sflag:s22] =	ssyncadd.s32 s5;
	_ =	sdelay $0x1  }
0xa2: {  	s23 =	simm.s32 $0x1B8B  }
0xa3: {  	_ =	swait.ge [sflag:s23], $0x1  }
0xa4: {  	[sflag:s23] =	ssyncset.done $0x0  }
0xa5: {  	s25 =	simm.s32 $0x1B8E;
	s24 =	sld [smem:$0x3FFE];
	[sflag:s23] =	ssyncadd.s32 $0xFFFFFFFF  }
0xa6: {  	s26 =	simm.s32 $execute0_lowered;
	[smem:$0x3FD2] =	sst s25  }
0xa7: {  	s6 =	sshll.u32 s26, $0x1;
	_ =	strace $0x80000046;
	[dreg:$0x1] =	wrdreg $0xFFFFFFFF  }
0xa8: {  	s28 =	simm.s32 $_size_execute0_lowered;
	s4 =	sadd.s32 s4, s6;
	[dreg:$0x0] =	wrdreg $0x0  }
0xa9: {  	s6 =	sshll.u32 s28, $0x1;
	[dreg:$0x2] =	wrdreg s4  }
0xaa: {  	[dreg:$0x3] =	wrdreg s6  }
0xab: {  	[dreg:$0x4] =	wrdreg $0xC0  }
0xac: {  	_ =	task [dreg:s8], $0x5FFFF  }
0xad: {  	[dreg:$0x1] =	wrdreg $0xFFFFFFFF  }
0xae: {  	[dreg:$0x0] =	wrdreg $0x60  }
0xaf: {  	[dreg:$0x2] =	wrdreg s24  }
0xb0: {  	[dreg:$0x3] =	wrdreg s2  }
0xb1: {  	[dreg:$0x4] =	wrdreg s18  }
0xb2: {  	[dreg:$0x5] =	wrdreg $0x9  }
0xb3: {  	_ =	task.clear_ibuf [dreg:s8], $0x6FFFF;
	_ =	strace $0x90000046  }
0xb4: {  	s29 =	simm.s32 $0x9;
	_ =	strace $0x80000048  }
0xb5: {  	_ =	swait.ge [sflag:s29], $0x1  }
0xb6: {  	[sflag:s29] =	ssyncadd.s32 $0xFFFFFFFF  }
0xb7: {  	_ =	strace $0x90000048  }
0xb8: {  	_ =	sfence  }
0xb9: {  	s30 =	sld [smem:$0x0];
	_ =	sdelay $0x2  }
0xba: {  	s31 =	sshll.u32 s1, $0xD;
	s1 =	sshrl.u32 s1, $0x2  }
0xbb: {  	s3 =	sand.u32 $0x4000, s31;
	s1 =	sadd.s32 s1, s30  }
0xbc: {  	s0 =	sor.u32 s3, s0;
	s1 =	sshll.u32 s1, $0x11  }
0xbd: {  	s0 =	sor.u32 s1, s0  }
0xbe: {  	s0 =	sadd.s32 $0x8F2B, s0  }
0xbf: {  	[sflag:s0] =	ssyncadd.remote.s32 $0x1  }
0xc0: {  	_ =	sfence.sel $0xFFFF  }
0xc1: {  	[dreg:$0x0] =	wrdreg $0xFFFFFFFF;
	(pc) =	sbr.abs _section_cstart, $3  }
0xc2: {  	[dreg:$0x1] =	wrdreg $0xFFFFFFFF  }
0xc3: {  	_ =	task.clear_ibuf [dreg:s8], $0x2FFFF;
	_ =	strace $0x9FFFFFFF  }
0xc4: {  	(tm) =	ssettm $0x7FFFFFFF  }
0xc5: {  	_ =	shalt  }
tec
execute0_lowered:
.L_overlay_start_1:
0x0: {  	(tag) =	ssettag $0x1  }
0x1: {  	s0 =	rddreg [dreg:$0x0]  }
0x2: {  	s1 =	rddreg [dreg:$0x1];
	v0 =	vimm.s32 $0xEFCDAB89;
	v1 =	vimm.s32 $0x67452301  }
0x3: {  	s2 =	rddreg [dreg:$0x2];
	s3 =	srdreg.scid;
	v0 =	vunpack.c.l.s4.s8 v0;
	v1 =	vunpack.c.l.s4.s8 v1  }
0x4: {  	s5 =	stileid.u32;
	s4 =	simm.s32 $0x0;
	v2 =	vimm.s32 $0x54761032;
	s19 =	simm.s32 $0x9  }
0x5: {  	v3 =	vimm.s32 $0xBA98FEDC;
	s20 =	simm.s32 $0xC8;
	s21 =	simm.s32 $0x400;
	s23 =	simm.s32 $0x6800;
	v0 =	vunpack.c.0.s8.s32 v0;
	v1 =	vunpack.c.0.s8.s32 v1  }
0x6: {  	vm0 =	vcmask $0xB08;
	vm1 =	vcmask $0x300;
	v4 =	vimm.s32 $0x32107654;
	s24 =	simm.s32 $0x200;
	s28 =	simm.s32 $0x300;
	s29 =	simm.s32 $0x13000  }
0x7: {  	s30 =	simm.s32 $0x2;
	s31 =	simm.s32 $0x3;
	s10 =	simm.s32 $0x0;
	vm0 =	vmor vm1, vm0;
	v0 =	vcombine.low v1, v0;
	v1 =	vimm.s32 $0xDCFE98BA  }
0x8: {  	s3 =	sand.u32 $0x1, s3;
	s5 =	sshll.u32 s5, $0x1;
	[smem:$0x7FF] =	sst s4;
	vm1 =	vcmask $0x1310;
	v2 =	vunpack.c.l.s4.s8 v2;
	v1 =	vunpack.c.l.s4.s8 v1  }
0x9: {  	s6 =	sadd.s32 $0x400, s0;
	v3 =	vunpack.c.l.s4.s8 v3;
	v4 =	vunpack.c.l.s4.s8 v4;
	s5 =	sor.u32 s3, s5;
	s25 =	ssub.s32 $0x2, s3;
	vm0 =	vmor vm0, vm1  }
0xa: {  	s0 =	sadd.s32 $0x6800, s0;
	vm1 =	vcmask $0x1B18;
	s5 =	smul.u32 $0x1900, s5;
	s3 =	sshrl.u32 s25, $0x1;
	v2 =	vunpack.c.0.s8.s32 v2;
	v1 =	vunpack.c.0.s8.s32 v1  }
0xb: {  	_ =	strace $0x80000047;
	[dreg:$0x4] =	wrdreg s0;
	vm0 =	vmor vm0, vm1;
	v3 =	vunpack.c.0.s8.s32 v3;
	v4 =	vunpack.c.0.s8.s32 v4;
	s0 =	ssub.s32 s25, s3  }
0xc: {  	vm1 =	vcmask $0x2320;
	s25 =	simm.s32 $0xCC00;
	s7 =	sshrl.u32 s5, $0x3;
	s8 =	sadd.s32 $0x190, s5;
	v1 =	vcombine.low v2, v1;
	v2 =	vimm.s32 $0xFEDCBA98  }
0xd: {  	s12 =	sadd.s32 $0x258, s5;
	s13 =	sor.u32 $0xC8, s5;
	s14 =	sadd.s32 $0x320, s5;
	v3 =	vcombine.low v4, v3;
	v4 =	vimm.s32 $0x76543210;
	v2 =	vunpack.c.l.s4.s8 v2  }
.Ltmp0:
0xe: {  	vm0 =	vmor vm0, vm1;
	vm1 =	vcmask $0x2B28;
	s15 =	sadd.s32 $0x3E8, s5;
	s0 =	smax.u32 s0, $0x1;
	v4 =	vunpack.c.l.s4.s8 v4;
	(pc) =	sbr.rel .LBB2_1-.Ltmp0, $4  }
0xf: {  	s16 =	sadd.s32 $0x4B0, s5;
	vm0 =	vmor vm0, vm1;
	vm1 =	vcmask $0x3330;
	s7 =	sadd.s32 s6, s7;
	[dreg:$0x8] =	wrdreg s0;
	v2 =	vunpack.c.0.s8.s32 v2  }
0x10: {  	s26 =	sshrl.u32 s8, $0x3;
	vm0 =	vmor vm0, vm1;
	vm1 =	vcmask $0x3B38;
	[dreg:$0x5] =	wrdreg s7;
	s7 =	sadd.s32 $0x19, s7;
	v4 =	vunpack.c.0.s8.s32 v4  }
0x11: {  	s0 =	simm.s32 $0x4;
	s3 =	sadd.s32 s6, s26;
	vm0 =	vmor vm0, vm1;
	v0 =	vand.u32 $0xF, v0;
	[dreg:$0x6] =	wrdreg s7;
	v5 =	vand.u32 $0xF, v2  }
0x12: {  	s26 =	simm.s32 $0x1;
	[dreg:$0x7] =	wrdreg s3;
	s7 =	simm.s32 $0x7;
	v1 =	vand.u32 $0xF, v1;
	v2 =	vand.u32 $0xF, v3;
	v3 =	vcombine.low v5, v4  }
.LBB2_12:
0x13: {  	s3 =	simm.s32 $0x5  }
0x14: {  	_ =	swait.ge [sflag:s3], $0x6400  }
0x15: {  	[sflag:s3] =	ssyncset.done $0x0  }
0x16: {  	s18 =	simm.s32 $0x6;
	[sflag:s3] =	ssyncadd.s32 $0xFFFF9C00  }
0x17: {  	_ =	swait.ge [sflag:s18], $0x6400  }
0x18: {  	[sflag:s18] =	ssyncset.done $0x0  }
0x19: {  	[sflag:s18] =	ssyncadd.s32 $0xFFFF9C00  }
0x1a: {  	_ =	swait.ge [sflag:s7], $0x6400  }
0x1b: {  	[sflag:s7] =	ssyncset.done $0x0  }
0x1c: {  	s9 =	simm.s32 $0x8;
	[sflag:s7] =	ssyncadd.s32 $0xFFFF9C00  }
0x1d: {  	_ =	swait.ge [sflag:s9], $0x6400  }
0x1e: {  	s10 =	sadd.s32 $0x1, s10;
	s22 =	rddreg [dreg:$0x8]  }
0x1f: {  	p0 =	sne.s32 s10, s22  }
.Ltmp1:
0x20: {  	_ = 	snop;
	(pc) =	sbr.rel @!p0 .LBB2_13-.Ltmp1, $3  }
0x21: {  	_ =	sdelay $0x1  }
0x22: {  	[sflag:s9] =	ssyncset.done $0x0  }
0x23: {  	[sflag:s9] =	ssyncadd.s32 $0xFFFF9C00  }
.LBB2_1:
0x24: {  	s3 =	rddreg [dreg:$0x4];
	s9 =	simm.s32 $0x19400  }
0x25: {  	[tilespmem:s9], [sflag:$0x9] =	stream.linear.gather [hbm4b:s3+s4], $0x80, $0x38;
	[tilespmem:$0x19480] =	vst v63  }
0x26: {  	_ =	swait.ge [sflag:s19], $0x80  }
0x27: {  	[sflag:s19] =	ssyncset.done $0x0  }
0x28: {  	s11 =	rddreg [dreg:$0x5];
	[sflag:s19] =	ssyncadd.s32 $0xFFFFFF80  }
0x29: {  	v4 =	vld [tilespmem:$0x19400];
	[tilespmem:s4], [sflag:$0x9] =	stream.linear.gather [hbm4b:s11+s4], $0xC8, $0x38  }
0x2a: {  	_ =	swait.ge [sflag:s19], $0xC8  }
0x2b: {  	[sflag:s19] =	ssyncset.done $0x0  }
0x2c: {  	[sflag:s19] =	ssyncadd.s32 $0xFFFFFF38  }
0x2d: {  	[tilespmem:s21], [sflag:$0x1] =	stream.indirect.gather [hbm4b:s1+s20], $0x80, s4, s20, $0xb8;
	[tilespmem:$0x19480] =	vst v63  }
0x2e: {  	s18 =	simm.s32 $0x100;
	s17 =	rddreg [dreg:$0x6]  }
0x2f: {  	[tilespmem:s18], [sflag:$0x9] =	stream.linear.gather [hbm4b:s17+s4], $0xC8, $0x38;
	[tilespmem:$0x19480] =	vst v63  }
0x30: {  	_ =	swait.ge [sflag:s19], $0xC8  }
0x31: {  	[sflag:s19] =	ssyncset.done $0x0  }
0x32: {  	[sflag:s19] =	ssyncadd.s32 $0xFFFFFF38  }
0x33: {  	[tilespmem:s23], [sflag:$0x2] =	stream.indirect.gather [hbm4b:s1+s20], $0x80, s18, s20, $0xb8;
	[tilespmem:$0x19480] =	vst v63  }
0x34: {  	s22 =	rddreg [dreg:$0x7]  }
0x35: {  	[tilespmem:s24], [sflag:$0x9] =	stream.linear.gather [hbm4b:s22+s4], $0xC8, $0x38;
	[tilespmem:$0x19480] =	vst v63  }
0x36: {  	_ =	swait.ge [sflag:s19], $0xC8  }
0x37: {  	[sflag:s19] =	ssyncset.done $0x0  }
0x38: {  	s11 =	simm.s32 $0x0;
	[sflag:s19] =	ssyncadd.s32 $0xFFFFFF38  }
0x39: {  	[tilespmem:s25], [sflag:$0x3] =	stream.indirect.gather [hbm4b:s1+s20], $0x80, s24, s20, $0xb8;
	[tilespmem:$0x19480] =	vst v63  }
.LBB2_2:
0x3a: {  	_ =	swait.ge [sflag:s26], $0x6400  }
0x3b: {  	[sflag:s26] =	ssyncset.done $0x0  }
0x3c: {  	s9 =	simm.s32 $0x500;
	[sflag:s26] =	ssyncadd.s32 $0xFFFF9C00  }
0x3d: {  	v7 =	vld [tilespmem:s9+$0x0]  }
0x3e: {  	v10 =	vld [tilespmem:s9+$0x80]  }
0x3f: {  	v18 =	vld [tilespmem:s9+$0x10]  }
0x40: {  	v22 =	vld [tilespmem:s9+$0x90]  }
0x41: {  	v23 =	vld [tilespmem:s9+$0x20]  }
0x42: {  	v5 =	vld [tilespmem:s9+$0xA0]  }
0x43: {  	v20 =	vld [tilespmem:s9+$0x30]  }
0x44: {  	v6 =	vld [tilespmem:s9+$0xB0];
	v8 =	vmul.f32 v7, v7;
	v9 =	vmul.f32 v18, v18  }
0x45: {  	v17 =	vld [tilespmem:s9+$0x40];
	v13 =	vmul.f32 v10, v10;
	v14 =	vmul.f32 v22, v22  }
0x46: {  	v11 =	vld [tilespmem:s9+$0xC0];
	v15 =	vmul.f32 v23, v23;
	v8 =	vadd.f32 v9, v8  }
0x47: {  	v12 =	vld [tilespmem:s9+$0x50];
	v9 =	vmul.f32 v5, v5;
	v14 =	vadd.f32 v14, v13  }
0x48: {  	v16 =	vmul.f32 v20, v20;
	v13 =	vld [tilespmem:s9+$0xD0];
	v8 =	vadd.f32 v15, v8  }
0x49: {  	v26 =	vld [tilespmem:s9+$0x60];
	v15 =	vmul.f32 v6, v6;
	v9 =	vadd.f32 v9, v14  }
0x4a: {  	v19 =	vmul.f32 v17, v17;
	v14 =	vld [tilespmem:s9+$0xE0];
	v8 =	vadd.f32 v16, v8  }
0x4b: {  	v21 =	vld [tilespmem:s9+$0xF0];
	v9 =	vadd.f32 v15, v9;
	v15 =	vmul.f32 v11, v11  }
0x4c: {  	v32 =	vld [tilespmem:s9+$0x70];
	v16 =	vmul.f32 v12, v12;
	v8 =	vadd.f32 v19, v8  }
0x4d: {  	v19 =	vmul.f32 v13, v13;
	v9 =	vadd.f32 v15, v9  }
0x4e: {  	v15 =	vmul.f32 v26, v26;
	v8 =	vadd.f32 v16, v8  }
0x4f: {  	v16 =	vmul.f32 v14, v14;
	v9 =	vadd.f32 v19, v9  }
0x50: {  	v8 =	vadd.f32 v15, v8  }
0x51: {  	v15 =	vmul.f32 v32, v32;
	v9 =	vadd.f32 v16, v9;
	v16 =	vmul.f32 v21, v21;
	_ =	sdelay $0x1  }
0x52: {  	v19 =	vadd.f32 v15, v8;
	v16 =	vadd.f32 v16, v9  }
0x53: {  	v27 =	vld [tilespmem:s9+$0xFFFFFFA0]  }
0x54: {  	v8 =	vld [tilespmem:s9+$0xFFFFFF90];
	v24 =	vperm.xlane v19, v0;
	v25 =	vperm.xlane v16, v0  }
0x55: {  	v15 =	vld [tilespmem:s9+$0xFFFFFF00]  }
0x56: {  	v24 =	vadd.f32 v24, v19;
	v25 =	vadd.f32 v25, v16;
	v19 =	vld [tilespmem:s9+$0xFFFFFF10]  }
0x57: {  	v16 =	vld [tilespmem:s9+$0xFFFFFF80]  }
0x58: {  	v35 =	vld [tilespmem:s9+$0xFFFFFF30];
	v25 =	vsel vm0, v24, v25  }
0x59: {  	v9 =	vld [tilespmem:s9+$0xFFFFFF20];
	v28 =	vperm.xlane v25, v1  }
0x5a: {  	v34 =	vld [tilespmem:s9+$0xFFFFFF40]  }
0x5b: {  	v29 =	vmul.f32 v15, v15;
	v31 =	vmul.f32 v8, v8;
	v24 =	vld [tilespmem:s9+$0xFFFFFFB0];
	v28 =	vadd.f32 v25, v28  }
0x5c: {  	v30 =	vld [tilespmem:s9+$0xFFFFFFC0];
	v33 =	vmul.f32 v19, v19;
	v36 =	vmul.f32 v16, v16  }
0x5d: {  	v48 =	vmul.f32 v27, v27;
	v25 =	vld [tilespmem:s9+$0xFFFFFF50];
	v37 =	vperm.xlane v28, v2  }
0x5e: {  	v38 =	vmul.f32 v9, v9;
	v29 =	vadd.f32 v33, v29;
	v47 =	vadd.f32 v31, v36;
	v31 =	vld [tilespmem:s9+$0xFFFFFFD0]  }
0x5f: {  	v39 =	vmul.f32 v35, v35;
	v33 =	vld [tilespmem:s9+$0xFFFFFFE0];
	v37 =	vadd.f32 v28, v37  }
0x60: {  	v49 =	vmul.f32 v24, v24;
	v29 =	vadd.f32 v38, v29;
	v28 =	vld [tilespmem:s9+$0xFFFFFF60];
	v36 =	vadd.f32 v48, v47  }
0x61: {  	v41 =	vmul.f32 v34, v34;
	v40 =	vperm.xlane v37, v3  }
0x62: {  	v42 =	vmul.f32 v30, v30;
	v39 =	vadd.f32 v39, v29;
	v29 =	vld [tilespmem:s9+$0xFFFFFF70];
	v38 =	vadd.f32 v49, v36  }
0x63: {  	v50 =	vmul.f32 v25, v25;
	v36 =	vld [tilespmem:s9+$0xFFFFFFF0];
	v51 =	vmul.f32 v31, v31;
	v37 =	vadd.f32 v37, v40  }
0x64: {  	v54 =	vmul.f32 v33, v33;
	v39 =	vadd.f32 v41, v39;
	v38 =	vadd.f32 v42, v38  }
0x65: {  	v44 =	vmul.f32 v28, v28;
	v52 =	vshra.s32 v37, $0x1;
	v43 =	vmul.f32 $5.000000000e-01, v37  }
0x66: {  	v39 =	vadd.f32 v50, v39;
	v38 =	vadd.f32 v51, v38;
	v53 =	vsub.s32 $0x5F3759DF, v52  }
0x67: {  	v45 =	vmul.f32 v29, v29;
	v55 =	vmul.f32 v53, v43  }
0x68: {  	v56 =	vmul.f32 v36, v36;
	v39 =	vadd.f32 v44, v39;
	v38 =	vadd.f32 v54, v38  }
0x69: {  	v41 =	vmul.f32 v53, v55  }
0x6a: {  	v39 =	vadd.f32 v45, v39;
	v38 =	vadd.f32 v56, v38  }
0x6b: {  	v41 =	vsub.f32 $1.500000000e+00, v41  }
0x6c: {  	v57 =	vperm.xlane v39, v0;
	v58 =	vperm.xlane v38, v0  }
0x6d: {  	v40 =	vmul.f32 v53, v41  }
0x6e: {  	v39 =	vadd.f32 v57, v39;
	v38 =	vadd.f32 v58, v38  }
0x6f: {  	v41 =	vmul.f32 v40, v43  }
0x70: {  	v38 =	vsel vm0, v39, v38  }
0x71: {  	v60 =	vperm.xlane v38, v1;
	v59 =	vmul.f32 v41, v40;
	_ =	sdelay $0x1  }
0x72: {  	v38 =	vadd.f32 v38, v60;
	v39 =	vsub.f32 $1.500000000e+00, v59;
	_ =	sdelay $0x1  }
0x73: {  	v61 =	vperm.xlane v38, v2;
	v39 =	vmul.f32 v39, v40;
	_ =	sdelay $0x1  }
0x74: {  	v38 =	vadd.f32 v38, v61;
	v37 =	vmul.f32 v39, v37;
	_ =	sdelay $0x1  }
0x75: {  	v62 =	vperm.xlane v38, v3;
	v37 =	vmax.f32 v37, v4  }
0x76: {  	(erf) = vrcp.f32 v37  }
0x77: {  	v37 =	vadd.f32 v38, v62;
	_ =	sdelay $0x1  }
0x78: {  	v39 =	vshra.s32 v37, $0x1;
	v38 =	vmul.f32 $5.000000000e-01, v37  }
0x79: {  	v40 =	vsub.s32 $0x5F3759DF, v39  }
0x7a: {  	v39 =	vmul.f32 v40, v38;
	_ =	sdelay $0x1  }
0x7b: {  	v63 =	vmul.f32 v40, v39;
	_ =	sdelay $0x1  }
0x7c: {  	v42 =	vsub.f32 $1.500000000e+00, v63;
	v39 =	vpop (erf)  }
0x7d: {  	s17 =	simm.s32 $0x0;
	s3 =	simm.s32 $0x500;
	v41 =	vperm.xlane v39, v0  }
.LBB2_3:
0x7e: {  	s17 =	sadd.s32 $0x2, s17;
	v40 =	vmul.f32 v40, v42;
	s9 =	sadd.s32 $0x200, s9  }
0x7f: {  	p0 =	slt.u32 s17, $0x62;
	v42 =	vsel vm0, v39, v41;
	v39 =	vsel vm0, v41, v39  }
0x80: {  	v38 =	vmul.f32 v40, v38;
	v7 =	vmul.f32 v42, v7  }
0x81: {  	v23 =	vmul.f32 v42, v23;
	v17 =	vmul.f32 v42, v17  }
0x82: {  	v20 =	vmul.f32 v42, v20;
	v38 =	vmul.f32 v38, v40;
	[tilespmem:s3+$0x0] =	vst v7  }
0x83: {  	v10 =	vmul.f32 v39, v10;
	v6 =	vmul.f32 v39, v6;
	[tilespmem:s3+$0x40] =	vst v17  }
0x84: {  	v18 =	vmul.f32 v42, v18;
	v5 =	vmul.f32 v39, v5;
	v38 =	vsub.f32 $1.500000000e+00, v38;
	[tilespmem:s3+$0x20] =	vst v23  }
0x85: {  	v22 =	vmul.f32 v39, v22;
	v11 =	vmul.f32 v39, v11;
	v7 =	vld [tilespmem:s9+$0x0];
	[tilespmem:s3+$0xB0] =	vst v6  }
0x86: {  	v21 =	vmul.f32 v39, v21;
	v17 =	vld [tilespmem:s9+$0x40];
	v23 =	vmul.f32 v38, v40;
	[tilespmem:s3+$0xA0] =	vst v5  }
0x87: {  	v12 =	vmul.f32 v42, v12;
	v26 =	vmul.f32 v42, v26;
	v6 =	vld [tilespmem:s9+$0xB0];
	[tilespmem:s3+$0xC0] =	vst v11  }
0x88: {  	v13 =	vmul.f32 v39, v13;
	v5 =	vld [tilespmem:s9+$0xA0];
	v37 =	vmul.f32 v23, v37;
	[tilespmem:s3+$0x90] =	vst v22  }
0x89: {  	v32 =	vmul.f32 v42, v32;
	v14 =	vmul.f32 v39, v14;
	v23 =	vld [tilespmem:s9+$0x20];
	[tilespmem:s3+$0x80] =	vst v10  }
0x8a: {  	v11 =	vld [tilespmem:s9+$0xC0];
	v22 =	vmax.f32 v37, v4;
	[tilespmem:s3+$0x30] =	vst v20  }
0x8b: {  	v10 =	vld [tilespmem:s9+$0x80];
	[tilespmem:s3+$0x10] =	vst v18;
	(erf) = vrcp.f32 v22  }
0x8c: {  	v20 =	vld [tilespmem:s9+$0x30];
	[tilespmem:s3+$0xF0] =	vst v21  }
0x8d: {  	v21 =	vld [tilespmem:s9+$0xF0];
	v37 =	vmul.f32 v5, v5;
	[tilespmem:s3+$0x50] =	vst v12  }
0x8e: {  	v12 =	vld [tilespmem:s9+$0x50];
	v38 =	vmul.f32 v23, v23;
	[tilespmem:s3+$0x60] =	vst v26  }
0x8f: {  	v18 =	vld [tilespmem:s9+$0x10];
	[tilespmem:s3+$0xD0] =	vst v13  }
0x90: {  	v39 =	vmul.f32 v7, v7;
	v22 =	vld [tilespmem:s9+$0x90];
	[tilespmem:s3+$0xE0] =	vst v14  }
0x91: {  	v40 =	vmul.f32 v17, v17;
	v13 =	vld [tilespmem:s9+$0xD0];
	[tilespmem:s3+$0x70] =	vst v32  }
0x92: {  	v41 =	vmul.f32 v6, v6;
	v14 =	vld [tilespmem:s9+$0xE0]  }
0x93: {  	v32 =	vmul.f32 v10, v10;
	v42 =	vmul.f32 v12, v12  }
0x94: {  	v43 =	vmul.f32 v18, v18;
	v44 =	vpop (erf)  }
0x95: {  	v26 =	vld [tilespmem:s9+$0x60];
	v45 =	vmul.f32 v22, v22;
	v46 =	vperm.xlane v44, v0  }
0x96: {  	v39 =	vadd.f32 v43, v39;
	v43 =	vmul.f32 v20, v20  }
0x97: {  	v32 =	vadd.f32 v45, v32;
	v45 =	vmul.f32 v13, v13;
	v47 =	vsel vm0, v46, v44  }
0x98: {  	v44 =	vsel vm0, v44, v46;
	v38 =	vadd.f32 v38, v39;
	v39 =	vmul.f32 v14, v14  }
0x99: {  	v15 =	vmul.f32 v44, v15;
	v8 =	vmul.f32 v47, v8;
	v37 =	vadd.f32 v37, v32  }
0x9a: {  	v34 =	vmul.f32 v44, v34;
	v38 =	vadd.f32 v43, v38;
	v43 =	vmul.f32 v26, v26  }
0x9b: {  	v35 =	vmul.f32 v44, v35;
	v32 =	vld [tilespmem:s9+$0x70];
	v37 =	vadd.f32 v41, v37;
	v41 =	vmul.f32 v11, v11;
	[tilespmem:s3+$0xFFFFFF90] =	vst v8  }
0x9c: {  	v9 =	vmul.f32 v44, v9;
	v16 =	vmul.f32 v47, v16;
	v8 =	vld [tilespmem:s9+$0xFFFFFF90];
	v38 =	vadd.f32 v40, v38;
	[tilespmem:s3+$0xFFFFFF00] =	vst v15  }
0x9d: {  	v28 =	vmul.f32 v44, v28;
	v24 =	vmul.f32 v47, v24;
	v15 =	vld [tilespmem:s9+$0xFFFFFF00];
	v37 =	vadd.f32 v41, v37;
	[tilespmem:s3+$0xFFFFFF30] =	vst v35  }
0x9e: {  	v27 =	vmul.f32 v47, v27;
	v33 =	vmul.f32 v47, v33;
	v35 =	vadd.f32 v42, v38;
	[tilespmem:s3+$0xFFFFFF20] =	vst v9  }
0x9f: {  	v19 =	vmul.f32 v44, v19;
	v30 =	vmul.f32 v47, v30;
	v9 =	vld [tilespmem:s9+$0xFFFFFF20];
	v37 =	vadd.f32 v45, v37;
	[tilespmem:s3+$0xFFFFFF80] =	vst v16  }
0xa0: {  	v36 =	vmul.f32 v47, v36;
	v16 =	vld [tilespmem:s9+$0xFFFFFF80];
	v35 =	vadd.f32 v43, v35;
	v38 =	vmul.f32 v32, v32;
	[tilespmem:s3+$0xFFFFFF60] =	vst v28  }
0xa1: {  	v25 =	vmul.f32 v44, v25;
	v37 =	vadd.f32 v39, v37;
	v39 =	vmul.f32 v21, v21;
	[tilespmem:s3+$0xFFFFFFB0] =	vst v24  }
0xa2: {  	v41 =	vmul.f32 v8, v8;
	v28 =	vld [tilespmem:s9+$0xFFFFFF60];
	v40 =	vmul.f32 v15, v15;
	v35 =	vadd.f32 v38, v35;
	[tilespmem:s3+$0xFFFFFF10] =	vst v19  }
0xa3: {  	v29 =	vmul.f32 v44, v29;
	v31 =	vmul.f32 v47, v31;
	v37 =	vadd.f32 v39, v37;
	[tilespmem:s3+$0xFFFFFFE0] =	vst v33  }
0xa4: {  	v24 =	vld [tilespmem:s9+$0xFFFFFFB0];
	v38 =	vperm.xlane v35, v0;
	[tilespmem:s3+$0xFFFFFF40] =	vst v34  }
0xa5: {  	v19 =	vld [tilespmem:s9+$0xFFFFFF10];
	v39 =	vmul.f32 v16, v16;
	v34 =	vperm.xlane v37, v0;
	[tilespmem:s3+$0xFFFFFFD0] =	vst v31  }
0xa6: {  	v33 =	vld [tilespmem:s9+$0xFFFFFFE0];
	v31 =	vadd.f32 v38, v35;
	[tilespmem:s3+$0xFFFFFF50] =	vst v25  }
0xa7: {  	v38 =	vmul.f32 v9, v9;
	v35 =	vld [tilespmem:s9+$0xFFFFFF30];
	v37 =	vadd.f32 v34, v37;
	[tilespmem:s3+$0xFFFFFF70] =	vst v29  }
0xa8: {  	v39 =	vadd.f32 v41, v39;
	v41 =	vmul.f32 v28, v28;
	v34 =	vld [tilespmem:s9+$0xFFFFFF40];
	[tilespmem:s3+$0xFFFFFFF0] =	vst v36  }
0xa9: {  	v25 =	vld [tilespmem:s9+$0xFFFFFF50];
	v31 =	vsel vm0, v31, v37;
	[tilespmem:s3+$0xFFFFFFA0] =	vst v27  }
0xaa: {  	v27 =	vld [tilespmem:s9+$0xFFFFFFA0];
	v36 =	vmul.f32 v19, v19;
	v37 =	vperm.xlane v31, v1;
	[tilespmem:s3+$0xFFFFFFC0] =	vst v30;
	s3 =	smov.u32 s9  }
0xab: {  	v42 =	vmul.f32 v24, v24;
	v29 =	vld [tilespmem:s9+$0xFFFFFF70]  }
0xac: {  	v30 =	vld [tilespmem:s9+$0xFFFFFFC0];
	v43 =	vmul.f32 v35, v35;
	v37 =	vadd.f32 v31, v37  }
0xad: {  	v36 =	vadd.f32 v36, v40;
	v40 =	vmul.f32 v33, v33  }
0xae: {  	v44 =	vperm.xlane v37, v2  }
0xaf: {  	v36 =	vadd.f32 v38, v36;
	v45 =	vmul.f32 v25, v25;
	v31 =	vld [tilespmem:s9+$0xFFFFFFD0];
	v38 =	vmul.f32 v27, v27  }
0xb0: {  	v46 =	vmul.f32 v34, v34;
	v47 =	vmul.f32 v29, v29;
	v37 =	vadd.f32 v37, v44  }
0xb1: {  	v36 =	vadd.f32 v43, v36;
	v38 =	vadd.f32 v38, v39;
	v39 =	vmul.f32 v30, v30  }
0xb2: {  	v43 =	vperm.xlane v37, v3  }
0xb3: {  	v38 =	vadd.f32 v42, v38;
	v42 =	vadd.f32 v46, v36  }
0xb4: {  	v36 =	vld [tilespmem:s9+$0xFFFFFFF0];
	v44 =	vmul.f32 v31, v31;
	v37 =	vadd.f32 v37, v43  }
0xb5: {  	v38 =	vadd.f32 v39, v38;
	v39 =	vadd.f32 v45, v42  }
0xb6: {  	v42 =	vshra.s32 v37, $0x1;
	v43 =	vmul.f32 $5.000000000e-01, v37  }
0xb7: {  	v38 =	vadd.f32 v44, v38;
	v39 =	vadd.f32 v41, v39;
	v41 =	vsub.s32 $0x5F3759DF, v42  }
0xb8: {  	v42 =	vmul.f32 v41, v43  }
0xb9: {  	v38 =	vadd.f32 v40, v38;
	v39 =	vadd.f32 v47, v39;
	v40 =	vmul.f32 v36, v36  }
0xba: {  	v42 =	vmul.f32 v41, v42  }
0xbb: {  	v38 =	vadd.f32 v40, v38;
	v40 =	vperm.xlane v39, v0  }
0xbc: {  	v42 =	vsub.f32 $1.500000000e+00, v42  }
0xbd: {  	v39 =	vadd.f32 v40, v39;
	v40 =	vperm.xlane v38, v0  }
0xbe: {  	v41 =	vmul.f32 v41, v42  }
0xbf: {  	v38 =	vadd.f32 v40, v38  }
0xc0: {  	v40 =	vmul.f32 v41, v43  }
0xc1: {  	v38 =	vsel vm0, v39, v38  }
0xc2: {  	v39 =	vperm.xlane v38, v1;
	v40 =	vmul.f32 v40, v41;
	_ =	sdelay $0x1  }
0xc3: {  	v38 =	vadd.f32 v38, v39;
	v39 =	vsub.f32 $1.500000000e+00, v40;
	_ =	sdelay $0x1  }
0xc4: {  	v40 =	vperm.xlane v38, v2;
	v39 =	vmul.f32 v39, v41;
	_ =	sdelay $0x1  }
0xc5: {  	v38 =	vadd.f32 v38, v40;
	v37 =	vmul.f32 v39, v37;
	_ =	sdelay $0x1  }
0xc6: {  	v39 =	vperm.xlane v38, v3;
	v37 =	vmax.f32 v37, v4  }
0xc7: {  	(erf) = vrcp.f32 v37  }
0xc8: {  	v37 =	vadd.f32 v38, v39;
	_ =	sdelay $0x1  }
0xc9: {  	v39 =	vshra.s32 v37, $0x1;
	v38 =	vmul.f32 $5.000000000e-01, v37  }
0xca: {  	v40 =	vsub.s32 $0x5F3759DF, v39  }
0xcb: {  	v39 =	vmul.f32 v40, v38  }
.Ltmp2:
0xcc: {  	(pc) =	sbr.rel @p0 .LBB2_3-.Ltmp2, $3  }
0xcd: {  	v41 =	vmul.f32 v40, v39;
	_ =	sdelay $0x1  }
0xce: {  	v42 =	vsub.f32 $1.500000000e+00, v41;
	v39 =	vpop (erf)  }
0xcf: {  	v41 =	vperm.xlane v39, v0  }
0xd0: {  	v40 =	vmul.f32 v40, v42;
	_ =	sdelay $0x1  }
0xd1: {  	v38 =	vmul.f32 v40, v38;
	_ =	sdelay $0x1  }
0xd2: {  	v38 =	vmul.f32 v38, v40;
	_ =	sdelay $0x1  }
0xd3: {  	v38 =	vsub.f32 $1.500000000e+00, v38;
	_ =	sdelay $0x1  }
0xd4: {  	v38 =	vmul.f32 v38, v40  }
0xd5: {  	v61 =	vsel vm0, v39, v41  }
0xd6: {  	v7 =	vmul.f32 v61, v7;
	v37 =	vmul.f32 v38, v37  }
0xd7: {  	v17 =	vmul.f32 v61, v17  }
0xd8: {  	v62 =	vsel vm0, v41, v39;
	v23 =	vmul.f32 v61, v23;
	[tilespmem:s3+$0x0] =	vst v7;
	v7 =	vmax.f32 v37, v4  }
0xd9: {  	v6 =	vmul.f32 v62, v6;
	[tilespmem:s3+$0x40] =	vst v17;
	(erf) = vrcp.f32 v7  }
0xda: {  	v5 =	vmul.f32 v62, v5;
	[tilespmem:s3+$0x20] =	vst v23  }
0xdb: {  	[tilespmem:s3+$0xB0] =	vst v6;
	v6 =	vmul.f32 v62, v11  }
0xdc: {  	[tilespmem:s3+$0xA0] =	vst v5;
	v5 =	vmul.f32 v62, v10  }
0xdd: {  	[tilespmem:s3+$0xC0] =	vst v6;
	v6 =	vmul.f32 v61, v20  }
0xde: {  	[tilespmem:s3+$0x80] =	vst v5;
	v5 =	vmul.f32 v62, v21  }
0xdf: {  	[tilespmem:s3+$0x30] =	vst v6;
	v7 =	vmul.f32 v62, v22  }
0xe0: {  	v6 =	vmul.f32 v61, v12;
	[tilespmem:s3+$0xF0] =	vst v5  }
0xe1: {  	[tilespmem:s3+$0x90] =	vst v7;
	v7 =	vmul.f32 v61, v18  }
0xe2: {  	v10 =	vmul.f32 v62, v13;
	[tilespmem:s3+$0x50] =	vst v6;
	v5 =	vpop (erf)  }
0xe3: {  	[tilespmem:s3+$0x10] =	vst v7;
	v7 =	vmul.f32 v61, v26;
	v6 =	vperm.xlane v5, v0  }
0xe4: {  	v11 =	vmul.f32 v62, v14;
	[tilespmem:s3+$0xD0] =	vst v10  }
0xe5: {  	[tilespmem:s3+$0x60] =	vst v7;
	v7 =	vmul.f32 v61, v32;
	v10 =	vsel vm0, v6, v5  }
0xe6: {  	[tilespmem:s3+$0xE0] =	vst v11;
	v5 =	vsel vm0, v5, v6;
	v6 =	vmul.f32 v10, v8  }
0xe7: {  	[tilespmem:s3+$0x70] =	vst v7;
	v7 =	vmul.f32 v5, v15  }
0xe8: {  	v8 =	vmul.f32 v5, v35;
	[tilespmem:s3+$0xFFFFFF90] =	vst v6  }
0xe9: {  	[tilespmem:s3+$0xFFFFFF00] =	vst v7;
	v6 =	vmul.f32 v5, v9  }
0xea: {  	v7 =	vmul.f32 v10, v16;
	[tilespmem:s3+$0xFFFFFF30] =	vst v8  }
0xeb: {  	v8 =	vmul.f32 v5, v28;
	[tilespmem:s3+$0xFFFFFF20] =	vst v6  }
0xec: {  	v6 =	vmul.f32 v10, v24;
	[tilespmem:s3+$0xFFFFFF80] =	vst v7  }
0xed: {  	v7 =	vmul.f32 v5, v19;
	[tilespmem:s3+$0xFFFFFF60] =	vst v8  }
0xee: {  	v8 =	vmul.f32 v10, v33;
	[tilespmem:s3+$0xFFFFFFB0] =	vst v6  }
0xef: {  	v6 =	vmul.f32 v5, v34;
	[tilespmem:s3+$0xFFFFFF10] =	vst v7  }
0xf0: {  	v7 =	vmul.f32 v10, v31;
	[tilespmem:s3+$0xFFFFFFE0] =	vst v8  }
0xf1: {  	v8 =	vmul.f32 v5, v25;
	[tilespmem:s3+$0xFFFFFF40] =	vst v6  }
0xf2: {  	v5 =	vmul.f32 v5, v29;
	[tilespmem:s3+$0xFFFFFFD0] =	vst v7  }
0xf3: {  	s17 =	smul.u32 $0x320, s11;
	v6 =	vmul.f32 v10, v36;
	[tilespmem:s3+$0xFFFFFF50] =	vst v8  }
0xf4: {  	v7 =	vmul.f32 v10, v27;
	[tilespmem:s3+$0xFFFFFF70] =	vst v5  }
0xf5: {  	s9 =	sadd.s32 s5, s17;
	v5 =	vmul.f32 v10, v30;
	[tilespmem:s3+$0xFFFFFFF0] =	vst v6  }
0xf6: {  	p0 =	seq.s32 s11, $0x0;
	s9 =	sshll.u32 s9, $0x4;
	[tilespmem:s3+$0xFFFFFFA0] =	vst v7  }
0xf7: {  	s18 =	sadd.s32 s2, s9;
	[tilespmem:s3+$0xFFFFFFC0] =	vst v5;
	s3 =	simm.s32 @!p0 $0x8  }
0xf8: {  	[hbm4b:s18+s4] =	stream.linear.scatter [tilespmem:s21], [sflag:$0x5], $0x6400, $0x38;
	[tilespmem:$0x19480] =	vst v63  }
0xf9: {  	s9 =	sadd.s32 s17, s12;
	_ =	swait.ge @!p0 [sflag:s3], $0x6400  }
0xfa: {  	s18 =	sshrl.u32 s9, $0x3;
	[sflag:s3] =	ssyncset.done @!p0 $0x0  }
0xfb: {  	s22 =	sadd.s32 s6, s18;
	[sflag:s3] =	ssyncadd.s32 @!p0 $0xFFFF9C00  }
0xfc: {  	[tilespmem:s28], [sflag:$0x9] =	stream.linear.gather [hbm4b:s22+s4], $0xC8, $0x38;
	[tilespmem:$0x19480] =	vst v63  }
0xfd: {  	_ =	swait.ge [sflag:s19], $0xC8  }
0xfe: {  	[sflag:s19] =	ssyncset.done $0x0  }
0xff: {  	[sflag:s19] =	ssyncadd.s32 $0xFFFFFF38  }
0x100: {  	[tilespmem:s29], [sflag:$0x4] =	stream.indirect.gather [hbm4b:s1+s20], $0x80, s28, s20, $0xb8;
	[tilespmem:$0x19480] =	vst v63  }
0x101: {  	_ =	swait.ge [sflag:s30], $0x6400  }
0x102: {  	[sflag:s30] =	ssyncset.done $0x0  }
0x103: {  	s3 =	simm.s32 $0x6900;
	[sflag:s30] =	ssyncadd.s32 $0xFFFF9C00  }
0x104: {  	v7 =	vld [tilespmem:s3+$0x0]  }
0x105: {  	v10 =	vld [tilespmem:s3+$0x80]  }
0x106: {  	v18 =	vld [tilespmem:s3+$0x10]  }
0x107: {  	v22 =	vld [tilespmem:s3+$0x90]  }
0x108: {  	v23 =	vld [tilespmem:s3+$0x20]  }
0x109: {  	v5 =	vld [tilespmem:s3+$0xA0]  }
0x10a: {  	v20 =	vld [tilespmem:s3+$0x30]  }
0x10b: {  	v6 =	vld [tilespmem:s3+$0xB0];
	v8 =	vmul.f32 v7, v7;
	v9 =	vmul.f32 v18, v18  }
0x10c: {  	v17 =	vld [tilespmem:s3+$0x40];
	v13 =	vmul.f32 v10, v10;
	v14 =	vmul.f32 v22, v22  }
0x10d: {  	v11 =	vld [tilespmem:s3+$0xC0];
	v15 =	vmul.f32 v23, v23;
	v8 =	vadd.f32 v9, v8  }
0x10e: {  	v12 =	vld [tilespmem:s3+$0x50];
	v9 =	vmul.f32 v5, v5;
	v14 =	vadd.f32 v14, v13  }
0x10f: {  	v16 =	vmul.f32 v20, v20;
	v13 =	vld [tilespmem:s3+$0xD0];
	v8 =	vadd.f32 v15, v8  }
0x110: {  	v26 =	vld [tilespmem:s3+$0x60];
	v15 =	vmul.f32 v6, v6;
	v9 =	vadd.f32 v9, v14  }
0x111: {  	v19 =	vmul.f32 v17, v17;
	v14 =	vld [tilespmem:s3+$0xE0];
	v8 =	vadd.f32 v16, v8  }
0x112: {  	v21 =	vld [tilespmem:s3+$0xF0];
	v9 =	vadd.f32 v15, v9;
	v15 =	vmul.f32 v11, v11  }
0x113: {  	v32 =	vld [tilespmem:s3+$0x70];
	v16 =	vmul.f32 v12, v12;
	v8 =	vadd.f32 v19, v8  }
0x114: {  	v19 =	vmul.f32 v13, v13;
	v9 =	vadd.f32 v15, v9  }
0x115: {  	v15 =	vmul.f32 v26, v26;
	v8 =	vadd.f32 v16, v8  }
0x116: {  	v16 =	vmul.f32 v14, v14;
	v9 =	vadd.f32 v19, v9  }
0x117: {  	v8 =	vadd.f32 v15, v8  }
0x118: {  	v15 =	vmul.f32 v32, v32;
	v9 =	vadd.f32 v16, v9;
	v16 =	vmul.f32 v21, v21;
	_ =	sdelay $0x1  }
0x119: {  	v19 =	vadd.f32 v15, v8;
	v16 =	vadd.f32 v16, v9  }
0x11a: {  	v27 =	vld [tilespmem:s3+$0xFFFFFFA0]  }
0x11b: {  	v8 =	vld [tilespmem:s3+$0xFFFFFF90];
	v24 =	vperm.xlane v19, v0;
	v25 =	vperm.xlane v16, v0  }
0x11c: {  	v15 =	vld [tilespmem:s3+$0xFFFFFF00]  }
0x11d: {  	v24 =	vadd.f32 v24, v19;
	v25 =	vadd.f32 v25, v16;
	v19 =	vld [tilespmem:s3+$0xFFFFFF10]  }
0x11e: {  	v16 =	vld [tilespmem:s3+$0xFFFFFF80]  }
0x11f: {  	v35 =	vld [tilespmem:s3+$0xFFFFFF30];
	v25 =	vsel vm0, v24, v25  }
0x120: {  	v9 =	vld [tilespmem:s3+$0xFFFFFF20];
	v28 =	vperm.xlane v25, v1  }
0x121: {  	v34 =	vld [tilespmem:s3+$0xFFFFFF40]  }
0x122: {  	v29 =	vmul.f32 v15, v15;
	v31 =	vmul.f32 v8, v8;
	v24 =	vld [tilespmem:s3+$0xFFFFFFB0];
	v28 =	vadd.f32 v25, v28  }
0x123: {  	v30 =	vld [tilespmem:s3+$0xFFFFFFC0];
	v63 =	vmul.f32 v19, v19;
	v40 =	vmul.f32 v16, v16  }
0x124: {  	v33 =	vld [tilespmem:s3+$0xFFFFFFE0];
	v44 =	vmul.f32 v27, v27;
	v41 =	vperm.xlane v28, v2  }
0x125: {  	v42 =	vmul.f32 v9, v9;
	v25 =	vld [tilespmem:s3+$0xFFFFFF50];
	v29 =	vadd.f32 v63, v29;
	v43 =	vadd.f32 v31, v40  }
0x126: {  	v45 =	vmul.f32 v35, v35;
	v31 =	vld [tilespmem:s3+$0xFFFFFFD0];
	v37 =	vadd.f32 v28, v41  }
0x127: {  	v46 =	vmul.f32 v24, v24;
	v29 =	vadd.f32 v42, v29;
	v28 =	vld [tilespmem:s3+$0xFFFFFF60];
	v36 =	vadd.f32 v44, v43  }
0x128: {  	v48 =	vmul.f32 v34, v34;
	v47 =	vperm.xlane v37, v3  }
0x129: {  	v49 =	vmul.f32 v30, v30;
	v39 =	vadd.f32 v45, v29;
	v29 =	vld [tilespmem:s3+$0xFFFFFF70];
	v38 =	vadd.f32 v46, v36  }
0x12a: {  	v54 =	vmul.f32 v33, v33;
	v50 =	vmul.f32 v25, v25;
	v36 =	vld [tilespmem:s3+$0xFFFFFFF0];
	v37 =	vadd.f32 v37, v47  }
0x12b: {  	v51 =	vmul.f32 v31, v31;
	v39 =	vadd.f32 v48, v39;
	v38 =	vadd.f32 v49, v38  }
0x12c: {  	v44 =	vmul.f32 v28, v28;
	v52 =	vshra.s32 v37, $0x1;
	v43 =	vmul.f32 $5.000000000e-01, v37  }
0x12d: {  	v39 =	vadd.f32 v50, v39;
	v38 =	vadd.f32 v51, v38;
	v53 =	vsub.s32 $0x5F3759DF, v52  }
0x12e: {  	v45 =	vmul.f32 v29, v29;
	v55 =	vmul.f32 v53, v43  }
0x12f: {  	v56 =	vmul.f32 v36, v36;
	v39 =	vadd.f32 v44, v39;
	v38 =	vadd.f32 v54, v38  }
0x130: {  	v41 =	vmul.f32 v53, v55  }
0x131: {  	v39 =	vadd.f32 v45, v39;
	v38 =	vadd.f32 v56, v38  }
0x132: {  	v41 =	vsub.f32 $1.500000000e+00, v41  }
0x133: {  	v57 =	vperm.xlane v39, v0;
	v58 =	vperm.xlane v38, v0  }
0x134: {  	v40 =	vmul.f32 v53, v41  }
0x135: {  	v39 =	vadd.f32 v57, v39;
	v38 =	vadd.f32 v58, v38  }
0x136: {  	v41 =	vmul.f32 v40, v43  }
0x137: {  	v38 =	vsel vm0, v39, v38  }
0x138: {  	v60 =	vperm.xlane v38, v1;
	v59 =	vmul.f32 v41, v40;
	_ =	sdelay $0x1  }
0x139: {  	v38 =	vadd.f32 v38, v60;
	v39 =	vsub.f32 $1.500000000e+00, v59;
	_ =	sdelay $0x1  }
0x13a: {  	v61 =	vperm.xlane v38, v2;
	v39 =	vmul.f32 v39, v40;
	_ =	sdelay $0x1  }
0x13b: {  	v38 =	vadd.f32 v38, v61;
	v37 =	vmul.f32 v39, v37;
	_ =	sdelay $0x1  }
0x13c: {  	v62 =	vperm.xlane v38, v3;
	v37 =	vmax.f32 v37, v4  }
0x13d: {  	(erf) = vrcp.f32 v37  }
0x13e: {  	v37 =	vadd.f32 v38, v62;
	_ =	sdelay $0x1  }
0x13f: {  	v39 =	vshra.s32 v37, $0x1;
	v38 =	vmul.f32 $5.000000000e-01, v37  }
0x140: {  	v40 =	vsub.s32 $0x5F3759DF, v39  }
0x141: {  	v39 =	vmul.f32 v40, v38;
	_ =	sdelay $0x1  }
0x142: {  	v63 =	vmul.f32 v40, v39;
	_ =	sdelay $0x1  }
0x143: {  	v42 =	vsub.f32 $1.500000000e+00, v63;
	v39 =	vpop (erf)  }
0x144: {  	s18 =	simm.s32 $0x6900;
	s22 =	simm.s32 $0x0;
	v41 =	vperm.xlane v39, v0  }
.LBB2_5:
0x145: {  	s22 =	sadd.s32 $0x2, s22;
	v40 =	vmul.f32 v40, v42;
	s3 =	sadd.s32 $0x200, s3  }
0x146: {  	p0 =	slt.u32 s22, $0x62;
	v42 =	vsel vm0, v39, v41;
	v39 =	vsel vm0, v41, v39  }
0x147: {  	v38 =	vmul.f32 v40, v38;
	v7 =	vmul.f32 v42, v7  }
0x148: {  	v23 =	vmul.f32 v42, v23;
	v17 =	vmul.f32 v42, v17  }
0x149: {  	v20 =	vmul.f32 v42, v20;
	v38 =	vmul.f32 v38, v40;
	[tilespmem:s18+$0x0] =	vst v7  }
0x14a: {  	v10 =	vmul.f32 v39, v10;
	v6 =	vmul.f32 v39, v6;
	[tilespmem:s18+$0x40] =	vst v17  }
0x14b: {  	v18 =	vmul.f32 v42, v18;
	v5 =	vmul.f32 v39, v5;
	v38 =	vsub.f32 $1.500000000e+00, v38;
	[tilespmem:s18+$0x20] =	vst v23  }
0x14c: {  	v22 =	vmul.f32 v39, v22;
	v11 =	vmul.f32 v39, v11;
	v7 =	vld [tilespmem:s3+$0x0];
	[tilespmem:s18+$0xB0] =	vst v6  }
0x14d: {  	v21 =	vmul.f32 v39, v21;
	v17 =	vld [tilespmem:s3+$0x40];
	v23 =	vmul.f32 v38, v40;
	[tilespmem:s18+$0xA0] =	vst v5  }
0x14e: {  	v12 =	vmul.f32 v42, v12;
	v26 =	vmul.f32 v42, v26;
	v6 =	vld [tilespmem:s3+$0xB0];
	[tilespmem:s18+$0xC0] =	vst v11  }
0x14f: {  	v13 =	vmul.f32 v39, v13;
	v5 =	vld [tilespmem:s3+$0xA0];
	v37 =	vmul.f32 v23, v37;
	[tilespmem:s18+$0x90] =	vst v22  }
0x150: {  	v32 =	vmul.f32 v42, v32;
	v14 =	vmul.f32 v39, v14;
	v23 =	vld [tilespmem:s3+$0x20];
	[tilespmem:s18+$0x80] =	vst v10  }
0x151: {  	v11 =	vld [tilespmem:s3+$0xC0];
	v22 =	vmax.f32 v37, v4;
	[tilespmem:s18+$0x30] =	vst v20  }
0x152: {  	v10 =	vld [tilespmem:s3+$0x80];
	[tilespmem:s18+$0x10] =	vst v18;
	(erf) = vrcp.f32 v22  }
0x153: {  	v20 =	vld [tilespmem:s3+$0x30];
	[tilespmem:s18+$0xF0] =	vst v21  }
0x154: {  	v21 =	vld [tilespmem:s3+$0xF0];
	v37 =	vmul.f32 v5, v5;
	[tilespmem:s18+$0x50] =	vst v12  }
0x155: {  	v12 =	vld [tilespmem:s3+$0x50];
	v38 =	vmul.f32 v23, v23;
	[tilespmem:s18+$0x60] =	vst v26  }
0x156: {  	v18 =	vld [tilespmem:s3+$0x10];
	[tilespmem:s18+$0xD0] =	vst v13  }
0x157: {  	v39 =	vmul.f32 v7, v7;
	v22 =	vld [tilespmem:s3+$0x90];
	[tilespmem:s18+$0xE0] =	vst v14  }
0x158: {  	v40 =	vmul.f32 v17, v17;
	v13 =	vld [tilespmem:s3+$0xD0];
	[tilespmem:s18+$0x70] =	vst v32  }
0x159: {  	v41 =	vmul.f32 v6, v6;
	v14 =	vld [tilespmem:s3+$0xE0]  }
0x15a: {  	v32 =	vmul.f32 v10, v10;
	v42 =	vmul.f32 v12, v12  }
0x15b: {  	v43 =	vmul.f32 v18, v18;
	v44 =	vpop (erf)  }
0x15c: {  	v26 =	vld [tilespmem:s3+$0x60];
	v45 =	vmul.f32 v22, v22;
	v46 =	vperm.xlane v44, v0  }
0x15d: {  	v39 =	vadd.f32 v43, v39;
	v43 =	vmul.f32 v20, v20  }
0x15e: {  	v32 =	vadd.f32 v45, v32;
	v45 =	vmul.f32 v13, v13;
	v47 =	vsel vm0, v46, v44  }
0x15f: {  	v44 =	vsel vm0, v44, v46;
	v38 =	vadd.f32 v38, v39;
	v39 =	vmul.f32 v14, v14  }
0x160: {  	v15 =	vmul.f32 v44, v15;
	v8 =	vmul.f32 v47, v8;
	v37 =	vadd.f32 v37, v32  }
0x161: {  	v34 =	vmul.f32 v44, v34;
	v38 =	vadd.f32 v43, v38;
	v43 =	vmul.f32 v26, v26  }
0x162: {  	v35 =	vmul.f32 v44, v35;
	v32 =	vld [tilespmem:s3+$0x70];
	v37 =	vadd.f32 v41, v37;
	v41 =	vmul.f32 v11, v11;
	[tilespmem:s18+$0xFFFFFF90] =	vst v8  }
0x163: {  	v9 =	vmul.f32 v44, v9;
	v16 =	vmul.f32 v47, v16;
	v8 =	vld [tilespmem:s3+$0xFFFFFF90];
	v38 =	vadd.f32 v40, v38;
	[tilespmem:s18+$0xFFFFFF00] =	vst v15  }
0x164: {  	v28 =	vmul.f32 v44, v28;
	v24 =	vmul.f32 v47, v24;
	v15 =	vld [tilespmem:s3+$0xFFFFFF00];
	v37 =	vadd.f32 v41, v37;
	[tilespmem:s18+$0xFFFFFF30] =	vst v35  }
0x165: {  	v27 =	vmul.f32 v47, v27;
	v33 =	vmul.f32 v47, v33;
	v35 =	vadd.f32 v42, v38;
	[tilespmem:s18+$0xFFFFFF20] =	vst v9  }
0x166: {  	v19 =	vmul.f32 v44, v19;
	v30 =	vmul.f32 v47, v30;
	v9 =	vld [tilespmem:s3+$0xFFFFFF20];
	v37 =	vadd.f32 v45, v37;
	[tilespmem:s18+$0xFFFFFF80] =	vst v16  }
0x167: {  	v36 =	vmul.f32 v47, v36;
	v16 =	vld [tilespmem:s3+$0xFFFFFF80];
	v35 =	vadd.f32 v43, v35;
	v38 =	vmul.f32 v32, v32;
	[tilespmem:s18+$0xFFFFFF60] =	vst v28  }
0x168: {  	v25 =	vmul.f32 v44, v25;
	v37 =	vadd.f32 v39, v37;
	v39 =	vmul.f32 v21, v21;
	[tilespmem:s18+$0xFFFFFFB0] =	vst v24  }
0x169: {  	v41 =	vmul.f32 v8, v8;
	v28 =	vld [tilespmem:s3+$0xFFFFFF60];
	v40 =	vmul.f32 v15, v15;
	v35 =	vadd.f32 v38, v35;
	[tilespmem:s18+$0xFFFFFF10] =	vst v19  }
0x16a: {  	v29 =	vmul.f32 v44, v29;
	v31 =	vmul.f32 v47, v31;
	v37 =	vadd.f32 v39, v37;
	[tilespmem:s18+$0xFFFFFFE0] =	vst v33  }
0x16b: {  	v24 =	vld [tilespmem:s3+$0xFFFFFFB0];
	v38 =	vperm.xlane v35, v0;
	[tilespmem:s18+$0xFFFFFF40] =	vst v34  }
0x16c: {  	v19 =	vld [tilespmem:s3+$0xFFFFFF10];
	v39 =	vmul.f32 v16, v16;
	v34 =	vperm.xlane v37, v0;
	[tilespmem:s18+$0xFFFFFFD0] =	vst v31  }
0x16d: {  	v33 =	vld [tilespmem:s3+$0xFFFFFFE0];
	v31 =	vadd.f32 v38, v35;
	[tilespmem:s18+$0xFFFFFF50] =	vst v25  }
0x16e: {  	v38 =	vmul.f32 v9, v9;
	v35 =	vld [tilespmem:s3+$0xFFFFFF30];
	v37 =	vadd.f32 v34, v37;
	[tilespmem:s18+$0xFFFFFF70] =	vst v29  }
0x16f: {  	v39 =	vadd.f32 v41, v39;
	v41 =	vmul.f32 v28, v28;
	v34 =	vld [tilespmem:s3+$0xFFFFFF40];
	[tilespmem:s18+$0xFFFFFFF0] =	vst v36  }
0x170: {  	v25 =	vld [tilespmem:s3+$0xFFFFFF50];
	v31 =	vsel vm0, v31, v37;
	[tilespmem:s18+$0xFFFFFFA0] =	vst v27  }
0x171: {  	v27 =	vld [tilespmem:s3+$0xFFFFFFA0];
	v36 =	vmul.f32 v19, v19;
	v37 =	vperm.xlane v31, v1;
	[tilespmem:s18+$0xFFFFFFC0] =	vst v30;
	s18 =	smov.u32 s3  }
0x172: {  	v42 =	vmul.f32 v24, v24;
	v29 =	vld [tilespmem:s3+$0xFFFFFF70]  }
0x173: {  	v30 =	vld [tilespmem:s3+$0xFFFFFFC0];
	v43 =	vmul.f32 v35, v35;
	v37 =	vadd.f32 v31, v37  }
0x174: {  	v36 =	vadd.f32 v36, v40;
	v40 =	vmul.f32 v33, v33  }
0x175: {  	v44 =	vperm.xlane v37, v2  }
0x176: {  	v36 =	vadd.f32 v38, v36;
	v45 =	vmul.f32 v25, v25;
	v31 =	vld [tilespmem:s3+$0xFFFFFFD0];
	v38 =	vmul.f32 v27, v27  }
0x177: {  	v46 =	vmul.f32 v34, v34;
	v47 =	vmul.f32 v29, v29;
	v37 =	vadd.f32 v37, v44  }
0x178: {  	v36 =	vadd.f32 v43, v36;
	v38 =	vadd.f32 v38, v39;
	v39 =	vmul.f32 v30, v30  }
0x179: {  	v43 =	vperm.xlane v37, v3  }
0x17a: {  	v38 =	vadd.f32 v42, v38;
	v42 =	vadd.f32 v46, v36  }
0x17b: {  	v36 =	vld [tilespmem:s3+$0xFFFFFFF0];
	v44 =	vmul.f32 v31, v31;
	v37 =	vadd.f32 v37, v43  }
0x17c: {  	v38 =	vadd.f32 v39, v38;
	v39 =	vadd.f32 v45, v42  }
0x17d: {  	v42 =	vshra.s32 v37, $0x1;
	v43 =	vmul.f32 $5.000000000e-01, v37  }
0x17e: {  	v38 =	vadd.f32 v44, v38;
	v39 =	vadd.f32 v41, v39;
	v41 =	vsub.s32 $0x5F3759DF, v42  }
0x17f: {  	v42 =	vmul.f32 v41, v43  }
0x180: {  	v38 =	vadd.f32 v40, v38;
	v39 =	vadd.f32 v47, v39;
	v40 =	vmul.f32 v36, v36  }
0x181: {  	v42 =	vmul.f32 v41, v42  }
0x182: {  	v38 =	vadd.f32 v40, v38;
	v40 =	vperm.xlane v39, v0  }
0x183: {  	v42 =	vsub.f32 $1.500000000e+00, v42  }
0x184: {  	v39 =	vadd.f32 v40, v39;
	v40 =	vperm.xlane v38, v0  }
0x185: {  	v41 =	vmul.f32 v41, v42  }
0x186: {  	v38 =	vadd.f32 v40, v38  }
0x187: {  	v40 =	vmul.f32 v41, v43  }
0x188: {  	v38 =	vsel vm0, v39, v38  }
0x189: {  	v39 =	vperm.xlane v38, v1;
	v40 =	vmul.f32 v40, v41;
	_ =	sdelay $0x1  }
0x18a: {  	v38 =	vadd.f32 v38, v39;
	v39 =	vsub.f32 $1.500000000e+00, v40;
	_ =	sdelay $0x1  }
0x18b: {  	v40 =	vperm.xlane v38, v2;
	v39 =	vmul.f32 v39, v41;
	_ =	sdelay $0x1  }
0x18c: {  	v38 =	vadd.f32 v38, v40;
	v37 =	vmul.f32 v39, v37;
	_ =	sdelay $0x1  }
0x18d: {  	v39 =	vperm.xlane v38, v3;
	v37 =	vmax.f32 v37, v4  }
0x18e: {  	(erf) = vrcp.f32 v37  }
0x18f: {  	v37 =	vadd.f32 v38, v39;
	_ =	sdelay $0x1  }
0x190: {  	v39 =	vshra.s32 v37, $0x1;
	v38 =	vmul.f32 $5.000000000e-01, v37  }
0x191: {  	v40 =	vsub.s32 $0x5F3759DF, v39  }
0x192: {  	v39 =	vmul.f32 v40, v38  }
.Ltmp3:
0x193: {  	(pc) =	sbr.rel @p0 .LBB2_5-.Ltmp3, $3  }
0x194: {  	v41 =	vmul.f32 v40, v39;
	_ =	sdelay $0x1  }
0x195: {  	v42 =	vsub.f32 $1.500000000e+00, v41;
	v39 =	vpop (erf)  }
0x196: {  	v41 =	vperm.xlane v39, v0  }
0x197: {  	v40 =	vmul.f32 v40, v42;
	_ =	sdelay $0x1  }
0x198: {  	v38 =	vmul.f32 v40, v38;
	_ =	sdelay $0x1  }
0x199: {  	v38 =	vmul.f32 v38, v40;
	_ =	sdelay $0x1  }
0x19a: {  	v38 =	vsub.f32 $1.500000000e+00, v38;
	_ =	sdelay $0x1  }
0x19b: {  	v38 =	vmul.f32 v38, v40  }
0x19c: {  	v61 =	vsel vm0, v39, v41  }
0x19d: {  	v7 =	vmul.f32 v61, v7;
	v37 =	vmul.f32 v38, v37  }
0x19e: {  	v17 =	vmul.f32 v61, v17  }
0x19f: {  	v62 =	vsel vm0, v41, v39;
	v23 =	vmul.f32 v61, v23;
	[tilespmem:s18+$0x0] =	vst v7;
	v7 =	vmax.f32 v37, v4  }
0x1a0: {  	v6 =	vmul.f32 v62, v6;
	[tilespmem:s18+$0x40] =	vst v17;
	(erf) = vrcp.f32 v7  }
0x1a1: {  	v5 =	vmul.f32 v62, v5;
	[tilespmem:s18+$0x20] =	vst v23  }
0x1a2: {  	[tilespmem:s18+$0xB0] =	vst v6;
	v6 =	vmul.f32 v62, v11  }
0x1a3: {  	[tilespmem:s18+$0xA0] =	vst v5;
	v5 =	vmul.f32 v62, v10  }
0x1a4: {  	[tilespmem:s18+$0xC0] =	vst v6;
	v6 =	vmul.f32 v61, v20  }
0x1a5: {  	[tilespmem:s18+$0x80] =	vst v5;
	v5 =	vmul.f32 v62, v21  }
0x1a6: {  	[tilespmem:s18+$0x30] =	vst v6;
	v7 =	vmul.f32 v62, v22  }
0x1a7: {  	v6 =	vmul.f32 v61, v12;
	[tilespmem:s18+$0xF0] =	vst v5  }
0x1a8: {  	[tilespmem:s18+$0x90] =	vst v7;
	v7 =	vmul.f32 v61, v18  }
0x1a9: {  	v10 =	vmul.f32 v62, v13;
	[tilespmem:s18+$0x50] =	vst v6;
	v5 =	vpop (erf)  }
0x1aa: {  	[tilespmem:s18+$0x10] =	vst v7;
	v7 =	vmul.f32 v61, v26;
	v6 =	vperm.xlane v5, v0  }
0x1ab: {  	v11 =	vmul.f32 v62, v14;
	[tilespmem:s18+$0xD0] =	vst v10  }
0x1ac: {  	[tilespmem:s18+$0x60] =	vst v7;
	v7 =	vmul.f32 v61, v32;
	v10 =	vsel vm0, v6, v5  }
0x1ad: {  	[tilespmem:s18+$0xE0] =	vst v11;
	v5 =	vsel vm0, v5, v6;
	v6 =	vmul.f32 v10, v8  }
0x1ae: {  	[tilespmem:s18+$0x70] =	vst v7;
	v7 =	vmul.f32 v5, v15  }
0x1af: {  	v8 =	vmul.f32 v5, v35;
	[tilespmem:s18+$0xFFFFFF90] =	vst v6  }
0x1b0: {  	[tilespmem:s18+$0xFFFFFF00] =	vst v7;
	v6 =	vmul.f32 v5, v9  }
0x1b1: {  	v7 =	vmul.f32 v10, v16;
	[tilespmem:s18+$0xFFFFFF30] =	vst v8  }
0x1b2: {  	v8 =	vmul.f32 v5, v28;
	[tilespmem:s18+$0xFFFFFF20] =	vst v6  }
0x1b3: {  	v6 =	vmul.f32 v10, v24;
	[tilespmem:s18+$0xFFFFFF80] =	vst v7  }
0x1b4: {  	v7 =	vmul.f32 v5, v19;
	[tilespmem:s18+$0xFFFFFF60] =	vst v8  }
0x1b5: {  	v8 =	vmul.f32 v10, v33;
	[tilespmem:s18+$0xFFFFFFB0] =	vst v6  }
0x1b6: {  	v6 =	vmul.f32 v5, v34;
	[tilespmem:s18+$0xFFFFFF10] =	vst v7  }
0x1b7: {  	v7 =	vmul.f32 v10, v31;
	[tilespmem:s18+$0xFFFFFFE0] =	vst v8  }
0x1b8: {  	v8 =	vmul.f32 v5, v25;
	[tilespmem:s18+$0xFFFFFF40] =	vst v6  }
0x1b9: {  	v5 =	vmul.f32 v5, v29;
	[tilespmem:s18+$0xFFFFFFD0] =	vst v7  }
0x1ba: {  	v6 =	vmul.f32 v10, v36;
	[tilespmem:s18+$0xFFFFFF50] =	vst v8  }
0x1bb: {  	v7 =	vmul.f32 v10, v27;
	[tilespmem:s18+$0xFFFFFF70] =	vst v5  }
0x1bc: {  	s3 =	sadd.s32 s17, s13;
	v5 =	vmul.f32 v10, v30;
	[tilespmem:s18+$0xFFFFFFF0] =	vst v6  }
0x1bd: {  	s3 =	sshll.u32 s3, $0x4;
	[tilespmem:s18+$0xFFFFFFA0] =	vst v7  }
0x1be: {  	p0 =	seq.s32 s11, $0x7;
	s3 =	sadd.s32 s2, s3;
	[tilespmem:s18+$0xFFFFFFC0] =	vst v5  }
0x1bf: {  	[hbm4b:s3+s4] =	stream.linear.scatter [tilespmem:s23], [sflag:$0x6], $0x6400, $0x38;
	[tilespmem:$0x19480] =	vst v63  }
0x1c0: {  	s3 =	simm.s32 @!p0 $0x5  }
0x1c1: {  	s18 =	sadd.s32 @!p0 s17, s14;
	_ =	swait.ge @!p0 [sflag:s3], $0x6400  }
0x1c2: {  	s18 =	sshrl.u32 @!p0 s18, $0x3;
	[sflag:s3] =	ssyncset.done @!p0 $0x0  }
0x1c3: {  	[sflag:s3] =	ssyncadd.s32 @!p0 $0xFFFF9C00;
	s3 =	sadd.s32 @!p0 s6, s18;
	s18 =	simm.s32 @!p0 $0x0  }
0x1c4: {  	[tilespmem:s18], [sflag:$0x9] =	stream.linear.gather @!p0 [hbm4b:s3+s18], $0xC8, $0x38;
	[tilespmem:$0x19480] =	vst v63  }
0x1c5: {  	s3 =	simm.s32 @!p0 $0x9  }
0x1c6: {  	_ =	swait.ge @!p0 [sflag:s3], $0xC8  }
0x1c7: {  	[sflag:s3] =	ssyncset.done @!p0 $0x0  }
0x1c8: {  	s22 =	simm.s32 @!p0 $0x400;
	[sflag:s3] =	ssyncadd.s32 @!p0 $0xFFFFFF38;
	s3 =	simm.s32 @!p0 $0xC8  }
0x1c9: {  	[tilespmem:s22], [sflag:$0x1] =	stream.indirect.gather @!p0 [hbm4b:s1+s3], $0x80, s18, s3, $0xb8;
	[tilespmem:$0x19480] =	vst v63  }
0x1ca: {  	_ =	swait.ge [sflag:s31], $0x6400  }
0x1cb: {  	[sflag:s31] =	ssyncset.done $0x0  }
0x1cc: {  	s3 =	simm.s32 $0xCD00;
	[sflag:s31] =	ssyncadd.s32 $0xFFFF9C00  }
0x1cd: {  	v7 =	vld [tilespmem:s3+$0x0]  }
0x1ce: {  	v10 =	vld [tilespmem:s3+$0x80]  }
0x1cf: {  	v18 =	vld [tilespmem:s3+$0x10]  }
0x1d0: {  	v22 =	vld [tilespmem:s3+$0x90]  }
0x1d1: {  	v23 =	vld [tilespmem:s3+$0x20]  }
0x1d2: {  	v5 =	vld [tilespmem:s3+$0xA0]  }
0x1d3: {  	v20 =	vld [tilespmem:s3+$0x30]  }
0x1d4: {  	v6 =	vld [tilespmem:s3+$0xB0];
	v8 =	vmul.f32 v7, v7;
	v9 =	vmul.f32 v18, v18  }
0x1d5: {  	v17 =	vld [tilespmem:s3+$0x40];
	v13 =	vmul.f32 v10, v10;
	v14 =	vmul.f32 v22, v22  }
0x1d6: {  	v11 =	vld [tilespmem:s3+$0xC0];
	v15 =	vmul.f32 v23, v23;
	v8 =	vadd.f32 v9, v8  }
0x1d7: {  	v12 =	vld [tilespmem:s3+$0x50];
	v9 =	vmul.f32 v5, v5;
	v14 =	vadd.f32 v14, v13  }
0x1d8: {  	v16 =	vmul.f32 v20, v20;
	v13 =	vld [tilespmem:s3+$0xD0];
	v8 =	vadd.f32 v15, v8  }
0x1d9: {  	v26 =	vld [tilespmem:s3+$0x60];
	v15 =	vmul.f32 v6, v6;
	v9 =	vadd.f32 v9, v14  }
0x1da: {  	v19 =	vmul.f32 v17, v17;
	v14 =	vld [tilespmem:s3+$0xE0];
	v8 =	vadd.f32 v16, v8  }
0x1db: {  	v21 =	vld [tilespmem:s3+$0xF0];
	v9 =	vadd.f32 v15, v9;
	v15 =	vmul.f32 v11, v11  }
0x1dc: {  	v32 =	vld [tilespmem:s3+$0x70];
	v16 =	vmul.f32 v12, v12;
	v8 =	vadd.f32 v19, v8  }
0x1dd: {  	v19 =	vmul.f32 v13, v13;
	v9 =	vadd.f32 v15, v9  }
0x1de: {  	v15 =	vmul.f32 v26, v26;
	v8 =	vadd.f32 v16, v8  }
0x1df: {  	v16 =	vmul.f32 v14, v14;
	v9 =	vadd.f32 v19, v9  }
0x1e0: {  	v8 =	vadd.f32 v15, v8  }
0x1e1: {  	v15 =	vmul.f32 v32, v32;
	v9 =	vadd.f32 v16, v9;
	v16 =	vmul.f32 v21, v21;
	_ =	sdelay $0x1  }
0x1e2: {  	v19 =	vadd.f32 v15, v8;
	v16 =	vadd.f32 v16, v9  }
0x1e3: {  	v27 =	vld [tilespmem:s3+$0xFFFFFFA0]  }
0x1e4: {  	v8 =	vld [tilespmem:s3+$0xFFFFFF90];
	v24 =	vperm.xlane v19, v0;
	v25 =	vperm.xlane v16, v0  }
0x1e5: {  	v15 =	vld [tilespmem:s3+$0xFFFFFF00]  }
0x1e6: {  	v24 =	vadd.f32 v24, v19;
	v25 =	vadd.f32 v25, v16;
	v19 =	vld [tilespmem:s3+$0xFFFFFF10]  }
0x1e7: {  	v16 =	vld [tilespmem:s3+$0xFFFFFF80]  }
0x1e8: {  	v35 =	vld [tilespmem:s3+$0xFFFFFF30];
	v25 =	vsel vm0, v24, v25  }
0x1e9: {  	v9 =	vld [tilespmem:s3+$0xFFFFFF20];
	v28 =	vperm.xlane v25, v1  }
0x1ea: {  	v34 =	vld [tilespmem:s3+$0xFFFFFF40]  }
0x1eb: {  	v29 =	vmul.f32 v15, v15;
	v31 =	vmul.f32 v8, v8;
	v24 =	vld [tilespmem:s3+$0xFFFFFFB0];
	v28 =	vadd.f32 v25, v28  }
0x1ec: {  	v30 =	vld [tilespmem:s3+$0xFFFFFFC0];
	v63 =	vmul.f32 v19, v19;
	v40 =	vmul.f32 v16, v16  }
0x1ed: {  	v33 =	vld [tilespmem:s3+$0xFFFFFFE0];
	v44 =	vmul.f32 v27, v27;
	v41 =	vperm.xlane v28, v2  }
0x1ee: {  	v42 =	vmul.f32 v9, v9;
	v25 =	vld [tilespmem:s3+$0xFFFFFF50];
	v29 =	vadd.f32 v63, v29;
	v43 =	vadd.f32 v31, v40  }
0x1ef: {  	v45 =	vmul.f32 v35, v35;
	v31 =	vld [tilespmem:s3+$0xFFFFFFD0];
	v37 =	vadd.f32 v28, v41  }
0x1f0: {  	v46 =	vmul.f32 v24, v24;
	v29 =	vadd.f32 v42, v29;
	v28 =	vld [tilespmem:s3+$0xFFFFFF60];
	v36 =	vadd.f32 v44, v43  }
0x1f1: {  	v48 =	vmul.f32 v34, v34;
	v47 =	vperm.xlane v37, v3  }
0x1f2: {  	v49 =	vmul.f32 v30, v30;
	v39 =	vadd.f32 v45, v29;
	v29 =	vld [tilespmem:s3+$0xFFFFFF70];
	v38 =	vadd.f32 v46, v36  }
0x1f3: {  	v54 =	vmul.f32 v33, v33;
	v50 =	vmul.f32 v25, v25;
	v36 =	vld [tilespmem:s3+$0xFFFFFFF0];
	v37 =	vadd.f32 v37, v47  }
0x1f4: {  	v51 =	vmul.f32 v31, v31;
	v39 =	vadd.f32 v48, v39;
	v38 =	vadd.f32 v49, v38  }
0x1f5: {  	v44 =	vmul.f32 v28, v28;
	v52 =	vshra.s32 v37, $0x1;
	v43 =	vmul.f32 $5.000000000e-01, v37  }
0x1f6: {  	v39 =	vadd.f32 v50, v39;
	v38 =	vadd.f32 v51, v38;
	v53 =	vsub.s32 $0x5F3759DF, v52  }
0x1f7: {  	v45 =	vmul.f32 v29, v29;
	v55 =	vmul.f32 v53, v43  }
0x1f8: {  	v56 =	vmul.f32 v36, v36;
	v39 =	vadd.f32 v44, v39;
	v38 =	vadd.f32 v54, v38  }
0x1f9: {  	v41 =	vmul.f32 v53, v55  }
0x1fa: {  	v39 =	vadd.f32 v45, v39;
	v38 =	vadd.f32 v56, v38  }
0x1fb: {  	v41 =	vsub.f32 $1.500000000e+00, v41  }
0x1fc: {  	v57 =	vperm.xlane v39, v0;
	v58 =	vperm.xlane v38, v0  }
0x1fd: {  	v40 =	vmul.f32 v53, v41  }
0x1fe: {  	v39 =	vadd.f32 v57, v39;
	v38 =	vadd.f32 v58, v38  }
0x1ff: {  	v41 =	vmul.f32 v40, v43  }
0x200: {  	v38 =	vsel vm0, v39, v38  }
0x201: {  	v60 =	vperm.xlane v38, v1;
	v59 =	vmul.f32 v41, v40;
	_ =	sdelay $0x1  }
0x202: {  	v38 =	vadd.f32 v38, v60;
	v39 =	vsub.f32 $1.500000000e+00, v59;
	_ =	sdelay $0x1  }
0x203: {  	v61 =	vperm.xlane v38, v2;
	v39 =	vmul.f32 v39, v40;
	_ =	sdelay $0x1  }
0x204: {  	v38 =	vadd.f32 v38, v61;
	v37 =	vmul.f32 v39, v37;
	_ =	sdelay $0x1  }
0x205: {  	v62 =	vperm.xlane v38, v3;
	v37 =	vmax.f32 v37, v4  }
0x206: {  	(erf) = vrcp.f32 v37  }
0x207: {  	v37 =	vadd.f32 v38, v62;
	_ =	sdelay $0x1  }
0x208: {  	v39 =	vshra.s32 v37, $0x1;
	v38 =	vmul.f32 $5.000000000e-01, v37  }
0x209: {  	v40 =	vsub.s32 $0x5F3759DF, v39  }
0x20a: {  	v39 =	vmul.f32 v40, v38;
	_ =	sdelay $0x1  }
0x20b: {  	v63 =	vmul.f32 v40, v39;
	_ =	sdelay $0x1  }
0x20c: {  	v42 =	vsub.f32 $1.500000000e+00, v63;
	v39 =	vpop (erf)  }
0x20d: {  	s22 =	simm.s32 $0x0;
	s18 =	simm.s32 $0xCD00;
	v41 =	vperm.xlane v39, v0  }
.LBB2_7:
0x20e: {  	s22 =	sadd.s32 $0x2, s22;
	v40 =	vmul.f32 v40, v42;
	s3 =	sadd.s32 $0x200, s3  }
0x20f: {  	p1 =	slt.u32 s22, $0x62;
	v42 =	vsel vm0, v39, v41;
	v39 =	vsel vm0, v41, v39  }
0x210: {  	v38 =	vmul.f32 v40, v38;
	v7 =	vmul.f32 v42, v7  }
0x211: {  	v23 =	vmul.f32 v42, v23;
	v17 =	vmul.f32 v42, v17  }
0x212: {  	v20 =	vmul.f32 v42, v20;
	v38 =	vmul.f32 v38, v40;
	[tilespmem:s18+$0x0] =	vst v7  }
0x213: {  	v10 =	vmul.f32 v39, v10;
	v6 =	vmul.f32 v39, v6;
	[tilespmem:s18+$0x40] =	vst v17  }
0x214: {  	v18 =	vmul.f32 v42, v18;
	v5 =	vmul.f32 v39, v5;
	v38 =	vsub.f32 $1.500000000e+00, v38;
	[tilespmem:s18+$0x20] =	vst v23  }
0x215: {  	v22 =	vmul.f32 v39, v22;
	v11 =	vmul.f32 v39, v11;
	v7 =	vld [tilespmem:s3+$0x0];
	[tilespmem:s18+$0xB0] =	vst v6  }
0x216: {  	v21 =	vmul.f32 v39, v21;
	v17 =	vld [tilespmem:s3+$0x40];
	v23 =	vmul.f32 v38, v40;
	[tilespmem:s18+$0xA0] =	vst v5  }
0x217: {  	v12 =	vmul.f32 v42, v12;
	v26 =	vmul.f32 v42, v26;
	v6 =	vld [tilespmem:s3+$0xB0];
	[tilespmem:s18+$0xC0] =	vst v11  }
0x218: {  	v13 =	vmul.f32 v39, v13;
	v5 =	vld [tilespmem:s3+$0xA0];
	v37 =	vmul.f32 v23, v37;
	[tilespmem:s18+$0x90] =	vst v22  }
0x219: {  	v32 =	vmul.f32 v42, v32;
	v14 =	vmul.f32 v39, v14;
	v23 =	vld [tilespmem:s3+$0x20];
	[tilespmem:s18+$0x80] =	vst v10  }
0x21a: {  	v11 =	vld [tilespmem:s3+$0xC0];
	v22 =	vmax.f32 v37, v4;
	[tilespmem:s18+$0x30] =	vst v20  }
0x21b: {  	v10 =	vld [tilespmem:s3+$0x80];
	[tilespmem:s18+$0x10] =	vst v18;
	(erf) = vrcp.f32 v22  }
0x21c: {  	v20 =	vld [tilespmem:s3+$0x30];
	[tilespmem:s18+$0xF0] =	vst v21  }
0x21d: {  	v21 =	vld [tilespmem:s3+$0xF0];
	v37 =	vmul.f32 v5, v5;
	[tilespmem:s18+$0x50] =	vst v12  }
0x21e: {  	v12 =	vld [tilespmem:s3+$0x50];
	v38 =	vmul.f32 v23, v23;
	[tilespmem:s18+$0x60] =	vst v26  }
0x21f: {  	v18 =	vld [tilespmem:s3+$0x10];
	[tilespmem:s18+$0xD0] =	vst v13  }
0x220: {  	v39 =	vmul.f32 v7, v7;
	v22 =	vld [tilespmem:s3+$0x90];
	[tilespmem:s18+$0xE0] =	vst v14  }
0x221: {  	v40 =	vmul.f32 v17, v17;
	v13 =	vld [tilespmem:s3+$0xD0];
	[tilespmem:s18+$0x70] =	vst v32  }
0x222: {  	v41 =	vmul.f32 v6, v6;
	v14 =	vld [tilespmem:s3+$0xE0]  }
0x223: {  	v32 =	vmul.f32 v10, v10;
	v42 =	vmul.f32 v12, v12  }
0x224: {  	v43 =	vmul.f32 v18, v18;
	v44 =	vpop (erf)  }
0x225: {  	v26 =	vld [tilespmem:s3+$0x60];
	v45 =	vmul.f32 v22, v22;
	v46 =	vperm.xlane v44, v0  }
0x226: {  	v39 =	vadd.f32 v43, v39;
	v43 =	vmul.f32 v20, v20  }
0x227: {  	v32 =	vadd.f32 v45, v32;
	v45 =	vmul.f32 v13, v13;
	v47 =	vsel vm0, v46, v44  }
0x228: {  	v44 =	vsel vm0, v44, v46;
	v38 =	vadd.f32 v38, v39;
	v39 =	vmul.f32 v14, v14  }
0x229: {  	v15 =	vmul.f32 v44, v15;
	v8 =	vmul.f32 v47, v8;
	v37 =	vadd.f32 v37, v32  }
0x22a: {  	v34 =	vmul.f32 v44, v34;
	v38 =	vadd.f32 v43, v38;
	v43 =	vmul.f32 v26, v26  }
0x22b: {  	v35 =	vmul.f32 v44, v35;
	v32 =	vld [tilespmem:s3+$0x70];
	v37 =	vadd.f32 v41, v37;
	v41 =	vmul.f32 v11, v11;
	[tilespmem:s18+$0xFFFFFF90] =	vst v8  }
0x22c: {  	v9 =	vmul.f32 v44, v9;
	v16 =	vmul.f32 v47, v16;
	v8 =	vld [tilespmem:s3+$0xFFFFFF90];
	v38 =	vadd.f32 v40, v38;
	[tilespmem:s18+$0xFFFFFF00] =	vst v15  }
0x22d: {  	v28 =	vmul.f32 v44, v28;
	v24 =	vmul.f32 v47, v24;
	v15 =	vld [tilespmem:s3+$0xFFFFFF00];
	v37 =	vadd.f32 v41, v37;
	[tilespmem:s18+$0xFFFFFF30] =	vst v35  }
0x22e: {  	v27 =	vmul.f32 v47, v27;
	v33 =	vmul.f32 v47, v33;
	v35 =	vadd.f32 v42, v38;
	[tilespmem:s18+$0xFFFFFF20] =	vst v9  }
0x22f: {  	v19 =	vmul.f32 v44, v19;
	v30 =	vmul.f32 v47, v30;
	v9 =	vld [tilespmem:s3+$0xFFFFFF20];
	v37 =	vadd.f32 v45, v37;
	[tilespmem:s18+$0xFFFFFF80] =	vst v16  }
0x230: {  	v36 =	vmul.f32 v47, v36;
	v16 =	vld [tilespmem:s3+$0xFFFFFF80];
	v35 =	vadd.f32 v43, v35;
	v38 =	vmul.f32 v32, v32;
	[tilespmem:s18+$0xFFFFFF60] =	vst v28  }
0x231: {  	v25 =	vmul.f32 v44, v25;
	v37 =	vadd.f32 v39, v37;
	v39 =	vmul.f32 v21, v21;
	[tilespmem:s18+$0xFFFFFFB0] =	vst v24  }
0x232: {  	v41 =	vmul.f32 v8, v8;
	v28 =	vld [tilespmem:s3+$0xFFFFFF60];
	v40 =	vmul.f32 v15, v15;
	v35 =	vadd.f32 v38, v35;
	[tilespmem:s18+$0xFFFFFF10] =	vst v19  }
0x233: {  	v29 =	vmul.f32 v44, v29;
	v31 =	vmul.f32 v47, v31;
	v37 =	vadd.f32 v39, v37;
	[tilespmem:s18+$0xFFFFFFE0] =	vst v33  }
0x234: {  	v24 =	vld [tilespmem:s3+$0xFFFFFFB0];
	v38 =	vperm.xlane v35, v0;
	[tilespmem:s18+$0xFFFFFF40] =	vst v34  }
0x235: {  	v19 =	vld [tilespmem:s3+$0xFFFFFF10];
	v39 =	vmul.f32 v16, v16;
	v34 =	vperm.xlane v37, v0;
	[tilespmem:s18+$0xFFFFFFD0] =	vst v31  }
0x236: {  	v33 =	vld [tilespmem:s3+$0xFFFFFFE0];
	v31 =	vadd.f32 v38, v35;
	[tilespmem:s18+$0xFFFFFF50] =	vst v25  }
0x237: {  	v38 =	vmul.f32 v9, v9;
	v35 =	vld [tilespmem:s3+$0xFFFFFF30];
	v37 =	vadd.f32 v34, v37;
	[tilespmem:s18+$0xFFFFFF70] =	vst v29  }
0x238: {  	v39 =	vadd.f32 v41, v39;
	v41 =	vmul.f32 v28, v28;
	v34 =	vld [tilespmem:s3+$0xFFFFFF40];
	[tilespmem:s18+$0xFFFFFFF0] =	vst v36  }
0x239: {  	v25 =	vld [tilespmem:s3+$0xFFFFFF50];
	v31 =	vsel vm0, v31, v37;
	[tilespmem:s18+$0xFFFFFFA0] =	vst v27  }
0x23a: {  	v27 =	vld [tilespmem:s3+$0xFFFFFFA0];
	v36 =	vmul.f32 v19, v19;
	v37 =	vperm.xlane v31, v1;
	[tilespmem:s18+$0xFFFFFFC0] =	vst v30;
	s18 =	smov.u32 s3  }
0x23b: {  	v42 =	vmul.f32 v24, v24;
	v29 =	vld [tilespmem:s3+$0xFFFFFF70]  }
0x23c: {  	v30 =	vld [tilespmem:s3+$0xFFFFFFC0];
	v43 =	vmul.f32 v35, v35;
	v37 =	vadd.f32 v31, v37  }
0x23d: {  	v36 =	vadd.f32 v36, v40;
	v40 =	vmul.f32 v33, v33  }
0x23e: {  	v44 =	vperm.xlane v37, v2  }
0x23f: {  	v36 =	vadd.f32 v38, v36;
	v45 =	vmul.f32 v25, v25;
	v31 =	vld [tilespmem:s3+$0xFFFFFFD0];
	v38 =	vmul.f32 v27, v27  }
0x240: {  	v46 =	vmul.f32 v34, v34;
	v47 =	vmul.f32 v29, v29;
	v37 =	vadd.f32 v37, v44  }
0x241: {  	v36 =	vadd.f32 v43, v36;
	v38 =	vadd.f32 v38, v39;
	v39 =	vmul.f32 v30, v30  }
0x242: {  	v43 =	vperm.xlane v37, v3  }
0x243: {  	v38 =	vadd.f32 v42, v38;
	v42 =	vadd.f32 v46, v36  }
0x244: {  	v36 =	vld [tilespmem:s3+$0xFFFFFFF0];
	v44 =	vmul.f32 v31, v31;
	v37 =	vadd.f32 v37, v43  }
0x245: {  	v38 =	vadd.f32 v39, v38;
	v39 =	vadd.f32 v45, v42  }
0x246: {  	v42 =	vshra.s32 v37, $0x1;
	v43 =	vmul.f32 $5.000000000e-01, v37  }
0x247: {  	v38 =	vadd.f32 v44, v38;
	v39 =	vadd.f32 v41, v39;
	v41 =	vsub.s32 $0x5F3759DF, v42  }
0x248: {  	v42 =	vmul.f32 v41, v43  }
0x249: {  	v38 =	vadd.f32 v40, v38;
	v39 =	vadd.f32 v47, v39;
	v40 =	vmul.f32 v36, v36  }
0x24a: {  	v42 =	vmul.f32 v41, v42  }
0x24b: {  	v38 =	vadd.f32 v40, v38;
	v40 =	vperm.xlane v39, v0  }
0x24c: {  	v42 =	vsub.f32 $1.500000000e+00, v42  }
0x24d: {  	v39 =	vadd.f32 v40, v39;
	v40 =	vperm.xlane v38, v0  }
0x24e: {  	v41 =	vmul.f32 v41, v42  }
0x24f: {  	v38 =	vadd.f32 v40, v38  }
0x250: {  	v40 =	vmul.f32 v41, v43  }
0x251: {  	v38 =	vsel vm0, v39, v38  }
0x252: {  	v39 =	vperm.xlane v38, v1;
	v40 =	vmul.f32 v40, v41;
	_ =	sdelay $0x1  }
0x253: {  	v38 =	vadd.f32 v38, v39;
	v39 =	vsub.f32 $1.500000000e+00, v40;
	_ =	sdelay $0x1  }
0x254: {  	v40 =	vperm.xlane v38, v2;
	v39 =	vmul.f32 v39, v41;
	_ =	sdelay $0x1  }
0x255: {  	v38 =	vadd.f32 v38, v40;
	v37 =	vmul.f32 v39, v37;
	_ =	sdelay $0x1  }
0x256: {  	v39 =	vperm.xlane v38, v3;
	v37 =	vmax.f32 v37, v4  }
0x257: {  	(erf) = vrcp.f32 v37  }
0x258: {  	v37 =	vadd.f32 v38, v39;
	_ =	sdelay $0x1  }
0x259: {  	v39 =	vshra.s32 v37, $0x1;
	v38 =	vmul.f32 $5.000000000e-01, v37  }
0x25a: {  	v40 =	vsub.s32 $0x5F3759DF, v39  }
0x25b: {  	v39 =	vmul.f32 v40, v38  }
.Ltmp4:
0x25c: {  	(pc) =	sbr.rel @p1 .LBB2_7-.Ltmp4, $3  }
0x25d: {  	v41 =	vmul.f32 v40, v39;
	_ =	sdelay $0x1  }
0x25e: {  	v42 =	vsub.f32 $1.500000000e+00, v41;
	v39 =	vpop (erf)  }
0x25f: {  	v41 =	vperm.xlane v39, v0  }
0x260: {  	v40 =	vmul.f32 v40, v42;
	_ =	sdelay $0x1  }
0x261: {  	v38 =	vmul.f32 v40, v38;
	_ =	sdelay $0x1  }
0x262: {  	v38 =	vmul.f32 v38, v40;
	_ =	sdelay $0x1  }
0x263: {  	v38 =	vsub.f32 $1.500000000e+00, v38;
	_ =	sdelay $0x1  }
0x264: {  	v38 =	vmul.f32 v38, v40  }
0x265: {  	v61 =	vsel vm0, v39, v41  }
0x266: {  	v7 =	vmul.f32 v61, v7;
	v37 =	vmul.f32 v38, v37  }
0x267: {  	v17 =	vmul.f32 v61, v17  }
0x268: {  	v62 =	vsel vm0, v41, v39;
	v23 =	vmul.f32 v61, v23;
	[tilespmem:s18+$0x0] =	vst v7;
	v7 =	vmax.f32 v37, v4  }
0x269: {  	v6 =	vmul.f32 v62, v6;
	[tilespmem:s18+$0x40] =	vst v17;
	(erf) = vrcp.f32 v7  }
0x26a: {  	v5 =	vmul.f32 v62, v5;
	[tilespmem:s18+$0x20] =	vst v23  }
0x26b: {  	[tilespmem:s18+$0xB0] =	vst v6;
	v6 =	vmul.f32 v62, v11  }
0x26c: {  	[tilespmem:s18+$0xA0] =	vst v5;
	v5 =	vmul.f32 v62, v10  }
0x26d: {  	[tilespmem:s18+$0xC0] =	vst v6;
	v6 =	vmul.f32 v61, v20  }
0x26e: {  	[tilespmem:s18+$0x80] =	vst v5;
	v5 =	vmul.f32 v62, v21  }
0x26f: {  	[tilespmem:s18+$0x30] =	vst v6;
	v7 =	vmul.f32 v62, v22  }
0x270: {  	v6 =	vmul.f32 v61, v12;
	[tilespmem:s18+$0xF0] =	vst v5  }
0x271: {  	[tilespmem:s18+$0x90] =	vst v7;
	v7 =	vmul.f32 v61, v18  }
0x272: {  	v10 =	vmul.f32 v62, v13;
	[tilespmem:s18+$0x50] =	vst v6;
	v5 =	vpop (erf)  }
0x273: {  	[tilespmem:s18+$0x10] =	vst v7;
	v7 =	vmul.f32 v61, v26;
	v6 =	vperm.xlane v5, v0  }
0x274: {  	v11 =	vmul.f32 v62, v14;
	[tilespmem:s18+$0xD0] =	vst v10  }
0x275: {  	[tilespmem:s18+$0x60] =	vst v7;
	v7 =	vmul.f32 v61, v32;
	v10 =	vsel vm0, v6, v5  }
0x276: {  	[tilespmem:s18+$0xE0] =	vst v11;
	v5 =	vsel vm0, v5, v6;
	v6 =	vmul.f32 v10, v8  }
0x277: {  	[tilespmem:s18+$0x70] =	vst v7;
	v7 =	vmul.f32 v5, v15  }
0x278: {  	v8 =	vmul.f32 v5, v35;
	[tilespmem:s18+$0xFFFFFF90] =	vst v6  }
0x279: {  	[tilespmem:s18+$0xFFFFFF00] =	vst v7;
	v6 =	vmul.f32 v5, v9  }
0x27a: {  	v7 =	vmul.f32 v10, v16;
	[tilespmem:s18+$0xFFFFFF30] =	vst v8  }
0x27b: {  	v8 =	vmul.f32 v5, v28;
	[tilespmem:s18+$0xFFFFFF20] =	vst v6  }
0x27c: {  	v6 =	vmul.f32 v10, v24;
	[tilespmem:s18+$0xFFFFFF80] =	vst v7  }
0x27d: {  	v7 =	vmul.f32 v5, v19;
	[tilespmem:s18+$0xFFFFFF60] =	vst v8  }
0x27e: {  	v8 =	vmul.f32 v10, v33;
	[tilespmem:s18+$0xFFFFFFB0] =	vst v6  }
0x27f: {  	v6 =	vmul.f32 v5, v34;
	[tilespmem:s18+$0xFFFFFF10] =	vst v7  }
0x280: {  	v7 =	vmul.f32 v10, v31;
	[tilespmem:s18+$0xFFFFFFE0] =	vst v8  }
0x281: {  	v8 =	vmul.f32 v5, v25;
	[tilespmem:s18+$0xFFFFFF40] =	vst v6  }
0x282: {  	v5 =	vmul.f32 v5, v29;
	[tilespmem:s18+$0xFFFFFFD0] =	vst v7  }
0x283: {  	v6 =	vmul.f32 v10, v36;
	[tilespmem:s18+$0xFFFFFF50] =	vst v8  }
0x284: {  	v7 =	vmul.f32 v10, v27;
	[tilespmem:s18+$0xFFFFFF70] =	vst v5  }
0x285: {  	s3 =	sadd.s32 s17, s8;
	v5 =	vmul.f32 v10, v30;
	[tilespmem:s18+$0xFFFFFFF0] =	vst v6  }
0x286: {  	s3 =	sshll.u32 s3, $0x4;
	[tilespmem:s18+$0xFFFFFFA0] =	vst v7  }
0x287: {  	s3 =	sadd.s32 s2, s3;
	[tilespmem:s18+$0xFFFFFFC0] =	vst v5  }
0x288: {  	[hbm4b:s3+s4] =	stream.linear.scatter [tilespmem:s25], [sflag:$0x7], $0x6400, $0x38;
	[tilespmem:$0x19480] =	vst v63  }
0x289: {  	s3 =	simm.s32 @!p0 $0x6  }
0x28a: {  	_ =	swait.ge @!p0 [sflag:s3], $0x6400  }
0x28b: {  	s18 =	sadd.s32 @!p0 s17, s15;
	[sflag:s3] =	ssyncset.done @!p0 $0x0  }
0x28c: {  	[sflag:s3] =	ssyncadd.s32 @!p0 $0xFFFF9C00;
	s3 =	sshrl.u32 @!p0 s18, $0x3  }
0x28d: {  	s22 =	simm.s32 @!p0 $0x100;
	s18 =	simm.s32 @!p0 $0x0;
	s3 =	sadd.s32 @!p0 s6, s3  }
0x28e: {  	[tilespmem:s22], [sflag:$0x9] =	stream.linear.gather @!p0 [hbm4b:s3+s18], $0xC8, $0x38;
	[tilespmem:$0x19480] =	vst v63  }
0x28f: {  	s3 =	simm.s32 @!p0 $0x9  }
0x290: {  	_ =	swait.ge @!p0 [sflag:s3], $0xC8  }
0x291: {  	[sflag:s3] =	ssyncset.done @!p0 $0x0  }
0x292: {  	s18 =	simm.s32 @!p0 $0x6800;
	[sflag:s3] =	ssyncadd.s32 @!p0 $0xFFFFFF38;
	s3 =	simm.s32 @!p0 $0xC8  }
0x293: {  	[tilespmem:s18], [sflag:$0x2] =	stream.indirect.gather @!p0 [hbm4b:s1+s3], $0x80, s22, s3, $0xb8;
	[tilespmem:$0x19480] =	vst v63  }
0x294: {  	_ =	swait.ge [sflag:s0], $0x6400  }
0x295: {  	[sflag:s0] =	ssyncset.done $0x0  }
0x296: {  	s3 =	simm.s32 $0x13100;
	[sflag:s0] =	ssyncadd.s32 $0xFFFF9C00  }
0x297: {  	v7 =	vld [tilespmem:s3+$0x0]  }
0x298: {  	v10 =	vld [tilespmem:s3+$0x80]  }
0x299: {  	v18 =	vld [tilespmem:s3+$0x10]  }
0x29a: {  	v22 =	vld [tilespmem:s3+$0x90]  }
0x29b: {  	v23 =	vld [tilespmem:s3+$0x20]  }
0x29c: {  	v5 =	vld [tilespmem:s3+$0xA0]  }
0x29d: {  	v20 =	vld [tilespmem:s3+$0x30]  }
0x29e: {  	v6 =	vld [tilespmem:s3+$0xB0];
	v8 =	vmul.f32 v7, v7;
	v9 =	vmul.f32 v18, v18  }
0x29f: {  	v17 =	vld [tilespmem:s3+$0x40];
	v13 =	vmul.f32 v10, v10;
	v14 =	vmul.f32 v22, v22  }
0x2a0: {  	v11 =	vld [tilespmem:s3+$0xC0];
	v15 =	vmul.f32 v23, v23;
	v8 =	vadd.f32 v9, v8  }
0x2a1: {  	v12 =	vld [tilespmem:s3+$0x50];
	v9 =	vmul.f32 v5, v5;
	v14 =	vadd.f32 v14, v13  }
0x2a2: {  	v16 =	vmul.f32 v20, v20;
	v13 =	vld [tilespmem:s3+$0xD0];
	v8 =	vadd.f32 v15, v8  }
0x2a3: {  	v26 =	vld [tilespmem:s3+$0x60];
	v15 =	vmul.f32 v6, v6;
	v9 =	vadd.f32 v9, v14  }
0x2a4: {  	v19 =	vmul.f32 v17, v17;
	v14 =	vld [tilespmem:s3+$0xE0];
	v8 =	vadd.f32 v16, v8  }
0x2a5: {  	v21 =	vld [tilespmem:s3+$0xF0];
	v9 =	vadd.f32 v15, v9;
	v15 =	vmul.f32 v11, v11  }
0x2a6: {  	v32 =	vld [tilespmem:s3+$0x70];
	v16 =	vmul.f32 v12, v12;
	v8 =	vadd.f32 v19, v8  }
0x2a7: {  	v19 =	vmul.f32 v13, v13;
	v9 =	vadd.f32 v15, v9  }
0x2a8: {  	v15 =	vmul.f32 v26, v26;
	v8 =	vadd.f32 v16, v8  }
0x2a9: {  	v16 =	vmul.f32 v14, v14;
	v9 =	vadd.f32 v19, v9  }
0x2aa: {  	v8 =	vadd.f32 v15, v8  }
0x2ab: {  	v15 =	vmul.f32 v32, v32;
	v9 =	vadd.f32 v16, v9;
	v16 =	vmul.f32 v21, v21;
	_ =	sdelay $0x1  }
0x2ac: {  	v19 =	vadd.f32 v15, v8;
	v16 =	vadd.f32 v16, v9  }
0x2ad: {  	v27 =	vld [tilespmem:s3+$0xFFFFFFA0]  }
0x2ae: {  	v8 =	vld [tilespmem:s3+$0xFFFFFF90];
	v24 =	vperm.xlane v19, v0;
	v25 =	vperm.xlane v16, v0  }
0x2af: {  	v15 =	vld [tilespmem:s3+$0xFFFFFF00]  }
0x2b0: {  	v24 =	vadd.f32 v24, v19;
	v25 =	vadd.f32 v25, v16;
	v19 =	vld [tilespmem:s3+$0xFFFFFF10]  }
0x2b1: {  	v16 =	vld [tilespmem:s3+$0xFFFFFF80]  }
0x2b2: {  	v35 =	vld [tilespmem:s3+$0xFFFFFF30];
	v25 =	vsel vm0, v24, v25  }
0x2b3: {  	v9 =	vld [tilespmem:s3+$0xFFFFFF20];
	v28 =	vperm.xlane v25, v1  }
0x2b4: {  	v34 =	vld [tilespmem:s3+$0xFFFFFF40]  }
0x2b5: {  	v29 =	vmul.f32 v15, v15;
	v31 =	vmul.f32 v8, v8;
	v24 =	vld [tilespmem:s3+$0xFFFFFFB0];
	v28 =	vadd.f32 v25, v28  }
0x2b6: {  	v30 =	vld [tilespmem:s3+$0xFFFFFFC0];
	v63 =	vmul.f32 v19, v19;
	v40 =	vmul.f32 v16, v16  }
0x2b7: {  	v33 =	vld [tilespmem:s3+$0xFFFFFFE0];
	v44 =	vmul.f32 v27, v27;
	v41 =	vperm.xlane v28, v2  }
0x2b8: {  	v42 =	vmul.f32 v9, v9;
	v25 =	vld [tilespmem:s3+$0xFFFFFF50];
	v29 =	vadd.f32 v63, v29;
	v43 =	vadd.f32 v31, v40  }
0x2b9: {  	v45 =	vmul.f32 v35, v35;
	v31 =	vld [tilespmem:s3+$0xFFFFFFD0];
	v37 =	vadd.f32 v28, v41  }
0x2ba: {  	v46 =	vmul.f32 v24, v24;
	v29 =	vadd.f32 v42, v29;
	v28 =	vld [tilespmem:s3+$0xFFFFFF60];
	v36 =	vadd.f32 v44, v43  }
0x2bb: {  	v48 =	vmul.f32 v34, v34;
	v47 =	vperm.xlane v37, v3  }
0x2bc: {  	v49 =	vmul.f32 v30, v30;
	v39 =	vadd.f32 v45, v29;
	v29 =	vld [tilespmem:s3+$0xFFFFFF70];
	v38 =	vadd.f32 v46, v36  }
0x2bd: {  	v54 =	vmul.f32 v33, v33;
	v50 =	vmul.f32 v25, v25;
	v36 =	vld [tilespmem:s3+$0xFFFFFFF0];
	v37 =	vadd.f32 v37, v47  }
0x2be: {  	v51 =	vmul.f32 v31, v31;
	v39 =	vadd.f32 v48, v39;
	v38 =	vadd.f32 v49, v38  }
0x2bf: {  	v44 =	vmul.f32 v28, v28;
	v52 =	vshra.s32 v37, $0x1;
	v43 =	vmul.f32 $5.000000000e-01, v37  }
0x2c0: {  	v39 =	vadd.f32 v50, v39;
	v38 =	vadd.f32 v51, v38;
	v53 =	vsub.s32 $0x5F3759DF, v52  }
0x2c1: {  	v45 =	vmul.f32 v29, v29;
	v55 =	vmul.f32 v53, v43  }
0x2c2: {  	v56 =	vmul.f32 v36, v36;
	v39 =	vadd.f32 v44, v39;
	v38 =	vadd.f32 v54, v38  }
0x2c3: {  	v41 =	vmul.f32 v53, v55  }
0x2c4: {  	v39 =	vadd.f32 v45, v39;
	v38 =	vadd.f32 v56, v38  }
0x2c5: {  	v41 =	vsub.f32 $1.500000000e+00, v41  }
0x2c6: {  	v57 =	vperm.xlane v39, v0;
	v58 =	vperm.xlane v38, v0  }
0x2c7: {  	v40 =	vmul.f32 v53, v41  }
0x2c8: {  	v39 =	vadd.f32 v57, v39;
	v38 =	vadd.f32 v58, v38  }
0x2c9: {  	v41 =	vmul.f32 v40, v43  }
0x2ca: {  	v38 =	vsel vm0, v39, v38  }
0x2cb: {  	v60 =	vperm.xlane v38, v1;
	v59 =	vmul.f32 v41, v40;
	_ =	sdelay $0x1  }
0x2cc: {  	v38 =	vadd.f32 v38, v60;
	v39 =	vsub.f32 $1.500000000e+00, v59;
	_ =	sdelay $0x1  }
0x2cd: {  	v61 =	vperm.xlane v38, v2;
	v39 =	vmul.f32 v39, v40;
	_ =	sdelay $0x1  }
0x2ce: {  	v38 =	vadd.f32 v38, v61;
	v37 =	vmul.f32 v39, v37;
	_ =	sdelay $0x1  }
0x2cf: {  	v62 =	vperm.xlane v38, v3;
	v37 =	vmax.f32 v37, v4  }
0x2d0: {  	(erf) = vrcp.f32 v37  }
0x2d1: {  	v37 =	vadd.f32 v38, v62;
	_ =	sdelay $0x1  }
0x2d2: {  	v39 =	vshra.s32 v37, $0x1;
	v38 =	vmul.f32 $5.000000000e-01, v37  }
0x2d3: {  	v40 =	vsub.s32 $0x5F3759DF, v39  }
0x2d4: {  	v39 =	vmul.f32 v40, v38;
	_ =	sdelay $0x1  }
0x2d5: {  	v63 =	vmul.f32 v40, v39;
	_ =	sdelay $0x1  }
0x2d6: {  	v42 =	vsub.f32 $1.500000000e+00, v63;
	v39 =	vpop (erf)  }
0x2d7: {  	s22 =	simm.s32 $0x0;
	s18 =	simm.s32 $0x13100;
	v41 =	vperm.xlane v39, v0  }
.LBB2_9:
0x2d8: {  	s22 =	sadd.s32 $0x2, s22;
	v40 =	vmul.f32 v40, v42;
	s3 =	sadd.s32 $0x200, s3  }
0x2d9: {  	p1 =	slt.u32 s22, $0x62;
	v42 =	vsel vm0, v39, v41;
	v39 =	vsel vm0, v41, v39  }
0x2da: {  	v38 =	vmul.f32 v40, v38;
	v7 =	vmul.f32 v42, v7  }
0x2db: {  	v23 =	vmul.f32 v42, v23;
	v17 =	vmul.f32 v42, v17  }
0x2dc: {  	v20 =	vmul.f32 v42, v20;
	v38 =	vmul.f32 v38, v40;
	[tilespmem:s18+$0x0] =	vst v7  }
0x2dd: {  	v10 =	vmul.f32 v39, v10;
	v6 =	vmul.f32 v39, v6;
	[tilespmem:s18+$0x40] =	vst v17  }
0x2de: {  	v18 =	vmul.f32 v42, v18;
	v5 =	vmul.f32 v39, v5;
	v38 =	vsub.f32 $1.500000000e+00, v38;
	[tilespmem:s18+$0x20] =	vst v23  }
0x2df: {  	v22 =	vmul.f32 v39, v22;
	v11 =	vmul.f32 v39, v11;
	v7 =	vld [tilespmem:s3+$0x0];
	[tilespmem:s18+$0xB0] =	vst v6  }
0x2e0: {  	v21 =	vmul.f32 v39, v21;
	v17 =	vld [tilespmem:s3+$0x40];
	v23 =	vmul.f32 v38, v40;
	[tilespmem:s18+$0xA0] =	vst v5  }
0x2e1: {  	v12 =	vmul.f32 v42, v12;
	v26 =	vmul.f32 v42, v26;
	v6 =	vld [tilespmem:s3+$0xB0];
	[tilespmem:s18+$0xC0] =	vst v11  }
0x2e2: {  	v13 =	vmul.f32 v39, v13;
	v5 =	vld [tilespmem:s3+$0xA0];
	v37 =	vmul.f32 v23, v37;
	[tilespmem:s18+$0x90] =	vst v22  }
0x2e3: {  	v32 =	vmul.f32 v42, v32;
	v14 =	vmul.f32 v39, v14;
	v23 =	vld [tilespmem:s3+$0x20];
	[tilespmem:s18+$0x80] =	vst v10  }
0x2e4: {  	v11 =	vld [tilespmem:s3+$0xC0];
	v22 =	vmax.f32 v37, v4;
	[tilespmem:s18+$0x30] =	vst v20  }
0x2e5: {  	v10 =	vld [tilespmem:s3+$0x80];
	[tilespmem:s18+$0x10] =	vst v18;
	(erf) = vrcp.f32 v22  }
0x2e6: {  	v20 =	vld [tilespmem:s3+$0x30];
	[tilespmem:s18+$0xF0] =	vst v21  }
0x2e7: {  	v21 =	vld [tilespmem:s3+$0xF0];
	v37 =	vmul.f32 v5, v5;
	[tilespmem:s18+$0x50] =	vst v12  }
0x2e8: {  	v12 =	vld [tilespmem:s3+$0x50];
	v38 =	vmul.f32 v23, v23;
	[tilespmem:s18+$0x60] =	vst v26  }
0x2e9: {  	v18 =	vld [tilespmem:s3+$0x10];
	[tilespmem:s18+$0xD0] =	vst v13  }
0x2ea: {  	v39 =	vmul.f32 v7, v7;
	v22 =	vld [tilespmem:s3+$0x90];
	[tilespmem:s18+$0xE0] =	vst v14  }
0x2eb: {  	v40 =	vmul.f32 v17, v17;
	v13 =	vld [tilespmem:s3+$0xD0];
	[tilespmem:s18+$0x70] =	vst v32  }
0x2ec: {  	v41 =	vmul.f32 v6, v6;
	v14 =	vld [tilespmem:s3+$0xE0]  }
0x2ed: {  	v32 =	vmul.f32 v10, v10;
	v42 =	vmul.f32 v12, v12  }
0x2ee: {  	v43 =	vmul.f32 v18, v18;
	v44 =	vpop (erf)  }
0x2ef: {  	v26 =	vld [tilespmem:s3+$0x60];
	v45 =	vmul.f32 v22, v22;
	v46 =	vperm.xlane v44, v0  }
0x2f0: {  	v39 =	vadd.f32 v43, v39;
	v43 =	vmul.f32 v20, v20  }
0x2f1: {  	v32 =	vadd.f32 v45, v32;
	v45 =	vmul.f32 v13, v13;
	v47 =	vsel vm0, v46, v44  }
0x2f2: {  	v44 =	vsel vm0, v44, v46;
	v38 =	vadd.f32 v38, v39;
	v39 =	vmul.f32 v14, v14  }
0x2f3: {  	v15 =	vmul.f32 v44, v15;
	v8 =	vmul.f32 v47, v8;
	v37 =	vadd.f32 v37, v32  }
0x2f4: {  	v34 =	vmul.f32 v44, v34;
	v38 =	vadd.f32 v43, v38;
	v43 =	vmul.f32 v26, v26  }
0x2f5: {  	v35 =	vmul.f32 v44, v35;
	v32 =	vld [tilespmem:s3+$0x70];
	v37 =	vadd.f32 v41, v37;
	v41 =	vmul.f32 v11, v11;
	[tilespmem:s18+$0xFFFFFF90] =	vst v8  }
0x2f6: {  	v9 =	vmul.f32 v44, v9;
	v16 =	vmul.f32 v47, v16;
	v8 =	vld [tilespmem:s3+$0xFFFFFF90];
	v38 =	vadd.f32 v40, v38;
	[tilespmem:s18+$0xFFFFFF00] =	vst v15  }
0x2f7: {  	v28 =	vmul.f32 v44, v28;
	v24 =	vmul.f32 v47, v24;
	v15 =	vld [tilespmem:s3+$0xFFFFFF00];
	v37 =	vadd.f32 v41, v37;
	[tilespmem:s18+$0xFFFFFF30] =	vst v35  }
0x2f8: {  	v27 =	vmul.f32 v47, v27;
	v33 =	vmul.f32 v47, v33;
	v35 =	vadd.f32 v42, v38;
	[tilespmem:s18+$0xFFFFFF20] =	vst v9  }
0x2f9: {  	v19 =	vmul.f32 v44, v19;
	v30 =	vmul.f32 v47, v30;
	v9 =	vld [tilespmem:s3+$0xFFFFFF20];
	v37 =	vadd.f32 v45, v37;
	[tilespmem:s18+$0xFFFFFF80] =	vst v16  }
0x2fa: {  	v36 =	vmul.f32 v47, v36;
	v16 =	vld [tilespmem:s3+$0xFFFFFF80];
	v35 =	vadd.f32 v43, v35;
	v38 =	vmul.f32 v32, v32;
	[tilespmem:s18+$0xFFFFFF60] =	vst v28  }
0x2fb: {  	v25 =	vmul.f32 v44, v25;
	v37 =	vadd.f32 v39, v37;
	v39 =	vmul.f32 v21, v21;
	[tilespmem:s18+$0xFFFFFFB0] =	vst v24  }
0x2fc: {  	v41 =	vmul.f32 v8, v8;
	v28 =	vld [tilespmem:s3+$0xFFFFFF60];
	v40 =	vmul.f32 v15, v15;
	v35 =	vadd.f32 v38, v35;
	[tilespmem:s18+$0xFFFFFF10] =	vst v19  }
0x2fd: {  	v29 =	vmul.f32 v44, v29;
	v31 =	vmul.f32 v47, v31;
	v37 =	vadd.f32 v39, v37;
	[tilespmem:s18+$0xFFFFFFE0] =	vst v33  }
0x2fe: {  	v24 =	vld [tilespmem:s3+$0xFFFFFFB0];
	v38 =	vperm.xlane v35, v0;
	[tilespmem:s18+$0xFFFFFF40] =	vst v34  }
0x2ff: {  	v19 =	vld [tilespmem:s3+$0xFFFFFF10];
	v39 =	vmul.f32 v16, v16;
	v34 =	vperm.xlane v37, v0;
	[tilespmem:s18+$0xFFFFFFD0] =	vst v31  }
0x300: {  	v33 =	vld [tilespmem:s3+$0xFFFFFFE0];
	v31 =	vadd.f32 v38, v35;
	[tilespmem:s18+$0xFFFFFF50] =	vst v25  }
0x301: {  	v38 =	vmul.f32 v9, v9;
	v35 =	vld [tilespmem:s3+$0xFFFFFF30];
	v37 =	vadd.f32 v34, v37;
	[tilespmem:s18+$0xFFFFFF70] =	vst v29  }
0x302: {  	v39 =	vadd.f32 v41, v39;
	v41 =	vmul.f32 v28, v28;
	v34 =	vld [tilespmem:s3+$0xFFFFFF40];
	[tilespmem:s18+$0xFFFFFFF0] =	vst v36  }
0x303: {  	v25 =	vld [tilespmem:s3+$0xFFFFFF50];
	v31 =	vsel vm0, v31, v37;
	[tilespmem:s18+$0xFFFFFFA0] =	vst v27  }
0x304: {  	v27 =	vld [tilespmem:s3+$0xFFFFFFA0];
	v36 =	vmul.f32 v19, v19;
	v37 =	vperm.xlane v31, v1;
	[tilespmem:s18+$0xFFFFFFC0] =	vst v30;
	s18 =	smov.u32 s3  }
0x305: {  	v42 =	vmul.f32 v24, v24;
	v29 =	vld [tilespmem:s3+$0xFFFFFF70]  }
0x306: {  	v30 =	vld [tilespmem:s3+$0xFFFFFFC0];
	v43 =	vmul.f32 v35, v35;
	v37 =	vadd.f32 v31, v37  }
0x307: {  	v36 =	vadd.f32 v36, v40;
	v40 =	vmul.f32 v33, v33  }
0x308: {  	v44 =	vperm.xlane v37, v2  }
0x309: {  	v36 =	vadd.f32 v38, v36;
	v45 =	vmul.f32 v25, v25;
	v31 =	vld [tilespmem:s3+$0xFFFFFFD0];
	v38 =	vmul.f32 v27, v27  }
0x30a: {  	v46 =	vmul.f32 v34, v34;
	v47 =	vmul.f32 v29, v29;
	v37 =	vadd.f32 v37, v44  }
0x30b: {  	v36 =	vadd.f32 v43, v36;
	v38 =	vadd.f32 v38, v39;
	v39 =	vmul.f32 v30, v30  }
0x30c: {  	v43 =	vperm.xlane v37, v3  }
0x30d: {  	v38 =	vadd.f32 v42, v38;
	v42 =	vadd.f32 v46, v36  }
0x30e: {  	v36 =	vld [tilespmem:s3+$0xFFFFFFF0];
	v44 =	vmul.f32 v31, v31;
	v37 =	vadd.f32 v37, v43  }
0x30f: {  	v38 =	vadd.f32 v39, v38;
	v39 =	vadd.f32 v45, v42  }
0x310: {  	v42 =	vshra.s32 v37, $0x1;
	v43 =	vmul.f32 $5.000000000e-01, v37  }
0x311: {  	v38 =	vadd.f32 v44, v38;
	v39 =	vadd.f32 v41, v39;
	v41 =	vsub.s32 $0x5F3759DF, v42  }
0x312: {  	v42 =	vmul.f32 v41, v43  }
0x313: {  	v38 =	vadd.f32 v40, v38;
	v39 =	vadd.f32 v47, v39;
	v40 =	vmul.f32 v36, v36  }
0x314: {  	v42 =	vmul.f32 v41, v42  }
0x315: {  	v38 =	vadd.f32 v40, v38;
	v40 =	vperm.xlane v39, v0  }
0x316: {  	v42 =	vsub.f32 $1.500000000e+00, v42  }
0x317: {  	v39 =	vadd.f32 v40, v39;
	v40 =	vperm.xlane v38, v0  }
0x318: {  	v41 =	vmul.f32 v41, v42  }
0x319: {  	v38 =	vadd.f32 v40, v38  }
0x31a: {  	v40 =	vmul.f32 v41, v43  }
0x31b: {  	v38 =	vsel vm0, v39, v38  }
0x31c: {  	v39 =	vperm.xlane v38, v1;
	v40 =	vmul.f32 v40, v41;
	_ =	sdelay $0x1  }
0x31d: {  	v38 =	vadd.f32 v38, v39;
	v39 =	vsub.f32 $1.500000000e+00, v40;
	_ =	sdelay $0x1  }
0x31e: {  	v40 =	vperm.xlane v38, v2;
	v39 =	vmul.f32 v39, v41;
	_ =	sdelay $0x1  }
0x31f: {  	v38 =	vadd.f32 v38, v40;
	v37 =	vmul.f32 v39, v37;
	_ =	sdelay $0x1  }
0x320: {  	v39 =	vperm.xlane v38, v3;
	v37 =	vmax.f32 v37, v4  }
0x321: {  	(erf) = vrcp.f32 v37  }
0x322: {  	v37 =	vadd.f32 v38, v39;
	_ =	sdelay $0x1  }
0x323: {  	v39 =	vshra.s32 v37, $0x1;
	v38 =	vmul.f32 $5.000000000e-01, v37  }
0x324: {  	v40 =	vsub.s32 $0x5F3759DF, v39  }
0x325: {  	v39 =	vmul.f32 v40, v38  }
.Ltmp5:
0x326: {  	(pc) =	sbr.rel @p1 .LBB2_9-.Ltmp5, $3  }
0x327: {  	v41 =	vmul.f32 v40, v39;
	_ =	sdelay $0x1  }
0x328: {  	v42 =	vsub.f32 $1.500000000e+00, v41;
	v39 =	vpop (erf)  }
0x329: {  	v41 =	vperm.xlane v39, v0  }
0x32a: {  	v40 =	vmul.f32 v40, v42;
	_ =	sdelay $0x1  }
0x32b: {  	v38 =	vmul.f32 v40, v38;
	_ =	sdelay $0x1  }
0x32c: {  	v38 =	vmul.f32 v38, v40;
	_ =	sdelay $0x1  }
0x32d: {  	v38 =	vsub.f32 $1.500000000e+00, v38;
	_ =	sdelay $0x1  }
0x32e: {  	v38 =	vmul.f32 v38, v40  }
0x32f: {  	v55 =	vsel vm0, v39, v41  }
0x330: {  	v7 =	vmul.f32 v55, v7;
	v37 =	vmul.f32 v38, v37  }
0x331: {  	v17 =	vmul.f32 v55, v17  }
0x332: {  	v56 =	vsel vm0, v41, v39;
	v23 =	vmul.f32 v55, v23;
	[tilespmem:s18+$0x0] =	vst v7;
	v7 =	vmax.f32 v37, v4  }
0x333: {  	v6 =	vmul.f32 v56, v6;
	[tilespmem:s18+$0x40] =	vst v17;
	(erf) = vrcp.f32 v7  }
0x334: {  	v5 =	vmul.f32 v56, v5;
	[tilespmem:s18+$0x20] =	vst v23  }
0x335: {  	[tilespmem:s18+$0xB0] =	vst v6;
	v6 =	vmul.f32 v56, v11  }
0x336: {  	[tilespmem:s18+$0xA0] =	vst v5;
	v5 =	vmul.f32 v56, v10  }
0x337: {  	[tilespmem:s18+$0xC0] =	vst v6;
	v6 =	vmul.f32 v55, v20  }
0x338: {  	[tilespmem:s18+$0x80] =	vst v5;
	v5 =	vmul.f32 v56, v21  }
0x339: {  	[tilespmem:s18+$0x30] =	vst v6;
	v7 =	vmul.f32 v56, v22  }
0x33a: {  	v6 =	vmul.f32 v55, v12;
	[tilespmem:s18+$0xF0] =	vst v5  }
0x33b: {  	[tilespmem:s18+$0x90] =	vst v7;
	v7 =	vmul.f32 v55, v18  }
0x33c: {  	v57 =	vmul.f32 v56, v13;
	[tilespmem:s18+$0x50] =	vst v6;
	v5 =	vpop (erf)  }
0x33d: {  	[tilespmem:s18+$0x10] =	vst v7;
	v7 =	vmul.f32 v55, v26;
	v6 =	vperm.xlane v5, v0  }
0x33e: {  	v58 =	vmul.f32 v56, v14;
	[tilespmem:s18+$0xD0] =	vst v57  }
0x33f: {  	[tilespmem:s18+$0x60] =	vst v7;
	v7 =	vmul.f32 v55, v32;
	v59 =	vsel vm0, v6, v5  }
0x340: {  	[tilespmem:s18+$0xE0] =	vst v58;
	v5 =	vsel vm0, v5, v6;
	v6 =	vmul.f32 v59, v8  }
0x341: {  	[tilespmem:s18+$0x70] =	vst v7;
	v7 =	vmul.f32 v5, v15  }
0x342: {  	v60 =	vmul.f32 v5, v35;
	[tilespmem:s18+$0xFFFFFF90] =	vst v6  }
0x343: {  	v61 =	vmul.f32 v5, v28;
	[tilespmem:s18+$0xFFFFFF00] =	vst v7  }
0x344: {  	v62 =	vmul.f32 v59, v33;
	[tilespmem:s18+$0xFFFFFF30] =	vst v60  }
0x345: {  	v63 =	vmul.f32 v5, v25;
	[tilespmem:s18+$0xFFFFFF60] =	vst v61  }
0x346: {  	v6 =	vmul.f32 v5, v9;
	[tilespmem:s18+$0xFFFFFFE0] =	vst v62  }
0x347: {  	v7 =	vmul.f32 v59, v16;
	[tilespmem:s18+$0xFFFFFF50] =	vst v63  }
0x348: {  	[tilespmem:s18+$0xFFFFFF20] =	vst v6;
	v6 =	vmul.f32 v59, v24  }
0x349: {  	[tilespmem:s18+$0xFFFFFF80] =	vst v7;
	v7 =	vmul.f32 v5, v19  }
0x34a: {  	[tilespmem:s18+$0xFFFFFFB0] =	vst v6;
	v6 =	vmul.f32 v5, v34  }
0x34b: {  	[tilespmem:s18+$0xFFFFFF10] =	vst v7;
	v7 =	vmul.f32 v59, v31  }
0x34c: {  	v5 =	vmul.f32 v5, v29;
	[tilespmem:s18+$0xFFFFFF40] =	vst v6  }
0x34d: {  	[tilespmem:s18+$0xFFFFFFD0] =	vst v7;
	v6 =	vmul.f32 v59, v36  }
.Ltmp6:
0x34e: {  	v7 =	vmul.f32 v59, v27;
	[tilespmem:s18+$0xFFFFFF70] =	vst v5;
	(pc) =	sbr.rel @p0 .LBB2_12-.Ltmp6, $4  }
0x34f: {  	v5 =	vmul.f32 v59, v30;
	[tilespmem:s18+$0xFFFFFFF0] =	vst v6  }
0x350: {  	s3 =	sshll.u32 s9, $0x4;
	[tilespmem:s18+$0xFFFFFFA0] =	vst v7  }
0x351: {  	s3 =	sadd.s32 s2, s3;
	[tilespmem:s18+$0xFFFFFFC0] =	vst v5  }
0x352: {  	[hbm4b:s3+s4] =	stream.linear.scatter [tilespmem:s29], [sflag:$0x8], $0x6400, $0x38;
	[tilespmem:$0x19480] =	vst v63  }
0x353: {  	_ =	swait.ge [sflag:s7], $0x6400;
	s3 =	sadd.s32 s17, s16  }
0x354: {  	[sflag:s7] =	ssyncset.done $0x0;
	s3 =	sshrl.u32 s3, $0x3  }
0x355: {  	[sflag:s7] =	ssyncadd.s32 $0xFFFF9C00;
	s3 =	sadd.s32 s6, s3  }
0x356: {  	[tilespmem:s24], [sflag:$0x9] =	stream.linear.gather [hbm4b:s3+s4], $0xC8, $0x38;
	[tilespmem:$0x19480] =	vst v63  }
.Ltmp7:
0x357: {  	_ = 	snop;
	(pc) =	sbr.rel .LBB2_2-.Ltmp7, $4  }
0x358: {  	_ =	swait.ge [sflag:s19], $0xC8  }
0x359: {  	[sflag:s19] =	ssyncset.done $0x0  }
0x35a: {  	s11 =	sadd.s32 $0x1, s11;
	[sflag:s19] =	ssyncadd.s32 $0xFFFFFF38  }
0x35b: {  	[tilespmem:s25], [sflag:$0x3] =	stream.indirect.gather [hbm4b:s1+s20], $0x80, s24, s20, $0xb8;
	[tilespmem:$0x19480] =	vst v63  }
.LBB2_13:
0x35c: {  	_ =	sfence.sel $0x180000  }
0x35d: {  	[bflag:$0x0] =	sbarrier.arrive $0xFFFF  }
0x35e: {  	_ =	strace $0x90000047  }
0x35f: {  	s0 =	stileid.u32;
	[bflag:$0x2] =	sbarrier.arrive $0xFFFF  }
0x360: {  	p0 =	sne.s32 s0, $0x0;
	s0 =	rddreg [dreg:$0x3]  }
0x361: {  	s0 =	sadd.s32 @!p0 $0x100000, s0  }
0x362: {  	[sflag:s0] =	ssyncadd.tile.s32 @!p0 $0x1;
	_ =	shalt  }
.Lfunc_end2:
_tile_overlayer_lowered:
.L_overlay_start_2:
0x363: {  	(tag) =	ssettag $0x2  }
0x364: {  	s0 =	rddreg [dreg:$0x0];
	s2 =	stileid.u32  }
0x365: {  	s1 =	rddreg [dreg:$0x1];
	p0 =	sne.s32 s2, $0x0  }
0x366: {  	s3 =	rddreg [dreg:$0x2];
	[bflag:$0x3] =	sbarrier.arrive $0xFFFF;
	s2 =	simm.s32 @!p0 $0x1C09  }
0x367: {  	[timem:s3], [sflag:s2] =	dma.local @!p0 [hbm:s0], s1  }
0x368: {  	s0 =	simm.s32 @!p0 $0x9  }
0x369: {  	_ =	swait.ge @!p0 [sflag:s0], s1  }
0x36a: {  	s1 =	ssub.s32 @!p0 $0x0, s1;
	[sflag:s0] =	ssyncset.done @!p0 $0x0  }
0x36b: {  	[sflag:s0] =	ssyncadd.s32 @!p0 s1  }
0x36c: {  	[bflag:$0x3] =	sbarrier.arrive $0xFFFF  }
0x36d: {  	_ =	shalt  }

</sc_bundles>
